<compile_context>
chip_gen: v7x
topology: tpu7x:2x2x1
jax: 0.10.2.dev20260603
libtpu: 0.0.44.dev20260713+nightly
codegen_flags: <defaults>
</compile_context>

<pallas_src>
import functools

import jax
import jax.numpy as jnp
from jax import lax
from jax.experimental import pallas as pl
from jax.experimental.pallas import tpu as pltpu
from jax.experimental.pallas import tpu_sc as plsc

_K_FRAC = 0.25
_MIN32 = -(2 ** 31)
_MAG = 0x7FFFFFFF

_NW = 32
_GRP = 8
_SC_GROUPS = 12
_TC_BLK = 512


def _lane_perm(x, idx):
    dnums = lax.GatherDimensionNumbers(
        offset_dims=(), collapsed_slice_dims=(0,), start_index_map=(0,))
    return lax.gather(x, idx[:, None], dnums, (1,),
                      mode=lax.GatherScatterMode.PROMISE_IN_BOUNDS)


def _lane_sum(x, perms):
    for p in perms:
        x = x + _lane_perm(x, p)
    return x


def _sc_rows_kernel(k, hw, rows_per_w, x_hbm, ts_hbm, tot_hbm,
                    xbuf, kbuf, tsbuf, totbuf):
    wid = lax.axis_index("s") * 2 + lax.axis_index("c")
    base = wid * rows_per_w
    nv = hw // 16
    n_groups = rows_per_w // _GRP
    lanes = 16

    def group_body(g, _):
        row0 = base + g * _GRP
        pltpu.sync_copy(x_hbm.at[pl.ds(row0, _GRP)], xbuf)

        def key_body(j, _):
            for r in range(_GRP):
                v = xbuf[r, pl.ds(j * lanes, lanes)]
                bits = lax.bitcast_convert_type(v, jnp.int32)
                kbuf[r, pl.ds(j * lanes, lanes)] = (
                    bits ^ (lax.shift_right_arithmetic(bits, 31) & _MAG))
            return 0

        lax.fori_loop(0, nv, key_body, 0)

        lane_ids = lax.iota(jnp.int32, lanes)
        perms = [lane_ids ^ s for s in (8, 4, 2, 1)]

        def search_step(i, prefixes):
            shift = 31 - i
            bit = lax.shift_left(jnp.ones((), jnp.int32), shift)
            cands = [p | bit for p in prefixes]
            threshs = [c ^ _MIN32 for c in cands]

            def count_body(j, accs):
                accs = list(accs)
                for u in range(4):
                    for r in range(_GRP):
                        kv = kbuf[r, pl.ds((j * 4 + u) * lanes, lanes)]
                        accs[r] = accs[r] + jnp.where(kv >= threshs[r], 1, 0)
                return tuple(accs)

            zi = jnp.zeros((lanes,), jnp.int32)
            accs = lax.fori_loop(0, nv // 4, count_body, (zi,) * _GRP)
            return tuple(
                jnp.where(_lane_sum(acc, perms) >= k, cand, p)
                for acc, cand, p in zip(accs, cands, prefixes))

        zi = jnp.zeros((lanes,), jnp.int32)
        prefixes = lax.fori_loop(0, 32, search_step, (zi,) * _GRP)

        ts_vec = jnp.zeros((lanes,), jnp.float32)
        tot_vec = jnp.zeros((lanes,), jnp.float32)
        for r in range(_GRP):
            t_key = prefixes[r] ^ _MIN32
            t_val = lax.bitcast_convert_type(
                t_key ^ (lax.shift_right_arithmetic(t_key, 31) & _MAG),
                jnp.float32)

            def tail_body(j, carry, r=r, t_key=t_key):
                cgt, sgt, tot = carry
                for u in range(4):
                    kv = kbuf[r, pl.ds((j * 4 + u) * lanes, lanes)]
                    v = xbuf[r, pl.ds((j * 4 + u) * lanes, lanes)]
                    m = kv > t_key
                    cgt = cgt + jnp.where(m, 1.0, 0.0)
                    sgt = sgt + jnp.where(m, v, 0.0)
                    tot = tot + v
                return cgt, sgt, tot

            zf = jnp.zeros((lanes,), jnp.float32)
            cgt, sgt, tot = lax.fori_loop(
                0, nv // 4, tail_body, (zf, zf, zf))
            cgt_s = _lane_sum(cgt, perms)
            sgt_s = _lane_sum(sgt, perms)
            tot_s = _lane_sum(tot, perms)
            ts_s = sgt_s + (k - cgt_s) * t_val
            ts_vec = jnp.where(lane_ids == r, ts_s, ts_vec)
            tot_vec = jnp.where(lane_ids == r, tot_s, tot_vec)
        tsbuf[pl.ds(g * _GRP, lanes)] = ts_vec
        totbuf[pl.ds(g * _GRP, lanes)] = tot_vec
        return 0

    lax.fori_loop(0, n_groups, group_body, 0)
    pltpu.sync_copy(tsbuf.at[pl.ds(0, rows_per_w)],
                    ts_hbm.at[pl.ds(base, rows_per_w)])
    pltpu.sync_copy(totbuf.at[pl.ds(0, rows_per_w)],
                    tot_hbm.at[pl.ds(base, rows_per_w)])


def _sc_rows(k, hw, sc_rows, x):
    rows_per_w = sc_rows // _NW
    mesh = plsc.VectorSubcoreMesh(core_axis_name="c", subcore_axis_name="s")
    return pl.kernel(
        functools.partial(_sc_rows_kernel, k, hw, rows_per_w),
        mesh=mesh,
        out_type=[
            jax.ShapeDtypeStruct((sc_rows,), jnp.float32),
            jax.ShapeDtypeStruct((sc_rows,), jnp.float32),
        ],
        scratch_types=[
            pltpu.VMEM((_GRP, hw), jnp.float32),
            pltpu.VMEM((_GRP, hw), jnp.int32),
            pltpu.VMEM((rows_per_w + 16,), jnp.float32),
            pltpu.VMEM((rows_per_w + 16,), jnp.float32),
        ],
    )(x)


def _tc_rows_body(k, x_ref, ts_ref, tot_ref):
    x = x_ref[...]
    bits = lax.bitcast_convert_type(x, jnp.int32)
    key = (bits ^ (lax.shift_right_arithmetic(bits, 31) & _MAG)).T
    r = key.shape[1]

    prefix = jnp.zeros((1, r), jnp.int32)
    for b in range(31, -1, -1):
        bit = -(2 ** 31) if b == 31 else (1 << b)
        cand = prefix | bit
        thresh = cand ^ _MIN32
        cnt = jnp.sum((key >= thresh).astype(jnp.int32), axis=0, keepdims=True)
        prefix = jnp.where(cnt >= k, cand, prefix)

    t_key = prefix ^ _MIN32
    t_bits = t_key ^ (lax.shift_right_arithmetic(t_key, 31) & _MAG)
    t_val = lax.bitcast_convert_type(t_bits, jnp.float32)

    vals = lax.bitcast_convert_type(
        key ^ (lax.shift_right_arithmetic(key, 31) & _MAG), jnp.float32)
    gt = key > t_key
    cnt_gt = jnp.sum(gt.astype(jnp.int32), axis=0, keepdims=True)
    sum_gt = jnp.sum(jnp.where(gt, vals, 0.0), axis=0, keepdims=True)
    ts_ref[...] = sum_gt + (k - cnt_gt).astype(jnp.float32) * t_val
    tot_ref[...] = jnp.sum(vals, axis=0, keepdims=True)


def _tc_rows(k, hw, sc_rows, x):
    nrows = x.shape[0]
    tc_rows = nrows - sc_rows
    grid = tc_rows // _TC_BLK
    blk0 = sc_rows // _TC_BLK
    ts, tot = pl.pallas_call(
        functools.partial(_tc_rows_body, k),
        grid=(grid,),
        in_specs=[pl.BlockSpec((_TC_BLK, hw), lambda i: (blk0 + i, 0))],
        out_specs=[
            pl.BlockSpec((1, _TC_BLK), lambda i: (0, i)),
            pl.BlockSpec((1, _TC_BLK), lambda i: (0, i)),
        ],
        out_shape=[
            jax.ShapeDtypeStruct((1, tc_rows), jnp.float32),
            jax.ShapeDtypeStruct((1, tc_rows), jnp.float32),
        ],
    )(x)
    return ts.reshape(tc_rows), tot.reshape(tc_rows)


def _finalize_body(k, hw, ts_ref, tot_ref, out_ref):
    ts = ts_ref[...]
    tot = tot_ref[...]
    ts_sum = jnp.sum(ts, axis=1, keepdims=True)
    tot_sum = jnp.sum(tot, axis=1, keepdims=True)
    out_ref[...] = ts * (tot_sum / (jnp.float32(hw) * ts_sum))


def kernel(inputs):
    b, c, h, w = inputs.shape
    hw = h * w
    k = int(_K_FRAC * hw)
    nrows = b * c
    x = inputs.reshape(nrows, hw)

    sc_rows = _NW * _GRP * _SC_GROUPS
    parts_ts = []
    parts_tot = []
    if sc_rows > 0:
        ts_sc, tot_sc = _sc_rows(k, hw, sc_rows, x)
        parts_ts.append(ts_sc)
        parts_tot.append(tot_sc)
    if sc_rows < nrows:
        ts_tc, tot_tc = _tc_rows(k, hw, sc_rows, x)
        parts_ts.append(ts_tc)
        parts_tot.append(tot_tc)
    ts = jnp.concatenate(parts_ts) if len(parts_ts) > 1 else parts_ts[0]
    tot = jnp.concatenate(parts_tot) if len(parts_tot) > 1 else parts_tot[0]

    ts = ts.reshape(b, c)
    tot = tot.reshape(b, c)
    out = pl.pallas_call(
        functools.partial(_finalize_body, k, hw),
        out_shape=jax.ShapeDtypeStruct((b, c), jnp.float32),
    )(ts, tot)
    return out

# --- scband reference (transcript-rebuilt; emitter-appended) ---
"""Pipeline reference for scband-top-kaverage-pooling-48301202211364 (READ-ONLY COPY).

The authoritative reference and input builder live on the scoring server;
editing this copy changes nothing except your own understanding.
"""

import jax, jax.numpy as jnp
import numpy as np

K_FRAC = 0.25

def setup_inputs(seed: int = 0) -> dict:
    key = jax.random.key(seed)
    inputs = jax.random.normal(key, (32, 384, 32, 32), dtype=jnp.float32)
    return {"inputs": inputs}

def reference(inputs):
    b, c, h, w = inputs.shape
    # AdaptiveAvgPool2d((1,1)) -> global average over spatial dims
    x_gap = jnp.mean(inputs, axis=(2, 3))  # [b, c]
    x = inputs.reshape(b, c, h * w)
    num = int(K_FRAC * (h * w))
    topk_v, _ = jax.lax.top_k(x, num)  # [b, c, num]
    out = jnp.mean(topk_v, axis=-1)  # [b, c]
    mean_gap = jnp.mean(x_gap, axis=-1)  # [b]
    mean_kap = jnp.mean(out, axis=-1)  # [b]
    out = out * (mean_gap / mean_kap)[:, None]  # [b, c]
    out = out.reshape(b, -1)
    return out

if __name__ == "__main__":
    import jax
    _d = setup_inputs()
    print(jax.jit(kernel)(*tuple(_d.values())))

</pallas_src>

<mosaic_0001>
#map = affine_map<(d0, d1) -> (0, 0)>
#map1 = affine_map<(d0, d1) -> (0)>
module attributes {stable_mosaic.version = 14 : i64} {
  func.func @_sc_rows_kernel(%arg0: i32, %arg1: i32, %arg2: memref<12288x1024xf32, #tpu.memory_space<hbm>>, %arg3: memref<3072xf32, #tpu.memory_space<hbm>>, %arg4: memref<3072xf32, #tpu.memory_space<hbm>>, %arg5: memref<8x1024xf32, #tpu.memory_space<vmem>>, %arg6: memref<8x1024xi32, #tpu.memory_space<vmem>>, %arg7: memref<112xf32, #tpu.memory_space<vmem>>, %arg8: memref<112xf32, #tpu.memory_space<vmem>>) attributes {dimension_semantics = [#tpu.dimension_semantics<core_parallel>, #tpu.dimension_semantics<subcore_parallel>], iteration_bounds = array<i64: 2, 16>, scalar_prefetch = 0 : i64, scratch_operands = 4 : i64, tpu.core_type = #tpu.core_type<sc_vector_subcore>, window_params = [{transform_indices = #map}, {transform_indices = #map1}, {transform_indices = #map1}]} {
    %mul3A = arith.constant 2 : i32
    %mul3A_0 = arith.muli %arg1, %mul3A : i32
    %add3A = arith.addi %mul3A_0, %arg0 : i32
    %mul3A_1 = arith.constant 96 : i32
    %mul3A_2 = arith.muli %add3A, %mul3A_1 : i32
    %scan3A = arith.constant 0 : i32
    %scan3A_3 = arith.constant 0 : i32
    %scan3A_4 = arith.constant 12 : i32
    %scan3A_5 = arith.addi %scan3A_3, %scan3A_4 : i32
    %scan3A_6 = arith.constant 1 : i32
    %scan3A_7 = scf.for %scan3A_9 = %scan3A_3 to %scan3A_5 step %scan3A_6 iter_args(%scan3A_10 = %scan3A) -> (i32)  : i32 {
      %mul3A_11 = arith.constant 8 : i32
      %mul3A_12 = arith.muli %scan3A_9, %mul3A_11 : i32
      %add3A_13 = arith.addi %mul3A_2, %mul3A_12 : i32
      "tpu.region"() ({
        %run_scoped3A = tpu.sem_alloc : memref<!tpu.dma_semaphore, #tpu.memory_space<semaphore_mem>>
        %dma_start3A = arith.constant 0 : i32
        %dma_start3A_688 = tpu.memref_slice %arg2[%add3A_13, %dma_start3A] : memref<12288x1024xf32, #tpu.memory_space<hbm>> -> memref<8x1024xf32, #tpu.memory_space<hbm>>
        %dma_start3A_689 = arith.constant 0 : i32
        %dma_start3A_690 = tpu.memref_slice %arg2[%add3A_13, %dma_start3A_689] : memref<12288x1024xf32, #tpu.memory_space<hbm>> -> memref<8x1024xf32, #tpu.memory_space<hbm>>
        tpu.enqueue_dma source(%dma_start3A_690 : memref<8x1024xf32, #tpu.memory_space<hbm>>) target(%arg5 : memref<8x1024xf32, #tpu.memory_space<vmem>>) target_semaphore(%run_scoped3A : memref<!tpu.dma_semaphore, #tpu.memory_space<semaphore_mem>>)
        %dma_wait3A = arith.constant 0 : i32
        %dma_wait3A_691 = tpu.memref_slice %arg2[%add3A_13, %dma_wait3A] : memref<12288x1024xf32, #tpu.memory_space<hbm>> -> memref<8x1024xf32, #tpu.memory_space<hbm>>
        %dma_wait3A_692 = arith.constant 0 : i32
        %dma_wait3A_693 = tpu.memref_slice %arg2[%add3A_13, %dma_wait3A_692] : memref<12288x1024xf32, #tpu.memory_space<hbm>> -> memref<8x1024xf32, #tpu.memory_space<hbm>>
        tpu.wait_dma2 semaphore(%run_scoped3A : memref<!tpu.dma_semaphore, #tpu.memory_space<semaphore_mem>>) src(%dma_wait3A_693 : memref<8x1024xf32, #tpu.memory_space<hbm>>) dst(%arg5 : memref<8x1024xf32, #tpu.memory_space<vmem>>)
        tpu.yield
      }) : () -> ()
      %scan3A_14 = arith.constant 0 : i32
      %scan3A_15 = arith.constant 0 : i32
      %scan3A_16 = arith.constant 64 : i32
      %scan3A_17 = arith.addi %scan3A_15, %scan3A_16 : i32
      %scan3A_18 = arith.constant 1 : i32
      %scan3A_19 = scf.for %scan3A_688 = %scan3A_15 to %scan3A_17 step %scan3A_18 iter_args(%scan3A_689 = %scan3A_14) -> (i32)  : i32 {
        %mul3A_690 = arith.constant 16 : i32
        %mul3A_691 = arith.muli %scan3A_688, %mul3A_690 : i32
        %get3A = arith.constant 0 : i32
        %get3A_692 = arith.index_cast %get3A : i32 to index
        %get3A_693 = arith.index_cast %mul3A_691 : i32 to index
        %get3A_694 = tpu.vector_load %arg5[%get3A_692, %get3A_693] {strides = array<i32>} : memref<8x1024xf32, #tpu.memory_space<vmem>>, vector<1x16xf32>,
        %get3A_695 = vector.shape_cast %get3A_694 : vector<1x16xf32> to vector<16xf32>
        %bitcast_convert_type3A_696 = tpu.bitcast %get3A_695 : vector<16xf32> -> vector<16xi32>
        %shift_right_arithmetic3A_697 = arith.constant 31 : i32
        %shift_right_arithmetic3A_698 = vector.broadcast %shift_right_arithmetic3A_697 : i32 to vector<16xi32>
        %shift_right_arithmetic3A_699 = arith.shrsi %bitcast_convert_type3A_696, %shift_right_arithmetic3A_698 : vector<16xi32>
        %and3A_700 = arith.constant 2147483647 : i32
        %and3A_701 = vector.broadcast %and3A_700 : i32 to vector<16xi32>
        %and3A_702 = arith.andi %shift_right_arithmetic3A_699, %and3A_701 : vector<16xi32>
        %xor3A_703 = arith.xori %bitcast_convert_type3A_696, %and3A_702 : vector<16xi32>
        %mul3A_704 = arith.constant 16 : i32
        %mul3A_705 = arith.muli %scan3A_688, %mul3A_704 : i32
        %swap3A_706 = arith.constant 0 : i32
        %swap3A_707 = arith.index_cast %swap3A_706 : i32 to index
        %swap3A_708 = arith.index_cast %mul3A_705 : i32 to index
        %swap3A_709 = tpu.vector_load %arg6[%swap3A_707, %swap3A_708] {strides = array<i32>} : memref<8x1024xi32, #tpu.memory_space<vmem>>, vector<1x16xi32>,
        %swap3A_710 = vector.shape_cast %swap3A_709 : vector<1x16xi32> to vector<16xi32>
        %swap3A_711 = vector.shape_cast %xor3A_703 : vector<16xi32> to vector<1x16xi32>
        tpu.vector_store %arg6[%swap3A_707, %swap3A_708], %swap3A_711 {strides = array<i32>} : memref<8x1024xi32, #tpu.memory_space<vmem>>, vector<1x16xi32>,
        %mul3A_712 = arith.constant 16 : i32
        %mul3A_713 = arith.muli %scan3A_688, %mul3A_712 : i32
        %get3A_714 = arith.constant 1 : i32
        %get3A_715 = arith.index_cast %get3A_714 : i32 to index
        %get3A_716 = arith.index_cast %mul3A_713 : i32 to index
        %get3A_717 = tpu.vector_load %arg5[%get3A_715, %get3A_716] {strides = array<i32>} : memref<8x1024xf32, #tpu.memory_space<vmem>>, vector<1x16xf32>,
        %get3A_718 = vector.shape_cast %get3A_717 : vector<1x16xf32> to vector<16xf32>
        %bitcast_convert_type3A_719 = tpu.bitcast %get3A_718 : vector<16xf32> -> vector<16xi32>
        %shift_right_arithmetic3A_720 = arith.constant 31 : i32
        %shift_right_arithmetic3A_721 = vector.broadcast %shift_right_arithmetic3A_720 : i32 to vector<16xi32>
        %shift_right_arithmetic3A_722 = arith.shrsi %bitcast_convert_type3A_719, %shift_right_arithmetic3A_721 : vector<16xi32>
        %and3A_723 = arith.constant 2147483647 : i32
        %and3A_724 = vector.broadcast %and3A_723 : i32 to vector<16xi32>
        %and3A_725 = arith.andi %shift_right_arithmetic3A_722, %and3A_724 : vector<16xi32>
        %xor3A_726 = arith.xori %bitcast_convert_type3A_719, %and3A_725 : vector<16xi32>
        %mul3A_727 = arith.constant 16 : i32
        %mul3A_728 = arith.muli %scan3A_688, %mul3A_727 : i32
        %swap3A_729 = arith.constant 1 : i32
        %swap3A_730 = arith.index_cast %swap3A_729 : i32 to index
        %swap3A_731 = arith.index_cast %mul3A_728 : i32 to index
        %swap3A_732 = tpu.vector_load %arg6[%swap3A_730, %swap3A_731] {strides = array<i32>} : memref<8x1024xi32, #tpu.memory_space<vmem>>, vector<1x16xi32>,
        %swap3A_733 = vector.shape_cast %swap3A_732 : vector<1x16xi32> to vector<16xi32>
        %swap3A_734 = vector.shape_cast %xor3A_726 : vector<16xi32> to vector<1x16xi32>
        tpu.vector_store %arg6[%swap3A_730, %swap3A_731], %swap3A_734 {strides = array<i32>} : memref<8x1024xi32, #tpu.memory_space<vmem>>, vector<1x16xi32>,
        %mul3A_735 = arith.constant 16 : i32
        %mul3A_736 = arith.muli %scan3A_688, %mul3A_735 : i32
        %get3A_737 = arith.constant 2 : i32
        %get3A_738 = arith.index_cast %get3A_737 : i32 to index
        %get3A_739 = arith.index_cast %mul3A_736 : i32 to index
        %get3A_740 = tpu.vector_load %arg5[%get3A_738, %get3A_739] {strides = array<i32>} : memref<8x1024xf32, #tpu.memory_space<vmem>>, vector<1x16xf32>,
        %get3A_741 = vector.shape_cast %get3A_740 : vector<1x16xf32> to vector<16xf32>
        %bitcast_convert_type3A_742 = tpu.bitcast %get3A_741 : vector<16xf32> -> vector<16xi32>
        %shift_right_arithmetic3A_743 = arith.constant 31 : i32
        %shift_right_arithmetic3A_744 = vector.broadcast %shift_right_arithmetic3A_743 : i32 to vector<16xi32>
        %shift_right_arithmetic3A_745 = arith.shrsi %bitcast_convert_type3A_742, %shift_right_arithmetic3A_744 : vector<16xi32>
        %and3A_746 = arith.constant 2147483647 : i32
        %and3A_747 = vector.broadcast %and3A_746 : i32 to vector<16xi32>
        %and3A_748 = arith.andi %shift_right_arithmetic3A_745, %and3A_747 : vector<16xi32>
        %xor3A_749 = arith.xori %bitcast_convert_type3A_742, %and3A_748 : vector<16xi32>
        %mul3A_750 = arith.constant 16 : i32
        %mul3A_751 = arith.muli %scan3A_688, %mul3A_750 : i32
        %swap3A_752 = arith.constant 2 : i32
        %swap3A_753 = arith.index_cast %swap3A_752 : i32 to index
        %swap3A_754 = arith.index_cast %mul3A_751 : i32 to index
        %swap3A_755 = tpu.vector_load %arg6[%swap3A_753, %swap3A_754] {strides = array<i32>} : memref<8x1024xi32, #tpu.memory_space<vmem>>, vector<1x16xi32>,
        %swap3A_756 = vector.shape_cast %swap3A_755 : vector<1x16xi32> to vector<16xi32>
        %swap3A_757 = vector.shape_cast %xor3A_749 : vector<16xi32> to vector<1x16xi32>
        tpu.vector_store %arg6[%swap3A_753, %swap3A_754], %swap3A_757 {strides = array<i32>} : memref<8x1024xi32, #tpu.memory_space<vmem>>, vector<1x16xi32>,
        %mul3A_758 = arith.constant 16 : i32
        %mul3A_759 = arith.muli %scan3A_688, %mul3A_758 : i32
        %get3A_760 = arith.constant 3 : i32
        %get3A_761 = arith.index_cast %get3A_760 : i32 to index
        %get3A_762 = arith.index_cast %mul3A_759 : i32 to index
        %get3A_763 = tpu.vector_load %arg5[%get3A_761, %get3A_762] {strides = array<i32>} : memref<8x1024xf32, #tpu.memory_space<vmem>>, vector<1x16xf32>,
        %get3A_764 = vector.shape_cast %get3A_763 : vector<1x16xf32> to vector<16xf32>
        %bitcast_convert_type3A_765 = tpu.bitcast %get3A_764 : vector<16xf32> -> vector<16xi32>
        %shift_right_arithmetic3A_766 = arith.constant 31 : i32
        %shift_right_arithmetic3A_767 = vector.broadcast %shift_right_arithmetic3A_766 : i32 to vector<16xi32>
        %shift_right_arithmetic3A_768 = arith.shrsi %bitcast_convert_type3A_765, %shift_right_arithmetic3A_767 : vector<16xi32>
        %and3A_769 = arith.constant 2147483647 : i32
        %and3A_770 = vector.broadcast %and3A_769 : i32 to vector<16xi32>
        %and3A_771 = arith.andi %shift_right_arithmetic3A_768, %and3A_770 : vector<16xi32>
        %xor3A_772 = arith.xori %bitcast_convert_type3A_765, %and3A_771 : vector<16xi32>
        %mul3A_773 = arith.constant 16 : i32
        %mul3A_774 = arith.muli %scan3A_688, %mul3A_773 : i32
        %swap3A_775 = arith.constant 3 : i32
        %swap3A_776 = arith.index_cast %swap3A_775 : i32 to index
        %swap3A_777 = arith.index_cast %mul3A_774 : i32 to index
        %swap3A_778 = tpu.vector_load %arg6[%swap3A_776, %swap3A_777] {strides = array<i32>} : memref<8x1024xi32, #tpu.memory_space<vmem>>, vector<1x16xi32>,
        %swap3A_779 = vector.shape_cast %swap3A_778 : vector<1x16xi32> to vector<16xi32>
        %swap3A_780 = vector.shape_cast %xor3A_772 : vector<16xi32> to vector<1x16xi32>
        tpu.vector_store %arg6[%swap3A_776, %swap3A_777], %swap3A_780 {strides = array<i32>} : memref<8x1024xi32, #tpu.memory_space<vmem>>, vector<1x16xi32>,
        %mul3A_781 = arith.constant 16 : i32
        %mul3A_782 = arith.muli %scan3A_688, %mul3A_781 : i32
        %get3A_783 = arith.constant 4 : i32
        %get3A_784 = arith.index_cast %get3A_783 : i32 to index
        %get3A_785 = arith.index_cast %mul3A_782 : i32 to index
        %get3A_786 = tpu.vector_load %arg5[%get3A_784, %get3A_785] {strides = array<i32>} : memref<8x1024xf32, #tpu.memory_space<vmem>>, vector<1x16xf32>,
        %get3A_787 = vector.shape_cast %get3A_786 : vector<1x16xf32> to vector<16xf32>
        %bitcast_convert_type3A_788 = tpu.bitcast %get3A_787 : vector<16xf32> -> vector<16xi32>
        %shift_right_arithmetic3A_789 = arith.constant 31 : i32
        %shift_right_arithmetic3A_790 = vector.broadcast %shift_right_arithmetic3A_789 : i32 to vector<16xi32>
        %shift_right_arithmetic3A_791 = arith.shrsi %bitcast_convert_type3A_788, %shift_right_arithmetic3A_790 : vector<16xi32>
        %and3A_792 = arith.constant 2147483647 : i32
        %and3A_793 = vector.broadcast %and3A_792 : i32 to vector<16xi32>
        %and3A_794 = arith.andi %shift_right_arithmetic3A_791, %and3A_793 : vector<16xi32>
        %xor3A_795 = arith.xori %bitcast_convert_type3A_788, %and3A_794 : vector<16xi32>
        %mul3A_796 = arith.constant 16 : i32
        %mul3A_797 = arith.muli %scan3A_688, %mul3A_796 : i32
        %swap3A_798 = arith.constant 4 : i32
        %swap3A_799 = arith.index_cast %swap3A_798 : i32 to index
        %swap3A_800 = arith.index_cast %mul3A_797 : i32 to index
        %swap3A_801 = tpu.vector_load %arg6[%swap3A_799, %swap3A_800] {strides = array<i32>} : memref<8x1024xi32, #tpu.memory_space<vmem>>, vector<1x16xi32>,
        %swap3A_802 = vector.shape_cast %swap3A_801 : vector<1x16xi32> to vector<16xi32>
        %swap3A_803 = vector.shape_cast %xor3A_795 : vector<16xi32> to vector<1x16xi32>
        tpu.vector_store %arg6[%swap3A_799, %swap3A_800], %swap3A_803 {strides = array<i32>} : memref<8x1024xi32, #tpu.memory_space<vmem>>, vector<1x16xi32>,
        %mul3A_804 = arith.constant 16 : i32
        %mul3A_805 = arith.muli %scan3A_688, %mul3A_804 : i32
        %get3A_806 = arith.constant 5 : i32
        %get3A_807 = arith.index_cast %get3A_806 : i32 to index
        %get3A_808 = arith.index_cast %mul3A_805 : i32 to index
        %get3A_809 = tpu.vector_load %arg5[%get3A_807, %get3A_808] {strides = array<i32>} : memref<8x1024xf32, #tpu.memory_space<vmem>>, vector<1x16xf32>,
        %get3A_810 = vector.shape_cast %get3A_809 : vector<1x16xf32> to vector<16xf32>
        %bitcast_convert_type3A_811 = tpu.bitcast %get3A_810 : vector<16xf32> -> vector<16xi32>
        %shift_right_arithmetic3A_812 = arith.constant 31 : i32
        %shift_right_arithmetic3A_813 = vector.broadcast %shift_right_arithmetic3A_812 : i32 to vector<16xi32>
        %shift_right_arithmetic3A_814 = arith.shrsi %bitcast_convert_type3A_811, %shift_right_arithmetic3A_813 : vector<16xi32>
        %and3A_815 = arith.constant 2147483647 : i32
        %and3A_816 = vector.broadcast %and3A_815 : i32 to vector<16xi32>
        %and3A_817 = arith.andi %shift_right_arithmetic3A_814, %and3A_816 : vector<16xi32>
        %xor3A_818 = arith.xori %bitcast_convert_type3A_811, %and3A_817 : vector<16xi32>
        %mul3A_819 = arith.constant 16 : i32
        %mul3A_820 = arith.muli %scan3A_688, %mul3A_819 : i32
        %swap3A_821 = arith.constant 5 : i32
        %swap3A_822 = arith.index_cast %swap3A_821 : i32 to index
        %swap3A_823 = arith.index_cast %mul3A_820 : i32 to index
        %swap3A_824 = tpu.vector_load %arg6[%swap3A_822, %swap3A_823] {strides = array<i32>} : memref<8x1024xi32, #tpu.memory_space<vmem>>, vector<1x16xi32>,
        %swap3A_825 = vector.shape_cast %swap3A_824 : vector<1x16xi32> to vector<16xi32>
        %swap3A_826 = vector.shape_cast %xor3A_818 : vector<16xi32> to vector<1x16xi32>
        tpu.vector_store %arg6[%swap3A_822, %swap3A_823], %swap3A_826 {strides = array<i32>} : memref<8x1024xi32, #tpu.memory_space<vmem>>, vector<1x16xi32>,
        %mul3A_827 = arith.constant 16 : i32
        %mul3A_828 = arith.muli %scan3A_688, %mul3A_827 : i32
        %get3A_829 = arith.constant 6 : i32
        %get3A_830 = arith.index_cast %get3A_829 : i32 to index
        %get3A_831 = arith.index_cast %mul3A_828 : i32 to index
        %get3A_832 = tpu.vector_load %arg5[%get3A_830, %get3A_831] {strides = array<i32>} : memref<8x1024xf32, #tpu.memory_space<vmem>>, vector<1x16xf32>,
        %get3A_833 = vector.shape_cast %get3A_832 : vector<1x16xf32> to vector<16xf32>
        %bitcast_convert_type3A_834 = tpu.bitcast %get3A_833 : vector<16xf32> -> vector<16xi32>
        %shift_right_arithmetic3A_835 = arith.constant 31 : i32
        %shift_right_arithmetic3A_836 = vector.broadcast %shift_right_arithmetic3A_835 : i32 to vector<16xi32>
        %shift_right_arithmetic3A_837 = arith.shrsi %bitcast_convert_type3A_834, %shift_right_arithmetic3A_836 : vector<16xi32>
        %and3A_838 = arith.constant 2147483647 : i32
        %and3A_839 = vector.broadcast %and3A_838 : i32 to vector<16xi32>
        %and3A_840 = arith.andi %shift_right_arithmetic3A_837, %and3A_839 : vector<16xi32>
        %xor3A_841 = arith.xori %bitcast_convert_type3A_834, %and3A_840 : vector<16xi32>
        %mul3A_842 = arith.constant 16 : i32
        %mul3A_843 = arith.muli %scan3A_688, %mul3A_842 : i32
        %swap3A_844 = arith.constant 6 : i32
        %swap3A_845 = arith.index_cast %swap3A_844 : i32 to index
        %swap3A_846 = arith.index_cast %mul3A_843 : i32 to index
        %swap3A_847 = tpu.vector_load %arg6[%swap3A_845, %swap3A_846] {strides = array<i32>} : memref<8x1024xi32, #tpu.memory_space<vmem>>, vector<1x16xi32>,
        %swap3A_848 = vector.shape_cast %swap3A_847 : vector<1x16xi32> to vector<16xi32>
        %swap3A_849 = vector.shape_cast %xor3A_841 : vector<16xi32> to vector<1x16xi32>
        tpu.vector_store %arg6[%swap3A_845, %swap3A_846], %swap3A_849 {strides = array<i32>} : memref<8x1024xi32, #tpu.memory_space<vmem>>, vector<1x16xi32>,
        %mul3A_850 = arith.constant 16 : i32
        %mul3A_851 = arith.muli %scan3A_688, %mul3A_850 : i32
        %get3A_852 = arith.constant 7 : i32
        %get3A_853 = arith.index_cast %get3A_852 : i32 to index
        %get3A_854 = arith.index_cast %mul3A_851 : i32 to index
        %get3A_855 = tpu.vector_load %arg5[%get3A_853, %get3A_854] {strides = array<i32>} : memref<8x1024xf32, #tpu.memory_space<vmem>>, vector<1x16xf32>,
        %get3A_856 = vector.shape_cast %get3A_855 : vector<1x16xf32> to vector<16xf32>
        %bitcast_convert_type3A_857 = tpu.bitcast %get3A_856 : vector<16xf32> -> vector<16xi32>
        %shift_right_arithmetic3A_858 = arith.constant 31 : i32
        %shift_right_arithmetic3A_859 = vector.broadcast %shift_right_arithmetic3A_858 : i32 to vector<16xi32>
        %shift_right_arithmetic3A_860 = arith.shrsi %bitcast_convert_type3A_857, %shift_right_arithmetic3A_859 : vector<16xi32>
        %and3A_861 = arith.constant 2147483647 : i32
        %and3A_862 = vector.broadcast %and3A_861 : i32 to vector<16xi32>
        %and3A_863 = arith.andi %shift_right_arithmetic3A_860, %and3A_862 : vector<16xi32>
        %xor3A_864 = arith.xori %bitcast_convert_type3A_857, %and3A_863 : vector<16xi32>
        %mul3A_865 = arith.constant 16 : i32
        %mul3A_866 = arith.muli %scan3A_688, %mul3A_865 : i32
        %swap3A_867 = arith.constant 7 : i32
        %swap3A_868 = arith.index_cast %swap3A_867 : i32 to index
        %swap3A_869 = arith.index_cast %mul3A_866 : i32 to index
        %swap3A_870 = tpu.vector_load %arg6[%swap3A_868, %swap3A_869] {strides = array<i32>} : memref<8x1024xi32, #tpu.memory_space<vmem>>, vector<1x16xi32>,
        %swap3A_871 = vector.shape_cast %swap3A_870 : vector<1x16xi32> to vector<16xi32>
        %swap3A_872 = vector.shape_cast %xor3A_864 : vector<16xi32> to vector<1x16xi32>
        tpu.vector_store %arg6[%swap3A_868, %swap3A_869], %swap3A_872 {strides = array<i32>} : memref<8x1024xi32, #tpu.memory_space<vmem>>, vector<1x16xi32>,
        %scan3A_873 = arith.constant 0 : i32
        scf.yield %scan3A_873 : i32
      }
      %scan3A_20 = arith.constant 64 : i32
      %iota3A = tpu.iota {dimensions = array<i32: 0>} : vector<16xi32>
      %xor3A = arith.constant 8 : i32
      %xor3A_21 = vector.broadcast %xor3A : i32 to vector<16xi32>
      %xor3A_22 = arith.xori %iota3A, %xor3A_21 : vector<16xi32>
      %xor3A_23 = arith.constant 4 : i32
      %xor3A_24 = vector.broadcast %xor3A_23 : i32 to vector<16xi32>
      %xor3A_25 = arith.xori %iota3A, %xor3A_24 : vector<16xi32>
      %xor3A_26 = arith.constant 2 : i32
      %xor3A_27 = vector.broadcast %xor3A_26 : i32 to vector<16xi32>
      %xor3A_28 = arith.xori %iota3A, %xor3A_27 : vector<16xi32>
      %xor3A_29 = arith.constant 1 : i32
      %xor3A_30 = vector.broadcast %xor3A_29 : i32 to vector<16xi32>
      %xor3A_31 = arith.xori %iota3A, %xor3A_30 : vector<16xi32>
      %broadcast_in_dim3A = arith.constant 0 : i32
      %broadcast_in_dim3A_32 = vector.broadcast %broadcast_in_dim3A : i32 to vector<16xi32>
      %scan3A_33 = arith.constant 0 : i32
      %scan3A_34 = arith.constant 32 : i32
      %scan3A_35 = arith.addi %scan3A_33, %scan3A_34 : i32
      %scan3A_36 = arith.constant 1 : i32
      %scan3A_37:8 = scf.for %scan3A_688 = %scan3A_33 to %scan3A_35 step %scan3A_36 iter_args(%scan3A_689 = %broadcast_in_dim3A_32, %scan3A_690 = %broadcast_in_dim3A_32, %scan3A_691 = %broadcast_in_dim3A_32, %scan3A_692 = %broadcast_in_dim3A_32, %scan3A_693 = %broadcast_in_dim3A_32, %scan3A_694 = %broadcast_in_dim3A_32, %scan3A_695 = %broadcast_in_dim3A_32, %scan3A_696 = %broadcast_in_dim3A_32) -> (vector<16xi32>, vector<16xi32>, vector<16xi32>, vector<16xi32>, vector<16xi32>, vector<16xi32>, vector<16xi32>, vector<16xi32>)  : i32 {
        %sub3A_697 = arith.constant 31 : i32
        %sub3A_698 = arith.subi %sub3A_697, %scan3A_688 : i32
        %shift_left3A = arith.constant 1 : i32
        %shift_left3A_699 = arith.shli %shift_left3A, %sub3A_698 : i32
        %or3A = vector.broadcast %shift_left3A_699 : i32 to vector<16xi32>
        %or3A_700 = arith.ori %scan3A_689, %or3A : vector<16xi32>
        %or3A_701 = vector.broadcast %shift_left3A_699 : i32 to vector<16xi32>
        %or3A_702 = arith.ori %scan3A_690, %or3A_701 : vector<16xi32>
        %or3A_703 = vector.broadcast %shift_left3A_699 : i32 to vector<16xi32>
        %or3A_704 = arith.ori %scan3A_691, %or3A_703 : vector<16xi32>
        %or3A_705 = vector.broadcast %shift_left3A_699 : i32 to vector<16xi32>
        %or3A_706 = arith.ori %scan3A_692, %or3A_705 : vector<16xi32>
        %or3A_707 = vector.broadcast %shift_left3A_699 : i32 to vector<16xi32>
        %or3A_708 = arith.ori %scan3A_693, %or3A_707 : vector<16xi32>
        %or3A_709 = vector.broadcast %shift_left3A_699 : i32 to vector<16xi32>
        %or3A_710 = arith.ori %scan3A_694, %or3A_709 : vector<16xi32>
        %or3A_711 = vector.broadcast %shift_left3A_699 : i32 to vector<16xi32>
        %or3A_712 = arith.ori %scan3A_695, %or3A_711 : vector<16xi32>
        %or3A_713 = vector.broadcast %shift_left3A_699 : i32 to vector<16xi32>
        %or3A_714 = arith.ori %scan3A_696, %or3A_713 : vector<16xi32>
        %xor3A_715 = arith.constant -2147483648 : i32
        %xor3A_716 = vector.broadcast %xor3A_715 : i32 to vector<16xi32>
        %xor3A_717 = arith.xori %or3A_700, %xor3A_716 : vector<16xi32>
        %xor3A_718 = arith.constant -2147483648 : i32
        %xor3A_719 = vector.broadcast %xor3A_718 : i32 to vector<16xi32>
        %xor3A_720 = arith.xori %or3A_702, %xor3A_719 : vector<16xi32>
        %xor3A_721 = arith.constant -2147483648 : i32
        %xor3A_722 = vector.broadcast %xor3A_721 : i32 to vector<16xi32>
        %xor3A_723 = arith.xori %or3A_704, %xor3A_722 : vector<16xi32>
        %xor3A_724 = arith.constant -2147483648 : i32
        %xor3A_725 = vector.broadcast %xor3A_724 : i32 to vector<16xi32>
        %xor3A_726 = arith.xori %or3A_706, %xor3A_725 : vector<16xi32>
        %xor3A_727 = arith.constant -2147483648 : i32
        %xor3A_728 = vector.broadcast %xor3A_727 : i32 to vector<16xi32>
        %xor3A_729 = arith.xori %or3A_708, %xor3A_728 : vector<16xi32>
        %xor3A_730 = arith.constant -2147483648 : i32
        %xor3A_731 = vector.broadcast %xor3A_730 : i32 to vector<16xi32>
        %xor3A_732 = arith.xori %or3A_710, %xor3A_731 : vector<16xi32>
        %xor3A_733 = arith.constant -2147483648 : i32
        %xor3A_734 = vector.broadcast %xor3A_733 : i32 to vector<16xi32>
        %xor3A_735 = arith.xori %or3A_712, %xor3A_734 : vector<16xi32>
        %xor3A_736 = arith.constant -2147483648 : i32
        %xor3A_737 = vector.broadcast %xor3A_736 : i32 to vector<16xi32>
        %xor3A_738 = arith.xori %or3A_714, %xor3A_737 : vector<16xi32>
        %broadcast_in_dim3A_739 = arith.constant 0 : i32
        %broadcast_in_dim3A_740 = vector.broadcast %broadcast_in_dim3A_739 : i32 to vector<16xi32>
        %scan3A_741 = arith.constant 0 : i32
        %scan3A_742 = arith.constant 16 : i32
        %scan3A_743 = arith.addi %scan3A_741, %scan3A_742 : i32
        %scan3A_744 = arith.constant 1 : i32
        %scan3A_745:8 = scf.for %scan3A_906 = %scan3A_741 to %scan3A_743 step %scan3A_744 iter_args(%scan3A_907 = %broadcast_in_dim3A_740, %scan3A_908 = %broadcast_in_dim3A_740, %scan3A_909 = %broadcast_in_dim3A_740, %scan3A_910 = %broadcast_in_dim3A_740, %scan3A_911 = %broadcast_in_dim3A_740, %scan3A_912 = %broadcast_in_dim3A_740, %scan3A_913 = %broadcast_in_dim3A_740, %scan3A_914 = %broadcast_in_dim3A_740) -> (vector<16xi32>, vector<16xi32>, vector<16xi32>, vector<16xi32>, vector<16xi32>, vector<16xi32>, vector<16xi32>, vector<16xi32>)  : i32 {
          %mul3A_915 = arith.constant 4 : i32
          %mul3A_916 = arith.muli %scan3A_906, %mul3A_915 : i32
          %add3A_917 = arith.constant 0 : i32
          %add3A_918 = arith.addi %mul3A_916, %add3A_917 : i32
          %mul3A_919 = arith.constant 16 : i32
          %mul3A_920 = arith.muli %add3A_918, %mul3A_919 : i32
          %get3A = arith.constant 0 : i32
          %get3A_921 = arith.index_cast %get3A : i32 to index
          %get3A_922 = arith.index_cast %mul3A_920 : i32 to index
          %get3A_923 = tpu.vector_load %arg6[%get3A_921, %get3A_922] {strides = array<i32>} : memref<8x1024xi32, #tpu.memory_space<vmem>>, vector<1x16xi32>,
          %get3A_924 = vector.shape_cast %get3A_923 : vector<1x16xi32> to vector<16xi32>
          %ge3A_925 = arith.cmpi sge, %get3A_924, %xor3A_717 : vector<16xi32>
          %jit3A = arith.constant 1 : i32
          %jit3A_926 = arith.constant 0 : i32
          %broadcast_in_dim3A_927 = vector.broadcast %jit3A : i32 to vector<16xi32>
          %broadcast_in_dim3A_928 = vector.broadcast %jit3A_926 : i32 to vector<16xi32>
          %select_n3A_929 = arith.select %ge3A_925, %broadcast_in_dim3A_927, %broadcast_in_dim3A_928 : vector<16xi1>, vector<16xi32>
          %add3A_930 = arith.addi %scan3A_907, %select_n3A_929 : vector<16xi32>
          %mul3A_931 = arith.constant 4 : i32
          %mul3A_932 = arith.muli %scan3A_906, %mul3A_931 : i32
          %add3A_933 = arith.constant 0 : i32
          %add3A_934 = arith.addi %mul3A_932, %add3A_933 : i32
          %mul3A_935 = arith.constant 16 : i32
          %mul3A_936 = arith.muli %add3A_934, %mul3A_935 : i32
          %get3A_937 = arith.constant 1 : i32
          %get3A_938 = arith.index_cast %get3A_937 : i32 to index
          %get3A_939 = arith.index_cast %mul3A_936 : i32 to index
          %get3A_940 = tpu.vector_load %arg6[%get3A_938, %get3A_939] {strides = array<i32>} : memref<8x1024xi32, #tpu.memory_space<vmem>>, vector<1x16xi32>,
          %get3A_941 = vector.shape_cast %get3A_940 : vector<1x16xi32> to vector<16xi32>
          %ge3A_942 = arith.cmpi sge, %get3A_941, %xor3A_720 : vector<16xi32>
          %jit3A_943 = arith.constant 1 : i32
          %jit3A_944 = arith.constant 0 : i32
          %broadcast_in_dim3A_945 = vector.broadcast %jit3A_943 : i32 to vector<16xi32>
          %broadcast_in_dim3A_946 = vector.broadcast %jit3A_944 : i32 to vector<16xi32>
          %select_n3A_947 = arith.select %ge3A_942, %broadcast_in_dim3A_945, %broadcast_in_dim3A_946 : vector<16xi1>, vector<16xi32>
          %add3A_948 = arith.addi %scan3A_908, %select_n3A_947 : vector<16xi32>
          %mul3A_949 = arith.constant 4 : i32
          %mul3A_950 = arith.muli %scan3A_906, %mul3A_949 : i32
          %add3A_951 = arith.constant 0 : i32
          %add3A_952 = arith.addi %mul3A_950, %add3A_951 : i32
          %mul3A_953 = arith.constant 16 : i32
          %mul3A_954 = arith.muli %add3A_952, %mul3A_953 : i32
          %get3A_955 = arith.constant 2 : i32
          %get3A_956 = arith.index_cast %get3A_955 : i32 to index
          %get3A_957 = arith.index_cast %mul3A_954 : i32 to index
          %get3A_958 = tpu.vector_load %arg6[%get3A_956, %get3A_957] {strides = array<i32>} : memref<8x1024xi32, #tpu.memory_space<vmem>>, vector<1x16xi32>,
          %get3A_959 = vector.shape_cast %get3A_958 : vector<1x16xi32> to vector<16xi32>
          %ge3A_960 = arith.cmpi sge, %get3A_959, %xor3A_723 : vector<16xi32>
          %jit3A_961 = arith.constant 1 : i32
          %jit3A_962 = arith.constant 0 : i32
          %broadcast_in_dim3A_963 = vector.broadcast %jit3A_961 : i32 to vector<16xi32>
          %broadcast_in_dim3A_964 = vector.broadcast %jit3A_962 : i32 to vector<16xi32>
          %select_n3A_965 = arith.select %ge3A_960, %broadcast_in_dim3A_963, %broadcast_in_dim3A_964 : vector<16xi1>, vector<16xi32>
          %add3A_966 = arith.addi %scan3A_909, %select_n3A_965 : vector<16xi32>
          %mul3A_967 = arith.constant 4 : i32
          %mul3A_968 = arith.muli %scan3A_906, %mul3A_967 : i32
          %add3A_969 = arith.constant 0 : i32
          %add3A_970 = arith.addi %mul3A_968, %add3A_969 : i32
          %mul3A_971 = arith.constant 16 : i32
          %mul3A_972 = arith.muli %add3A_970, %mul3A_971 : i32
          %get3A_973 = arith.constant 3 : i32
          %get3A_974 = arith.index_cast %get3A_973 : i32 to index
          %get3A_975 = arith.index_cast %mul3A_972 : i32 to index
          %get3A_976 = tpu.vector_load %arg6[%get3A_974, %get3A_975] {strides = array<i32>} : memref<8x1024xi32, #tpu.memory_space<vmem>>, vector<1x16xi32>,
          %get3A_977 = vector.shape_cast %get3A_976 : vector<1x16xi32> to vector<16xi32>
          %ge3A_978 = arith.cmpi sge, %get3A_977, %xor3A_726 : vector<16xi32>
          %jit3A_979 = arith.constant 1 : i32
          %jit3A_980 = arith.constant 0 : i32
          %broadcast_in_dim3A_981 = vector.broadcast %jit3A_979 : i32 to vector<16xi32>
          %broadcast_in_dim3A_982 = vector.broadcast %jit3A_980 : i32 to vector<16xi32>
          %select_n3A_983 = arith.select %ge3A_978, %broadcast_in_dim3A_981, %broadcast_in_dim3A_982 : vector<16xi1>, vector<16xi32>
          %add3A_984 = arith.addi %scan3A_910, %select_n3A_983 : vector<16xi32>
          %mul3A_985 = arith.constant 4 : i32
          %mul3A_986 = arith.muli %scan3A_906, %mul3A_985 : i32
          %add3A_987 = arith.constant 0 : i32
          %add3A_988 = arith.addi %mul3A_986, %add3A_987 : i32
          %mul3A_989 = arith.constant 16 : i32
          %mul3A_990 = arith.muli %add3A_988, %mul3A_989 : i32
          %get3A_991 = arith.constant 4 : i32
          %get3A_992 = arith.index_cast %get3A_991 : i32 to index
          %get3A_993 = arith.index_cast %mul3A_990 : i32 to index
          %get3A_994 = tpu.vector_load %arg6[%get3A_992, %get3A_993] {strides = array<i32>} : memref<8x1024xi32, #tpu.memory_space<vmem>>, vector<1x16xi32>,
          %get3A_995 = vector.shape_cast %get3A_994 : vector<1x16xi32> to vector<16xi32>
          %ge3A_996 = arith.cmpi sge, %get3A_995, %xor3A_729 : vector<16xi32>
          %jit3A_997 = arith.constant 1 : i32
          %jit3A_998 = arith.constant 0 : i32
          %broadcast_in_dim3A_999 = vector.broadcast %jit3A_997 : i32 to vector<16xi32>
          %broadcast_in_dim3A_1000 = vector.broadcast %jit3A_998 : i32 to vector<16xi32>
          %select_n3A_1001 = arith.select %ge3A_996, %broadcast_in_dim3A_999, %broadcast_in_dim3A_1000 : vector<16xi1>, vector<16xi32>
          %add3A_1002 = arith.addi %scan3A_911, %select_n3A_1001 : vector<16xi32>
          %mul3A_1003 = arith.constant 4 : i32
          %mul3A_1004 = arith.muli %scan3A_906, %mul3A_1003 : i32
          %add3A_1005 = arith.constant 0 : i32
          %add3A_1006 = arith.addi %mul3A_1004, %add3A_1005 : i32
          %mul3A_1007 = arith.constant 16 : i32
          %mul3A_1008 = arith.muli %add3A_1006, %mul3A_1007 : i32
          %get3A_1009 = arith.constant 5 : i32
          %get3A_1010 = arith.index_cast %get3A_1009 : i32 to index
          %get3A_1011 = arith.index_cast %mul3A_1008 : i32 to index
          %get3A_1012 = tpu.vector_load %arg6[%get3A_1010, %get3A_1011] {strides = array<i32>} : memref<8x1024xi32, #tpu.memory_space<vmem>>, vector<1x16xi32>,
          %get3A_1013 = vector.shape_cast %get3A_1012 : vector<1x16xi32> to vector<16xi32>
          %ge3A_1014 = arith.cmpi sge, %get3A_1013, %xor3A_732 : vector<16xi32>
          %jit3A_1015 = arith.constant 1 : i32
          %jit3A_1016 = arith.constant 0 : i32
          %broadcast_in_dim3A_1017 = vector.broadcast %jit3A_1015 : i32 to vector<16xi32>
          %broadcast_in_dim3A_1018 = vector.broadcast %jit3A_1016 : i32 to vector<16xi32>
          %select_n3A_1019 = arith.select %ge3A_1014, %broadcast_in_dim3A_1017, %broadcast_in_dim3A_1018 : vector<16xi1>, vector<16xi32>
          %add3A_1020 = arith.addi %scan3A_912, %select_n3A_1019 : vector<16xi32>
          %mul3A_1021 = arith.constant 4 : i32
          %mul3A_1022 = arith.muli %scan3A_906, %mul3A_1021 : i32
          %add3A_1023 = arith.constant 0 : i32
          %add3A_1024 = arith.addi %mul3A_1022, %add3A_1023 : i32
          %mul3A_1025 = arith.constant 16 : i32
          %mul3A_1026 = arith.muli %add3A_1024, %mul3A_1025 : i32
          %get3A_1027 = arith.constant 6 : i32
          %get3A_1028 = arith.index_cast %get3A_1027 : i32 to index
          %get3A_1029 = arith.index_cast %mul3A_1026 : i32 to index
          %get3A_1030 = tpu.vector_load %arg6[%get3A_1028, %get3A_1029] {strides = array<i32>} : memref<8x1024xi32, #tpu.memory_space<vmem>>, vector<1x16xi32>,
          %get3A_1031 = vector.shape_cast %get3A_1030 : vector<1x16xi32> to vector<16xi32>
          %ge3A_1032 = arith.cmpi sge, %get3A_1031, %xor3A_735 : vector<16xi32>
          %jit3A_1033 = arith.constant 1 : i32
          %jit3A_1034 = arith.constant 0 : i32
          %broadcast_in_dim3A_1035 = vector.broadcast %jit3A_1033 : i32 to vector<16xi32>
          %broadcast_in_dim3A_1036 = vector.broadcast %jit3A_1034 : i32 to vector<16xi32>
          %select_n3A_1037 = arith.select %ge3A_1032, %broadcast_in_dim3A_1035, %broadcast_in_dim3A_1036 : vector<16xi1>, vector<16xi32>
          %add3A_1038 = arith.addi %scan3A_913, %select_n3A_1037 : vector<16xi32>
          %mul3A_1039 = arith.constant 4 : i32
          %mul3A_1040 = arith.muli %scan3A_906, %mul3A_1039 : i32
          %add3A_1041 = arith.constant 0 : i32
          %add3A_1042 = arith.addi %mul3A_1040, %add3A_1041 : i32
          %mul3A_1043 = arith.constant 16 : i32
          %mul3A_1044 = arith.muli %add3A_1042, %mul3A_1043 : i32
          %get3A_1045 = arith.constant 7 : i32
          %get3A_1046 = arith.index_cast %get3A_1045 : i32 to index
          %get3A_1047 = arith.index_cast %mul3A_1044 : i32 to index
          %get3A_1048 = tpu.vector_load %arg6[%get3A_1046, %get3A_1047] {strides = array<i32>} : memref<8x1024xi32, #tpu.memory_space<vmem>>, vector<1x16xi32>,
          %get3A_1049 = vector.shape_cast %get3A_1048 : vector<1x16xi32> to vector<16xi32>
          %ge3A_1050 = arith.cmpi sge, %get3A_1049, %xor3A_738 : vector<16xi32>
          %jit3A_1051 = arith.constant 1 : i32
          %jit3A_1052 = arith.constant 0 : i32
          %broadcast_in_dim3A_1053 = vector.broadcast %jit3A_1051 : i32 to vector<16xi32>
          %broadcast_in_dim3A_1054 = vector.broadcast %jit3A_1052 : i32 to vector<16xi32>
          %select_n3A_1055 = arith.select %ge3A_1050, %broadcast_in_dim3A_1053, %broadcast_in_dim3A_1054 : vector<16xi1>, vector<16xi32>
          %add3A_1056 = arith.addi %scan3A_914, %select_n3A_1055 : vector<16xi32>
          %mul3A_1057 = arith.constant 4 : i32
          %mul3A_1058 = arith.muli %scan3A_906, %mul3A_1057 : i32
          %add3A_1059 = arith.constant 1 : i32
          %add3A_1060 = arith.addi %mul3A_1058, %add3A_1059 : i32
          %mul3A_1061 = arith.constant 16 : i32
          %mul3A_1062 = arith.muli %add3A_1060, %mul3A_1061 : i32
          %get3A_1063 = arith.constant 0 : i32
          %get3A_1064 = arith.index_cast %get3A_1063 : i32 to index
          %get3A_1065 = arith.index_cast %mul3A_1062 : i32 to index
          %get3A_1066 = tpu.vector_load %arg6[%get3A_1064, %get3A_1065] {strides = array<i32>} : memref<8x1024xi32, #tpu.memory_space<vmem>>, vector<1x16xi32>,
          %get3A_1067 = vector.shape_cast %get3A_1066 : vector<1x16xi32> to vector<16xi32>
          %ge3A_1068 = arith.cmpi sge, %get3A_1067, %xor3A_717 : vector<16xi32>
          %jit3A_1069 = arith.constant 1 : i32
          %jit3A_1070 = arith.constant 0 : i32
          %broadcast_in_dim3A_1071 = vector.broadcast %jit3A_1069 : i32 to vector<16xi32>
          %broadcast_in_dim3A_1072 = vector.broadcast %jit3A_1070 : i32 to vector<16xi32>
          %select_n3A_1073 = arith.select %ge3A_1068, %broadcast_in_dim3A_1071, %broadcast_in_dim3A_1072 : vector<16xi1>, vector<16xi32>
          %add3A_1074 = arith.addi %add3A_930, %select_n3A_1073 : vector<16xi32>
          %mul3A_1075 = arith.constant 4 : i32
          %mul3A_1076 = arith.muli %scan3A_906, %mul3A_1075 : i32
          %add3A_1077 = arith.constant 1 : i32
          %add3A_1078 = arith.addi %mul3A_1076, %add3A_1077 : i32
          %mul3A_1079 = arith.constant 16 : i32
          %mul3A_1080 = arith.muli %add3A_1078, %mul3A_1079 : i32
          %get3A_1081 = arith.constant 1 : i32
          %get3A_1082 = arith.index_cast %get3A_1081 : i32 to index
          %get3A_1083 = arith.index_cast %mul3A_1080 : i32 to index
          %get3A_1084 = tpu.vector_load %arg6[%get3A_1082, %get3A_1083] {strides = array<i32>} : memref<8x1024xi32, #tpu.memory_space<vmem>>, vector<1x16xi32>,
          %get3A_1085 = vector.shape_cast %get3A_1084 : vector<1x16xi32> to vector<16xi32>
          %ge3A_1086 = arith.cmpi sge, %get3A_1085, %xor3A_720 : vector<16xi32>
          %jit3A_1087 = arith.constant 1 : i32
          %jit3A_1088 = arith.constant 0 : i32
          %broadcast_in_dim3A_1089 = vector.broadcast %jit3A_1087 : i32 to vector<16xi32>
          %broadcast_in_dim3A_1090 = vector.broadcast %jit3A_1088 : i32 to vector<16xi32>
          %select_n3A_1091 = arith.select %ge3A_1086, %broadcast_in_dim3A_1089, %broadcast_in_dim3A_1090 : vector<16xi1>, vector<16xi32>
          %add3A_1092 = arith.addi %add3A_948, %select_n3A_1091 : vector<16xi32>
          %mul3A_1093 = arith.constant 4 : i32
          %mul3A_1094 = arith.muli %scan3A_906, %mul3A_1093 : i32
          %add3A_1095 = arith.constant 1 : i32
          %add3A_1096 = arith.addi %mul3A_1094, %add3A_1095 : i32
          %mul3A_1097 = arith.constant 16 : i32
          %mul3A_1098 = arith.muli %add3A_1096, %mul3A_1097 : i32
          %get3A_1099 = arith.constant 2 : i32
          %get3A_1100 = arith.index_cast %get3A_1099 : i32 to index
          %get3A_1101 = arith.index_cast %mul3A_1098 : i32 to index
          %get3A_1102 = tpu.vector_load %arg6[%get3A_1100, %get3A_1101] {strides = array<i32>} : memref<8x1024xi32, #tpu.memory_space<vmem>>, vector<1x16xi32>,
          %get3A_1103 = vector.shape_cast %get3A_1102 : vector<1x16xi32> to vector<16xi32>
          %ge3A_1104 = arith.cmpi sge, %get3A_1103, %xor3A_723 : vector<16xi32>
          %jit3A_1105 = arith.constant 1 : i32
          %jit3A_1106 = arith.constant 0 : i32
          %broadcast_in_dim3A_1107 = vector.broadcast %jit3A_1105 : i32 to vector<16xi32>
          %broadcast_in_dim3A_1108 = vector.broadcast %jit3A_1106 : i32 to vector<16xi32>
          %select_n3A_1109 = arith.select %ge3A_1104, %broadcast_in_dim3A_1107, %broadcast_in_dim3A_1108 : vector<16xi1>, vector<16xi32>
          %add3A_1110 = arith.addi %add3A_966, %select_n3A_1109 : vector<16xi32>
          %mul3A_1111 = arith.constant 4 : i32
          %mul3A_1112 = arith.muli %scan3A_906, %mul3A_1111 : i32
          %add3A_1113 = arith.constant 1 : i32
          %add3A_1114 = arith.addi %mul3A_1112, %add3A_1113 : i32
          %mul3A_1115 = arith.constant 16 : i32
          %mul3A_1116 = arith.muli %add3A_1114, %mul3A_1115 : i32
          %get3A_1117 = arith.constant 3 : i32
          %get3A_1118 = arith.index_cast %get3A_1117 : i32 to index
          %get3A_1119 = arith.index_cast %mul3A_1116 : i32 to index
          %get3A_1120 = tpu.vector_load %arg6[%get3A_1118, %get3A_1119] {strides = array<i32>} : memref<8x1024xi32, #tpu.memory_space<vmem>>, vector<1x16xi32>,
          %get3A_1121 = vector.shape_cast %get3A_1120 : vector<1x16xi32> to vector<16xi32>
          %ge3A_1122 = arith.cmpi sge, %get3A_1121, %xor3A_726 : vector<16xi32>
          %jit3A_1123 = arith.constant 1 : i32
          %jit3A_1124 = arith.constant 0 : i32
          %broadcast_in_dim3A_1125 = vector.broadcast %jit3A_1123 : i32 to vector<16xi32>
          %broadcast_in_dim3A_1126 = vector.broadcast %jit3A_1124 : i32 to vector<16xi32>
          %select_n3A_1127 = arith.select %ge3A_1122, %broadcast_in_dim3A_1125, %broadcast_in_dim3A_1126 : vector<16xi1>, vector<16xi32>
          %add3A_1128 = arith.addi %add3A_984, %select_n3A_1127 : vector<16xi32>
          %mul3A_1129 = arith.constant 4 : i32
          %mul3A_1130 = arith.muli %scan3A_906, %mul3A_1129 : i32
          %add3A_1131 = arith.constant 1 : i32
          %add3A_1132 = arith.addi %mul3A_1130, %add3A_1131 : i32
          %mul3A_1133 = arith.constant 16 : i32
          %mul3A_1134 = arith.muli %add3A_1132, %mul3A_1133 : i32
          %get3A_1135 = arith.constant 4 : i32
          %get3A_1136 = arith.index_cast %get3A_1135 : i32 to index
          %get3A_1137 = arith.index_cast %mul3A_1134 : i32 to index
          %get3A_1138 = tpu.vector_load %arg6[%get3A_1136, %get3A_1137] {strides = array<i32>} : memref<8x1024xi32, #tpu.memory_space<vmem>>, vector<1x16xi32>,
          %get3A_1139 = vector.shape_cast %get3A_1138 : vector<1x16xi32> to vector<16xi32>
          %ge3A_1140 = arith.cmpi sge, %get3A_1139, %xor3A_729 : vector<16xi32>
          %jit3A_1141 = arith.constant 1 : i32
          %jit3A_1142 = arith.constant 0 : i32
          %broadcast_in_dim3A_1143 = vector.broadcast %jit3A_1141 : i32 to vector<16xi32>
          %broadcast_in_dim3A_1144 = vector.broadcast %jit3A_1142 : i32 to vector<16xi32>
          %select_n3A_1145 = arith.select %ge3A_1140, %broadcast_in_dim3A_1143, %broadcast_in_dim3A_1144 : vector<16xi1>, vector<16xi32>
          %add3A_1146 = arith.addi %add3A_1002, %select_n3A_1145 : vector<16xi32>
          %mul3A_1147 = arith.constant 4 : i32
          %mul3A_1148 = arith.muli %scan3A_906, %mul3A_1147 : i32
          %add3A_1149 = arith.constant 1 : i32
          %add3A_1150 = arith.addi %mul3A_1148, %add3A_1149 : i32
          %mul3A_1151 = arith.constant 16 : i32
          %mul3A_1152 = arith.muli %add3A_1150, %mul3A_1151 : i32
          %get3A_1153 = arith.constant 5 : i32
          %get3A_1154 = arith.index_cast %get3A_1153 : i32 to index
          %get3A_1155 = arith.index_cast %mul3A_1152 : i32 to index
          %get3A_1156 = tpu.vector_load %arg6[%get3A_1154, %get3A_1155] {strides = array<i32>} : memref<8x1024xi32, #tpu.memory_space<vmem>>, vector<1x16xi32>,
          %get3A_1157 = vector.shape_cast %get3A_1156 : vector<1x16xi32> to vector<16xi32>
          %ge3A_1158 = arith.cmpi sge, %get3A_1157, %xor3A_732 : vector<16xi32>
          %jit3A_1159 = arith.constant 1 : i32
          %jit3A_1160 = arith.constant 0 : i32
          %broadcast_in_dim3A_1161 = vector.broadcast %jit3A_1159 : i32 to vector<16xi32>
          %broadcast_in_dim3A_1162 = vector.broadcast %jit3A_1160 : i32 to vector<16xi32>
          %select_n3A_1163 = arith.select %ge3A_1158, %broadcast_in_dim3A_1161, %broadcast_in_dim3A_1162 : vector<16xi1>, vector<16xi32>
          %add3A_1164 = arith.addi %add3A_1020, %select_n3A_1163 : vector<16xi32>
          %mul3A_1165 = arith.constant 4 : i32
          %mul3A_1166 = arith.muli %scan3A_906, %mul3A_1165 : i32
          %add3A_1167 = arith.constant 1 : i32
          %add3A_1168 = arith.addi %mul3A_1166, %add3A_1167 : i32
          %mul3A_1169 = arith.constant 16 : i32
          %mul3A_1170 = arith.muli %add3A_1168, %mul3A_1169 : i32
          %get3A_1171 = arith.constant 6 : i32
          %get3A_1172 = arith.index_cast %get3A_1171 : i32 to index
          %get3A_1173 = arith.index_cast %mul3A_1170 : i32 to index
          %get3A_1174 = tpu.vector_load %arg6[%get3A_1172, %get3A_1173] {strides = array<i32>} : memref<8x1024xi32, #tpu.memory_space<vmem>>, vector<1x16xi32>,
          %get3A_1175 = vector.shape_cast %get3A_1174 : vector<1x16xi32> to vector<16xi32>
          %ge3A_1176 = arith.cmpi sge, %get3A_1175, %xor3A_735 : vector<16xi32>
          %jit3A_1177 = arith.constant 1 : i32
          %jit3A_1178 = arith.constant 0 : i32
          %broadcast_in_dim3A_1179 = vector.broadcast %jit3A_1177 : i32 to vector<16xi32>
          %broadcast_in_dim3A_1180 = vector.broadcast %jit3A_1178 : i32 to vector<16xi32>
          %select_n3A_1181 = arith.select %ge3A_1176, %broadcast_in_dim3A_1179, %broadcast_in_dim3A_1180 : vector<16xi1>, vector<16xi32>
          %add3A_1182 = arith.addi %add3A_1038, %select_n3A_1181 : vector<16xi32>
          %mul3A_1183 = arith.constant 4 : i32
          %mul3A_1184 = arith.muli %scan3A_906, %mul3A_1183 : i32
          %add3A_1185 = arith.constant 1 : i32
          %add3A_1186 = arith.addi %mul3A_1184, %add3A_1185 : i32
          %mul3A_1187 = arith.constant 16 : i32
          %mul3A_1188 = arith.muli %add3A_1186, %mul3A_1187 : i32
          %get3A_1189 = arith.constant 7 : i32
          %get3A_1190 = arith.index_cast %get3A_1189 : i32 to index
          %get3A_1191 = arith.index_cast %mul3A_1188 : i32 to index
          %get3A_1192 = tpu.vector_load %arg6[%get3A_1190, %get3A_1191] {strides = array<i32>} : memref<8x1024xi32, #tpu.memory_space<vmem>>, vector<1x16xi32>,
          %get3A_1193 = vector.shape_cast %get3A_1192 : vector<1x16xi32> to vector<16xi32>
          %ge3A_1194 = arith.cmpi sge, %get3A_1193, %xor3A_738 : vector<16xi32>
          %jit3A_1195 = arith.constant 1 : i32
          %jit3A_1196 = arith.constant 0 : i32
          %broadcast_in_dim3A_1197 = vector.broadcast %jit3A_1195 : i32 to vector<16xi32>
          %broadcast_in_dim3A_1198 = vector.broadcast %jit3A_1196 : i32 to vector<16xi32>
          %select_n3A_1199 = arith.select %ge3A_1194, %broadcast_in_dim3A_1197, %broadcast_in_dim3A_1198 : vector<16xi1>, vector<16xi32>
          %add3A_1200 = arith.addi %add3A_1056, %select_n3A_1199 : vector<16xi32>
          %mul3A_1201 = arith.constant 4 : i32
          %mul3A_1202 = arith.muli %scan3A_906, %mul3A_1201 : i32
          %add3A_1203 = arith.constant 2 : i32
          %add3A_1204 = arith.addi %mul3A_1202, %add3A_1203 : i32
          %mul3A_1205 = arith.constant 16 : i32
          %mul3A_1206 = arith.muli %add3A_1204, %mul3A_1205 : i32
          %get3A_1207 = arith.constant 0 : i32
          %get3A_1208 = arith.index_cast %get3A_1207 : i32 to index
          %get3A_1209 = arith.index_cast %mul3A_1206 : i32 to index
          %get3A_1210 = tpu.vector_load %arg6[%get3A_1208, %get3A_1209] {strides = array<i32>} : memref<8x1024xi32, #tpu.memory_space<vmem>>, vector<1x16xi32>,
          %get3A_1211 = vector.shape_cast %get3A_1210 : vector<1x16xi32> to vector<16xi32>
          %ge3A_1212 = arith.cmpi sge, %get3A_1211, %xor3A_717 : vector<16xi32>
          %jit3A_1213 = arith.constant 1 : i32
          %jit3A_1214 = arith.constant 0 : i32
          %broadcast_in_dim3A_1215 = vector.broadcast %jit3A_1213 : i32 to vector<16xi32>
          %broadcast_in_dim3A_1216 = vector.broadcast %jit3A_1214 : i32 to vector<16xi32>
          %select_n3A_1217 = arith.select %ge3A_1212, %broadcast_in_dim3A_1215, %broadcast_in_dim3A_1216 : vector<16xi1>, vector<16xi32>
          %add3A_1218 = arith.addi %add3A_1074, %select_n3A_1217 : vector<16xi32>
          %mul3A_1219 = arith.constant 4 : i32
          %mul3A_1220 = arith.muli %scan3A_906, %mul3A_1219 : i32
          %add3A_1221 = arith.constant 2 : i32
          %add3A_1222 = arith.addi %mul3A_1220, %add3A_1221 : i32
          %mul3A_1223 = arith.constant 16 : i32
          %mul3A_1224 = arith.muli %add3A_1222, %mul3A_1223 : i32
          %get3A_1225 = arith.constant 1 : i32
          %get3A_1226 = arith.index_cast %get3A_1225 : i32 to index
          %get3A_1227 = arith.index_cast %mul3A_1224 : i32 to index
          %get3A_1228 = tpu.vector_load %arg6[%get3A_1226, %get3A_1227] {strides = array<i32>} : memref<8x1024xi32, #tpu.memory_space<vmem>>, vector<1x16xi32>,
          %get3A_1229 = vector.shape_cast %get3A_1228 : vector<1x16xi32> to vector<16xi32>
          %ge3A_1230 = arith.cmpi sge, %get3A_1229, %xor3A_720 : vector<16xi32>
          %jit3A_1231 = arith.constant 1 : i32
          %jit3A_1232 = arith.constant 0 : i32
          %broadcast_in_dim3A_1233 = vector.broadcast %jit3A_1231 : i32 to vector<16xi32>
          %broadcast_in_dim3A_1234 = vector.broadcast %jit3A_1232 : i32 to vector<16xi32>
          %select_n3A_1235 = arith.select %ge3A_1230, %broadcast_in_dim3A_1233, %broadcast_in_dim3A_1234 : vector<16xi1>, vector<16xi32>
          %add3A_1236 = arith.addi %add3A_1092, %select_n3A_1235 : vector<16xi32>
          %mul3A_1237 = arith.constant 4 : i32
          %mul3A_1238 = arith.muli %scan3A_906, %mul3A_1237 : i32
          %add3A_1239 = arith.constant 2 : i32
          %add3A_1240 = arith.addi %mul3A_1238, %add3A_1239 : i32
          %mul3A_1241 = arith.constant 16 : i32
          %mul3A_1242 = arith.muli %add3A_1240, %mul3A_1241 : i32
          %get3A_1243 = arith.constant 2 : i32
          %get3A_1244 = arith.index_cast %get3A_1243 : i32 to index
          %get3A_1245 = arith.index_cast %mul3A_1242 : i32 to index
          %get3A_1246 = tpu.vector_load %arg6[%get3A_1244, %get3A_1245] {strides = array<i32>} : memref<8x1024xi32, #tpu.memory_space<vmem>>, vector<1x16xi32>,
          %get3A_1247 = vector.shape_cast %get3A_1246 : vector<1x16xi32> to vector<16xi32>
          %ge3A_1248 = arith.cmpi sge, %get3A_1247, %xor3A_723 : vector<16xi32>
          %jit3A_1249 = arith.constant 1 : i32
          %jit3A_1250 = arith.constant 0 : i32
          %broadcast_in_dim3A_1251 = vector.broadcast %jit3A_1249 : i32 to vector<16xi32>
          %broadcast_in_dim3A_1252 = vector.broadcast %jit3A_1250 : i32 to vector<16xi32>
          %select_n3A_1253 = arith.select %ge3A_1248, %broadcast_in_dim3A_1251, %broadcast_in_dim3A_1252 : vector<16xi1>, vector<16xi32>
          %add3A_1254 = arith.addi %add3A_1110, %select_n3A_1253 : vector<16xi32>
          %mul3A_1255 = arith.constant 4 : i32
          %mul3A_1256 = arith.muli %scan3A_906, %mul3A_1255 : i32
          %add3A_1257 = arith.constant 2 : i32
          %add3A_1258 = arith.addi %mul3A_1256, %add3A_1257 : i32
          %mul3A_1259 = arith.constant 16 : i32
          %mul3A_1260 = arith.muli %add3A_1258, %mul3A_1259 : i32
          %get3A_1261 = arith.constant 3 : i32
          %get3A_1262 = arith.index_cast %get3A_1261 : i32 to index
          %get3A_1263 = arith.index_cast %mul3A_1260 : i32 to index
          %get3A_1264 = tpu.vector_load %arg6[%get3A_1262, %get3A_1263] {strides = array<i32>} : memref<8x1024xi32, #tpu.memory_space<vmem>>, vector<1x16xi32>,
          %get3A_1265 = vector.shape_cast %get3A_1264 : vector<1x16xi32> to vector<16xi32>
          %ge3A_1266 = arith.cmpi sge, %get3A_1265, %xor3A_726 : vector<16xi32>
          %jit3A_1267 = arith.constant 1 : i32
          %jit3A_1268 = arith.constant 0 : i32
          %broadcast_in_dim3A_1269 = vector.broadcast %jit3A_1267 : i32 to vector<16xi32>
          %broadcast_in_dim3A_1270 = vector.broadcast %jit3A_1268 : i32 to vector<16xi32>
          %select_n3A_1271 = arith.select %ge3A_1266, %broadcast_in_dim3A_1269, %broadcast_in_dim3A_1270 : vector<16xi1>, vector<16xi32>
          %add3A_1272 = arith.addi %add3A_1128, %select_n3A_1271 : vector<16xi32>
          %mul3A_1273 = arith.constant 4 : i32
          %mul3A_1274 = arith.muli %scan3A_906, %mul3A_1273 : i32
          %add3A_1275 = arith.constant 2 : i32
          %add3A_1276 = arith.addi %mul3A_1274, %add3A_1275 : i32
          %mul3A_1277 = arith.constant 16 : i32
          %mul3A_1278 = arith.muli %add3A_1276, %mul3A_1277 : i32
          %get3A_1279 = arith.constant 4 : i32
          %get3A_1280 = arith.index_cast %get3A_1279 : i32 to index
          %get3A_1281 = arith.index_cast %mul3A_1278 : i32 to index
          %get3A_1282 = tpu.vector_load %arg6[%get3A_1280, %get3A_1281] {strides = array<i32>} : memref<8x1024xi32, #tpu.memory_space<vmem>>, vector<1x16xi32>,
          %get3A_1283 = vector.shape_cast %get3A_1282 : vector<1x16xi32> to vector<16xi32>
          %ge3A_1284 = arith.cmpi sge, %get3A_1283, %xor3A_729 : vector<16xi32>
          %jit3A_1285 = arith.constant 1 : i32
          %jit3A_1286 = arith.constant 0 : i32
          %broadcast_in_dim3A_1287 = vector.broadcast %jit3A_1285 : i32 to vector<16xi32>
          %broadcast_in_dim3A_1288 = vector.broadcast %jit3A_1286 : i32 to vector<16xi32>
          %select_n3A_1289 = arith.select %ge3A_1284, %broadcast_in_dim3A_1287, %broadcast_in_dim3A_1288 : vector<16xi1>, vector<16xi32>
          %add3A_1290 = arith.addi %add3A_1146, %select_n3A_1289 : vector<16xi32>
          %mul3A_1291 = arith.constant 4 : i32
          %mul3A_1292 = arith.muli %scan3A_906, %mul3A_1291 : i32
          %add3A_1293 = arith.constant 2 : i32
          %add3A_1294 = arith.addi %mul3A_1292, %add3A_1293 : i32
          %mul3A_1295 = arith.constant 16 : i32
          %mul3A_1296 = arith.muli %add3A_1294, %mul3A_1295 : i32
          %get3A_1297 = arith.constant 5 : i32
          %get3A_1298 = arith.index_cast %get3A_1297 : i32 to index
          %get3A_1299 = arith.index_cast %mul3A_1296 : i32 to index
          %get3A_1300 = tpu.vector_load %arg6[%get3A_1298, %get3A_1299] {strides = array<i32>} : memref<8x1024xi32, #tpu.memory_space<vmem>>, vector<1x16xi32>,
          %get3A_1301 = vector.shape_cast %get3A_1300 : vector<1x16xi32> to vector<16xi32>
          %ge3A_1302 = arith.cmpi sge, %get3A_1301, %xor3A_732 : vector<16xi32>
          %jit3A_1303 = arith.constant 1 : i32
          %jit3A_1304 = arith.constant 0 : i32
          %broadcast_in_dim3A_1305 = vector.broadcast %jit3A_1303 : i32 to vector<16xi32>
          %broadcast_in_dim3A_1306 = vector.broadcast %jit3A_1304 : i32 to vector<16xi32>
          %select_n3A_1307 = arith.select %ge3A_1302, %broadcast_in_dim3A_1305, %broadcast_in_dim3A_1306 : vector<16xi1>, vector<16xi32>
          %add3A_1308 = arith.addi %add3A_1164, %select_n3A_1307 : vector<16xi32>
          %mul3A_1309 = arith.constant 4 : i32
          %mul3A_1310 = arith.muli %scan3A_906, %mul3A_1309 : i32
          %add3A_1311 = arith.constant 2 : i32
          %add3A_1312 = arith.addi %mul3A_1310, %add3A_1311 : i32
          %mul3A_1313 = arith.constant 16 : i32
          %mul3A_1314 = arith.muli %add3A_1312, %mul3A_1313 : i32
          %get3A_1315 = arith.constant 6 : i32
          %get3A_1316 = arith.index_cast %get3A_1315 : i32 to index
          %get3A_1317 = arith.index_cast %mul3A_1314 : i32 to index
          %get3A_1318 = tpu.vector_load %arg6[%get3A_1316, %get3A_1317] {strides = array<i32>} : memref<8x1024xi32, #tpu.memory_space<vmem>>, vector<1x16xi32>,
          %get3A_1319 = vector.shape_cast %get3A_1318 : vector<1x16xi32> to vector<16xi32>
          %ge3A_1320 = arith.cmpi sge, %get3A_1319, %xor3A_735 : vector<16xi32>
          %jit3A_1321 = arith.constant 1 : i32
          %jit3A_1322 = arith.constant 0 : i32
          %broadcast_in_dim3A_1323 = vector.broadcast %jit3A_1321 : i32 to vector<16xi32>
          %broadcast_in_dim3A_1324 = vector.broadcast %jit3A_1322 : i32 to vector<16xi32>
          %select_n3A_1325 = arith.select %ge3A_1320, %broadcast_in_dim3A_1323, %broadcast_in_dim3A_1324 : vector<16xi1>, vector<16xi32>
          %add3A_1326 = arith.addi %add3A_1182, %select_n3A_1325 : vector<16xi32>
          %mul3A_1327 = arith.constant 4 : i32
          %mul3A_1328 = arith.muli %scan3A_906, %mul3A_1327 : i32
          %add3A_1329 = arith.constant 2 : i32
          %add3A_1330 = arith.addi %mul3A_1328, %add3A_1329 : i32
          %mul3A_1331 = arith.constant 16 : i32
          %mul3A_1332 = arith.muli %add3A_1330, %mul3A_1331 : i32
          %get3A_1333 = arith.constant 7 : i32
          %get3A_1334 = arith.index_cast %get3A_1333 : i32 to index
          %get3A_1335 = arith.index_cast %mul3A_1332 : i32 to index
          %get3A_1336 = tpu.vector_load %arg6[%get3A_1334, %get3A_1335] {strides = array<i32>} : memref<8x1024xi32, #tpu.memory_space<vmem>>, vector<1x16xi32>,
          %get3A_1337 = vector.shape_cast %get3A_1336 : vector<1x16xi32> to vector<16xi32>
          %ge3A_1338 = arith.cmpi sge, %get3A_1337, %xor3A_738 : vector<16xi32>
          %jit3A_1339 = arith.constant 1 : i32
          %jit3A_1340 = arith.constant 0 : i32
          %broadcast_in_dim3A_1341 = vector.broadcast %jit3A_1339 : i32 to vector<16xi32>
          %broadcast_in_dim3A_1342 = vector.broadcast %jit3A_1340 : i32 to vector<16xi32>
          %select_n3A_1343 = arith.select %ge3A_1338, %broadcast_in_dim3A_1341, %broadcast_in_dim3A_1342 : vector<16xi1>, vector<16xi32>
          %add3A_1344 = arith.addi %add3A_1200, %select_n3A_1343 : vector<16xi32>
          %mul3A_1345 = arith.constant 4 : i32
          %mul3A_1346 = arith.muli %scan3A_906, %mul3A_1345 : i32
          %add3A_1347 = arith.constant 3 : i32
          %add3A_1348 = arith.addi %mul3A_1346, %add3A_1347 : i32
          %mul3A_1349 = arith.constant 16 : i32
          %mul3A_1350 = arith.muli %add3A_1348, %mul3A_1349 : i32
          %get3A_1351 = arith.constant 0 : i32
          %get3A_1352 = arith.index_cast %get3A_1351 : i32 to index
          %get3A_1353 = arith.index_cast %mul3A_1350 : i32 to index
          %get3A_1354 = tpu.vector_load %arg6[%get3A_1352, %get3A_1353] {strides = array<i32>} : memref<8x1024xi32, #tpu.memory_space<vmem>>, vector<1x16xi32>,
          %get3A_1355 = vector.shape_cast %get3A_1354 : vector<1x16xi32> to vector<16xi32>
          %ge3A_1356 = arith.cmpi sge, %get3A_1355, %xor3A_717 : vector<16xi32>
          %jit3A_1357 = arith.constant 1 : i32
          %jit3A_1358 = arith.constant 0 : i32
          %broadcast_in_dim3A_1359 = vector.broadcast %jit3A_1357 : i32 to vector<16xi32>
          %broadcast_in_dim3A_1360 = vector.broadcast %jit3A_1358 : i32 to vector<16xi32>
          %select_n3A_1361 = arith.select %ge3A_1356, %broadcast_in_dim3A_1359, %broadcast_in_dim3A_1360 : vector<16xi1>, vector<16xi32>
          %add3A_1362 = arith.addi %add3A_1218, %select_n3A_1361 : vector<16xi32>
          %mul3A_1363 = arith.constant 4 : i32
          %mul3A_1364 = arith.muli %scan3A_906, %mul3A_1363 : i32
          %add3A_1365 = arith.constant 3 : i32
          %add3A_1366 = arith.addi %mul3A_1364, %add3A_1365 : i32
          %mul3A_1367 = arith.constant 16 : i32
          %mul3A_1368 = arith.muli %add3A_1366, %mul3A_1367 : i32
          %get3A_1369 = arith.constant 1 : i32
          %get3A_1370 = arith.index_cast %get3A_1369 : i32 to index
          %get3A_1371 = arith.index_cast %mul3A_1368 : i32 to index
          %get3A_1372 = tpu.vector_load %arg6[%get3A_1370, %get3A_1371] {strides = array<i32>} : memref<8x1024xi32, #tpu.memory_space<vmem>>, vector<1x16xi32>,
          %get3A_1373 = vector.shape_cast %get3A_1372 : vector<1x16xi32> to vector<16xi32>
          %ge3A_1374 = arith.cmpi sge, %get3A_1373, %xor3A_720 : vector<16xi32>
          %jit3A_1375 = arith.constant 1 : i32
          %jit3A_1376 = arith.constant 0 : i32
          %broadcast_in_dim3A_1377 = vector.broadcast %jit3A_1375 : i32 to vector<16xi32>
          %broadcast_in_dim3A_1378 = vector.broadcast %jit3A_1376 : i32 to vector<16xi32>
          %select_n3A_1379 = arith.select %ge3A_1374, %broadcast_in_dim3A_1377, %broadcast_in_dim3A_1378 : vector<16xi1>, vector<16xi32>
          %add3A_1380 = arith.addi %add3A_1236, %select_n3A_1379 : vector<16xi32>
          %mul3A_1381 = arith.constant 4 : i32
          %mul3A_1382 = arith.muli %scan3A_906, %mul3A_1381 : i32
          %add3A_1383 = arith.constant 3 : i32
          %add3A_1384 = arith.addi %mul3A_1382, %add3A_1383 : i32
          %mul3A_1385 = arith.constant 16 : i32
          %mul3A_1386 = arith.muli %add3A_1384, %mul3A_1385 : i32
          %get3A_1387 = arith.constant 2 : i32
          %get3A_1388 = arith.index_cast %get3A_1387 : i32 to index
          %get3A_1389 = arith.index_cast %mul3A_1386 : i32 to index
          %get3A_1390 = tpu.vector_load %arg6[%get3A_1388, %get3A_1389] {strides = array<i32>} : memref<8x1024xi32, #tpu.memory_space<vmem>>, vector<1x16xi32>,
          %get3A_1391 = vector.shape_cast %get3A_1390 : vector<1x16xi32> to vector<16xi32>
          %ge3A_1392 = arith.cmpi sge, %get3A_1391, %xor3A_723 : vector<16xi32>
          %jit3A_1393 = arith.constant 1 : i32
          %jit3A_1394 = arith.constant 0 : i32
          %broadcast_in_dim3A_1395 = vector.broadcast %jit3A_1393 : i32 to vector<16xi32>
          %broadcast_in_dim3A_1396 = vector.broadcast %jit3A_1394 : i32 to vector<16xi32>
          %select_n3A_1397 = arith.select %ge3A_1392, %broadcast_in_dim3A_1395, %broadcast_in_dim3A_1396 : vector<16xi1>, vector<16xi32>
          %add3A_1398 = arith.addi %add3A_1254, %select_n3A_1397 : vector<16xi32>
          %mul3A_1399 = arith.constant 4 : i32
          %mul3A_1400 = arith.muli %scan3A_906, %mul3A_1399 : i32
          %add3A_1401 = arith.constant 3 : i32
          %add3A_1402 = arith.addi %mul3A_1400, %add3A_1401 : i32
          %mul3A_1403 = arith.constant 16 : i32
          %mul3A_1404 = arith.muli %add3A_1402, %mul3A_1403 : i32
          %get3A_1405 = arith.constant 3 : i32
          %get3A_1406 = arith.index_cast %get3A_1405 : i32 to index
          %get3A_1407 = arith.index_cast %mul3A_1404 : i32 to index
          %get3A_1408 = tpu.vector_load %arg6[%get3A_1406, %get3A_1407] {strides = array<i32>} : memref<8x1024xi32, #tpu.memory_space<vmem>>, vector<1x16xi32>,
          %get3A_1409 = vector.shape_cast %get3A_1408 : vector<1x16xi32> to vector<16xi32>
          %ge3A_1410 = arith.cmpi sge, %get3A_1409, %xor3A_726 : vector<16xi32>
          %jit3A_1411 = arith.constant 1 : i32
          %jit3A_1412 = arith.constant 0 : i32
          %broadcast_in_dim3A_1413 = vector.broadcast %jit3A_1411 : i32 to vector<16xi32>
          %broadcast_in_dim3A_1414 = vector.broadcast %jit3A_1412 : i32 to vector<16xi32>
          %select_n3A_1415 = arith.select %ge3A_1410, %broadcast_in_dim3A_1413, %broadcast_in_dim3A_1414 : vector<16xi1>, vector<16xi32>
          %add3A_1416 = arith.addi %add3A_1272, %select_n3A_1415 : vector<16xi32>
          %mul3A_1417 = arith.constant 4 : i32
          %mul3A_1418 = arith.muli %scan3A_906, %mul3A_1417 : i32
          %add3A_1419 = arith.constant 3 : i32
          %add3A_1420 = arith.addi %mul3A_1418, %add3A_1419 : i32
          %mul3A_1421 = arith.constant 16 : i32
          %mul3A_1422 = arith.muli %add3A_1420, %mul3A_1421 : i32
          %get3A_1423 = arith.constant 4 : i32
          %get3A_1424 = arith.index_cast %get3A_1423 : i32 to index
          %get3A_1425 = arith.index_cast %mul3A_1422 : i32 to index
          %get3A_1426 = tpu.vector_load %arg6[%get3A_1424, %get3A_1425] {strides = array<i32>} : memref<8x1024xi32, #tpu.memory_space<vmem>>, vector<1x16xi32>,
          %get3A_1427 = vector.shape_cast %get3A_1426 : vector<1x16xi32> to vector<16xi32>
          %ge3A_1428 = arith.cmpi sge, %get3A_1427, %xor3A_729 : vector<16xi32>
          %jit3A_1429 = arith.constant 1 : i32
          %jit3A_1430 = arith.constant 0 : i32
          %broadcast_in_dim3A_1431 = vector.broadcast %jit3A_1429 : i32 to vector<16xi32>
          %broadcast_in_dim3A_1432 = vector.broadcast %jit3A_1430 : i32 to vector<16xi32>
          %select_n3A_1433 = arith.select %ge3A_1428, %broadcast_in_dim3A_1431, %broadcast_in_dim3A_1432 : vector<16xi1>, vector<16xi32>
          %add3A_1434 = arith.addi %add3A_1290, %select_n3A_1433 : vector<16xi32>
          %mul3A_1435 = arith.constant 4 : i32
          %mul3A_1436 = arith.muli %scan3A_906, %mul3A_1435 : i32
          %add3A_1437 = arith.constant 3 : i32
          %add3A_1438 = arith.addi %mul3A_1436, %add3A_1437 : i32
          %mul3A_1439 = arith.constant 16 : i32
          %mul3A_1440 = arith.muli %add3A_1438, %mul3A_1439 : i32
          %get3A_1441 = arith.constant 5 : i32
          %get3A_1442 = arith.index_cast %get3A_1441 : i32 to index
          %get3A_1443 = arith.index_cast %mul3A_1440 : i32 to index
          %get3A_1444 = tpu.vector_load %arg6[%get3A_1442, %get3A_1443] {strides = array<i32>} : memref<8x1024xi32, #tpu.memory_space<vmem>>, vector<1x16xi32>,
          %get3A_1445 = vector.shape_cast %get3A_1444 : vector<1x16xi32> to vector<16xi32>
          %ge3A_1446 = arith.cmpi sge, %get3A_1445, %xor3A_732 : vector<16xi32>
          %jit3A_1447 = arith.constant 1 : i32
          %jit3A_1448 = arith.constant 0 : i32
          %broadcast_in_dim3A_1449 = vector.broadcast %jit3A_1447 : i32 to vector<16xi32>
          %broadcast_in_dim3A_1450 = vector.broadcast %jit3A_1448 : i32 to vector<16xi32>
          %select_n3A_1451 = arith.select %ge3A_1446, %broadcast_in_dim3A_1449, %broadcast_in_dim3A_1450 : vector<16xi1>, vector<16xi32>
          %add3A_1452 = arith.addi %add3A_1308, %select_n3A_1451 : vector<16xi32>
          %mul3A_1453 = arith.constant 4 : i32
          %mul3A_1454 = arith.muli %scan3A_906, %mul3A_1453 : i32
          %add3A_1455 = arith.constant 3 : i32
          %add3A_1456 = arith.addi %mul3A_1454, %add3A_1455 : i32
          %mul3A_1457 = arith.constant 16 : i32
          %mul3A_1458 = arith.muli %add3A_1456, %mul3A_1457 : i32
          %get3A_1459 = arith.constant 6 : i32
          %get3A_1460 = arith.index_cast %get3A_1459 : i32 to index
          %get3A_1461 = arith.index_cast %mul3A_1458 : i32 to index
          %get3A_1462 = tpu.vector_load %arg6[%get3A_1460, %get3A_1461] {strides = array<i32>} : memref<8x1024xi32, #tpu.memory_space<vmem>>, vector<1x16xi32>,
          %get3A_1463 = vector.shape_cast %get3A_1462 : vector<1x16xi32> to vector<16xi32>
          %ge3A_1464 = arith.cmpi sge, %get3A_1463, %xor3A_735 : vector<16xi32>
          %jit3A_1465 = arith.constant 1 : i32
          %jit3A_1466 = arith.constant 0 : i32
          %broadcast_in_dim3A_1467 = vector.broadcast %jit3A_1465 : i32 to vector<16xi32>
          %broadcast_in_dim3A_1468 = vector.broadcast %jit3A_1466 : i32 to vector<16xi32>
          %select_n3A_1469 = arith.select %ge3A_1464, %broadcast_in_dim3A_1467, %broadcast_in_dim3A_1468 : vector<16xi1>, vector<16xi32>
          %add3A_1470 = arith.addi %add3A_1326, %select_n3A_1469 : vector<16xi32>
          %mul3A_1471 = arith.constant 4 : i32
          %mul3A_1472 = arith.muli %scan3A_906, %mul3A_1471 : i32
          %add3A_1473 = arith.constant 3 : i32
          %add3A_1474 = arith.addi %mul3A_1472, %add3A_1473 : i32
          %mul3A_1475 = arith.constant 16 : i32
          %mul3A_1476 = arith.muli %add3A_1474, %mul3A_1475 : i32
          %get3A_1477 = arith.constant 7 : i32
          %get3A_1478 = arith.index_cast %get3A_1477 : i32 to index
          %get3A_1479 = arith.index_cast %mul3A_1476 : i32 to index
          %get3A_1480 = tpu.vector_load %arg6[%get3A_1478, %get3A_1479] {strides = array<i32>} : memref<8x1024xi32, #tpu.memory_space<vmem>>, vector<1x16xi32>,
          %get3A_1481 = vector.shape_cast %get3A_1480 : vector<1x16xi32> to vector<16xi32>
          %ge3A_1482 = arith.cmpi sge, %get3A_1481, %xor3A_738 : vector<16xi32>
          %jit3A_1483 = arith.constant 1 : i32
          %jit3A_1484 = arith.constant 0 : i32
          %broadcast_in_dim3A_1485 = vector.broadcast %jit3A_1483 : i32 to vector<16xi32>
          %broadcast_in_dim3A_1486 = vector.broadcast %jit3A_1484 : i32 to vector<16xi32>
          %select_n3A_1487 = arith.select %ge3A_1482, %broadcast_in_dim3A_1485, %broadcast_in_dim3A_1486 : vector<16xi1>, vector<16xi32>
          %add3A_1488 = arith.addi %add3A_1344, %select_n3A_1487 : vector<16xi32>
          scf.yield %add3A_1362, %add3A_1380, %add3A_1398, %add3A_1416, %add3A_1434, %add3A_1452, %add3A_1470, %add3A_1488 : vector<16xi32>, vector<16xi32>, vector<16xi32>, vector<16xi32>, vector<16xi32>, vector<16xi32>, vector<16xi32>, vector<16xi32>
        }
        %scan3A_746 = arith.constant 16 : i32
        %broadcast_in_dim3A_747 = vector.shape_cast %xor3A_22 : vector<16xi32> to vector<16x1xi32>
        %gather3A_748 = vector.shape_cast %broadcast_in_dim3A_747 : vector<16x1xi32> to vector<16xi32>
        %gather3A_749 = tpu.dynamic_gather %scan3A_745#0[%gather3A_748] in [0] : vector<16xi32>, vector<16xi32> -> vector<16xi32>
        %add3A_750 = arith.addi %scan3A_745#0, %gather3A_749 : vector<16xi32>
        %broadcast_in_dim3A_751 = vector.shape_cast %xor3A_25 : vector<16xi32> to vector<16x1xi32>
        %gather3A_752 = vector.shape_cast %broadcast_in_dim3A_751 : vector<16x1xi32> to vector<16xi32>
        %gather3A_753 = tpu.dynamic_gather %add3A_750[%gather3A_752] in [0] : vector<16xi32>, vector<16xi32> -> vector<16xi32>
        %add3A_754 = arith.addi %add3A_750, %gather3A_753 : vector<16xi32>
        %broadcast_in_dim3A_755 = vector.shape_cast %xor3A_28 : vector<16xi32> to vector<16x1xi32>
        %gather3A_756 = vector.shape_cast %broadcast_in_dim3A_755 : vector<16x1xi32> to vector<16xi32>
        %gather3A_757 = tpu.dynamic_gather %add3A_754[%gather3A_756] in [0] : vector<16xi32>, vector<16xi32> -> vector<16xi32>
        %add3A_758 = arith.addi %add3A_754, %gather3A_757 : vector<16xi32>
        %broadcast_in_dim3A_759 = vector.shape_cast %xor3A_31 : vector<16xi32> to vector<16x1xi32>
        %gather3A_760 = vector.shape_cast %broadcast_in_dim3A_759 : vector<16x1xi32> to vector<16xi32>
        %gather3A_761 = tpu.dynamic_gather %add3A_758[%gather3A_760] in [0] : vector<16xi32>, vector<16xi32> -> vector<16xi32>
        %add3A_762 = arith.addi %add3A_758, %gather3A_761 : vector<16xi32>
        %ge3A = arith.constant 256 : i32
        %ge3A_763 = vector.broadcast %ge3A : i32 to vector<16xi32>
        %ge3A_764 = arith.cmpi sge, %add3A_762, %ge3A_763 : vector<16xi32>
        %select_n3A_765 = arith.select %ge3A_764, %or3A_700, %scan3A_689 : vector<16xi1>, vector<16xi32>
        %broadcast_in_dim3A_766 = vector.shape_cast %xor3A_22 : vector<16xi32> to vector<16x1xi32>
        %gather3A_767 = vector.shape_cast %broadcast_in_dim3A_766 : vector<16x1xi32> to vector<16xi32>
        %gather3A_768 = tpu.dynamic_gather %scan3A_745#1[%gather3A_767] in [0] : vector<16xi32>, vector<16xi32> -> vector<16xi32>
        %add3A_769 = arith.addi %scan3A_745#1, %gather3A_768 : vector<16xi32>
        %broadcast_in_dim3A_770 = vector.shape_cast %xor3A_25 : vector<16xi32> to vector<16x1xi32>
        %gather3A_771 = vector.shape_cast %broadcast_in_dim3A_770 : vector<16x1xi32> to vector<16xi32>
        %gather3A_772 = tpu.dynamic_gather %add3A_769[%gather3A_771] in [0] : vector<16xi32>, vector<16xi32> -> vector<16xi32>
        %add3A_773 = arith.addi %add3A_769, %gather3A_772 : vector<16xi32>
        %broadcast_in_dim3A_774 = vector.shape_cast %xor3A_28 : vector<16xi32> to vector<16x1xi32>
        %gather3A_775 = vector.shape_cast %broadcast_in_dim3A_774 : vector<16x1xi32> to vector<16xi32>
        %gather3A_776 = tpu.dynamic_gather %add3A_773[%gather3A_775] in [0] : vector<16xi32>, vector<16xi32> -> vector<16xi32>
        %add3A_777 = arith.addi %add3A_773, %gather3A_776 : vector<16xi32>
        %broadcast_in_dim3A_778 = vector.shape_cast %xor3A_31 : vector<16xi32> to vector<16x1xi32>
        %gather3A_779 = vector.shape_cast %broadcast_in_dim3A_778 : vector<16x1xi32> to vector<16xi32>
        %gather3A_780 = tpu.dynamic_gather %add3A_777[%gather3A_779] in [0] : vector<16xi32>, vector<16xi32> -> vector<16xi32>
        %add3A_781 = arith.addi %add3A_777, %gather3A_780 : vector<16xi32>
        %ge3A_782 = arith.constant 256 : i32
        %ge3A_783 = vector.broadcast %ge3A_782 : i32 to vector<16xi32>
        %ge3A_784 = arith.cmpi sge, %add3A_781, %ge3A_783 : vector<16xi32>
        %select_n3A_785 = arith.select %ge3A_784, %or3A_702, %scan3A_690 : vector<16xi1>, vector<16xi32>
        %broadcast_in_dim3A_786 = vector.shape_cast %xor3A_22 : vector<16xi32> to vector<16x1xi32>
        %gather3A_787 = vector.shape_cast %broadcast_in_dim3A_786 : vector<16x1xi32> to vector<16xi32>
        %gather3A_788 = tpu.dynamic_gather %scan3A_745#2[%gather3A_787] in [0] : vector<16xi32>, vector<16xi32> -> vector<16xi32>
        %add3A_789 = arith.addi %scan3A_745#2, %gather3A_788 : vector<16xi32>
        %broadcast_in_dim3A_790 = vector.shape_cast %xor3A_25 : vector<16xi32> to vector<16x1xi32>
        %gather3A_791 = vector.shape_cast %broadcast_in_dim3A_790 : vector<16x1xi32> to vector<16xi32>
        %gather3A_792 = tpu.dynamic_gather %add3A_789[%gather3A_791] in [0] : vector<16xi32>, vector<16xi32> -> vector<16xi32>
        %add3A_793 = arith.addi %add3A_789, %gather3A_792 : vector<16xi32>
        %broadcast_in_dim3A_794 = vector.shape_cast %xor3A_28 : vector<16xi32> to vector<16x1xi32>
        %gather3A_795 = vector.shape_cast %broadcast_in_dim3A_794 : vector<16x1xi32> to vector<16xi32>
        %gather3A_796 = tpu.dynamic_gather %add3A_793[%gather3A_795] in [0] : vector<16xi32>, vector<16xi32> -> vector<16xi32>
        %add3A_797 = arith.addi %add3A_793, %gather3A_796 : vector<16xi32>
        %broadcast_in_dim3A_798 = vector.shape_cast %xor3A_31 : vector<16xi32> to vector<16x1xi32>
        %gather3A_799 = vector.shape_cast %broadcast_in_dim3A_798 : vector<16x1xi32> to vector<16xi32>
        %gather3A_800 = tpu.dynamic_gather %add3A_797[%gather3A_799] in [0] : vector<16xi32>, vector<16xi32> -> vector<16xi32>
        %add3A_801 = arith.addi %add3A_797, %gather3A_800 : vector<16xi32>
        %ge3A_802 = arith.constant 256 : i32
        %ge3A_803 = vector.broadcast %ge3A_802 : i32 to vector<16xi32>
        %ge3A_804 = arith.cmpi sge, %add3A_801, %ge3A_803 : vector<16xi32>
        %select_n3A_805 = arith.select %ge3A_804, %or3A_704, %scan3A_691 : vector<16xi1>, vector<16xi32>
        %broadcast_in_dim3A_806 = vector.shape_cast %xor3A_22 : vector<16xi32> to vector<16x1xi32>
        %gather3A_807 = vector.shape_cast %broadcast_in_dim3A_806 : vector<16x1xi32> to vector<16xi32>
        %gather3A_808 = tpu.dynamic_gather %scan3A_745#3[%gather3A_807] in [0] : vector<16xi32>, vector<16xi32> -> vector<16xi32>
        %add3A_809 = arith.addi %scan3A_745#3, %gather3A_808 : vector<16xi32>
        %broadcast_in_dim3A_810 = vector.shape_cast %xor3A_25 : vector<16xi32> to vector<16x1xi32>
        %gather3A_811 = vector.shape_cast %broadcast_in_dim3A_810 : vector<16x1xi32> to vector<16xi32>
        %gather3A_812 = tpu.dynamic_gather %add3A_809[%gather3A_811] in [0] : vector<16xi32>, vector<16xi32> -> vector<16xi32>
        %add3A_813 = arith.addi %add3A_809, %gather3A_812 : vector<16xi32>
        %broadcast_in_dim3A_814 = vector.shape_cast %xor3A_28 : vector<16xi32> to vector<16x1xi32>
        %gather3A_815 = vector.shape_cast %broadcast_in_dim3A_814 : vector<16x1xi32> to vector<16xi32>
        %gather3A_816 = tpu.dynamic_gather %add3A_813[%gather3A_815] in [0] : vector<16xi32>, vector<16xi32> -> vector<16xi32>
        %add3A_817 = arith.addi %add3A_813, %gather3A_816 : vector<16xi32>
        %broadcast_in_dim3A_818 = vector.shape_cast %xor3A_31 : vector<16xi32> to vector<16x1xi32>
        %gather3A_819 = vector.shape_cast %broadcast_in_dim3A_818 : vector<16x1xi32> to vector<16xi32>
        %gather3A_820 = tpu.dynamic_gather %add3A_817[%gather3A_819] in [0] : vector<16xi32>, vector<16xi32> -> vector<16xi32>
        %add3A_821 = arith.addi %add3A_817, %gather3A_820 : vector<16xi32>
        %ge3A_822 = arith.constant 256 : i32
        %ge3A_823 = vector.broadcast %ge3A_822 : i32 to vector<16xi32>
        %ge3A_824 = arith.cmpi sge, %add3A_821, %ge3A_823 : vector<16xi32>
        %select_n3A_825 = arith.select %ge3A_824, %or3A_706, %scan3A_692 : vector<16xi1>, vector<16xi32>
        %broadcast_in_dim3A_826 = vector.shape_cast %xor3A_22 : vector<16xi32> to vector<16x1xi32>
        %gather3A_827 = vector.shape_cast %broadcast_in_dim3A_826 : vector<16x1xi32> to vector<16xi32>
        %gather3A_828 = tpu.dynamic_gather %scan3A_745#4[%gather3A_827] in [0] : vector<16xi32>, vector<16xi32> -> vector<16xi32>
        %add3A_829 = arith.addi %scan3A_745#4, %gather3A_828 : vector<16xi32>
        %broadcast_in_dim3A_830 = vector.shape_cast %xor3A_25 : vector<16xi32> to vector<16x1xi32>
        %gather3A_831 = vector.shape_cast %broadcast_in_dim3A_830 : vector<16x1xi32> to vector<16xi32>
        %gather3A_832 = tpu.dynamic_gather %add3A_829[%gather3A_831] in [0] : vector<16xi32>, vector<16xi32> -> vector<16xi32>
        %add3A_833 = arith.addi %add3A_829, %gather3A_832 : vector<16xi32>
        %broadcast_in_dim3A_834 = vector.shape_cast %xor3A_28 : vector<16xi32> to vector<16x1xi32>
        %gather3A_835 = vector.shape_cast %broadcast_in_dim3A_834 : vector<16x1xi32> to vector<16xi32>
        %gather3A_836 = tpu.dynamic_gather %add3A_833[%gather3A_835] in [0] : vector<16xi32>, vector<16xi32> -> vector<16xi32>
        %add3A_837 = arith.addi %add3A_833, %gather3A_836 : vector<16xi32>
        %broadcast_in_dim3A_838 = vector.shape_cast %xor3A_31 : vector<16xi32> to vector<16x1xi32>
        %gather3A_839 = vector.shape_cast %broadcast_in_dim3A_838 : vector<16x1xi32> to vector<16xi32>
        %gather3A_840 = tpu.dynamic_gather %add3A_837[%gather3A_839] in [0] : vector<16xi32>, vector<16xi32> -> vector<16xi32>
        %add3A_841 = arith.addi %add3A_837, %gather3A_840 : vector<16xi32>
        %ge3A_842 = arith.constant 256 : i32
        %ge3A_843 = vector.broadcast %ge3A_842 : i32 to vector<16xi32>
        %ge3A_844 = arith.cmpi sge, %add3A_841, %ge3A_843 : vector<16xi32>
        %select_n3A_845 = arith.select %ge3A_844, %or3A_708, %scan3A_693 : vector<16xi1>, vector<16xi32>
        %broadcast_in_dim3A_846 = vector.shape_cast %xor3A_22 : vector<16xi32> to vector<16x1xi32>
        %gather3A_847 = vector.shape_cast %broadcast_in_dim3A_846 : vector<16x1xi32> to vector<16xi32>
        %gather3A_848 = tpu.dynamic_gather %scan3A_745#5[%gather3A_847] in [0] : vector<16xi32>, vector<16xi32> -> vector<16xi32>
        %add3A_849 = arith.addi %scan3A_745#5, %gather3A_848 : vector<16xi32>
        %broadcast_in_dim3A_850 = vector.shape_cast %xor3A_25 : vector<16xi32> to vector<16x1xi32>
        %gather3A_851 = vector.shape_cast %broadcast_in_dim3A_850 : vector<16x1xi32> to vector<16xi32>
        %gather3A_852 = tpu.dynamic_gather %add3A_849[%gather3A_851] in [0] : vector<16xi32>, vector<16xi32> -> vector<16xi32>
        %add3A_853 = arith.addi %add3A_849, %gather3A_852 : vector<16xi32>
        %broadcast_in_dim3A_854 = vector.shape_cast %xor3A_28 : vector<16xi32> to vector<16x1xi32>
        %gather3A_855 = vector.shape_cast %broadcast_in_dim3A_854 : vector<16x1xi32> to vector<16xi32>
        %gather3A_856 = tpu.dynamic_gather %add3A_853[%gather3A_855] in [0] : vector<16xi32>, vector<16xi32> -> vector<16xi32>
        %add3A_857 = arith.addi %add3A_853, %gather3A_856 : vector<16xi32>
        %broadcast_in_dim3A_858 = vector.shape_cast %xor3A_31 : vector<16xi32> to vector<16x1xi32>
        %gather3A_859 = vector.shape_cast %broadcast_in_dim3A_858 : vector<16x1xi32> to vector<16xi32>
        %gather3A_860 = tpu.dynamic_gather %add3A_857[%gather3A_859] in [0] : vector<16xi32>, vector<16xi32> -> vector<16xi32>
        %add3A_861 = arith.addi %add3A_857, %gather3A_860 : vector<16xi32>
        %ge3A_862 = arith.constant 256 : i32
        %ge3A_863 = vector.broadcast %ge3A_862 : i32 to vector<16xi32>
        %ge3A_864 = arith.cmpi sge, %add3A_861, %ge3A_863 : vector<16xi32>
        %select_n3A_865 = arith.select %ge3A_864, %or3A_710, %scan3A_694 : vector<16xi1>, vector<16xi32>
        %broadcast_in_dim3A_866 = vector.shape_cast %xor3A_22 : vector<16xi32> to vector<16x1xi32>
        %gather3A_867 = vector.shape_cast %broadcast_in_dim3A_866 : vector<16x1xi32> to vector<16xi32>
        %gather3A_868 = tpu.dynamic_gather %scan3A_745#6[%gather3A_867] in [0] : vector<16xi32>, vector<16xi32> -> vector<16xi32>
        %add3A_869 = arith.addi %scan3A_745#6, %gather3A_868 : vector<16xi32>
        %broadcast_in_dim3A_870 = vector.shape_cast %xor3A_25 : vector<16xi32> to vector<16x1xi32>
        %gather3A_871 = vector.shape_cast %broadcast_in_dim3A_870 : vector<16x1xi32> to vector<16xi32>
        %gather3A_872 = tpu.dynamic_gather %add3A_869[%gather3A_871] in [0] : vector<16xi32>, vector<16xi32> -> vector<16xi32>
        %add3A_873 = arith.addi %add3A_869, %gather3A_872 : vector<16xi32>
        %broadcast_in_dim3A_874 = vector.shape_cast %xor3A_28 : vector<16xi32> to vector<16x1xi32>
        %gather3A_875 = vector.shape_cast %broadcast_in_dim3A_874 : vector<16x1xi32> to vector<16xi32>
        %gather3A_876 = tpu.dynamic_gather %add3A_873[%gather3A_875] in [0] : vector<16xi32>, vector<16xi32> -> vector<16xi32>
        %add3A_877 = arith.addi %add3A_873, %gather3A_876 : vector<16xi32>
        %broadcast_in_dim3A_878 = vector.shape_cast %xor3A_31 : vector<16xi32> to vector<16x1xi32>
        %gather3A_879 = vector.shape_cast %broadcast_in_dim3A_878 : vector<16x1xi32> to vector<16xi32>
        %gather3A_880 = tpu.dynamic_gather %add3A_877[%gather3A_879] in [0] : vector<16xi32>, vector<16xi32> -> vector<16xi32>
        %add3A_881 = arith.addi %add3A_877, %gather3A_880 : vector<16xi32>
        %ge3A_882 = arith.constant 256 : i32
        %ge3A_883 = vector.broadcast %ge3A_882 : i32 to vector<16xi32>
        %ge3A_884 = arith.cmpi sge, %add3A_881, %ge3A_883 : vector<16xi32>
        %select_n3A_885 = arith.select %ge3A_884, %or3A_712, %scan3A_695 : vector<16xi1>, vector<16xi32>
        %broadcast_in_dim3A_886 = vector.shape_cast %xor3A_22 : vector<16xi32> to vector<16x1xi32>
        %gather3A_887 = vector.shape_cast %broadcast_in_dim3A_886 : vector<16x1xi32> to vector<16xi32>
        %gather3A_888 = tpu.dynamic_gather %scan3A_745#7[%gather3A_887] in [0] : vector<16xi32>, vector<16xi32> -> vector<16xi32>
        %add3A_889 = arith.addi %scan3A_745#7, %gather3A_888 : vector<16xi32>
        %broadcast_in_dim3A_890 = vector.shape_cast %xor3A_25 : vector<16xi32> to vector<16x1xi32>
        %gather3A_891 = vector.shape_cast %broadcast_in_dim3A_890 : vector<16x1xi32> to vector<16xi32>
        %gather3A_892 = tpu.dynamic_gather %add3A_889[%gather3A_891] in [0] : vector<16xi32>, vector<16xi32> -> vector<16xi32>
        %add3A_893 = arith.addi %add3A_889, %gather3A_892 : vector<16xi32>
        %broadcast_in_dim3A_894 = vector.shape_cast %xor3A_28 : vector<16xi32> to vector<16x1xi32>
        %gather3A_895 = vector.shape_cast %broadcast_in_dim3A_894 : vector<16x1xi32> to vector<16xi32>
        %gather3A_896 = tpu.dynamic_gather %add3A_893[%gather3A_895] in [0] : vector<16xi32>, vector<16xi32> -> vector<16xi32>
        %add3A_897 = arith.addi %add3A_893, %gather3A_896 : vector<16xi32>
        %broadcast_in_dim3A_898 = vector.shape_cast %xor3A_31 : vector<16xi32> to vector<16x1xi32>
        %gather3A_899 = vector.shape_cast %broadcast_in_dim3A_898 : vector<16x1xi32> to vector<16xi32>
        %gather3A_900 = tpu.dynamic_gather %add3A_897[%gather3A_899] in [0] : vector<16xi32>, vector<16xi32> -> vector<16xi32>
        %add3A_901 = arith.addi %add3A_897, %gather3A_900 : vector<16xi32>
        %ge3A_902 = arith.constant 256 : i32
        %ge3A_903 = vector.broadcast %ge3A_902 : i32 to vector<16xi32>
        %ge3A_904 = arith.cmpi sge, %add3A_901, %ge3A_903 : vector<16xi32>
        %select_n3A_905 = arith.select %ge3A_904, %or3A_714, %scan3A_696 : vector<16xi1>, vector<16xi32>
        scf.yield %select_n3A_765, %select_n3A_785, %select_n3A_805, %select_n3A_825, %select_n3A_845, %select_n3A_865, %select_n3A_885, %select_n3A_905 : vector<16xi32>, vector<16xi32>, vector<16xi32>, vector<16xi32>, vector<16xi32>, vector<16xi32>, vector<16xi32>, vector<16xi32>
      }
      %scan3A_38 = arith.constant 32 : i32
      %broadcast_in_dim3A_39 = arith.constant 0.000000e+00 : f32
      %broadcast_in_dim3A_40 = vector.broadcast %broadcast_in_dim3A_39 : f32 to vector<16xf32>
      %broadcast_in_dim3A_41 = arith.constant 0.000000e+00 : f32
      %broadcast_in_dim3A_42 = vector.broadcast %broadcast_in_dim3A_41 : f32 to vector<16xf32>
      %xor3A_43 = arith.constant -2147483648 : i32
      %xor3A_44 = vector.broadcast %xor3A_43 : i32 to vector<16xi32>
      %xor3A_45 = arith.xori %scan3A_37#0, %xor3A_44 : vector<16xi32>
      %shift_right_arithmetic3A = arith.constant 31 : i32
      %shift_right_arithmetic3A_46 = vector.broadcast %shift_right_arithmetic3A : i32 to vector<16xi32>
      %shift_right_arithmetic3A_47 = arith.shrsi %xor3A_45, %shift_right_arithmetic3A_46 : vector<16xi32>
      %and3A = arith.constant 2147483647 : i32
      %and3A_48 = vector.broadcast %and3A : i32 to vector<16xi32>
      %and3A_49 = arith.andi %shift_right_arithmetic3A_47, %and3A_48 : vector<16xi32>
      %xor3A_50 = arith.xori %xor3A_45, %and3A_49 : vector<16xi32>
      %bitcast_convert_type3A = tpu.bitcast %xor3A_50 : vector<16xi32> -> vector<16xf32>
      %broadcast_in_dim3A_51 = arith.constant 0.000000e+00 : f32
      %broadcast_in_dim3A_52 = vector.broadcast %broadcast_in_dim3A_51 : f32 to vector<16xf32>
      %scan3A_53 = arith.constant 0 : i32
      %scan3A_54 = arith.constant 16 : i32
      %scan3A_55 = arith.addi %scan3A_53, %scan3A_54 : i32
      %scan3A_56 = arith.constant 1 : i32
      %scan3A_57:3 = scf.for %scan3A_688 = %scan3A_53 to %scan3A_55 step %scan3A_56 iter_args(%scan3A_689 = %broadcast_in_dim3A_52, %scan3A_690 = %broadcast_in_dim3A_52, %scan3A_691 = %broadcast_in_dim3A_52) -> (vector<16xf32>, vector<16xf32>, vector<16xf32>)  : i32 {
        %mul3A_692 = arith.constant 4 : i32
        %mul3A_693 = arith.muli %scan3A_688, %mul3A_692 : i32
        %add3A_694 = arith.constant 0 : i32
        %add3A_695 = arith.addi %mul3A_693, %add3A_694 : i32
        %mul3A_696 = arith.constant 16 : i32
        %mul3A_697 = arith.muli %add3A_695, %mul3A_696 : i32
        %get3A = arith.constant 0 : i32
        %get3A_698 = arith.index_cast %get3A : i32 to index
        %get3A_699 = arith.index_cast %mul3A_697 : i32 to index
        %get3A_700 = tpu.vector_load %arg6[%get3A_698, %get3A_699] {strides = array<i32>} : memref<8x1024xi32, #tpu.memory_space<vmem>>, vector<1x16xi32>,
        %get3A_701 = vector.shape_cast %get3A_700 : vector<1x16xi32> to vector<16xi32>
        %mul3A_702 = arith.constant 4 : i32
        %mul3A_703 = arith.muli %scan3A_688, %mul3A_702 : i32
        %add3A_704 = arith.constant 0 : i32
        %add3A_705 = arith.addi %mul3A_703, %add3A_704 : i32
        %mul3A_706 = arith.constant 16 : i32
        %mul3A_707 = arith.muli %add3A_705, %mul3A_706 : i32
        %get3A_708 = arith.constant 0 : i32
        %get3A_709 = arith.index_cast %get3A_708 : i32 to index
        %get3A_710 = arith.index_cast %mul3A_707 : i32 to index
        %get3A_711 = tpu.vector_load %arg5[%get3A_709, %get3A_710] {strides = array<i32>} : memref<8x1024xf32, #tpu.memory_space<vmem>>, vector<1x16xf32>,
        %get3A_712 = vector.shape_cast %get3A_711 : vector<1x16xf32> to vector<16xf32>
        %gt3A = arith.cmpi sgt, %get3A_701, %xor3A_45 : vector<16xi32>
        %jit3A = arith.constant 1.000000e+00 : f32
        %jit3A_713 = arith.constant 0.000000e+00 : f32
        %broadcast_in_dim3A_714 = vector.broadcast %jit3A : f32 to vector<16xf32>
        %broadcast_in_dim3A_715 = vector.broadcast %jit3A_713 : f32 to vector<16xf32>
        %select_n3A_716 = arith.select %gt3A, %broadcast_in_dim3A_714, %broadcast_in_dim3A_715 : vector<16xi1>, vector<16xf32>
        %add3A_717 = arith.addf %scan3A_689, %select_n3A_716 : vector<16xf32>
        %jit3A_718 = arith.constant 0.000000e+00 : f32
        %broadcast_in_dim3A_719 = vector.broadcast %jit3A_718 : f32 to vector<16xf32>
        %select_n3A_720 = arith.select %gt3A, %get3A_712, %broadcast_in_dim3A_719 : vector<16xi1>, vector<16xf32>
        %add3A_721 = arith.addf %scan3A_690, %select_n3A_720 : vector<16xf32>
        %add3A_722 = arith.addf %scan3A_691, %get3A_712 : vector<16xf32>
        %mul3A_723 = arith.constant 4 : i32
        %mul3A_724 = arith.muli %scan3A_688, %mul3A_723 : i32
        %add3A_725 = arith.constant 1 : i32
        %add3A_726 = arith.addi %mul3A_724, %add3A_725 : i32
        %mul3A_727 = arith.constant 16 : i32
        %mul3A_728 = arith.muli %add3A_726, %mul3A_727 : i32
        %get3A_729 = arith.constant 0 : i32
        %get3A_730 = arith.index_cast %get3A_729 : i32 to index
        %get3A_731 = arith.index_cast %mul3A_728 : i32 to index
        %get3A_732 = tpu.vector_load %arg6[%get3A_730, %get3A_731] {strides = array<i32>} : memref<8x1024xi32, #tpu.memory_space<vmem>>, vector<1x16xi32>,
        %get3A_733 = vector.shape_cast %get3A_732 : vector<1x16xi32> to vector<16xi32>
        %mul3A_734 = arith.constant 4 : i32
        %mul3A_735 = arith.muli %scan3A_688, %mul3A_734 : i32
        %add3A_736 = arith.constant 1 : i32
        %add3A_737 = arith.addi %mul3A_735, %add3A_736 : i32
        %mul3A_738 = arith.constant 16 : i32
        %mul3A_739 = arith.muli %add3A_737, %mul3A_738 : i32
        %get3A_740 = arith.constant 0 : i32
        %get3A_741 = arith.index_cast %get3A_740 : i32 to index
        %get3A_742 = arith.index_cast %mul3A_739 : i32 to index
        %get3A_743 = tpu.vector_load %arg5[%get3A_741, %get3A_742] {strides = array<i32>} : memref<8x1024xf32, #tpu.memory_space<vmem>>, vector<1x16xf32>,
        %get3A_744 = vector.shape_cast %get3A_743 : vector<1x16xf32> to vector<16xf32>
        %gt3A_745 = arith.cmpi sgt, %get3A_733, %xor3A_45 : vector<16xi32>
        %jit3A_746 = arith.constant 1.000000e+00 : f32
        %jit3A_747 = arith.constant 0.000000e+00 : f32
        %broadcast_in_dim3A_748 = vector.broadcast %jit3A_746 : f32 to vector<16xf32>
        %broadcast_in_dim3A_749 = vector.broadcast %jit3A_747 : f32 to vector<16xf32>
        %select_n3A_750 = arith.select %gt3A_745, %broadcast_in_dim3A_748, %broadcast_in_dim3A_749 : vector<16xi1>, vector<16xf32>
        %add3A_751 = arith.addf %add3A_717, %select_n3A_750 : vector<16xf32>
        %jit3A_752 = arith.constant 0.000000e+00 : f32
        %broadcast_in_dim3A_753 = vector.broadcast %jit3A_752 : f32 to vector<16xf32>
        %select_n3A_754 = arith.select %gt3A_745, %get3A_744, %broadcast_in_dim3A_753 : vector<16xi1>, vector<16xf32>
        %add3A_755 = arith.addf %add3A_721, %select_n3A_754 : vector<16xf32>
        %add3A_756 = arith.addf %add3A_722, %get3A_744 : vector<16xf32>
        %mul3A_757 = arith.constant 4 : i32
        %mul3A_758 = arith.muli %scan3A_688, %mul3A_757 : i32
        %add3A_759 = arith.constant 2 : i32
        %add3A_760 = arith.addi %mul3A_758, %add3A_759 : i32
        %mul3A_761 = arith.constant 16 : i32
        %mul3A_762 = arith.muli %add3A_760, %mul3A_761 : i32
        %get3A_763 = arith.constant 0 : i32
        %get3A_764 = arith.index_cast %get3A_763 : i32 to index
        %get3A_765 = arith.index_cast %mul3A_762 : i32 to index
        %get3A_766 = tpu.vector_load %arg6[%get3A_764, %get3A_765] {strides = array<i32>} : memref<8x1024xi32, #tpu.memory_space<vmem>>, vector<1x16xi32>,
        %get3A_767 = vector.shape_cast %get3A_766 : vector<1x16xi32> to vector<16xi32>
        %mul3A_768 = arith.constant 4 : i32
        %mul3A_769 = arith.muli %scan3A_688, %mul3A_768 : i32
        %add3A_770 = arith.constant 2 : i32
        %add3A_771 = arith.addi %mul3A_769, %add3A_770 : i32
        %mul3A_772 = arith.constant 16 : i32
        %mul3A_773 = arith.muli %add3A_771, %mul3A_772 : i32
        %get3A_774 = arith.constant 0 : i32
        %get3A_775 = arith.index_cast %get3A_774 : i32 to index
        %get3A_776 = arith.index_cast %mul3A_773 : i32 to index
        %get3A_777 = tpu.vector_load %arg5[%get3A_775, %get3A_776] {strides = array<i32>} : memref<8x1024xf32, #tpu.memory_space<vmem>>, vector<1x16xf32>,
        %get3A_778 = vector.shape_cast %get3A_777 : vector<1x16xf32> to vector<16xf32>
        %gt3A_779 = arith.cmpi sgt, %get3A_767, %xor3A_45 : vector<16xi32>
        %jit3A_780 = arith.constant 1.000000e+00 : f32
        %jit3A_781 = arith.constant 0.000000e+00 : f32
        %broadcast_in_dim3A_782 = vector.broadcast %jit3A_780 : f32 to vector<16xf32>
        %broadcast_in_dim3A_783 = vector.broadcast %jit3A_781 : f32 to vector<16xf32>
        %select_n3A_784 = arith.select %gt3A_779, %broadcast_in_dim3A_782, %broadcast_in_dim3A_783 : vector<16xi1>, vector<16xf32>
        %add3A_785 = arith.addf %add3A_751, %select_n3A_784 : vector<16xf32>
        %jit3A_786 = arith.constant 0.000000e+00 : f32
        %broadcast_in_dim3A_787 = vector.broadcast %jit3A_786 : f32 to vector<16xf32>
        %select_n3A_788 = arith.select %gt3A_779, %get3A_778, %broadcast_in_dim3A_787 : vector<16xi1>, vector<16xf32>
        %add3A_789 = arith.addf %add3A_755, %select_n3A_788 : vector<16xf32>
        %add3A_790 = arith.addf %add3A_756, %get3A_778 : vector<16xf32>
        %mul3A_791 = arith.constant 4 : i32
        %mul3A_792 = arith.muli %scan3A_688, %mul3A_791 : i32
        %add3A_793 = arith.constant 3 : i32
        %add3A_794 = arith.addi %mul3A_792, %add3A_793 : i32
        %mul3A_795 = arith.constant 16 : i32
        %mul3A_796 = arith.muli %add3A_794, %mul3A_795 : i32
        %get3A_797 = arith.constant 0 : i32
        %get3A_798 = arith.index_cast %get3A_797 : i32 to index
        %get3A_799 = arith.index_cast %mul3A_796 : i32 to index
        %get3A_800 = tpu.vector_load %arg6[%get3A_798, %get3A_799] {strides = array<i32>} : memref<8x1024xi32, #tpu.memory_space<vmem>>, vector<1x16xi32>,
        %get3A_801 = vector.shape_cast %get3A_800 : vector<1x16xi32> to vector<16xi32>
        %mul3A_802 = arith.constant 4 : i32
        %mul3A_803 = arith.muli %scan3A_688, %mul3A_802 : i32
        %add3A_804 = arith.constant 3 : i32
        %add3A_805 = arith.addi %mul3A_803, %add3A_804 : i32
        %mul3A_806 = arith.constant 16 : i32
        %mul3A_807 = arith.muli %add3A_805, %mul3A_806 : i32
        %get3A_808 = arith.constant 0 : i32
        %get3A_809 = arith.index_cast %get3A_808 : i32 to index
        %get3A_810 = arith.index_cast %mul3A_807 : i32 to index
        %get3A_811 = tpu.vector_load %arg5[%get3A_809, %get3A_810] {strides = array<i32>} : memref<8x1024xf32, #tpu.memory_space<vmem>>, vector<1x16xf32>,
        %get3A_812 = vector.shape_cast %get3A_811 : vector<1x16xf32> to vector<16xf32>
        %gt3A_813 = arith.cmpi sgt, %get3A_801, %xor3A_45 : vector<16xi32>
        %jit3A_814 = arith.constant 1.000000e+00 : f32
        %jit3A_815 = arith.constant 0.000000e+00 : f32
        %broadcast_in_dim3A_816 = vector.broadcast %jit3A_814 : f32 to vector<16xf32>
        %broadcast_in_dim3A_817 = vector.broadcast %jit3A_815 : f32 to vector<16xf32>
        %select_n3A_818 = arith.select %gt3A_813, %broadcast_in_dim3A_816, %broadcast_in_dim3A_817 : vector<16xi1>, vector<16xf32>
        %add3A_819 = arith.addf %add3A_785, %select_n3A_818 : vector<16xf32>
        %jit3A_820 = arith.constant 0.000000e+00 : f32
        %broadcast_in_dim3A_821 = vector.broadcast %jit3A_820 : f32 to vector<16xf32>
        %select_n3A_822 = arith.select %gt3A_813, %get3A_812, %broadcast_in_dim3A_821 : vector<16xi1>, vector<16xf32>
        %add3A_823 = arith.addf %add3A_789, %select_n3A_822 : vector<16xf32>
        %add3A_824 = arith.addf %add3A_790, %get3A_812 : vector<16xf32>
        scf.yield %add3A_819, %add3A_823, %add3A_824 : vector<16xf32>, vector<16xf32>, vector<16xf32>
      }
      %scan3A_58 = arith.constant 16 : i32
      %broadcast_in_dim3A_59 = vector.shape_cast %xor3A_22 : vector<16xi32> to vector<16x1xi32>
      %gather3A = vector.shape_cast %broadcast_in_dim3A_59 : vector<16x1xi32> to vector<16xi32>
      %gather3A_60 = tpu.dynamic_gather %scan3A_57#0[%gather3A] in [0] : vector<16xf32>, vector<16xi32> -> vector<16xf32>
      %add3A_61 = arith.addf %scan3A_57#0, %gather3A_60 : vector<16xf32>
      %broadcast_in_dim3A_62 = vector.shape_cast %xor3A_25 : vector<16xi32> to vector<16x1xi32>
      %gather3A_63 = vector.shape_cast %broadcast_in_dim3A_62 : vector<16x1xi32> to vector<16xi32>
      %gather3A_64 = tpu.dynamic_gather %add3A_61[%gather3A_63] in [0] : vector<16xf32>, vector<16xi32> -> vector<16xf32>
      %add3A_65 = arith.addf %add3A_61, %gather3A_64 : vector<16xf32>
      %broadcast_in_dim3A_66 = vector.shape_cast %xor3A_28 : vector<16xi32> to vector<16x1xi32>
      %gather3A_67 = vector.shape_cast %broadcast_in_dim3A_66 : vector<16x1xi32> to vector<16xi32>
      %gather3A_68 = tpu.dynamic_gather %add3A_65[%gather3A_67] in [0] : vector<16xf32>, vector<16xi32> -> vector<16xf32>
      %add3A_69 = arith.addf %add3A_65, %gather3A_68 : vector<16xf32>
      %broadcast_in_dim3A_70 = vector.shape_cast %xor3A_31 : vector<16xi32> to vector<16x1xi32>
      %gather3A_71 = vector.shape_cast %broadcast_in_dim3A_70 : vector<16x1xi32> to vector<16xi32>
      %gather3A_72 = tpu.dynamic_gather %add3A_69[%gather3A_71] in [0] : vector<16xf32>, vector<16xi32> -> vector<16xf32>
      %add3A_73 = arith.addf %add3A_69, %gather3A_72 : vector<16xf32>
      %broadcast_in_dim3A_74 = vector.shape_cast %xor3A_22 : vector<16xi32> to vector<16x1xi32>
      %gather3A_75 = vector.shape_cast %broadcast_in_dim3A_74 : vector<16x1xi32> to vector<16xi32>
      %gather3A_76 = tpu.dynamic_gather %scan3A_57#1[%gather3A_75] in [0] : vector<16xf32>, vector<16xi32> -> vector<16xf32>
      %add3A_77 = arith.addf %scan3A_57#1, %gather3A_76 : vector<16xf32>
      %broadcast_in_dim3A_78 = vector.shape_cast %xor3A_25 : vector<16xi32> to vector<16x1xi32>
      %gather3A_79 = vector.shape_cast %broadcast_in_dim3A_78 : vector<16x1xi32> to vector<16xi32>
      %gather3A_80 = tpu.dynamic_gather %add3A_77[%gather3A_79] in [0] : vector<16xf32>, vector<16xi32> -> vector<16xf32>
      %add3A_81 = arith.addf %add3A_77, %gather3A_80 : vector<16xf32>
      %broadcast_in_dim3A_82 = vector.shape_cast %xor3A_28 : vector<16xi32> to vector<16x1xi32>
      %gather3A_83 = vector.shape_cast %broadcast_in_dim3A_82 : vector<16x1xi32> to vector<16xi32>
      %gather3A_84 = tpu.dynamic_gather %add3A_81[%gather3A_83] in [0] : vector<16xf32>, vector<16xi32> -> vector<16xf32>
      %add3A_85 = arith.addf %add3A_81, %gather3A_84 : vector<16xf32>
      %broadcast_in_dim3A_86 = vector.shape_cast %xor3A_31 : vector<16xi32> to vector<16x1xi32>
      %gather3A_87 = vector.shape_cast %broadcast_in_dim3A_86 : vector<16x1xi32> to vector<16xi32>
      %gather3A_88 = tpu.dynamic_gather %add3A_85[%gather3A_87] in [0] : vector<16xf32>, vector<16xi32> -> vector<16xf32>
      %add3A_89 = arith.addf %add3A_85, %gather3A_88 : vector<16xf32>
      %broadcast_in_dim3A_90 = vector.shape_cast %xor3A_22 : vector<16xi32> to vector<16x1xi32>
      %gather3A_91 = vector.shape_cast %broadcast_in_dim3A_90 : vector<16x1xi32> to vector<16xi32>
      %gather3A_92 = tpu.dynamic_gather %scan3A_57#2[%gather3A_91] in [0] : vector<16xf32>, vector<16xi32> -> vector<16xf32>
      %add3A_93 = arith.addf %scan3A_57#2, %gather3A_92 : vector<16xf32>
      %broadcast_in_dim3A_94 = vector.shape_cast %xor3A_25 : vector<16xi32> to vector<16x1xi32>
      %gather3A_95 = vector.shape_cast %broadcast_in_dim3A_94 : vector<16x1xi32> to vector<16xi32>
      %gather3A_96 = tpu.dynamic_gather %add3A_93[%gather3A_95] in [0] : vector<16xf32>, vector<16xi32> -> vector<16xf32>
      %add3A_97 = arith.addf %add3A_93, %gather3A_96 : vector<16xf32>
      %broadcast_in_dim3A_98 = vector.shape_cast %xor3A_28 : vector<16xi32> to vector<16x1xi32>
      %gather3A_99 = vector.shape_cast %broadcast_in_dim3A_98 : vector<16x1xi32> to vector<16xi32>
      %gather3A_100 = tpu.dynamic_gather %add3A_97[%gather3A_99] in [0] : vector<16xf32>, vector<16xi32> -> vector<16xf32>
      %add3A_101 = arith.addf %add3A_97, %gather3A_100 : vector<16xf32>
      %broadcast_in_dim3A_102 = vector.shape_cast %xor3A_31 : vector<16xi32> to vector<16x1xi32>
      %gather3A_103 = vector.shape_cast %broadcast_in_dim3A_102 : vector<16x1xi32> to vector<16xi32>
      %gather3A_104 = tpu.dynamic_gather %add3A_101[%gather3A_103] in [0] : vector<16xf32>, vector<16xi32> -> vector<16xf32>
      %add3A_105 = arith.addf %add3A_101, %gather3A_104 : vector<16xf32>
      %sub3A = arith.constant 2.560000e+02 : f32
      %sub3A_106 = vector.broadcast %sub3A : f32 to vector<16xf32>
      %sub3A_107 = arith.subf %sub3A_106, %add3A_73 : vector<16xf32>
      %mul3A_108 = arith.mulf %sub3A_107, %bitcast_convert_type3A : vector<16xf32>
      %add3A_109 = arith.addf %add3A_89, %mul3A_108 : vector<16xf32>
      %eq3A = arith.constant 0 : i32
      %eq3A_110 = vector.broadcast %eq3A : i32 to vector<16xi32>
      %eq3A_111 = arith.cmpi eq, %iota3A, %eq3A_110 : vector<16xi32>
      %select_n3A = arith.select %eq3A_111, %add3A_109, %broadcast_in_dim3A_40 : vector<16xi1>, vector<16xf32>
      %eq3A_112 = arith.constant 0 : i32
      %eq3A_113 = vector.broadcast %eq3A_112 : i32 to vector<16xi32>
      %eq3A_114 = arith.cmpi eq, %iota3A, %eq3A_113 : vector<16xi32>
      %select_n3A_115 = arith.select %eq3A_114, %add3A_105, %broadcast_in_dim3A_42 : vector<16xi1>, vector<16xf32>
      %xor3A_116 = arith.constant -2147483648 : i32
      %xor3A_117 = vector.broadcast %xor3A_116 : i32 to vector<16xi32>
      %xor3A_118 = arith.xori %scan3A_37#1, %xor3A_117 : vector<16xi32>
      %shift_right_arithmetic3A_119 = arith.constant 31 : i32
      %shift_right_arithmetic3A_120 = vector.broadcast %shift_right_arithmetic3A_119 : i32 to vector<16xi32>
      %shift_right_arithmetic3A_121 = arith.shrsi %xor3A_118, %shift_right_arithmetic3A_120 : vector<16xi32>
      %and3A_122 = arith.constant 2147483647 : i32
      %and3A_123 = vector.broadcast %and3A_122 : i32 to vector<16xi32>
      %and3A_124 = arith.andi %shift_right_arithmetic3A_121, %and3A_123 : vector<16xi32>
      %xor3A_125 = arith.xori %xor3A_118, %and3A_124 : vector<16xi32>
      %bitcast_convert_type3A_126 = tpu.bitcast %xor3A_125 : vector<16xi32> -> vector<16xf32>
      %broadcast_in_dim3A_127 = arith.constant 0.000000e+00 : f32
      %broadcast_in_dim3A_128 = vector.broadcast %broadcast_in_dim3A_127 : f32 to vector<16xf32>
      %scan3A_129 = arith.constant 0 : i32
      %scan3A_130 = arith.constant 16 : i32
      %scan3A_131 = arith.addi %scan3A_129, %scan3A_130 : i32
      %scan3A_132 = arith.constant 1 : i32
      %scan3A_133:3 = scf.for %scan3A_688 = %scan3A_129 to %scan3A_131 step %scan3A_132 iter_args(%scan3A_689 = %broadcast_in_dim3A_128, %scan3A_690 = %broadcast_in_dim3A_128, %scan3A_691 = %broadcast_in_dim3A_128) -> (vector<16xf32>, vector<16xf32>, vector<16xf32>)  : i32 {
        %mul3A_692 = arith.constant 4 : i32
        %mul3A_693 = arith.muli %scan3A_688, %mul3A_692 : i32
        %add3A_694 = arith.constant 0 : i32
        %add3A_695 = arith.addi %mul3A_693, %add3A_694 : i32
        %mul3A_696 = arith.constant 16 : i32
        %mul3A_697 = arith.muli %add3A_695, %mul3A_696 : i32
        %get3A = arith.constant 1 : i32
        %get3A_698 = arith.index_cast %get3A : i32 to index
        %get3A_699 = arith.index_cast %mul3A_697 : i32 to index
        %get3A_700 = tpu.vector_load %arg6[%get3A_698, %get3A_699] {strides = array<i32>} : memref<8x1024xi32, #tpu.memory_space<vmem>>, vector<1x16xi32>,
        %get3A_701 = vector.shape_cast %get3A_700 : vector<1x16xi32> to vector<16xi32>
        %mul3A_702 = arith.constant 4 : i32
        %mul3A_703 = arith.muli %scan3A_688, %mul3A_702 : i32
        %add3A_704 = arith.constant 0 : i32
        %add3A_705 = arith.addi %mul3A_703, %add3A_704 : i32
        %mul3A_706 = arith.constant 16 : i32
        %mul3A_707 = arith.muli %add3A_705, %mul3A_706 : i32
        %get3A_708 = arith.constant 1 : i32
        %get3A_709 = arith.index_cast %get3A_708 : i32 to index
        %get3A_710 = arith.index_cast %mul3A_707 : i32 to index
        %get3A_711 = tpu.vector_load %arg5[%get3A_709, %get3A_710] {strides = array<i32>} : memref<8x1024xf32, #tpu.memory_space<vmem>>, vector<1x16xf32>,
        %get3A_712 = vector.shape_cast %get3A_711 : vector<1x16xf32> to vector<16xf32>
        %gt3A = arith.cmpi sgt, %get3A_701, %xor3A_118 : vector<16xi32>
        %jit3A = arith.constant 1.000000e+00 : f32
        %jit3A_713 = arith.constant 0.000000e+00 : f32
        %broadcast_in_dim3A_714 = vector.broadcast %jit3A : f32 to vector<16xf32>
        %broadcast_in_dim3A_715 = vector.broadcast %jit3A_713 : f32 to vector<16xf32>
        %select_n3A_716 = arith.select %gt3A, %broadcast_in_dim3A_714, %broadcast_in_dim3A_715 : vector<16xi1>, vector<16xf32>
        %add3A_717 = arith.addf %scan3A_689, %select_n3A_716 : vector<16xf32>
        %jit3A_718 = arith.constant 0.000000e+00 : f32
        %broadcast_in_dim3A_719 = vector.broadcast %jit3A_718 : f32 to vector<16xf32>
        %select_n3A_720 = arith.select %gt3A, %get3A_712, %broadcast_in_dim3A_719 : vector<16xi1>, vector<16xf32>
        %add3A_721 = arith.addf %scan3A_690, %select_n3A_720 : vector<16xf32>
        %add3A_722 = arith.addf %scan3A_691, %get3A_712 : vector<16xf32>
        %mul3A_723 = arith.constant 4 : i32
        %mul3A_724 = arith.muli %scan3A_688, %mul3A_723 : i32
        %add3A_725 = arith.constant 1 : i32
        %add3A_726 = arith.addi %mul3A_724, %add3A_725 : i32
        %mul3A_727 = arith.constant 16 : i32
        %mul3A_728 = arith.muli %add3A_726, %mul3A_727 : i32
        %get3A_729 = arith.constant 1 : i32
        %get3A_730 = arith.index_cast %get3A_729 : i32 to index
        %get3A_731 = arith.index_cast %mul3A_728 : i32 to index
        %get3A_732 = tpu.vector_load %arg6[%get3A_730, %get3A_731] {strides = array<i32>} : memref<8x1024xi32, #tpu.memory_space<vmem>>, vector<1x16xi32>,
        %get3A_733 = vector.shape_cast %get3A_732 : vector<1x16xi32> to vector<16xi32>
        %mul3A_734 = arith.constant 4 : i32
        %mul3A_735 = arith.muli %scan3A_688, %mul3A_734 : i32
        %add3A_736 = arith.constant 1 : i32
        %add3A_737 = arith.addi %mul3A_735, %add3A_736 : i32
        %mul3A_738 = arith.constant 16 : i32
        %mul3A_739 = arith.muli %add3A_737, %mul3A_738 : i32
        %get3A_740 = arith.constant 1 : i32
        %get3A_741 = arith.index_cast %get3A_740 : i32 to index
        %get3A_742 = arith.index_cast %mul3A_739 : i32 to index
        %get3A_743 = tpu.vector_load %arg5[%get3A_741, %get3A_742] {strides = array<i32>} : memref<8x1024xf32, #tpu.memory_space<vmem>>, vector<1x16xf32>,
        %get3A_744 = vector.shape_cast %get3A_743 : vector<1x16xf32> to vector<16xf32>
        %gt3A_745 = arith.cmpi sgt, %get3A_733, %xor3A_118 : vector<16xi32>
        %jit3A_746 = arith.constant 1.000000e+00 : f32
        %jit3A_747 = arith.constant 0.000000e+00 : f32
        %broadcast_in_dim3A_748 = vector.broadcast %jit3A_746 : f32 to vector<16xf32>
        %broadcast_in_dim3A_749 = vector.broadcast %jit3A_747 : f32 to vector<16xf32>
        %select_n3A_750 = arith.select %gt3A_745, %broadcast_in_dim3A_748, %broadcast_in_dim3A_749 : vector<16xi1>, vector<16xf32>
        %add3A_751 = arith.addf %add3A_717, %select_n3A_750 : vector<16xf32>
        %jit3A_752 = arith.constant 0.000000e+00 : f32
        %broadcast_in_dim3A_753 = vector.broadcast %jit3A_752 : f32 to vector<16xf32>
        %select_n3A_754 = arith.select %gt3A_745, %get3A_744, %broadcast_in_dim3A_753 : vector<16xi1>, vector<16xf32>
        %add3A_755 = arith.addf %add3A_721, %select_n3A_754 : vector<16xf32>
        %add3A_756 = arith.addf %add3A_722, %get3A_744 : vector<16xf32>
        %mul3A_757 = arith.constant 4 : i32
        %mul3A_758 = arith.muli %scan3A_688, %mul3A_757 : i32
        %add3A_759 = arith.constant 2 : i32
        %add3A_760 = arith.addi %mul3A_758, %add3A_759 : i32
        %mul3A_761 = arith.constant 16 : i32
        %mul3A_762 = arith.muli %add3A_760, %mul3A_761 : i32
        %get3A_763 = arith.constant 1 : i32
        %get3A_764 = arith.index_cast %get3A_763 : i32 to index
        %get3A_765 = arith.index_cast %mul3A_762 : i32 to index
        %get3A_766 = tpu.vector_load %arg6[%get3A_764, %get3A_765] {strides = array<i32>} : memref<8x1024xi32, #tpu.memory_space<vmem>>, vector<1x16xi32>,
        %get3A_767 = vector.shape_cast %get3A_766 : vector<1x16xi32> to vector<16xi32>
        %mul3A_768 = arith.constant 4 : i32
        %mul3A_769 = arith.muli %scan3A_688, %mul3A_768 : i32
        %add3A_770 = arith.constant 2 : i32
        %add3A_771 = arith.addi %mul3A_769, %add3A_770 : i32
        %mul3A_772 = arith.constant 16 : i32
        %mul3A_773 = arith.muli %add3A_771, %mul3A_772 : i32
        %get3A_774 = arith.constant 1 : i32
        %get3A_775 = arith.index_cast %get3A_774 : i32 to index
        %get3A_776 = arith.index_cast %mul3A_773 : i32 to index
        %get3A_777 = tpu.vector_load %arg5[%get3A_775, %get3A_776] {strides = array<i32>} : memref<8x1024xf32, #tpu.memory_space<vmem>>, vector<1x16xf32>,
        %get3A_778 = vector.shape_cast %get3A_777 : vector<1x16xf32> to vector<16xf32>
        %gt3A_779 = arith.cmpi sgt, %get3A_767, %xor3A_118 : vector<16xi32>
        %jit3A_780 = arith.constant 1.000000e+00 : f32
        %jit3A_781 = arith.constant 0.000000e+00 : f32
        %broadcast_in_dim3A_782 = vector.broadcast %jit3A_780 : f32 to vector<16xf32>
        %broadcast_in_dim3A_783 = vector.broadcast %jit3A_781 : f32 to vector<16xf32>
        %select_n3A_784 = arith.select %gt3A_779, %broadcast_in_dim3A_782, %broadcast_in_dim3A_783 : vector<16xi1>, vector<16xf32>
        %add3A_785 = arith.addf %add3A_751, %select_n3A_784 : vector<16xf32>
        %jit3A_786 = arith.constant 0.000000e+00 : f32
        %broadcast_in_dim3A_787 = vector.broadcast %jit3A_786 : f32 to vector<16xf32>
        %select_n3A_788 = arith.select %gt3A_779, %get3A_778, %broadcast_in_dim3A_787 : vector<16xi1>, vector<16xf32>
        %add3A_789 = arith.addf %add3A_755, %select_n3A_788 : vector<16xf32>
        %add3A_790 = arith.addf %add3A_756, %get3A_778 : vector<16xf32>
        %mul3A_791 = arith.constant 4 : i32
        %mul3A_792 = arith.muli %scan3A_688, %mul3A_791 : i32
        %add3A_793 = arith.constant 3 : i32
        %add3A_794 = arith.addi %mul3A_792, %add3A_793 : i32
        %mul3A_795 = arith.constant 16 : i32
        %mul3A_796 = arith.muli %add3A_794, %mul3A_795 : i32
        %get3A_797 = arith.constant 1 : i32
        %get3A_798 = arith.index_cast %get3A_797 : i32 to index
        %get3A_799 = arith.index_cast %mul3A_796 : i32 to index
        %get3A_800 = tpu.vector_load %arg6[%get3A_798, %get3A_799] {strides = array<i32>} : memref<8x1024xi32, #tpu.memory_space<vmem>>, vector<1x16xi32>,
        %get3A_801 = vector.shape_cast %get3A_800 : vector<1x16xi32> to vector<16xi32>
        %mul3A_802 = arith.constant 4 : i32
        %mul3A_803 = arith.muli %scan3A_688, %mul3A_802 : i32
        %add3A_804 = arith.constant 3 : i32
        %add3A_805 = arith.addi %mul3A_803, %add3A_804 : i32
        %mul3A_806 = arith.constant 16 : i32
        %mul3A_807 = arith.muli %add3A_805, %mul3A_806 : i32
        %get3A_808 = arith.constant 1 : i32
        %get3A_809 = arith.index_cast %get3A_808 : i32 to index
        %get3A_810 = arith.index_cast %mul3A_807 : i32 to index
        %get3A_811 = tpu.vector_load %arg5[%get3A_809, %get3A_810] {strides = array<i32>} : memref<8x1024xf32, #tpu.memory_space<vmem>>, vector<1x16xf32>,
        %get3A_812 = vector.shape_cast %get3A_811 : vector<1x16xf32> to vector<16xf32>
        %gt3A_813 = arith.cmpi sgt, %get3A_801, %xor3A_118 : vector<16xi32>
        %jit3A_814 = arith.constant 1.000000e+00 : f32
        %jit3A_815 = arith.constant 0.000000e+00 : f32
        %broadcast_in_dim3A_816 = vector.broadcast %jit3A_814 : f32 to vector<16xf32>
        %broadcast_in_dim3A_817 = vector.broadcast %jit3A_815 : f32 to vector<16xf32>
        %select_n3A_818 = arith.select %gt3A_813, %broadcast_in_dim3A_816, %broadcast_in_dim3A_817 : vector<16xi1>, vector<16xf32>
        %add3A_819 = arith.addf %add3A_785, %select_n3A_818 : vector<16xf32>
        %jit3A_820 = arith.constant 0.000000e+00 : f32
        %broadcast_in_dim3A_821 = vector.broadcast %jit3A_820 : f32 to vector<16xf32>
        %select_n3A_822 = arith.select %gt3A_813, %get3A_812, %broadcast_in_dim3A_821 : vector<16xi1>, vector<16xf32>
        %add3A_823 = arith.addf %add3A_789, %select_n3A_822 : vector<16xf32>
        %add3A_824 = arith.addf %add3A_790, %get3A_812 : vector<16xf32>
        scf.yield %add3A_819, %add3A_823, %add3A_824 : vector<16xf32>, vector<16xf32>, vector<16xf32>
      }
      %scan3A_134 = arith.constant 16 : i32
      %broadcast_in_dim3A_135 = vector.shape_cast %xor3A_22 : vector<16xi32> to vector<16x1xi32>
      %gather3A_136 = vector.shape_cast %broadcast_in_dim3A_135 : vector<16x1xi32> to vector<16xi32>
      %gather3A_137 = tpu.dynamic_gather %scan3A_133#0[%gather3A_136] in [0] : vector<16xf32>, vector<16xi32> -> vector<16xf32>
      %add3A_138 = arith.addf %scan3A_133#0, %gather3A_137 : vector<16xf32>
      %broadcast_in_dim3A_139 = vector.shape_cast %xor3A_25 : vector<16xi32> to vector<16x1xi32>
      %gather3A_140 = vector.shape_cast %broadcast_in_dim3A_139 : vector<16x1xi32> to vector<16xi32>
      %gather3A_141 = tpu.dynamic_gather %add3A_138[%gather3A_140] in [0] : vector<16xf32>, vector<16xi32> -> vector<16xf32>
      %add3A_142 = arith.addf %add3A_138, %gather3A_141 : vector<16xf32>
      %broadcast_in_dim3A_143 = vector.shape_cast %xor3A_28 : vector<16xi32> to vector<16x1xi32>
      %gather3A_144 = vector.shape_cast %broadcast_in_dim3A_143 : vector<16x1xi32> to vector<16xi32>
      %gather3A_145 = tpu.dynamic_gather %add3A_142[%gather3A_144] in [0] : vector<16xf32>, vector<16xi32> -> vector<16xf32>
      %add3A_146 = arith.addf %add3A_142, %gather3A_145 : vector<16xf32>
      %broadcast_in_dim3A_147 = vector.shape_cast %xor3A_31 : vector<16xi32> to vector<16x1xi32>
      %gather3A_148 = vector.shape_cast %broadcast_in_dim3A_147 : vector<16x1xi32> to vector<16xi32>
      %gather3A_149 = tpu.dynamic_gather %add3A_146[%gather3A_148] in [0] : vector<16xf32>, vector<16xi32> -> vector<16xf32>
      %add3A_150 = arith.addf %add3A_146, %gather3A_149 : vector<16xf32>
      %broadcast_in_dim3A_151 = vector.shape_cast %xor3A_22 : vector<16xi32> to vector<16x1xi32>
      %gather3A_152 = vector.shape_cast %broadcast_in_dim3A_151 : vector<16x1xi32> to vector<16xi32>
      %gather3A_153 = tpu.dynamic_gather %scan3A_133#1[%gather3A_152] in [0] : vector<16xf32>, vector<16xi32> -> vector<16xf32>
      %add3A_154 = arith.addf %scan3A_133#1, %gather3A_153 : vector<16xf32>
      %broadcast_in_dim3A_155 = vector.shape_cast %xor3A_25 : vector<16xi32> to vector<16x1xi32>
      %gather3A_156 = vector.shape_cast %broadcast_in_dim3A_155 : vector<16x1xi32> to vector<16xi32>
      %gather3A_157 = tpu.dynamic_gather %add3A_154[%gather3A_156] in [0] : vector<16xf32>, vector<16xi32> -> vector<16xf32>
      %add3A_158 = arith.addf %add3A_154, %gather3A_157 : vector<16xf32>
      %broadcast_in_dim3A_159 = vector.shape_cast %xor3A_28 : vector<16xi32> to vector<16x1xi32>
      %gather3A_160 = vector.shape_cast %broadcast_in_dim3A_159 : vector<16x1xi32> to vector<16xi32>
      %gather3A_161 = tpu.dynamic_gather %add3A_158[%gather3A_160] in [0] : vector<16xf32>, vector<16xi32> -> vector<16xf32>
      %add3A_162 = arith.addf %add3A_158, %gather3A_161 : vector<16xf32>
      %broadcast_in_dim3A_163 = vector.shape_cast %xor3A_31 : vector<16xi32> to vector<16x1xi32>
      %gather3A_164 = vector.shape_cast %broadcast_in_dim3A_163 : vector<16x1xi32> to vector<16xi32>
      %gather3A_165 = tpu.dynamic_gather %add3A_162[%gather3A_164] in [0] : vector<16xf32>, vector<16xi32> -> vector<16xf32>
      %add3A_166 = arith.addf %add3A_162, %gather3A_165 : vector<16xf32>
      %broadcast_in_dim3A_167 = vector.shape_cast %xor3A_22 : vector<16xi32> to vector<16x1xi32>
      %gather3A_168 = vector.shape_cast %broadcast_in_dim3A_167 : vector<16x1xi32> to vector<16xi32>
      %gather3A_169 = tpu.dynamic_gather %scan3A_133#2[%gather3A_168] in [0] : vector<16xf32>, vector<16xi32> -> vector<16xf32>
      %add3A_170 = arith.addf %scan3A_133#2, %gather3A_169 : vector<16xf32>
      %broadcast_in_dim3A_171 = vector.shape_cast %xor3A_25 : vector<16xi32> to vector<16x1xi32>
      %gather3A_172 = vector.shape_cast %broadcast_in_dim3A_171 : vector<16x1xi32> to vector<16xi32>
      %gather3A_173 = tpu.dynamic_gather %add3A_170[%gather3A_172] in [0] : vector<16xf32>, vector<16xi32> -> vector<16xf32>
      %add3A_174 = arith.addf %add3A_170, %gather3A_173 : vector<16xf32>
      %broadcast_in_dim3A_175 = vector.shape_cast %xor3A_28 : vector<16xi32> to vector<16x1xi32>
      %gather3A_176 = vector.shape_cast %broadcast_in_dim3A_175 : vector<16x1xi32> to vector<16xi32>
      %gather3A_177 = tpu.dynamic_gather %add3A_174[%gather3A_176] in [0] : vector<16xf32>, vector<16xi32> -> vector<16xf32>
      %add3A_178 = arith.addf %add3A_174, %gather3A_177 : vector<16xf32>
      %broadcast_in_dim3A_179 = vector.shape_cast %xor3A_31 : vector<16xi32> to vector<16x1xi32>
      %gather3A_180 = vector.shape_cast %broadcast_in_dim3A_179 : vector<16x1xi32> to vector<16xi32>
      %gather3A_181 = tpu.dynamic_gather %add3A_178[%gather3A_180] in [0] : vector<16xf32>, vector<16xi32> -> vector<16xf32>
      %add3A_182 = arith.addf %add3A_178, %gather3A_181 : vector<16xf32>
      %sub3A_183 = arith.constant 2.560000e+02 : f32
      %sub3A_184 = vector.broadcast %sub3A_183 : f32 to vector<16xf32>
      %sub3A_185 = arith.subf %sub3A_184, %add3A_150 : vector<16xf32>
      %mul3A_186 = arith.mulf %sub3A_185, %bitcast_convert_type3A_126 : vector<16xf32>
      %add3A_187 = arith.addf %add3A_166, %mul3A_186 : vector<16xf32>
      %eq3A_188 = arith.constant 1 : i32
      %eq3A_189 = vector.broadcast %eq3A_188 : i32 to vector<16xi32>
      %eq3A_190 = arith.cmpi eq, %iota3A, %eq3A_189 : vector<16xi32>
      %select_n3A_191 = arith.select %eq3A_190, %add3A_187, %select_n3A : vector<16xi1>, vector<16xf32>
      %eq3A_192 = arith.constant 1 : i32
      %eq3A_193 = vector.broadcast %eq3A_192 : i32 to vector<16xi32>
      %eq3A_194 = arith.cmpi eq, %iota3A, %eq3A_193 : vector<16xi32>
      %select_n3A_195 = arith.select %eq3A_194, %add3A_182, %select_n3A_115 : vector<16xi1>, vector<16xf32>
      %xor3A_196 = arith.constant -2147483648 : i32
      %xor3A_197 = vector.broadcast %xor3A_196 : i32 to vector<16xi32>
      %xor3A_198 = arith.xori %scan3A_37#2, %xor3A_197 : vector<16xi32>
      %shift_right_arithmetic3A_199 = arith.constant 31 : i32
      %shift_right_arithmetic3A_200 = vector.broadcast %shift_right_arithmetic3A_199 : i32 to vector<16xi32>
      %shift_right_arithmetic3A_201 = arith.shrsi %xor3A_198, %shift_right_arithmetic3A_200 : vector<16xi32>
      %and3A_202 = arith.constant 2147483647 : i32
      %and3A_203 = vector.broadcast %and3A_202 : i32 to vector<16xi32>
      %and3A_204 = arith.andi %shift_right_arithmetic3A_201, %and3A_203 : vector<16xi32>
      %xor3A_205 = arith.xori %xor3A_198, %and3A_204 : vector<16xi32>
      %bitcast_convert_type3A_206 = tpu.bitcast %xor3A_205 : vector<16xi32> -> vector<16xf32>
      %broadcast_in_dim3A_207 = arith.constant 0.000000e+00 : f32
      %broadcast_in_dim3A_208 = vector.broadcast %broadcast_in_dim3A_207 : f32 to vector<16xf32>
      %scan3A_209 = arith.constant 0 : i32
      %scan3A_210 = arith.constant 16 : i32
      %scan3A_211 = arith.addi %scan3A_209, %scan3A_210 : i32
      %scan3A_212 = arith.constant 1 : i32
      %scan3A_213:3 = scf.for %scan3A_688 = %scan3A_209 to %scan3A_211 step %scan3A_212 iter_args(%scan3A_689 = %broadcast_in_dim3A_208, %scan3A_690 = %broadcast_in_dim3A_208, %scan3A_691 = %broadcast_in_dim3A_208) -> (vector<16xf32>, vector<16xf32>, vector<16xf32>)  : i32 {
        %mul3A_692 = arith.constant 4 : i32
        %mul3A_693 = arith.muli %scan3A_688, %mul3A_692 : i32
        %add3A_694 = arith.constant 0 : i32
        %add3A_695 = arith.addi %mul3A_693, %add3A_694 : i32
        %mul3A_696 = arith.constant 16 : i32
        %mul3A_697 = arith.muli %add3A_695, %mul3A_696 : i32
        %get3A = arith.constant 2 : i32
        %get3A_698 = arith.index_cast %get3A : i32 to index
        %get3A_699 = arith.index_cast %mul3A_697 : i32 to index
        %get3A_700 = tpu.vector_load %arg6[%get3A_698, %get3A_699] {strides = array<i32>} : memref<8x1024xi32, #tpu.memory_space<vmem>>, vector<1x16xi32>,
        %get3A_701 = vector.shape_cast %get3A_700 : vector<1x16xi32> to vector<16xi32>
        %mul3A_702 = arith.constant 4 : i32
        %mul3A_703 = arith.muli %scan3A_688, %mul3A_702 : i32
        %add3A_704 = arith.constant 0 : i32
        %add3A_705 = arith.addi %mul3A_703, %add3A_704 : i32
        %mul3A_706 = arith.constant 16 : i32
        %mul3A_707 = arith.muli %add3A_705, %mul3A_706 : i32
        %get3A_708 = arith.constant 2 : i32
        %get3A_709 = arith.index_cast %get3A_708 : i32 to index
        %get3A_710 = arith.index_cast %mul3A_707 : i32 to index
        %get3A_711 = tpu.vector_load %arg5[%get3A_709, %get3A_710] {strides = array<i32>} : memref<8x1024xf32, #tpu.memory_space<vmem>>, vector<1x16xf32>,
        %get3A_712 = vector.shape_cast %get3A_711 : vector<1x16xf32> to vector<16xf32>
        %gt3A = arith.cmpi sgt, %get3A_701, %xor3A_198 : vector<16xi32>
        %jit3A = arith.constant 1.000000e+00 : f32
        %jit3A_713 = arith.constant 0.000000e+00 : f32
        %broadcast_in_dim3A_714 = vector.broadcast %jit3A : f32 to vector<16xf32>
        %broadcast_in_dim3A_715 = vector.broadcast %jit3A_713 : f32 to vector<16xf32>
        %select_n3A_716 = arith.select %gt3A, %broadcast_in_dim3A_714, %broadcast_in_dim3A_715 : vector<16xi1>, vector<16xf32>
        %add3A_717 = arith.addf %scan3A_689, %select_n3A_716 : vector<16xf32>
        %jit3A_718 = arith.constant 0.000000e+00 : f32
        %broadcast_in_dim3A_719 = vector.broadcast %jit3A_718 : f32 to vector<16xf32>
        %select_n3A_720 = arith.select %gt3A, %get3A_712, %broadcast_in_dim3A_719 : vector<16xi1>, vector<16xf32>
        %add3A_721 = arith.addf %scan3A_690, %select_n3A_720 : vector<16xf32>
        %add3A_722 = arith.addf %scan3A_691, %get3A_712 : vector<16xf32>
        %mul3A_723 = arith.constant 4 : i32
        %mul3A_724 = arith.muli %scan3A_688, %mul3A_723 : i32
        %add3A_725 = arith.constant 1 : i32
        %add3A_726 = arith.addi %mul3A_724, %add3A_725 : i32
        %mul3A_727 = arith.constant 16 : i32
        %mul3A_728 = arith.muli %add3A_726, %mul3A_727 : i32
        %get3A_729 = arith.constant 2 : i32
        %get3A_730 = arith.index_cast %get3A_729 : i32 to index
        %get3A_731 = arith.index_cast %mul3A_728 : i32 to index
        %get3A_732 = tpu.vector_load %arg6[%get3A_730, %get3A_731] {strides = array<i32>} : memref<8x1024xi32, #tpu.memory_space<vmem>>, vector<1x16xi32>,
        %get3A_733 = vector.shape_cast %get3A_732 : vector<1x16xi32> to vector<16xi32>
        %mul3A_734 = arith.constant 4 : i32
        %mul3A_735 = arith.muli %scan3A_688, %mul3A_734 : i32
        %add3A_736 = arith.constant 1 : i32
        %add3A_737 = arith.addi %mul3A_735, %add3A_736 : i32
        %mul3A_738 = arith.constant 16 : i32
        %mul3A_739 = arith.muli %add3A_737, %mul3A_738 : i32
        %get3A_740 = arith.constant 2 : i32
        %get3A_741 = arith.index_cast %get3A_740 : i32 to index
        %get3A_742 = arith.index_cast %mul3A_739 : i32 to index
        %get3A_743 = tpu.vector_load %arg5[%get3A_741, %get3A_742] {strides = array<i32>} : memref<8x1024xf32, #tpu.memory_space<vmem>>, vector<1x16xf32>,
        %get3A_744 = vector.shape_cast %get3A_743 : vector<1x16xf32> to vector<16xf32>
        %gt3A_745 = arith.cmpi sgt, %get3A_733, %xor3A_198 : vector<16xi32>
        %jit3A_746 = arith.constant 1.000000e+00 : f32
        %jit3A_747 = arith.constant 0.000000e+00 : f32
        %broadcast_in_dim3A_748 = vector.broadcast %jit3A_746 : f32 to vector<16xf32>
        %broadcast_in_dim3A_749 = vector.broadcast %jit3A_747 : f32 to vector<16xf32>
        %select_n3A_750 = arith.select %gt3A_745, %broadcast_in_dim3A_748, %broadcast_in_dim3A_749 : vector<16xi1>, vector<16xf32>
        %add3A_751 = arith.addf %add3A_717, %select_n3A_750 : vector<16xf32>
        %jit3A_752 = arith.constant 0.000000e+00 : f32
        %broadcast_in_dim3A_753 = vector.broadcast %jit3A_752 : f32 to vector<16xf32>
        %select_n3A_754 = arith.select %gt3A_745, %get3A_744, %broadcast_in_dim3A_753 : vector<16xi1>, vector<16xf32>
        %add3A_755 = arith.addf %add3A_721, %select_n3A_754 : vector<16xf32>
        %add3A_756 = arith.addf %add3A_722, %get3A_744 : vector<16xf32>
        %mul3A_757 = arith.constant 4 : i32
        %mul3A_758 = arith.muli %scan3A_688, %mul3A_757 : i32
        %add3A_759 = arith.constant 2 : i32
        %add3A_760 = arith.addi %mul3A_758, %add3A_759 : i32
        %mul3A_761 = arith.constant 16 : i32
        %mul3A_762 = arith.muli %add3A_760, %mul3A_761 : i32
        %get3A_763 = arith.constant 2 : i32
        %get3A_764 = arith.index_cast %get3A_763 : i32 to index
        %get3A_765 = arith.index_cast %mul3A_762 : i32 to index
        %get3A_766 = tpu.vector_load %arg6[%get3A_764, %get3A_765] {strides = array<i32>} : memref<8x1024xi32, #tpu.memory_space<vmem>>, vector<1x16xi32>,
        %get3A_767 = vector.shape_cast %get3A_766 : vector<1x16xi32> to vector<16xi32>
        %mul3A_768 = arith.constant 4 : i32
        %mul3A_769 = arith.muli %scan3A_688, %mul3A_768 : i32
        %add3A_770 = arith.constant 2 : i32
        %add3A_771 = arith.addi %mul3A_769, %add3A_770 : i32
        %mul3A_772 = arith.constant 16 : i32
        %mul3A_773 = arith.muli %add3A_771, %mul3A_772 : i32
        %get3A_774 = arith.constant 2 : i32
        %get3A_775 = arith.index_cast %get3A_774 : i32 to index
        %get3A_776 = arith.index_cast %mul3A_773 : i32 to index
        %get3A_777 = tpu.vector_load %arg5[%get3A_775, %get3A_776] {strides = array<i32>} : memref<8x1024xf32, #tpu.memory_space<vmem>>, vector<1x16xf32>,
        %get3A_778 = vector.shape_cast %get3A_777 : vector<1x16xf32> to vector<16xf32>
        %gt3A_779 = arith.cmpi sgt, %get3A_767, %xor3A_198 : vector<16xi32>
        %jit3A_780 = arith.constant 1.000000e+00 : f32
        %jit3A_781 = arith.constant 0.000000e+00 : f32
        %broadcast_in_dim3A_782 = vector.broadcast %jit3A_780 : f32 to vector<16xf32>
        %broadcast_in_dim3A_783 = vector.broadcast %jit3A_781 : f32 to vector<16xf32>
        %select_n3A_784 = arith.select %gt3A_779, %broadcast_in_dim3A_782, %broadcast_in_dim3A_783 : vector<16xi1>, vector<16xf32>
        %add3A_785 = arith.addf %add3A_751, %select_n3A_784 : vector<16xf32>
        %jit3A_786 = arith.constant 0.000000e+00 : f32
        %broadcast_in_dim3A_787 = vector.broadcast %jit3A_786 : f32 to vector<16xf32>
        %select_n3A_788 = arith.select %gt3A_779, %get3A_778, %broadcast_in_dim3A_787 : vector<16xi1>, vector<16xf32>
        %add3A_789 = arith.addf %add3A_755, %select_n3A_788 : vector<16xf32>
        %add3A_790 = arith.addf %add3A_756, %get3A_778 : vector<16xf32>
        %mul3A_791 = arith.constant 4 : i32
        %mul3A_792 = arith.muli %scan3A_688, %mul3A_791 : i32
        %add3A_793 = arith.constant 3 : i32
        %add3A_794 = arith.addi %mul3A_792, %add3A_793 : i32
        %mul3A_795 = arith.constant 16 : i32
        %mul3A_796 = arith.muli %add3A_794, %mul3A_795 : i32
        %get3A_797 = arith.constant 2 : i32
        %get3A_798 = arith.index_cast %get3A_797 : i32 to index
        %get3A_799 = arith.index_cast %mul3A_796 : i32 to index
        %get3A_800 = tpu.vector_load %arg6[%get3A_798, %get3A_799] {strides = array<i32>} : memref<8x1024xi32, #tpu.memory_space<vmem>>, vector<1x16xi32>,
        %get3A_801 = vector.shape_cast %get3A_800 : vector<1x16xi32> to vector<16xi32>
        %mul3A_802 = arith.constant 4 : i32
        %mul3A_803 = arith.muli %scan3A_688, %mul3A_802 : i32
        %add3A_804 = arith.constant 3 : i32
        %add3A_805 = arith.addi %mul3A_803, %add3A_804 : i32
        %mul3A_806 = arith.constant 16 : i32
        %mul3A_807 = arith.muli %add3A_805, %mul3A_806 : i32
        %get3A_808 = arith.constant 2 : i32
        %get3A_809 = arith.index_cast %get3A_808 : i32 to index
        %get3A_810 = arith.index_cast %mul3A_807 : i32 to index
        %get3A_811 = tpu.vector_load %arg5[%get3A_809, %get3A_810] {strides = array<i32>} : memref<8x1024xf32, #tpu.memory_space<vmem>>, vector<1x16xf32>,
        %get3A_812 = vector.shape_cast %get3A_811 : vector<1x16xf32> to vector<16xf32>
        %gt3A_813 = arith.cmpi sgt, %get3A_801, %xor3A_198 : vector<16xi32>
        %jit3A_814 = arith.constant 1.000000e+00 : f32
        %jit3A_815 = arith.constant 0.000000e+00 : f32
        %broadcast_in_dim3A_816 = vector.broadcast %jit3A_814 : f32 to vector<16xf32>
        %broadcast_in_dim3A_817 = vector.broadcast %jit3A_815 : f32 to vector<16xf32>
        %select_n3A_818 = arith.select %gt3A_813, %broadcast_in_dim3A_816, %broadcast_in_dim3A_817 : vector<16xi1>, vector<16xf32>
        %add3A_819 = arith.addf %add3A_785, %select_n3A_818 : vector<16xf32>
        %jit3A_820 = arith.constant 0.000000e+00 : f32
        %broadcast_in_dim3A_821 = vector.broadcast %jit3A_820 : f32 to vector<16xf32>
        %select_n3A_822 = arith.select %gt3A_813, %get3A_812, %broadcast_in_dim3A_821 : vector<16xi1>, vector<16xf32>
        %add3A_823 = arith.addf %add3A_789, %select_n3A_822 : vector<16xf32>
        %add3A_824 = arith.addf %add3A_790, %get3A_812 : vector<16xf32>
        scf.yield %add3A_819, %add3A_823, %add3A_824 : vector<16xf32>, vector<16xf32>, vector<16xf32>
      }
      %scan3A_214 = arith.constant 16 : i32
      %broadcast_in_dim3A_215 = vector.shape_cast %xor3A_22 : vector<16xi32> to vector<16x1xi32>
      %gather3A_216 = vector.shape_cast %broadcast_in_dim3A_215 : vector<16x1xi32> to vector<16xi32>
      %gather3A_217 = tpu.dynamic_gather %scan3A_213#0[%gather3A_216] in [0] : vector<16xf32>, vector<16xi32> -> vector<16xf32>
      %add3A_218 = arith.addf %scan3A_213#0, %gather3A_217 : vector<16xf32>
      %broadcast_in_dim3A_219 = vector.shape_cast %xor3A_25 : vector<16xi32> to vector<16x1xi32>
      %gather3A_220 = vector.shape_cast %broadcast_in_dim3A_219 : vector<16x1xi32> to vector<16xi32>
      %gather3A_221 = tpu.dynamic_gather %add3A_218[%gather3A_220] in [0] : vector<16xf32>, vector<16xi32> -> vector<16xf32>
      %add3A_222 = arith.addf %add3A_218, %gather3A_221 : vector<16xf32>
      %broadcast_in_dim3A_223 = vector.shape_cast %xor3A_28 : vector<16xi32> to vector<16x1xi32>
      %gather3A_224 = vector.shape_cast %broadcast_in_dim3A_223 : vector<16x1xi32> to vector<16xi32>
      %gather3A_225 = tpu.dynamic_gather %add3A_222[%gather3A_224] in [0] : vector<16xf32>, vector<16xi32> -> vector<16xf32>
      %add3A_226 = arith.addf %add3A_222, %gather3A_225 : vector<16xf32>
      %broadcast_in_dim3A_227 = vector.shape_cast %xor3A_31 : vector<16xi32> to vector<16x1xi32>
      %gather3A_228 = vector.shape_cast %broadcast_in_dim3A_227 : vector<16x1xi32> to vector<16xi32>
      %gather3A_229 = tpu.dynamic_gather %add3A_226[%gather3A_228] in [0] : vector<16xf32>, vector<16xi32> -> vector<16xf32>
      %add3A_230 = arith.addf %add3A_226, %gather3A_229 : vector<16xf32>
      %broadcast_in_dim3A_231 = vector.shape_cast %xor3A_22 : vector<16xi32> to vector<16x1xi32>
      %gather3A_232 = vector.shape_cast %broadcast_in_dim3A_231 : vector<16x1xi32> to vector<16xi32>
      %gather3A_233 = tpu.dynamic_gather %scan3A_213#1[%gather3A_232] in [0] : vector<16xf32>, vector<16xi32> -> vector<16xf32>
      %add3A_234 = arith.addf %scan3A_213#1, %gather3A_233 : vector<16xf32>
      %broadcast_in_dim3A_235 = vector.shape_cast %xor3A_25 : vector<16xi32> to vector<16x1xi32>
      %gather3A_236 = vector.shape_cast %broadcast_in_dim3A_235 : vector<16x1xi32> to vector<16xi32>
      %gather3A_237 = tpu.dynamic_gather %add3A_234[%gather3A_236] in [0] : vector<16xf32>, vector<16xi32> -> vector<16xf32>
      %add3A_238 = arith.addf %add3A_234, %gather3A_237 : vector<16xf32>
      %broadcast_in_dim3A_239 = vector.shape_cast %xor3A_28 : vector<16xi32> to vector<16x1xi32>
      %gather3A_240 = vector.shape_cast %broadcast_in_dim3A_239 : vector<16x1xi32> to vector<16xi32>
      %gather3A_241 = tpu.dynamic_gather %add3A_238[%gather3A_240] in [0] : vector<16xf32>, vector<16xi32> -> vector<16xf32>
      %add3A_242 = arith.addf %add3A_238, %gather3A_241 : vector<16xf32>
      %broadcast_in_dim3A_243 = vector.shape_cast %xor3A_31 : vector<16xi32> to vector<16x1xi32>
      %gather3A_244 = vector.shape_cast %broadcast_in_dim3A_243 : vector<16x1xi32> to vector<16xi32>
      %gather3A_245 = tpu.dynamic_gather %add3A_242[%gather3A_244] in [0] : vector<16xf32>, vector<16xi32> -> vector<16xf32>
      %add3A_246 = arith.addf %add3A_242, %gather3A_245 : vector<16xf32>
      %broadcast_in_dim3A_247 = vector.shape_cast %xor3A_22 : vector<16xi32> to vector<16x1xi32>
      %gather3A_248 = vector.shape_cast %broadcast_in_dim3A_247 : vector<16x1xi32> to vector<16xi32>
      %gather3A_249 = tpu.dynamic_gather %scan3A_213#2[%gather3A_248] in [0] : vector<16xf32>, vector<16xi32> -> vector<16xf32>
      %add3A_250 = arith.addf %scan3A_213#2, %gather3A_249 : vector<16xf32>
      %broadcast_in_dim3A_251 = vector.shape_cast %xor3A_25 : vector<16xi32> to vector<16x1xi32>
      %gather3A_252 = vector.shape_cast %broadcast_in_dim3A_251 : vector<16x1xi32> to vector<16xi32>
      %gather3A_253 = tpu.dynamic_gather %add3A_250[%gather3A_252] in [0] : vector<16xf32>, vector<16xi32> -> vector<16xf32>
      %add3A_254 = arith.addf %add3A_250, %gather3A_253 : vector<16xf32>
      %broadcast_in_dim3A_255 = vector.shape_cast %xor3A_28 : vector<16xi32> to vector<16x1xi32>
      %gather3A_256 = vector.shape_cast %broadcast_in_dim3A_255 : vector<16x1xi32> to vector<16xi32>
      %gather3A_257 = tpu.dynamic_gather %add3A_254[%gather3A_256] in [0] : vector<16xf32>, vector<16xi32> -> vector<16xf32>
      %add3A_258 = arith.addf %add3A_254, %gather3A_257 : vector<16xf32>
      %broadcast_in_dim3A_259 = vector.shape_cast %xor3A_31 : vector<16xi32> to vector<16x1xi32>
      %gather3A_260 = vector.shape_cast %broadcast_in_dim3A_259 : vector<16x1xi32> to vector<16xi32>
      %gather3A_261 = tpu.dynamic_gather %add3A_258[%gather3A_260] in [0] : vector<16xf32>, vector<16xi32> -> vector<16xf32>
      %add3A_262 = arith.addf %add3A_258, %gather3A_261 : vector<16xf32>
      %sub3A_263 = arith.constant 2.560000e+02 : f32
      %sub3A_264 = vector.broadcast %sub3A_263 : f32 to vector<16xf32>
      %sub3A_265 = arith.subf %sub3A_264, %add3A_230 : vector<16xf32>
      %mul3A_266 = arith.mulf %sub3A_265, %bitcast_convert_type3A_206 : vector<16xf32>
      %add3A_267 = arith.addf %add3A_246, %mul3A_266 : vector<16xf32>
      %eq3A_268 = arith.constant 2 : i32
      %eq3A_269 = vector.broadcast %eq3A_268 : i32 to vector<16xi32>
      %eq3A_270 = arith.cmpi eq, %iota3A, %eq3A_269 : vector<16xi32>
      %select_n3A_271 = arith.select %eq3A_270, %add3A_267, %select_n3A_191 : vector<16xi1>, vector<16xf32>
      %eq3A_272 = arith.constant 2 : i32
      %eq3A_273 = vector.broadcast %eq3A_272 : i32 to vector<16xi32>
      %eq3A_274 = arith.cmpi eq, %iota3A, %eq3A_273 : vector<16xi32>
      %select_n3A_275 = arith.select %eq3A_274, %add3A_262, %select_n3A_195 : vector<16xi1>, vector<16xf32>
      %xor3A_276 = arith.constant -2147483648 : i32
      %xor3A_277 = vector.broadcast %xor3A_276 : i32 to vector<16xi32>
      %xor3A_278 = arith.xori %scan3A_37#3, %xor3A_277 : vector<16xi32>
      %shift_right_arithmetic3A_279 = arith.constant 31 : i32
      %shift_right_arithmetic3A_280 = vector.broadcast %shift_right_arithmetic3A_279 : i32 to vector<16xi32>
      %shift_right_arithmetic3A_281 = arith.shrsi %xor3A_278, %shift_right_arithmetic3A_280 : vector<16xi32>
      %and3A_282 = arith.constant 2147483647 : i32
      %and3A_283 = vector.broadcast %and3A_282 : i32 to vector<16xi32>
      %and3A_284 = arith.andi %shift_right_arithmetic3A_281, %and3A_283 : vector<16xi32>
      %xor3A_285 = arith.xori %xor3A_278, %and3A_284 : vector<16xi32>
      %bitcast_convert_type3A_286 = tpu.bitcast %xor3A_285 : vector<16xi32> -> vector<16xf32>
      %broadcast_in_dim3A_287 = arith.constant 0.000000e+00 : f32
      %broadcast_in_dim3A_288 = vector.broadcast %broadcast_in_dim3A_287 : f32 to vector<16xf32>
      %scan3A_289 = arith.constant 0 : i32
      %scan3A_290 = arith.constant 16 : i32
      %scan3A_291 = arith.addi %scan3A_289, %scan3A_290 : i32
      %scan3A_292 = arith.constant 1 : i32
      %scan3A_293:3 = scf.for %scan3A_688 = %scan3A_289 to %scan3A_291 step %scan3A_292 iter_args(%scan3A_689 = %broadcast_in_dim3A_288, %scan3A_690 = %broadcast_in_dim3A_288, %scan3A_691 = %broadcast_in_dim3A_288) -> (vector<16xf32>, vector<16xf32>, vector<16xf32>)  : i32 {
        %mul3A_692 = arith.constant 4 : i32
        %mul3A_693 = arith.muli %scan3A_688, %mul3A_692 : i32
        %add3A_694 = arith.constant 0 : i32
        %add3A_695 = arith.addi %mul3A_693, %add3A_694 : i32
        %mul3A_696 = arith.constant 16 : i32
        %mul3A_697 = arith.muli %add3A_695, %mul3A_696 : i32
        %get3A = arith.constant 3 : i32
        %get3A_698 = arith.index_cast %get3A : i32 to index
        %get3A_699 = arith.index_cast %mul3A_697 : i32 to index
        %get3A_700 = tpu.vector_load %arg6[%get3A_698, %get3A_699] {strides = array<i32>} : memref<8x1024xi32, #tpu.memory_space<vmem>>, vector<1x16xi32>,
        %get3A_701 = vector.shape_cast %get3A_700 : vector<1x16xi32> to vector<16xi32>
        %mul3A_702 = arith.constant 4 : i32
        %mul3A_703 = arith.muli %scan3A_688, %mul3A_702 : i32
        %add3A_704 = arith.constant 0 : i32
        %add3A_705 = arith.addi %mul3A_703, %add3A_704 : i32
        %mul3A_706 = arith.constant 16 : i32
        %mul3A_707 = arith.muli %add3A_705, %mul3A_706 : i32
        %get3A_708 = arith.constant 3 : i32
        %get3A_709 = arith.index_cast %get3A_708 : i32 to index
        %get3A_710 = arith.index_cast %mul3A_707 : i32 to index
        %get3A_711 = tpu.vector_load %arg5[%get3A_709, %get3A_710] {strides = array<i32>} : memref<8x1024xf32, #tpu.memory_space<vmem>>, vector<1x16xf32>,
        %get3A_712 = vector.shape_cast %get3A_711 : vector<1x16xf32> to vector<16xf32>
        %gt3A = arith.cmpi sgt, %get3A_701, %xor3A_278 : vector<16xi32>
        %jit3A = arith.constant 1.000000e+00 : f32
        %jit3A_713 = arith.constant 0.000000e+00 : f32
        %broadcast_in_dim3A_714 = vector.broadcast %jit3A : f32 to vector<16xf32>
        %broadcast_in_dim3A_715 = vector.broadcast %jit3A_713 : f32 to vector<16xf32>
        %select_n3A_716 = arith.select %gt3A, %broadcast_in_dim3A_714, %broadcast_in_dim3A_715 : vector<16xi1>, vector<16xf32>
        %add3A_717 = arith.addf %scan3A_689, %select_n3A_716 : vector<16xf32>
        %jit3A_718 = arith.constant 0.000000e+00 : f32
        %broadcast_in_dim3A_719 = vector.broadcast %jit3A_718 : f32 to vector<16xf32>
        %select_n3A_720 = arith.select %gt3A, %get3A_712, %broadcast_in_dim3A_719 : vector<16xi1>, vector<16xf32>
        %add3A_721 = arith.addf %scan3A_690, %select_n3A_720 : vector<16xf32>
        %add3A_722 = arith.addf %scan3A_691, %get3A_712 : vector<16xf32>
        %mul3A_723 = arith.constant 4 : i32
        %mul3A_724 = arith.muli %scan3A_688, %mul3A_723 : i32
        %add3A_725 = arith.constant 1 : i32
        %add3A_726 = arith.addi %mul3A_724, %add3A_725 : i32
        %mul3A_727 = arith.constant 16 : i32
        %mul3A_728 = arith.muli %add3A_726, %mul3A_727 : i32
        %get3A_729 = arith.constant 3 : i32
        %get3A_730 = arith.index_cast %get3A_729 : i32 to index
        %get3A_731 = arith.index_cast %mul3A_728 : i32 to index
        %get3A_732 = tpu.vector_load %arg6[%get3A_730, %get3A_731] {strides = array<i32>} : memref<8x1024xi32, #tpu.memory_space<vmem>>, vector<1x16xi32>,
        %get3A_733 = vector.shape_cast %get3A_732 : vector<1x16xi32> to vector<16xi32>
        %mul3A_734 = arith.constant 4 : i32
        %mul3A_735 = arith.muli %scan3A_688, %mul3A_734 : i32
        %add3A_736 = arith.constant 1 : i32
        %add3A_737 = arith.addi %mul3A_735, %add3A_736 : i32
        %mul3A_738 = arith.constant 16 : i32
        %mul3A_739 = arith.muli %add3A_737, %mul3A_738 : i32
        %get3A_740 = arith.constant 3 : i32
        %get3A_741 = arith.index_cast %get3A_740 : i32 to index
        %get3A_742 = arith.index_cast %mul3A_739 : i32 to index
        %get3A_743 = tpu.vector_load %arg5[%get3A_741, %get3A_742] {strides = array<i32>} : memref<8x1024xf32, #tpu.memory_space<vmem>>, vector<1x16xf32>,
        %get3A_744 = vector.shape_cast %get3A_743 : vector<1x16xf32> to vector<16xf32>
        %gt3A_745 = arith.cmpi sgt, %get3A_733, %xor3A_278 : vector<16xi32>
        %jit3A_746 = arith.constant 1.000000e+00 : f32
        %jit3A_747 = arith.constant 0.000000e+00 : f32
        %broadcast_in_dim3A_748 = vector.broadcast %jit3A_746 : f32 to vector<16xf32>
        %broadcast_in_dim3A_749 = vector.broadcast %jit3A_747 : f32 to vector<16xf32>
        %select_n3A_750 = arith.select %gt3A_745, %broadcast_in_dim3A_748, %broadcast_in_dim3A_749 : vector<16xi1>, vector<16xf32>
        %add3A_751 = arith.addf %add3A_717, %select_n3A_750 : vector<16xf32>
        %jit3A_752 = arith.constant 0.000000e+00 : f32
        %broadcast_in_dim3A_753 = vector.broadcast %jit3A_752 : f32 to vector<16xf32>
        %select_n3A_754 = arith.select %gt3A_745, %get3A_744, %broadcast_in_dim3A_753 : vector<16xi1>, vector<16xf32>
        %add3A_755 = arith.addf %add3A_721, %select_n3A_754 : vector<16xf32>
        %add3A_756 = arith.addf %add3A_722, %get3A_744 : vector<16xf32>
        %mul3A_757 = arith.constant 4 : i32
        %mul3A_758 = arith.muli %scan3A_688, %mul3A_757 : i32
        %add3A_759 = arith.constant 2 : i32
        %add3A_760 = arith.addi %mul3A_758, %add3A_759 : i32
        %mul3A_761 = arith.constant 16 : i32
        %mul3A_762 = arith.muli %add3A_760, %mul3A_761 : i32
        %get3A_763 = arith.constant 3 : i32
        %get3A_764 = arith.index_cast %get3A_763 : i32 to index
        %get3A_765 = arith.index_cast %mul3A_762 : i32 to index
        %get3A_766 = tpu.vector_load %arg6[%get3A_764, %get3A_765] {strides = array<i32>} : memref<8x1024xi32, #tpu.memory_space<vmem>>, vector<1x16xi32>,
        %get3A_767 = vector.shape_cast %get3A_766 : vector<1x16xi32> to vector<16xi32>
        %mul3A_768 = arith.constant 4 : i32
        %mul3A_769 = arith.muli %scan3A_688, %mul3A_768 : i32
        %add3A_770 = arith.constant 2 : i32
        %add3A_771 = arith.addi %mul3A_769, %add3A_770 : i32
        %mul3A_772 = arith.constant 16 : i32
        %mul3A_773 = arith.muli %add3A_771, %mul3A_772 : i32
        %get3A_774 = arith.constant 3 : i32
        %get3A_775 = arith.index_cast %get3A_774 : i32 to index
        %get3A_776 = arith.index_cast %mul3A_773 : i32 to index
        %get3A_777 = tpu.vector_load %arg5[%get3A_775, %get3A_776] {strides = array<i32>} : memref<8x1024xf32, #tpu.memory_space<vmem>>, vector<1x16xf32>,
        %get3A_778 = vector.shape_cast %get3A_777 : vector<1x16xf32> to vector<16xf32>
        %gt3A_779 = arith.cmpi sgt, %get3A_767, %xor3A_278 : vector<16xi32>
        %jit3A_780 = arith.constant 1.000000e+00 : f32
        %jit3A_781 = arith.constant 0.000000e+00 : f32
        %broadcast_in_dim3A_782 = vector.broadcast %jit3A_780 : f32 to vector<16xf32>
        %broadcast_in_dim3A_783 = vector.broadcast %jit3A_781 : f32 to vector<16xf32>
        %select_n3A_784 = arith.select %gt3A_779, %broadcast_in_dim3A_782, %broadcast_in_dim3A_783 : vector<16xi1>, vector<16xf32>
        %add3A_785 = arith.addf %add3A_751, %select_n3A_784 : vector<16xf32>
        %jit3A_786 = arith.constant 0.000000e+00 : f32
        %broadcast_in_dim3A_787 = vector.broadcast %jit3A_786 : f32 to vector<16xf32>
        %select_n3A_788 = arith.select %gt3A_779, %get3A_778, %broadcast_in_dim3A_787 : vector<16xi1>, vector<16xf32>
        %add3A_789 = arith.addf %add3A_755, %select_n3A_788 : vector<16xf32>
        %add3A_790 = arith.addf %add3A_756, %get3A_778 : vector<16xf32>
        %mul3A_791 = arith.constant 4 : i32
        %mul3A_792 = arith.muli %scan3A_688, %mul3A_791 : i32
        %add3A_793 = arith.constant 3 : i32
        %add3A_794 = arith.addi %mul3A_792, %add3A_793 : i32
        %mul3A_795 = arith.constant 16 : i32
        %mul3A_796 = arith.muli %add3A_794, %mul3A_795 : i32
        %get3A_797 = arith.constant 3 : i32
        %get3A_798 = arith.index_cast %get3A_797 : i32 to index
        %get3A_799 = arith.index_cast %mul3A_796 : i32 to index
        %get3A_800 = tpu.vector_load %arg6[%get3A_798, %get3A_799] {strides = array<i32>} : memref<8x1024xi32, #tpu.memory_space<vmem>>, vector<1x16xi32>,
        %get3A_801 = vector.shape_cast %get3A_800 : vector<1x16xi32> to vector<16xi32>
        %mul3A_802 = arith.constant 4 : i32
        %mul3A_803 = arith.muli %scan3A_688, %mul3A_802 : i32
        %add3A_804 = arith.constant 3 : i32
        %add3A_805 = arith.addi %mul3A_803, %add3A_804 : i32
        %mul3A_806 = arith.constant 16 : i32
        %mul3A_807 = arith.muli %add3A_805, %mul3A_806 : i32
        %get3A_808 = arith.constant 3 : i32
        %get3A_809 = arith.index_cast %get3A_808 : i32 to index
        %get3A_810 = arith.index_cast %mul3A_807 : i32 to index
        %get3A_811 = tpu.vector_load %arg5[%get3A_809, %get3A_810] {strides = array<i32>} : memref<8x1024xf32, #tpu.memory_space<vmem>>, vector<1x16xf32>,
        %get3A_812 = vector.shape_cast %get3A_811 : vector<1x16xf32> to vector<16xf32>
        %gt3A_813 = arith.cmpi sgt, %get3A_801, %xor3A_278 : vector<16xi32>
        %jit3A_814 = arith.constant 1.000000e+00 : f32
        %jit3A_815 = arith.constant 0.000000e+00 : f32
        %broadcast_in_dim3A_816 = vector.broadcast %jit3A_814 : f32 to vector<16xf32>
        %broadcast_in_dim3A_817 = vector.broadcast %jit3A_815 : f32 to vector<16xf32>
        %select_n3A_818 = arith.select %gt3A_813, %broadcast_in_dim3A_816, %broadcast_in_dim3A_817 : vector<16xi1>, vector<16xf32>
        %add3A_819 = arith.addf %add3A_785, %select_n3A_818 : vector<16xf32>
        %jit3A_820 = arith.constant 0.000000e+00 : f32
        %broadcast_in_dim3A_821 = vector.broadcast %jit3A_820 : f32 to vector<16xf32>
        %select_n3A_822 = arith.select %gt3A_813, %get3A_812, %broadcast_in_dim3A_821 : vector<16xi1>, vector<16xf32>
        %add3A_823 = arith.addf %add3A_789, %select_n3A_822 : vector<16xf32>
        %add3A_824 = arith.addf %add3A_790, %get3A_812 : vector<16xf32>
        scf.yield %add3A_819, %add3A_823, %add3A_824 : vector<16xf32>, vector<16xf32>, vector<16xf32>
      }
      %scan3A_294 = arith.constant 16 : i32
      %broadcast_in_dim3A_295 = vector.shape_cast %xor3A_22 : vector<16xi32> to vector<16x1xi32>
      %gather3A_296 = vector.shape_cast %broadcast_in_dim3A_295 : vector<16x1xi32> to vector<16xi32>
      %gather3A_297 = tpu.dynamic_gather %scan3A_293#0[%gather3A_296] in [0] : vector<16xf32>, vector<16xi32> -> vector<16xf32>
      %add3A_298 = arith.addf %scan3A_293#0, %gather3A_297 : vector<16xf32>
      %broadcast_in_dim3A_299 = vector.shape_cast %xor3A_25 : vector<16xi32> to vector<16x1xi32>
      %gather3A_300 = vector.shape_cast %broadcast_in_dim3A_299 : vector<16x1xi32> to vector<16xi32>
      %gather3A_301 = tpu.dynamic_gather %add3A_298[%gather3A_300] in [0] : vector<16xf32>, vector<16xi32> -> vector<16xf32>
      %add3A_302 = arith.addf %add3A_298, %gather3A_301 : vector<16xf32>
      %broadcast_in_dim3A_303 = vector.shape_cast %xor3A_28 : vector<16xi32> to vector<16x1xi32>
      %gather3A_304 = vector.shape_cast %broadcast_in_dim3A_303 : vector<16x1xi32> to vector<16xi32>
      %gather3A_305 = tpu.dynamic_gather %add3A_302[%gather3A_304] in [0] : vector<16xf32>, vector<16xi32> -> vector<16xf32>
      %add3A_306 = arith.addf %add3A_302, %gather3A_305 : vector<16xf32>
      %broadcast_in_dim3A_307 = vector.shape_cast %xor3A_31 : vector<16xi32> to vector<16x1xi32>
      %gather3A_308 = vector.shape_cast %broadcast_in_dim3A_307 : vector<16x1xi32> to vector<16xi32>
      %gather3A_309 = tpu.dynamic_gather %add3A_306[%gather3A_308] in [0] : vector<16xf32>, vector<16xi32> -> vector<16xf32>
      %add3A_310 = arith.addf %add3A_306, %gather3A_309 : vector<16xf32>
      %broadcast_in_dim3A_311 = vector.shape_cast %xor3A_22 : vector<16xi32> to vector<16x1xi32>
      %gather3A_312 = vector.shape_cast %broadcast_in_dim3A_311 : vector<16x1xi32> to vector<16xi32>
      %gather3A_313 = tpu.dynamic_gather %scan3A_293#1[%gather3A_312] in [0] : vector<16xf32>, vector<16xi32> -> vector<16xf32>
      %add3A_314 = arith.addf %scan3A_293#1, %gather3A_313 : vector<16xf32>
      %broadcast_in_dim3A_315 = vector.shape_cast %xor3A_25 : vector<16xi32> to vector<16x1xi32>
      %gather3A_316 = vector.shape_cast %broadcast_in_dim3A_315 : vector<16x1xi32> to vector<16xi32>
      %gather3A_317 = tpu.dynamic_gather %add3A_314[%gather3A_316] in [0] : vector<16xf32>, vector<16xi32> -> vector<16xf32>
      %add3A_318 = arith.addf %add3A_314, %gather3A_317 : vector<16xf32>
      %broadcast_in_dim3A_319 = vector.shape_cast %xor3A_28 : vector<16xi32> to vector<16x1xi32>
      %gather3A_320 = vector.shape_cast %broadcast_in_dim3A_319 : vector<16x1xi32> to vector<16xi32>
      %gather3A_321 = tpu.dynamic_gather %add3A_318[%gather3A_320] in [0] : vector<16xf32>, vector<16xi32> -> vector<16xf32>
      %add3A_322 = arith.addf %add3A_318, %gather3A_321 : vector<16xf32>
      %broadcast_in_dim3A_323 = vector.shape_cast %xor3A_31 : vector<16xi32> to vector<16x1xi32>
      %gather3A_324 = vector.shape_cast %broadcast_in_dim3A_323 : vector<16x1xi32> to vector<16xi32>
      %gather3A_325 = tpu.dynamic_gather %add3A_322[%gather3A_324] in [0] : vector<16xf32>, vector<16xi32> -> vector<16xf32>
      %add3A_326 = arith.addf %add3A_322, %gather3A_325 : vector<16xf32>
      %broadcast_in_dim3A_327 = vector.shape_cast %xor3A_22 : vector<16xi32> to vector<16x1xi32>
      %gather3A_328 = vector.shape_cast %broadcast_in_dim3A_327 : vector<16x1xi32> to vector<16xi32>
      %gather3A_329 = tpu.dynamic_gather %scan3A_293#2[%gather3A_328] in [0] : vector<16xf32>, vector<16xi32> -> vector<16xf32>
      %add3A_330 = arith.addf %scan3A_293#2, %gather3A_329 : vector<16xf32>
      %broadcast_in_dim3A_331 = vector.shape_cast %xor3A_25 : vector<16xi32> to vector<16x1xi32>
      %gather3A_332 = vector.shape_cast %broadcast_in_dim3A_331 : vector<16x1xi32> to vector<16xi32>
      %gather3A_333 = tpu.dynamic_gather %add3A_330[%gather3A_332] in [0] : vector<16xf32>, vector<16xi32> -> vector<16xf32>
      %add3A_334 = arith.addf %add3A_330, %gather3A_333 : vector<16xf32>
      %broadcast_in_dim3A_335 = vector.shape_cast %xor3A_28 : vector<16xi32> to vector<16x1xi32>
      %gather3A_336 = vector.shape_cast %broadcast_in_dim3A_335 : vector<16x1xi32> to vector<16xi32>
      %gather3A_337 = tpu.dynamic_gather %add3A_334[%gather3A_336] in [0] : vector<16xf32>, vector<16xi32> -> vector<16xf32>
      %add3A_338 = arith.addf %add3A_334, %gather3A_337 : vector<16xf32>
      %broadcast_in_dim3A_339 = vector.shape_cast %xor3A_31 : vector<16xi32> to vector<16x1xi32>
      %gather3A_340 = vector.shape_cast %broadcast_in_dim3A_339 : vector<16x1xi32> to vector<16xi32>
      %gather3A_341 = tpu.dynamic_gather %add3A_338[%gather3A_340] in [0] : vector<16xf32>, vector<16xi32> -> vector<16xf32>
      %add3A_342 = arith.addf %add3A_338, %gather3A_341 : vector<16xf32>
      %sub3A_343 = arith.constant 2.560000e+02 : f32
      %sub3A_344 = vector.broadcast %sub3A_343 : f32 to vector<16xf32>
      %sub3A_345 = arith.subf %sub3A_344, %add3A_310 : vector<16xf32>
      %mul3A_346 = arith.mulf %sub3A_345, %bitcast_convert_type3A_286 : vector<16xf32>
      %add3A_347 = arith.addf %add3A_326, %mul3A_346 : vector<16xf32>
      %eq3A_348 = arith.constant 3 : i32
      %eq3A_349 = vector.broadcast %eq3A_348 : i32 to vector<16xi32>
      %eq3A_350 = arith.cmpi eq, %iota3A, %eq3A_349 : vector<16xi32>
      %select_n3A_351 = arith.select %eq3A_350, %add3A_347, %select_n3A_271 : vector<16xi1>, vector<16xf32>
      %eq3A_352 = arith.constant 3 : i32
      %eq3A_353 = vector.broadcast %eq3A_352 : i32 to vector<16xi32>
      %eq3A_354 = arith.cmpi eq, %iota3A, %eq3A_353 : vector<16xi32>
      %select_n3A_355 = arith.select %eq3A_354, %add3A_342, %select_n3A_275 : vector<16xi1>, vector<16xf32>
      %xor3A_356 = arith.constant -2147483648 : i32
      %xor3A_357 = vector.broadcast %xor3A_356 : i32 to vector<16xi32>
      %xor3A_358 = arith.xori %scan3A_37#4, %xor3A_357 : vector<16xi32>
      %shift_right_arithmetic3A_359 = arith.constant 31 : i32
      %shift_right_arithmetic3A_360 = vector.broadcast %shift_right_arithmetic3A_359 : i32 to vector<16xi32>
      %shift_right_arithmetic3A_361 = arith.shrsi %xor3A_358, %shift_right_arithmetic3A_360 : vector<16xi32>
      %and3A_362 = arith.constant 2147483647 : i32
      %and3A_363 = vector.broadcast %and3A_362 : i32 to vector<16xi32>
      %and3A_364 = arith.andi %shift_right_arithmetic3A_361, %and3A_363 : vector<16xi32>
      %xor3A_365 = arith.xori %xor3A_358, %and3A_364 : vector<16xi32>
      %bitcast_convert_type3A_366 = tpu.bitcast %xor3A_365 : vector<16xi32> -> vector<16xf32>
      %broadcast_in_dim3A_367 = arith.constant 0.000000e+00 : f32
      %broadcast_in_dim3A_368 = vector.broadcast %broadcast_in_dim3A_367 : f32 to vector<16xf32>
      %scan3A_369 = arith.constant 0 : i32
      %scan3A_370 = arith.constant 16 : i32
      %scan3A_371 = arith.addi %scan3A_369, %scan3A_370 : i32
      %scan3A_372 = arith.constant 1 : i32
      %scan3A_373:3 = scf.for %scan3A_688 = %scan3A_369 to %scan3A_371 step %scan3A_372 iter_args(%scan3A_689 = %broadcast_in_dim3A_368, %scan3A_690 = %broadcast_in_dim3A_368, %scan3A_691 = %broadcast_in_dim3A_368) -> (vector<16xf32>, vector<16xf32>, vector<16xf32>)  : i32 {
        %mul3A_692 = arith.constant 4 : i32
        %mul3A_693 = arith.muli %scan3A_688, %mul3A_692 : i32
        %add3A_694 = arith.constant 0 : i32
        %add3A_695 = arith.addi %mul3A_693, %add3A_694 : i32
        %mul3A_696 = arith.constant 16 : i32
        %mul3A_697 = arith.muli %add3A_695, %mul3A_696 : i32
        %get3A = arith.constant 4 : i32
        %get3A_698 = arith.index_cast %get3A : i32 to index
        %get3A_699 = arith.index_cast %mul3A_697 : i32 to index
        %get3A_700 = tpu.vector_load %arg6[%get3A_698, %get3A_699] {strides = array<i32>} : memref<8x1024xi32, #tpu.memory_space<vmem>>, vector<1x16xi32>,
        %get3A_701 = vector.shape_cast %get3A_700 : vector<1x16xi32> to vector<16xi32>
        %mul3A_702 = arith.constant 4 : i32
        %mul3A_703 = arith.muli %scan3A_688, %mul3A_702 : i32
        %add3A_704 = arith.constant 0 : i32
        %add3A_705 = arith.addi %mul3A_703, %add3A_704 : i32
        %mul3A_706 = arith.constant 16 : i32
        %mul3A_707 = arith.muli %add3A_705, %mul3A_706 : i32
        %get3A_708 = arith.constant 4 : i32
        %get3A_709 = arith.index_cast %get3A_708 : i32 to index
        %get3A_710 = arith.index_cast %mul3A_707 : i32 to index
        %get3A_711 = tpu.vector_load %arg5[%get3A_709, %get3A_710] {strides = array<i32>} : memref<8x1024xf32, #tpu.memory_space<vmem>>, vector<1x16xf32>,
        %get3A_712 = vector.shape_cast %get3A_711 : vector<1x16xf32> to vector<16xf32>
        %gt3A = arith.cmpi sgt, %get3A_701, %xor3A_358 : vector<16xi32>
        %jit3A = arith.constant 1.000000e+00 : f32
        %jit3A_713 = arith.constant 0.000000e+00 : f32
        %broadcast_in_dim3A_714 = vector.broadcast %jit3A : f32 to vector<16xf32>
        %broadcast_in_dim3A_715 = vector.broadcast %jit3A_713 : f32 to vector<16xf32>
        %select_n3A_716 = arith.select %gt3A, %broadcast_in_dim3A_714, %broadcast_in_dim3A_715 : vector<16xi1>, vector<16xf32>
        %add3A_717 = arith.addf %scan3A_689, %select_n3A_716 : vector<16xf32>
        %jit3A_718 = arith.constant 0.000000e+00 : f32
        %broadcast_in_dim3A_719 = vector.broadcast %jit3A_718 : f32 to vector<16xf32>
        %select_n3A_720 = arith.select %gt3A, %get3A_712, %broadcast_in_dim3A_719 : vector<16xi1>, vector<16xf32>
        %add3A_721 = arith.addf %scan3A_690, %select_n3A_720 : vector<16xf32>
        %add3A_722 = arith.addf %scan3A_691, %get3A_712 : vector<16xf32>
        %mul3A_723 = arith.constant 4 : i32
        %mul3A_724 = arith.muli %scan3A_688, %mul3A_723 : i32
        %add3A_725 = arith.constant 1 : i32
        %add3A_726 = arith.addi %mul3A_724, %add3A_725 : i32
        %mul3A_727 = arith.constant 16 : i32
        %mul3A_728 = arith.muli %add3A_726, %mul3A_727 : i32
        %get3A_729 = arith.constant 4 : i32
        %get3A_730 = arith.index_cast %get3A_729 : i32 to index
        %get3A_731 = arith.index_cast %mul3A_728 : i32 to index
        %get3A_732 = tpu.vector_load %arg6[%get3A_730, %get3A_731] {strides = array<i32>} : memref<8x1024xi32, #tpu.memory_space<vmem>>, vector<1x16xi32>,
        %get3A_733 = vector.shape_cast %get3A_732 : vector<1x16xi32> to vector<16xi32>
        %mul3A_734 = arith.constant 4 : i32
        %mul3A_735 = arith.muli %scan3A_688, %mul3A_734 : i32
        %add3A_736 = arith.constant 1 : i32
        %add3A_737 = arith.addi %mul3A_735, %add3A_736 : i32
        %mul3A_738 = arith.constant 16 : i32
        %mul3A_739 = arith.muli %add3A_737, %mul3A_738 : i32
        %get3A_740 = arith.constant 4 : i32
        %get3A_741 = arith.index_cast %get3A_740 : i32 to index
        %get3A_742 = arith.index_cast %mul3A_739 : i32 to index
        %get3A_743 = tpu.vector_load %arg5[%get3A_741, %get3A_742] {strides = array<i32>} : memref<8x1024xf32, #tpu.memory_space<vmem>>, vector<1x16xf32>,
        %get3A_744 = vector.shape_cast %get3A_743 : vector<1x16xf32> to vector<16xf32>
        %gt3A_745 = arith.cmpi sgt, %get3A_733, %xor3A_358 : vector<16xi32>
        %jit3A_746 = arith.constant 1.000000e+00 : f32
        %jit3A_747 = arith.constant 0.000000e+00 : f32
        %broadcast_in_dim3A_748 = vector.broadcast %jit3A_746 : f32 to vector<16xf32>
        %broadcast_in_dim3A_749 = vector.broadcast %jit3A_747 : f32 to vector<16xf32>
        %select_n3A_750 = arith.select %gt3A_745, %broadcast_in_dim3A_748, %broadcast_in_dim3A_749 : vector<16xi1>, vector<16xf32>
        %add3A_751 = arith.addf %add3A_717, %select_n3A_750 : vector<16xf32>
        %jit3A_752 = arith.constant 0.000000e+00 : f32
        %broadcast_in_dim3A_753 = vector.broadcast %jit3A_752 : f32 to vector<16xf32>
        %select_n3A_754 = arith.select %gt3A_745, %get3A_744, %broadcast_in_dim3A_753 : vector<16xi1>, vector<16xf32>
        %add3A_755 = arith.addf %add3A_721, %select_n3A_754 : vector<16xf32>
        %add3A_756 = arith.addf %add3A_722, %get3A_744 : vector<16xf32>
        %mul3A_757 = arith.constant 4 : i32
        %mul3A_758 = arith.muli %scan3A_688, %mul3A_757 : i32
        %add3A_759 = arith.constant 2 : i32
        %add3A_760 = arith.addi %mul3A_758, %add3A_759 : i32
        %mul3A_761 = arith.constant 16 : i32
        %mul3A_762 = arith.muli %add3A_760, %mul3A_761 : i32
        %get3A_763 = arith.constant 4 : i32
        %get3A_764 = arith.index_cast %get3A_763 : i32 to index
        %get3A_765 = arith.index_cast %mul3A_762 : i32 to index
        %get3A_766 = tpu.vector_load %arg6[%get3A_764, %get3A_765] {strides = array<i32>} : memref<8x1024xi32, #tpu.memory_space<vmem>>, vector<1x16xi32>,
        %get3A_767 = vector.shape_cast %get3A_766 : vector<1x16xi32> to vector<16xi32>
        %mul3A_768 = arith.constant 4 : i32
        %mul3A_769 = arith.muli %scan3A_688, %mul3A_768 : i32
        %add3A_770 = arith.constant 2 : i32
        %add3A_771 = arith.addi %mul3A_769, %add3A_770 : i32
        %mul3A_772 = arith.constant 16 : i32
        %mul3A_773 = arith.muli %add3A_771, %mul3A_772 : i32
        %get3A_774 = arith.constant 4 : i32
        %get3A_775 = arith.index_cast %get3A_774 : i32 to index
        %get3A_776 = arith.index_cast %mul3A_773 : i32 to index
        %get3A_777 = tpu.vector_load %arg5[%get3A_775, %get3A_776] {strides = array<i32>} : memref<8x1024xf32, #tpu.memory_space<vmem>>, vector<1x16xf32>,
        %get3A_778 = vector.shape_cast %get3A_777 : vector<1x16xf32> to vector<16xf32>
        %gt3A_779 = arith.cmpi sgt, %get3A_767, %xor3A_358 : vector<16xi32>
        %jit3A_780 = arith.constant 1.000000e+00 : f32
        %jit3A_781 = arith.constant 0.000000e+00 : f32
        %broadcast_in_dim3A_782 = vector.broadcast %jit3A_780 : f32 to vector<16xf32>
        %broadcast_in_dim3A_783 = vector.broadcast %jit3A_781 : f32 to vector<16xf32>
        %select_n3A_784 = arith.select %gt3A_779, %broadcast_in_dim3A_782, %broadcast_in_dim3A_783 : vector<16xi1>, vector<16xf32>
        %add3A_785 = arith.addf %add3A_751, %select_n3A_784 : vector<16xf32>
        %jit3A_786 = arith.constant 0.000000e+00 : f32
        %broadcast_in_dim3A_787 = vector.broadcast %jit3A_786 : f32 to vector<16xf32>
        %select_n3A_788 = arith.select %gt3A_779, %get3A_778, %broadcast_in_dim3A_787 : vector<16xi1>, vector<16xf32>
        %add3A_789 = arith.addf %add3A_755, %select_n3A_788 : vector<16xf32>
        %add3A_790 = arith.addf %add3A_756, %get3A_778 : vector<16xf32>
        %mul3A_791 = arith.constant 4 : i32
        %mul3A_792 = arith.muli %scan3A_688, %mul3A_791 : i32
        %add3A_793 = arith.constant 3 : i32
        %add3A_794 = arith.addi %mul3A_792, %add3A_793 : i32
        %mul3A_795 = arith.constant 16 : i32
        %mul3A_796 = arith.muli %add3A_794, %mul3A_795 : i32
        %get3A_797 = arith.constant 4 : i32
        %get3A_798 = arith.index_cast %get3A_797 : i32 to index
        %get3A_799 = arith.index_cast %mul3A_796 : i32 to index
        %get3A_800 = tpu.vector_load %arg6[%get3A_798, %get3A_799] {strides = array<i32>} : memref<8x1024xi32, #tpu.memory_space<vmem>>, vector<1x16xi32>,
        %get3A_801 = vector.shape_cast %get3A_800 : vector<1x16xi32> to vector<16xi32>
        %mul3A_802 = arith.constant 4 : i32
        %mul3A_803 = arith.muli %scan3A_688, %mul3A_802 : i32
        %add3A_804 = arith.constant 3 : i32
        %add3A_805 = arith.addi %mul3A_803, %add3A_804 : i32
        %mul3A_806 = arith.constant 16 : i32
        %mul3A_807 = arith.muli %add3A_805, %mul3A_806 : i32
        %get3A_808 = arith.constant 4 : i32
        %get3A_809 = arith.index_cast %get3A_808 : i32 to index
        %get3A_810 = arith.index_cast %mul3A_807 : i32 to index
        %get3A_811 = tpu.vector_load %arg5[%get3A_809, %get3A_810] {strides = array<i32>} : memref<8x1024xf32, #tpu.memory_space<vmem>>, vector<1x16xf32>,
        %get3A_812 = vector.shape_cast %get3A_811 : vector<1x16xf32> to vector<16xf32>
        %gt3A_813 = arith.cmpi sgt, %get3A_801, %xor3A_358 : vector<16xi32>
        %jit3A_814 = arith.constant 1.000000e+00 : f32
        %jit3A_815 = arith.constant 0.000000e+00 : f32
        %broadcast_in_dim3A_816 = vector.broadcast %jit3A_814 : f32 to vector<16xf32>
        %broadcast_in_dim3A_817 = vector.broadcast %jit3A_815 : f32 to vector<16xf32>
        %select_n3A_818 = arith.select %gt3A_813, %broadcast_in_dim3A_816, %broadcast_in_dim3A_817 : vector<16xi1>, vector<16xf32>
        %add3A_819 = arith.addf %add3A_785, %select_n3A_818 : vector<16xf32>
        %jit3A_820 = arith.constant 0.000000e+00 : f32
        %broadcast_in_dim3A_821 = vector.broadcast %jit3A_820 : f32 to vector<16xf32>
        %select_n3A_822 = arith.select %gt3A_813, %get3A_812, %broadcast_in_dim3A_821 : vector<16xi1>, vector<16xf32>
        %add3A_823 = arith.addf %add3A_789, %select_n3A_822 : vector<16xf32>
        %add3A_824 = arith.addf %add3A_790, %get3A_812 : vector<16xf32>
        scf.yield %add3A_819, %add3A_823, %add3A_824 : vector<16xf32>, vector<16xf32>, vector<16xf32>
      }
      %scan3A_374 = arith.constant 16 : i32
      %broadcast_in_dim3A_375 = vector.shape_cast %xor3A_22 : vector<16xi32> to vector<16x1xi32>
      %gather3A_376 = vector.shape_cast %broadcast_in_dim3A_375 : vector<16x1xi32> to vector<16xi32>
      %gather3A_377 = tpu.dynamic_gather %scan3A_373#0[%gather3A_376] in [0] : vector<16xf32>, vector<16xi32> -> vector<16xf32>
      %add3A_378 = arith.addf %scan3A_373#0, %gather3A_377 : vector<16xf32>
      %broadcast_in_dim3A_379 = vector.shape_cast %xor3A_25 : vector<16xi32> to vector<16x1xi32>
      %gather3A_380 = vector.shape_cast %broadcast_in_dim3A_379 : vector<16x1xi32> to vector<16xi32>
      %gather3A_381 = tpu.dynamic_gather %add3A_378[%gather3A_380] in [0] : vector<16xf32>, vector<16xi32> -> vector<16xf32>
      %add3A_382 = arith.addf %add3A_378, %gather3A_381 : vector<16xf32>
      %broadcast_in_dim3A_383 = vector.shape_cast %xor3A_28 : vector<16xi32> to vector<16x1xi32>
      %gather3A_384 = vector.shape_cast %broadcast_in_dim3A_383 : vector<16x1xi32> to vector<16xi32>
      %gather3A_385 = tpu.dynamic_gather %add3A_382[%gather3A_384] in [0] : vector<16xf32>, vector<16xi32> -> vector<16xf32>
      %add3A_386 = arith.addf %add3A_382, %gather3A_385 : vector<16xf32>
      %broadcast_in_dim3A_387 = vector.shape_cast %xor3A_31 : vector<16xi32> to vector<16x1xi32>
      %gather3A_388 = vector.shape_cast %broadcast_in_dim3A_387 : vector<16x1xi32> to vector<16xi32>
      %gather3A_389 = tpu.dynamic_gather %add3A_386[%gather3A_388] in [0] : vector<16xf32>, vector<16xi32> -> vector<16xf32>
      %add3A_390 = arith.addf %add3A_386, %gather3A_389 : vector<16xf32>
      %broadcast_in_dim3A_391 = vector.shape_cast %xor3A_22 : vector<16xi32> to vector<16x1xi32>
      %gather3A_392 = vector.shape_cast %broadcast_in_dim3A_391 : vector<16x1xi32> to vector<16xi32>
      %gather3A_393 = tpu.dynamic_gather %scan3A_373#1[%gather3A_392] in [0] : vector<16xf32>, vector<16xi32> -> vector<16xf32>
      %add3A_394 = arith.addf %scan3A_373#1, %gather3A_393 : vector<16xf32>
      %broadcast_in_dim3A_395 = vector.shape_cast %xor3A_25 : vector<16xi32> to vector<16x1xi32>
      %gather3A_396 = vector.shape_cast %broadcast_in_dim3A_395 : vector<16x1xi32> to vector<16xi32>
      %gather3A_397 = tpu.dynamic_gather %add3A_394[%gather3A_396] in [0] : vector<16xf32>, vector<16xi32> -> vector<16xf32>
      %add3A_398 = arith.addf %add3A_394, %gather3A_397 : vector<16xf32>
      %broadcast_in_dim3A_399 = vector.shape_cast %xor3A_28 : vector<16xi32> to vector<16x1xi32>
      %gather3A_400 = vector.shape_cast %broadcast_in_dim3A_399 : vector<16x1xi32> to vector<16xi32>
      %gather3A_401 = tpu.dynamic_gather %add3A_398[%gather3A_400] in [0] : vector<16xf32>, vector<16xi32> -> vector<16xf32>
      %add3A_402 = arith.addf %add3A_398, %gather3A_401 : vector<16xf32>
      %broadcast_in_dim3A_403 = vector.shape_cast %xor3A_31 : vector<16xi32> to vector<16x1xi32>
      %gather3A_404 = vector.shape_cast %broadcast_in_dim3A_403 : vector<16x1xi32> to vector<16xi32>
      %gather3A_405 = tpu.dynamic_gather %add3A_402[%gather3A_404] in [0] : vector<16xf32>, vector<16xi32> -> vector<16xf32>
      %add3A_406 = arith.addf %add3A_402, %gather3A_405 : vector<16xf32>
      %broadcast_in_dim3A_407 = vector.shape_cast %xor3A_22 : vector<16xi32> to vector<16x1xi32>
      %gather3A_408 = vector.shape_cast %broadcast_in_dim3A_407 : vector<16x1xi32> to vector<16xi32>
      %gather3A_409 = tpu.dynamic_gather %scan3A_373#2[%gather3A_408] in [0] : vector<16xf32>, vector<16xi32> -> vector<16xf32>
      %add3A_410 = arith.addf %scan3A_373#2, %gather3A_409 : vector<16xf32>
      %broadcast_in_dim3A_411 = vector.shape_cast %xor3A_25 : vector<16xi32> to vector<16x1xi32>
      %gather3A_412 = vector.shape_cast %broadcast_in_dim3A_411 : vector<16x1xi32> to vector<16xi32>
      %gather3A_413 = tpu.dynamic_gather %add3A_410[%gather3A_412] in [0] : vector<16xf32>, vector<16xi32> -> vector<16xf32>
      %add3A_414 = arith.addf %add3A_410, %gather3A_413 : vector<16xf32>
      %broadcast_in_dim3A_415 = vector.shape_cast %xor3A_28 : vector<16xi32> to vector<16x1xi32>
      %gather3A_416 = vector.shape_cast %broadcast_in_dim3A_415 : vector<16x1xi32> to vector<16xi32>
      %gather3A_417 = tpu.dynamic_gather %add3A_414[%gather3A_416] in [0] : vector<16xf32>, vector<16xi32> -> vector<16xf32>
      %add3A_418 = arith.addf %add3A_414, %gather3A_417 : vector<16xf32>
      %broadcast_in_dim3A_419 = vector.shape_cast %xor3A_31 : vector<16xi32> to vector<16x1xi32>
      %gather3A_420 = vector.shape_cast %broadcast_in_dim3A_419 : vector<16x1xi32> to vector<16xi32>
      %gather3A_421 = tpu.dynamic_gather %add3A_418[%gather3A_420] in [0] : vector<16xf32>, vector<16xi32> -> vector<16xf32>
      %add3A_422 = arith.addf %add3A_418, %gather3A_421 : vector<16xf32>
      %sub3A_423 = arith.constant 2.560000e+02 : f32
      %sub3A_424 = vector.broadcast %sub3A_423 : f32 to vector<16xf32>
      %sub3A_425 = arith.subf %sub3A_424, %add3A_390 : vector<16xf32>
      %mul3A_426 = arith.mulf %sub3A_425, %bitcast_convert_type3A_366 : vector<16xf32>
      %add3A_427 = arith.addf %add3A_406, %mul3A_426 : vector<16xf32>
      %eq3A_428 = arith.constant 4 : i32
      %eq3A_429 = vector.broadcast %eq3A_428 : i32 to vector<16xi32>
      %eq3A_430 = arith.cmpi eq, %iota3A, %eq3A_429 : vector<16xi32>
      %select_n3A_431 = arith.select %eq3A_430, %add3A_427, %select_n3A_351 : vector<16xi1>, vector<16xf32>
      %eq3A_432 = arith.constant 4 : i32
      %eq3A_433 = vector.broadcast %eq3A_432 : i32 to vector<16xi32>
      %eq3A_434 = arith.cmpi eq, %iota3A, %eq3A_433 : vector<16xi32>
      %select_n3A_435 = arith.select %eq3A_434, %add3A_422, %select_n3A_355 : vector<16xi1>, vector<16xf32>
      %xor3A_436 = arith.constant -2147483648 : i32
      %xor3A_437 = vector.broadcast %xor3A_436 : i32 to vector<16xi32>
      %xor3A_438 = arith.xori %scan3A_37#5, %xor3A_437 : vector<16xi32>
      %shift_right_arithmetic3A_439 = arith.constant 31 : i32
      %shift_right_arithmetic3A_440 = vector.broadcast %shift_right_arithmetic3A_439 : i32 to vector<16xi32>
      %shift_right_arithmetic3A_441 = arith.shrsi %xor3A_438, %shift_right_arithmetic3A_440 : vector<16xi32>
      %and3A_442 = arith.constant 2147483647 : i32
      %and3A_443 = vector.broadcast %and3A_442 : i32 to vector<16xi32>
      %and3A_444 = arith.andi %shift_right_arithmetic3A_441, %and3A_443 : vector<16xi32>
      %xor3A_445 = arith.xori %xor3A_438, %and3A_444 : vector<16xi32>
      %bitcast_convert_type3A_446 = tpu.bitcast %xor3A_445 : vector<16xi32> -> vector<16xf32>
      %broadcast_in_dim3A_447 = arith.constant 0.000000e+00 : f32
      %broadcast_in_dim3A_448 = vector.broadcast %broadcast_in_dim3A_447 : f32 to vector<16xf32>
      %scan3A_449 = arith.constant 0 : i32
      %scan3A_450 = arith.constant 16 : i32
      %scan3A_451 = arith.addi %scan3A_449, %scan3A_450 : i32
      %scan3A_452 = arith.constant 1 : i32
      %scan3A_453:3 = scf.for %scan3A_688 = %scan3A_449 to %scan3A_451 step %scan3A_452 iter_args(%scan3A_689 = %broadcast_in_dim3A_448, %scan3A_690 = %broadcast_in_dim3A_448, %scan3A_691 = %broadcast_in_dim3A_448) -> (vector<16xf32>, vector<16xf32>, vector<16xf32>)  : i32 {
        %mul3A_692 = arith.constant 4 : i32
        %mul3A_693 = arith.muli %scan3A_688, %mul3A_692 : i32
        %add3A_694 = arith.constant 0 : i32
        %add3A_695 = arith.addi %mul3A_693, %add3A_694 : i32
        %mul3A_696 = arith.constant 16 : i32
        %mul3A_697 = arith.muli %add3A_695, %mul3A_696 : i32
        %get3A = arith.constant 5 : i32
        %get3A_698 = arith.index_cast %get3A : i32 to index
        %get3A_699 = arith.index_cast %mul3A_697 : i32 to index
        %get3A_700 = tpu.vector_load %arg6[%get3A_698, %get3A_699] {strides = array<i32>} : memref<8x1024xi32, #tpu.memory_space<vmem>>, vector<1x16xi32>,
        %get3A_701 = vector.shape_cast %get3A_700 : vector<1x16xi32> to vector<16xi32>
        %mul3A_702 = arith.constant 4 : i32
        %mul3A_703 = arith.muli %scan3A_688, %mul3A_702 : i32
        %add3A_704 = arith.constant 0 : i32
        %add3A_705 = arith.addi %mul3A_703, %add3A_704 : i32
        %mul3A_706 = arith.constant 16 : i32
        %mul3A_707 = arith.muli %add3A_705, %mul3A_706 : i32
        %get3A_708 = arith.constant 5 : i32
        %get3A_709 = arith.index_cast %get3A_708 : i32 to index
        %get3A_710 = arith.index_cast %mul3A_707 : i32 to index
        %get3A_711 = tpu.vector_load %arg5[%get3A_709, %get3A_710] {strides = array<i32>} : memref<8x1024xf32, #tpu.memory_space<vmem>>, vector<1x16xf32>,
        %get3A_712 = vector.shape_cast %get3A_711 : vector<1x16xf32> to vector<16xf32>
        %gt3A = arith.cmpi sgt, %get3A_701, %xor3A_438 : vector<16xi32>
        %jit3A = arith.constant 1.000000e+00 : f32
        %jit3A_713 = arith.constant 0.000000e+00 : f32
        %broadcast_in_dim3A_714 = vector.broadcast %jit3A : f32 to vector<16xf32>
        %broadcast_in_dim3A_715 = vector.broadcast %jit3A_713 : f32 to vector<16xf32>
        %select_n3A_716 = arith.select %gt3A, %broadcast_in_dim3A_714, %broadcast_in_dim3A_715 : vector<16xi1>, vector<16xf32>
        %add3A_717 = arith.addf %scan3A_689, %select_n3A_716 : vector<16xf32>
        %jit3A_718 = arith.constant 0.000000e+00 : f32
        %broadcast_in_dim3A_719 = vector.broadcast %jit3A_718 : f32 to vector<16xf32>
        %select_n3A_720 = arith.select %gt3A, %get3A_712, %broadcast_in_dim3A_719 : vector<16xi1>, vector<16xf32>
        %add3A_721 = arith.addf %scan3A_690, %select_n3A_720 : vector<16xf32>
        %add3A_722 = arith.addf %scan3A_691, %get3A_712 : vector<16xf32>
        %mul3A_723 = arith.constant 4 : i32
        %mul3A_724 = arith.muli %scan3A_688, %mul3A_723 : i32
        %add3A_725 = arith.constant 1 : i32
        %add3A_726 = arith.addi %mul3A_724, %add3A_725 : i32
        %mul3A_727 = arith.constant 16 : i32
        %mul3A_728 = arith.muli %add3A_726, %mul3A_727 : i32
        %get3A_729 = arith.constant 5 : i32
        %get3A_730 = arith.index_cast %get3A_729 : i32 to index
        %get3A_731 = arith.index_cast %mul3A_728 : i32 to index
        %get3A_732 = tpu.vector_load %arg6[%get3A_730, %get3A_731] {strides = array<i32>} : memref<8x1024xi32, #tpu.memory_space<vmem>>, vector<1x16xi32>,
        %get3A_733 = vector.shape_cast %get3A_732 : vector<1x16xi32> to vector<16xi32>
        %mul3A_734 = arith.constant 4 : i32
        %mul3A_735 = arith.muli %scan3A_688, %mul3A_734 : i32
        %add3A_736 = arith.constant 1 : i32
        %add3A_737 = arith.addi %mul3A_735, %add3A_736 : i32
        %mul3A_738 = arith.constant 16 : i32
        %mul3A_739 = arith.muli %add3A_737, %mul3A_738 : i32
        %get3A_740 = arith.constant 5 : i32
        %get3A_741 = arith.index_cast %get3A_740 : i32 to index
        %get3A_742 = arith.index_cast %mul3A_739 : i32 to index
        %get3A_743 = tpu.vector_load %arg5[%get3A_741, %get3A_742] {strides = array<i32>} : memref<8x1024xf32, #tpu.memory_space<vmem>>, vector<1x16xf32>,
        %get3A_744 = vector.shape_cast %get3A_743 : vector<1x16xf32> to vector<16xf32>
        %gt3A_745 = arith.cmpi sgt, %get3A_733, %xor3A_438 : vector<16xi32>
        %jit3A_746 = arith.constant 1.000000e+00 : f32
        %jit3A_747 = arith.constant 0.000000e+00 : f32
        %broadcast_in_dim3A_748 = vector.broadcast %jit3A_746 : f32 to vector<16xf32>
        %broadcast_in_dim3A_749 = vector.broadcast %jit3A_747 : f32 to vector<16xf32>
        %select_n3A_750 = arith.select %gt3A_745, %broadcast_in_dim3A_748, %broadcast_in_dim3A_749 : vector<16xi1>, vector<16xf32>
        %add3A_751 = arith.addf %add3A_717, %select_n3A_750 : vector<16xf32>
        %jit3A_752 = arith.constant 0.000000e+00 : f32
        %broadcast_in_dim3A_753 = vector.broadcast %jit3A_752 : f32 to vector<16xf32>
        %select_n3A_754 = arith.select %gt3A_745, %get3A_744, %broadcast_in_dim3A_753 : vector<16xi1>, vector<16xf32>
        %add3A_755 = arith.addf %add3A_721, %select_n3A_754 : vector<16xf32>
        %add3A_756 = arith.addf %add3A_722, %get3A_744 : vector<16xf32>
        %mul3A_757 = arith.constant 4 : i32
        %mul3A_758 = arith.muli %scan3A_688, %mul3A_757 : i32
        %add3A_759 = arith.constant 2 : i32
        %add3A_760 = arith.addi %mul3A_758, %add3A_759 : i32
        %mul3A_761 = arith.constant 16 : i32
        %mul3A_762 = arith.muli %add3A_760, %mul3A_761 : i32
        %get3A_763 = arith.constant 5 : i32
        %get3A_764 = arith.index_cast %get3A_763 : i32 to index
        %get3A_765 = arith.index_cast %mul3A_762 : i32 to index
        %get3A_766 = tpu.vector_load %arg6[%get3A_764, %get3A_765] {strides = array<i32>} : memref<8x1024xi32, #tpu.memory_space<vmem>>, vector<1x16xi32>,
        %get3A_767 = vector.shape_cast %get3A_766 : vector<1x16xi32> to vector<16xi32>
        %mul3A_768 = arith.constant 4 : i32
        %mul3A_769 = arith.muli %scan3A_688, %mul3A_768 : i32
        %add3A_770 = arith.constant 2 : i32
        %add3A_771 = arith.addi %mul3A_769, %add3A_770 : i32
        %mul3A_772 = arith.constant 16 : i32
        %mul3A_773 = arith.muli %add3A_771, %mul3A_772 : i32
        %get3A_774 = arith.constant 5 : i32
        %get3A_775 = arith.index_cast %get3A_774 : i32 to index
        %get3A_776 = arith.index_cast %mul3A_773 : i32 to index
        %get3A_777 = tpu.vector_load %arg5[%get3A_775, %get3A_776] {strides = array<i32>} : memref<8x1024xf32, #tpu.memory_space<vmem>>, vector<1x16xf32>,
        %get3A_778 = vector.shape_cast %get3A_777 : vector<1x16xf32> to vector<16xf32>
        %gt3A_779 = arith.cmpi sgt, %get3A_767, %xor3A_438 : vector<16xi32>
        %jit3A_780 = arith.constant 1.000000e+00 : f32
        %jit3A_781 = arith.constant 0.000000e+00 : f32
        %broadcast_in_dim3A_782 = vector.broadcast %jit3A_780 : f32 to vector<16xf32>
        %broadcast_in_dim3A_783 = vector.broadcast %jit3A_781 : f32 to vector<16xf32>
        %select_n3A_784 = arith.select %gt3A_779, %broadcast_in_dim3A_782, %broadcast_in_dim3A_783 : vector<16xi1>, vector<16xf32>
        %add3A_785 = arith.addf %add3A_751, %select_n3A_784 : vector<16xf32>
        %jit3A_786 = arith.constant 0.000000e+00 : f32
        %broadcast_in_dim3A_787 = vector.broadcast %jit3A_786 : f32 to vector<16xf32>
        %select_n3A_788 = arith.select %gt3A_779, %get3A_778, %broadcast_in_dim3A_787 : vector<16xi1>, vector<16xf32>
        %add3A_789 = arith.addf %add3A_755, %select_n3A_788 : vector<16xf32>
        %add3A_790 = arith.addf %add3A_756, %get3A_778 : vector<16xf32>
        %mul3A_791 = arith.constant 4 : i32
        %mul3A_792 = arith.muli %scan3A_688, %mul3A_791 : i32
        %add3A_793 = arith.constant 3 : i32
        %add3A_794 = arith.addi %mul3A_792, %add3A_793 : i32
        %mul3A_795 = arith.constant 16 : i32
        %mul3A_796 = arith.muli %add3A_794, %mul3A_795 : i32
        %get3A_797 = arith.constant 5 : i32
        %get3A_798 = arith.index_cast %get3A_797 : i32 to index
        %get3A_799 = arith.index_cast %mul3A_796 : i32 to index
        %get3A_800 = tpu.vector_load %arg6[%get3A_798, %get3A_799] {strides = array<i32>} : memref<8x1024xi32, #tpu.memory_space<vmem>>, vector<1x16xi32>,
        %get3A_801 = vector.shape_cast %get3A_800 : vector<1x16xi32> to vector<16xi32>
        %mul3A_802 = arith.constant 4 : i32
        %mul3A_803 = arith.muli %scan3A_688, %mul3A_802 : i32
        %add3A_804 = arith.constant 3 : i32
        %add3A_805 = arith.addi %mul3A_803, %add3A_804 : i32
        %mul3A_806 = arith.constant 16 : i32
        %mul3A_807 = arith.muli %add3A_805, %mul3A_806 : i32
        %get3A_808 = arith.constant 5 : i32
        %get3A_809 = arith.index_cast %get3A_808 : i32 to index
        %get3A_810 = arith.index_cast %mul3A_807 : i32 to index
        %get3A_811 = tpu.vector_load %arg5[%get3A_809, %get3A_810] {strides = array<i32>} : memref<8x1024xf32, #tpu.memory_space<vmem>>, vector<1x16xf32>,
        %get3A_812 = vector.shape_cast %get3A_811 : vector<1x16xf32> to vector<16xf32>
        %gt3A_813 = arith.cmpi sgt, %get3A_801, %xor3A_438 : vector<16xi32>
        %jit3A_814 = arith.constant 1.000000e+00 : f32
        %jit3A_815 = arith.constant 0.000000e+00 : f32
        %broadcast_in_dim3A_816 = vector.broadcast %jit3A_814 : f32 to vector<16xf32>
        %broadcast_in_dim3A_817 = vector.broadcast %jit3A_815 : f32 to vector<16xf32>
        %select_n3A_818 = arith.select %gt3A_813, %broadcast_in_dim3A_816, %broadcast_in_dim3A_817 : vector<16xi1>, vector<16xf32>
        %add3A_819 = arith.addf %add3A_785, %select_n3A_818 : vector<16xf32>
        %jit3A_820 = arith.constant 0.000000e+00 : f32
        %broadcast_in_dim3A_821 = vector.broadcast %jit3A_820 : f32 to vector<16xf32>
        %select_n3A_822 = arith.select %gt3A_813, %get3A_812, %broadcast_in_dim3A_821 : vector<16xi1>, vector<16xf32>
        %add3A_823 = arith.addf %add3A_789, %select_n3A_822 : vector<16xf32>
        %add3A_824 = arith.addf %add3A_790, %get3A_812 : vector<16xf32>
        scf.yield %add3A_819, %add3A_823, %add3A_824 : vector<16xf32>, vector<16xf32>, vector<16xf32>
      }
      %scan3A_454 = arith.constant 16 : i32
      %broadcast_in_dim3A_455 = vector.shape_cast %xor3A_22 : vector<16xi32> to vector<16x1xi32>
      %gather3A_456 = vector.shape_cast %broadcast_in_dim3A_455 : vector<16x1xi32> to vector<16xi32>
      %gather3A_457 = tpu.dynamic_gather %scan3A_453#0[%gather3A_456] in [0] : vector<16xf32>, vector<16xi32> -> vector<16xf32>
      %add3A_458 = arith.addf %scan3A_453#0, %gather3A_457 : vector<16xf32>
      %broadcast_in_dim3A_459 = vector.shape_cast %xor3A_25 : vector<16xi32> to vector<16x1xi32>
      %gather3A_460 = vector.shape_cast %broadcast_in_dim3A_459 : vector<16x1xi32> to vector<16xi32>
      %gather3A_461 = tpu.dynamic_gather %add3A_458[%gather3A_460] in [0] : vector<16xf32>, vector<16xi32> -> vector<16xf32>
      %add3A_462 = arith.addf %add3A_458, %gather3A_461 : vector<16xf32>
      %broadcast_in_dim3A_463 = vector.shape_cast %xor3A_28 : vector<16xi32> to vector<16x1xi32>
      %gather3A_464 = vector.shape_cast %broadcast_in_dim3A_463 : vector<16x1xi32> to vector<16xi32>
      %gather3A_465 = tpu.dynamic_gather %add3A_462[%gather3A_464] in [0] : vector<16xf32>, vector<16xi32> -> vector<16xf32>
      %add3A_466 = arith.addf %add3A_462, %gather3A_465 : vector<16xf32>
      %broadcast_in_dim3A_467 = vector.shape_cast %xor3A_31 : vector<16xi32> to vector<16x1xi32>
      %gather3A_468 = vector.shape_cast %broadcast_in_dim3A_467 : vector<16x1xi32> to vector<16xi32>
      %gather3A_469 = tpu.dynamic_gather %add3A_466[%gather3A_468] in [0] : vector<16xf32>, vector<16xi32> -> vector<16xf32>
      %add3A_470 = arith.addf %add3A_466, %gather3A_469 : vector<16xf32>
      %broadcast_in_dim3A_471 = vector.shape_cast %xor3A_22 : vector<16xi32> to vector<16x1xi32>
      %gather3A_472 = vector.shape_cast %broadcast_in_dim3A_471 : vector<16x1xi32> to vector<16xi32>
      %gather3A_473 = tpu.dynamic_gather %scan3A_453#1[%gather3A_472] in [0] : vector<16xf32>, vector<16xi32> -> vector<16xf32>
      %add3A_474 = arith.addf %scan3A_453#1, %gather3A_473 : vector<16xf32>
      %broadcast_in_dim3A_475 = vector.shape_cast %xor3A_25 : vector<16xi32> to vector<16x1xi32>
      %gather3A_476 = vector.shape_cast %broadcast_in_dim3A_475 : vector<16x1xi32> to vector<16xi32>
      %gather3A_477 = tpu.dynamic_gather %add3A_474[%gather3A_476] in [0] : vector<16xf32>, vector<16xi32> -> vector<16xf32>
      %add3A_478 = arith.addf %add3A_474, %gather3A_477 : vector<16xf32>
      %broadcast_in_dim3A_479 = vector.shape_cast %xor3A_28 : vector<16xi32> to vector<16x1xi32>
      %gather3A_480 = vector.shape_cast %broadcast_in_dim3A_479 : vector<16x1xi32> to vector<16xi32>
      %gather3A_481 = tpu.dynamic_gather %add3A_478[%gather3A_480] in [0] : vector<16xf32>, vector<16xi32> -> vector<16xf32>
      %add3A_482 = arith.addf %add3A_478, %gather3A_481 : vector<16xf32>
      %broadcast_in_dim3A_483 = vector.shape_cast %xor3A_31 : vector<16xi32> to vector<16x1xi32>
      %gather3A_484 = vector.shape_cast %broadcast_in_dim3A_483 : vector<16x1xi32> to vector<16xi32>
      %gather3A_485 = tpu.dynamic_gather %add3A_482[%gather3A_484] in [0] : vector<16xf32>, vector<16xi32> -> vector<16xf32>
      %add3A_486 = arith.addf %add3A_482, %gather3A_485 : vector<16xf32>
      %broadcast_in_dim3A_487 = vector.shape_cast %xor3A_22 : vector<16xi32> to vector<16x1xi32>
      %gather3A_488 = vector.shape_cast %broadcast_in_dim3A_487 : vector<16x1xi32> to vector<16xi32>
      %gather3A_489 = tpu.dynamic_gather %scan3A_453#2[%gather3A_488] in [0] : vector<16xf32>, vector<16xi32> -> vector<16xf32>
      %add3A_490 = arith.addf %scan3A_453#2, %gather3A_489 : vector<16xf32>
      %broadcast_in_dim3A_491 = vector.shape_cast %xor3A_25 : vector<16xi32> to vector<16x1xi32>
      %gather3A_492 = vector.shape_cast %broadcast_in_dim3A_491 : vector<16x1xi32> to vector<16xi32>
      %gather3A_493 = tpu.dynamic_gather %add3A_490[%gather3A_492] in [0] : vector<16xf32>, vector<16xi32> -> vector<16xf32>
      %add3A_494 = arith.addf %add3A_490, %gather3A_493 : vector<16xf32>
      %broadcast_in_dim3A_495 = vector.shape_cast %xor3A_28 : vector<16xi32> to vector<16x1xi32>
      %gather3A_496 = vector.shape_cast %broadcast_in_dim3A_495 : vector<16x1xi32> to vector<16xi32>
      %gather3A_497 = tpu.dynamic_gather %add3A_494[%gather3A_496] in [0] : vector<16xf32>, vector<16xi32> -> vector<16xf32>
      %add3A_498 = arith.addf %add3A_494, %gather3A_497 : vector<16xf32>
      %broadcast_in_dim3A_499 = vector.shape_cast %xor3A_31 : vector<16xi32> to vector<16x1xi32>
      %gather3A_500 = vector.shape_cast %broadcast_in_dim3A_499 : vector<16x1xi32> to vector<16xi32>
      %gather3A_501 = tpu.dynamic_gather %add3A_498[%gather3A_500] in [0] : vector<16xf32>, vector<16xi32> -> vector<16xf32>
      %add3A_502 = arith.addf %add3A_498, %gather3A_501 : vector<16xf32>
      %sub3A_503 = arith.constant 2.560000e+02 : f32
      %sub3A_504 = vector.broadcast %sub3A_503 : f32 to vector<16xf32>
      %sub3A_505 = arith.subf %sub3A_504, %add3A_470 : vector<16xf32>
      %mul3A_506 = arith.mulf %sub3A_505, %bitcast_convert_type3A_446 : vector<16xf32>
      %add3A_507 = arith.addf %add3A_486, %mul3A_506 : vector<16xf32>
      %eq3A_508 = arith.constant 5 : i32
      %eq3A_509 = vector.broadcast %eq3A_508 : i32 to vector<16xi32>
      %eq3A_510 = arith.cmpi eq, %iota3A, %eq3A_509 : vector<16xi32>
      %select_n3A_511 = arith.select %eq3A_510, %add3A_507, %select_n3A_431 : vector<16xi1>, vector<16xf32>
      %eq3A_512 = arith.constant 5 : i32
      %eq3A_513 = vector.broadcast %eq3A_512 : i32 to vector<16xi32>
      %eq3A_514 = arith.cmpi eq, %iota3A, %eq3A_513 : vector<16xi32>
      %select_n3A_515 = arith.select %eq3A_514, %add3A_502, %select_n3A_435 : vector<16xi1>, vector<16xf32>
      %xor3A_516 = arith.constant -2147483648 : i32
      %xor3A_517 = vector.broadcast %xor3A_516 : i32 to vector<16xi32>
      %xor3A_518 = arith.xori %scan3A_37#6, %xor3A_517 : vector<16xi32>
      %shift_right_arithmetic3A_519 = arith.constant 31 : i32
      %shift_right_arithmetic3A_520 = vector.broadcast %shift_right_arithmetic3A_519 : i32 to vector<16xi32>
      %shift_right_arithmetic3A_521 = arith.shrsi %xor3A_518, %shift_right_arithmetic3A_520 : vector<16xi32>
      %and3A_522 = arith.constant 2147483647 : i32
      %and3A_523 = vector.broadcast %and3A_522 : i32 to vector<16xi32>
      %and3A_524 = arith.andi %shift_right_arithmetic3A_521, %and3A_523 : vector<16xi32>
      %xor3A_525 = arith.xori %xor3A_518, %and3A_524 : vector<16xi32>
      %bitcast_convert_type3A_526 = tpu.bitcast %xor3A_525 : vector<16xi32> -> vector<16xf32>
      %broadcast_in_dim3A_527 = arith.constant 0.000000e+00 : f32
      %broadcast_in_dim3A_528 = vector.broadcast %broadcast_in_dim3A_527 : f32 to vector<16xf32>
      %scan3A_529 = arith.constant 0 : i32
      %scan3A_530 = arith.constant 16 : i32
      %scan3A_531 = arith.addi %scan3A_529, %scan3A_530 : i32
      %scan3A_532 = arith.constant 1 : i32
      %scan3A_533:3 = scf.for %scan3A_688 = %scan3A_529 to %scan3A_531 step %scan3A_532 iter_args(%scan3A_689 = %broadcast_in_dim3A_528, %scan3A_690 = %broadcast_in_dim3A_528, %scan3A_691 = %broadcast_in_dim3A_528) -> (vector<16xf32>, vector<16xf32>, vector<16xf32>)  : i32 {
        %mul3A_692 = arith.constant 4 : i32
        %mul3A_693 = arith.muli %scan3A_688, %mul3A_692 : i32
        %add3A_694 = arith.constant 0 : i32
        %add3A_695 = arith.addi %mul3A_693, %add3A_694 : i32
        %mul3A_696 = arith.constant 16 : i32
        %mul3A_697 = arith.muli %add3A_695, %mul3A_696 : i32
        %get3A = arith.constant 6 : i32
        %get3A_698 = arith.index_cast %get3A : i32 to index
        %get3A_699 = arith.index_cast %mul3A_697 : i32 to index
        %get3A_700 = tpu.vector_load %arg6[%get3A_698, %get3A_699] {strides = array<i32>} : memref<8x1024xi32, #tpu.memory_space<vmem>>, vector<1x16xi32>,
        %get3A_701 = vector.shape_cast %get3A_700 : vector<1x16xi32> to vector<16xi32>
        %mul3A_702 = arith.constant 4 : i32
        %mul3A_703 = arith.muli %scan3A_688, %mul3A_702 : i32
        %add3A_704 = arith.constant 0 : i32
        %add3A_705 = arith.addi %mul3A_703, %add3A_704 : i32
        %mul3A_706 = arith.constant 16 : i32
        %mul3A_707 = arith.muli %add3A_705, %mul3A_706 : i32
        %get3A_708 = arith.constant 6 : i32
        %get3A_709 = arith.index_cast %get3A_708 : i32 to index
        %get3A_710 = arith.index_cast %mul3A_707 : i32 to index
        %get3A_711 = tpu.vector_load %arg5[%get3A_709, %get3A_710] {strides = array<i32>} : memref<8x1024xf32, #tpu.memory_space<vmem>>, vector<1x16xf32>,
        %get3A_712 = vector.shape_cast %get3A_711 : vector<1x16xf32> to vector<16xf32>
        %gt3A = arith.cmpi sgt, %get3A_701, %xor3A_518 : vector<16xi32>
        %jit3A = arith.constant 1.000000e+00 : f32
        %jit3A_713 = arith.constant 0.000000e+00 : f32
        %broadcast_in_dim3A_714 = vector.broadcast %jit3A : f32 to vector<16xf32>
        %broadcast_in_dim3A_715 = vector.broadcast %jit3A_713 : f32 to vector<16xf32>
        %select_n3A_716 = arith.select %gt3A, %broadcast_in_dim3A_714, %broadcast_in_dim3A_715 : vector<16xi1>, vector<16xf32>
        %add3A_717 = arith.addf %scan3A_689, %select_n3A_716 : vector<16xf32>
        %jit3A_718 = arith.constant 0.000000e+00 : f32
        %broadcast_in_dim3A_719 = vector.broadcast %jit3A_718 : f32 to vector<16xf32>
        %select_n3A_720 = arith.select %gt3A, %get3A_712, %broadcast_in_dim3A_719 : vector<16xi1>, vector<16xf32>
        %add3A_721 = arith.addf %scan3A_690, %select_n3A_720 : vector<16xf32>
        %add3A_722 = arith.addf %scan3A_691, %get3A_712 : vector<16xf32>
        %mul3A_723 = arith.constant 4 : i32
        %mul3A_724 = arith.muli %scan3A_688, %mul3A_723 : i32
        %add3A_725 = arith.constant 1 : i32
        %add3A_726 = arith.addi %mul3A_724, %add3A_725 : i32
        %mul3A_727 = arith.constant 16 : i32
        %mul3A_728 = arith.muli %add3A_726, %mul3A_727 : i32
        %get3A_729 = arith.constant 6 : i32
        %get3A_730 = arith.index_cast %get3A_729 : i32 to index
        %get3A_731 = arith.index_cast %mul3A_728 : i32 to index
        %get3A_732 = tpu.vector_load %arg6[%get3A_730, %get3A_731] {strides = array<i32>} : memref<8x1024xi32, #tpu.memory_space<vmem>>, vector<1x16xi32>,
        %get3A_733 = vector.shape_cast %get3A_732 : vector<1x16xi32> to vector<16xi32>
        %mul3A_734 = arith.constant 4 : i32
        %mul3A_735 = arith.muli %scan3A_688, %mul3A_734 : i32
        %add3A_736 = arith.constant 1 : i32
        %add3A_737 = arith.addi %mul3A_735, %add3A_736 : i32
        %mul3A_738 = arith.constant 16 : i32
        %mul3A_739 = arith.muli %add3A_737, %mul3A_738 : i32
        %get3A_740 = arith.constant 6 : i32
        %get3A_741 = arith.index_cast %get3A_740 : i32 to index
        %get3A_742 = arith.index_cast %mul3A_739 : i32 to index
        %get3A_743 = tpu.vector_load %arg5[%get3A_741, %get3A_742] {strides = array<i32>} : memref<8x1024xf32, #tpu.memory_space<vmem>>, vector<1x16xf32>,
        %get3A_744 = vector.shape_cast %get3A_743 : vector<1x16xf32> to vector<16xf32>
        %gt3A_745 = arith.cmpi sgt, %get3A_733, %xor3A_518 : vector<16xi32>
        %jit3A_746 = arith.constant 1.000000e+00 : f32
        %jit3A_747 = arith.constant 0.000000e+00 : f32
        %broadcast_in_dim3A_748 = vector.broadcast %jit3A_746 : f32 to vector<16xf32>
        %broadcast_in_dim3A_749 = vector.broadcast %jit3A_747 : f32 to vector<16xf32>
        %select_n3A_750 = arith.select %gt3A_745, %broadcast_in_dim3A_748, %broadcast_in_dim3A_749 : vector<16xi1>, vector<16xf32>
        %add3A_751 = arith.addf %add3A_717, %select_n3A_750 : vector<16xf32>
        %jit3A_752 = arith.constant 0.000000e+00 : f32
        %broadcast_in_dim3A_753 = vector.broadcast %jit3A_752 : f32 to vector<16xf32>
        %select_n3A_754 = arith.select %gt3A_745, %get3A_744, %broadcast_in_dim3A_753 : vector<16xi1>, vector<16xf32>
        %add3A_755 = arith.addf %add3A_721, %select_n3A_754 : vector<16xf32>
        %add3A_756 = arith.addf %add3A_722, %get3A_744 : vector<16xf32>
        %mul3A_757 = arith.constant 4 : i32
        %mul3A_758 = arith.muli %scan3A_688, %mul3A_757 : i32
        %add3A_759 = arith.constant 2 : i32
        %add3A_760 = arith.addi %mul3A_758, %add3A_759 : i32
        %mul3A_761 = arith.constant 16 : i32
        %mul3A_762 = arith.muli %add3A_760, %mul3A_761 : i32
        %get3A_763 = arith.constant 6 : i32
        %get3A_764 = arith.index_cast %get3A_763 : i32 to index
        %get3A_765 = arith.index_cast %mul3A_762 : i32 to index
        %get3A_766 = tpu.vector_load %arg6[%get3A_764, %get3A_765] {strides = array<i32>} : memref<8x1024xi32, #tpu.memory_space<vmem>>, vector<1x16xi32>,
        %get3A_767 = vector.shape_cast %get3A_766 : vector<1x16xi32> to vector<16xi32>
        %mul3A_768 = arith.constant 4 : i32
        %mul3A_769 = arith.muli %scan3A_688, %mul3A_768 : i32
        %add3A_770 = arith.constant 2 : i32
        %add3A_771 = arith.addi %mul3A_769, %add3A_770 : i32
        %mul3A_772 = arith.constant 16 : i32
        %mul3A_773 = arith.muli %add3A_771, %mul3A_772 : i32
        %get3A_774 = arith.constant 6 : i32
        %get3A_775 = arith.index_cast %get3A_774 : i32 to index
        %get3A_776 = arith.index_cast %mul3A_773 : i32 to index
        %get3A_777 = tpu.vector_load %arg5[%get3A_775, %get3A_776] {strides = array<i32>} : memref<8x1024xf32, #tpu.memory_space<vmem>>, vector<1x16xf32>,
        %get3A_778 = vector.shape_cast %get3A_777 : vector<1x16xf32> to vector<16xf32>
        %gt3A_779 = arith.cmpi sgt, %get3A_767, %xor3A_518 : vector<16xi32>
        %jit3A_780 = arith.constant 1.000000e+00 : f32
        %jit3A_781 = arith.constant 0.000000e+00 : f32
        %broadcast_in_dim3A_782 = vector.broadcast %jit3A_780 : f32 to vector<16xf32>
        %broadcast_in_dim3A_783 = vector.broadcast %jit3A_781 : f32 to vector<16xf32>
        %select_n3A_784 = arith.select %gt3A_779, %broadcast_in_dim3A_782, %broadcast_in_dim3A_783 : vector<16xi1>, vector<16xf32>
        %add3A_785 = arith.addf %add3A_751, %select_n3A_784 : vector<16xf32>
        %jit3A_786 = arith.constant 0.000000e+00 : f32
        %broadcast_in_dim3A_787 = vector.broadcast %jit3A_786 : f32 to vector<16xf32>
        %select_n3A_788 = arith.select %gt3A_779, %get3A_778, %broadcast_in_dim3A_787 : vector<16xi1>, vector<16xf32>
        %add3A_789 = arith.addf %add3A_755, %select_n3A_788 : vector<16xf32>
        %add3A_790 = arith.addf %add3A_756, %get3A_778 : vector<16xf32>
        %mul3A_791 = arith.constant 4 : i32
        %mul3A_792 = arith.muli %scan3A_688, %mul3A_791 : i32
        %add3A_793 = arith.constant 3 : i32
        %add3A_794 = arith.addi %mul3A_792, %add3A_793 : i32
        %mul3A_795 = arith.constant 16 : i32
        %mul3A_796 = arith.muli %add3A_794, %mul3A_795 : i32
        %get3A_797 = arith.constant 6 : i32
        %get3A_798 = arith.index_cast %get3A_797 : i32 to index
        %get3A_799 = arith.index_cast %mul3A_796 : i32 to index
        %get3A_800 = tpu.vector_load %arg6[%get3A_798, %get3A_799] {strides = array<i32>} : memref<8x1024xi32, #tpu.memory_space<vmem>>, vector<1x16xi32>,
        %get3A_801 = vector.shape_cast %get3A_800 : vector<1x16xi32> to vector<16xi32>
        %mul3A_802 = arith.constant 4 : i32
        %mul3A_803 = arith.muli %scan3A_688, %mul3A_802 : i32
        %add3A_804 = arith.constant 3 : i32
        %add3A_805 = arith.addi %mul3A_803, %add3A_804 : i32
        %mul3A_806 = arith.constant 16 : i32
        %mul3A_807 = arith.muli %add3A_805, %mul3A_806 : i32
        %get3A_808 = arith.constant 6 : i32
        %get3A_809 = arith.index_cast %get3A_808 : i32 to index
        %get3A_810 = arith.index_cast %mul3A_807 : i32 to index
        %get3A_811 = tpu.vector_load %arg5[%get3A_809, %get3A_810] {strides = array<i32>} : memref<8x1024xf32, #tpu.memory_space<vmem>>, vector<1x16xf32>,
        %get3A_812 = vector.shape_cast %get3A_811 : vector<1x16xf32> to vector<16xf32>
        %gt3A_813 = arith.cmpi sgt, %get3A_801, %xor3A_518 : vector<16xi32>
        %jit3A_814 = arith.constant 1.000000e+00 : f32
        %jit3A_815 = arith.constant 0.000000e+00 : f32
        %broadcast_in_dim3A_816 = vector.broadcast %jit3A_814 : f32 to vector<16xf32>
        %broadcast_in_dim3A_817 = vector.broadcast %jit3A_815 : f32 to vector<16xf32>
        %select_n3A_818 = arith.select %gt3A_813, %broadcast_in_dim3A_816, %broadcast_in_dim3A_817 : vector<16xi1>, vector<16xf32>
        %add3A_819 = arith.addf %add3A_785, %select_n3A_818 : vector<16xf32>
        %jit3A_820 = arith.constant 0.000000e+00 : f32
        %broadcast_in_dim3A_821 = vector.broadcast %jit3A_820 : f32 to vector<16xf32>
        %select_n3A_822 = arith.select %gt3A_813, %get3A_812, %broadcast_in_dim3A_821 : vector<16xi1>, vector<16xf32>
        %add3A_823 = arith.addf %add3A_789, %select_n3A_822 : vector<16xf32>
        %add3A_824 = arith.addf %add3A_790, %get3A_812 : vector<16xf32>
        scf.yield %add3A_819, %add3A_823, %add3A_824 : vector<16xf32>, vector<16xf32>, vector<16xf32>
      }
      %scan3A_534 = arith.constant 16 : i32
      %broadcast_in_dim3A_535 = vector.shape_cast %xor3A_22 : vector<16xi32> to vector<16x1xi32>
      %gather3A_536 = vector.shape_cast %broadcast_in_dim3A_535 : vector<16x1xi32> to vector<16xi32>
      %gather3A_537 = tpu.dynamic_gather %scan3A_533#0[%gather3A_536] in [0] : vector<16xf32>, vector<16xi32> -> vector<16xf32>
      %add3A_538 = arith.addf %scan3A_533#0, %gather3A_537 : vector<16xf32>
      %broadcast_in_dim3A_539 = vector.shape_cast %xor3A_25 : vector<16xi32> to vector<16x1xi32>
      %gather3A_540 = vector.shape_cast %broadcast_in_dim3A_539 : vector<16x1xi32> to vector<16xi32>
      %gather3A_541 = tpu.dynamic_gather %add3A_538[%gather3A_540] in [0] : vector<16xf32>, vector<16xi32> -> vector<16xf32>
      %add3A_542 = arith.addf %add3A_538, %gather3A_541 : vector<16xf32>
      %broadcast_in_dim3A_543 = vector.shape_cast %xor3A_28 : vector<16xi32> to vector<16x1xi32>
      %gather3A_544 = vector.shape_cast %broadcast_in_dim3A_543 : vector<16x1xi32> to vector<16xi32>
      %gather3A_545 = tpu.dynamic_gather %add3A_542[%gather3A_544] in [0] : vector<16xf32>, vector<16xi32> -> vector<16xf32>
      %add3A_546 = arith.addf %add3A_542, %gather3A_545 : vector<16xf32>
      %broadcast_in_dim3A_547 = vector.shape_cast %xor3A_31 : vector<16xi32> to vector<16x1xi32>
      %gather3A_548 = vector.shape_cast %broadcast_in_dim3A_547 : vector<16x1xi32> to vector<16xi32>
      %gather3A_549 = tpu.dynamic_gather %add3A_546[%gather3A_548] in [0] : vector<16xf32>, vector<16xi32> -> vector<16xf32>
      %add3A_550 = arith.addf %add3A_546, %gather3A_549 : vector<16xf32>
      %broadcast_in_dim3A_551 = vector.shape_cast %xor3A_22 : vector<16xi32> to vector<16x1xi32>
      %gather3A_552 = vector.shape_cast %broadcast_in_dim3A_551 : vector<16x1xi32> to vector<16xi32>
      %gather3A_553 = tpu.dynamic_gather %scan3A_533#1[%gather3A_552] in [0] : vector<16xf32>, vector<16xi32> -> vector<16xf32>
      %add3A_554 = arith.addf %scan3A_533#1, %gather3A_553 : vector<16xf32>
      %broadcast_in_dim3A_555 = vector.shape_cast %xor3A_25 : vector<16xi32> to vector<16x1xi32>
      %gather3A_556 = vector.shape_cast %broadcast_in_dim3A_555 : vector<16x1xi32> to vector<16xi32>
      %gather3A_557 = tpu.dynamic_gather %add3A_554[%gather3A_556] in [0] : vector<16xf32>, vector<16xi32> -> vector<16xf32>
      %add3A_558 = arith.addf %add3A_554, %gather3A_557 : vector<16xf32>
      %broadcast_in_dim3A_559 = vector.shape_cast %xor3A_28 : vector<16xi32> to vector<16x1xi32>
      %gather3A_560 = vector.shape_cast %broadcast_in_dim3A_559 : vector<16x1xi32> to vector<16xi32>
      %gather3A_561 = tpu.dynamic_gather %add3A_558[%gather3A_560] in [0] : vector<16xf32>, vector<16xi32> -> vector<16xf32>
      %add3A_562 = arith.addf %add3A_558, %gather3A_561 : vector<16xf32>
      %broadcast_in_dim3A_563 = vector.shape_cast %xor3A_31 : vector<16xi32> to vector<16x1xi32>
      %gather3A_564 = vector.shape_cast %broadcast_in_dim3A_563 : vector<16x1xi32> to vector<16xi32>
      %gather3A_565 = tpu.dynamic_gather %add3A_562[%gather3A_564] in [0] : vector<16xf32>, vector<16xi32> -> vector<16xf32>
      %add3A_566 = arith.addf %add3A_562, %gather3A_565 : vector<16xf32>
      %broadcast_in_dim3A_567 = vector.shape_cast %xor3A_22 : vector<16xi32> to vector<16x1xi32>
      %gather3A_568 = vector.shape_cast %broadcast_in_dim3A_567 : vector<16x1xi32> to vector<16xi32>
      %gather3A_569 = tpu.dynamic_gather %scan3A_533#2[%gather3A_568] in [0] : vector<16xf32>, vector<16xi32> -> vector<16xf32>
      %add3A_570 = arith.addf %scan3A_533#2, %gather3A_569 : vector<16xf32>
      %broadcast_in_dim3A_571 = vector.shape_cast %xor3A_25 : vector<16xi32> to vector<16x1xi32>
      %gather3A_572 = vector.shape_cast %broadcast_in_dim3A_571 : vector<16x1xi32> to vector<16xi32>
      %gather3A_573 = tpu.dynamic_gather %add3A_570[%gather3A_572] in [0] : vector<16xf32>, vector<16xi32> -> vector<16xf32>
      %add3A_574 = arith.addf %add3A_570, %gather3A_573 : vector<16xf32>
      %broadcast_in_dim3A_575 = vector.shape_cast %xor3A_28 : vector<16xi32> to vector<16x1xi32>
      %gather3A_576 = vector.shape_cast %broadcast_in_dim3A_575 : vector<16x1xi32> to vector<16xi32>
      %gather3A_577 = tpu.dynamic_gather %add3A_574[%gather3A_576] in [0] : vector<16xf32>, vector<16xi32> -> vector<16xf32>
      %add3A_578 = arith.addf %add3A_574, %gather3A_577 : vector<16xf32>
      %broadcast_in_dim3A_579 = vector.shape_cast %xor3A_31 : vector<16xi32> to vector<16x1xi32>
      %gather3A_580 = vector.shape_cast %broadcast_in_dim3A_579 : vector<16x1xi32> to vector<16xi32>
      %gather3A_581 = tpu.dynamic_gather %add3A_578[%gather3A_580] in [0] : vector<16xf32>, vector<16xi32> -> vector<16xf32>
      %add3A_582 = arith.addf %add3A_578, %gather3A_581 : vector<16xf32>
      %sub3A_583 = arith.constant 2.560000e+02 : f32
      %sub3A_584 = vector.broadcast %sub3A_583 : f32 to vector<16xf32>
      %sub3A_585 = arith.subf %sub3A_584, %add3A_550 : vector<16xf32>
      %mul3A_586 = arith.mulf %sub3A_585, %bitcast_convert_type3A_526 : vector<16xf32>
      %add3A_587 = arith.addf %add3A_566, %mul3A_586 : vector<16xf32>
      %eq3A_588 = arith.constant 6 : i32
      %eq3A_589 = vector.broadcast %eq3A_588 : i32 to vector<16xi32>
      %eq3A_590 = arith.cmpi eq, %iota3A, %eq3A_589 : vector<16xi32>
      %select_n3A_591 = arith.select %eq3A_590, %add3A_587, %select_n3A_511 : vector<16xi1>, vector<16xf32>
      %eq3A_592 = arith.constant 6 : i32
      %eq3A_593 = vector.broadcast %eq3A_592 : i32 to vector<16xi32>
      %eq3A_594 = arith.cmpi eq, %iota3A, %eq3A_593 : vector<16xi32>
      %select_n3A_595 = arith.select %eq3A_594, %add3A_582, %select_n3A_515 : vector<16xi1>, vector<16xf32>
      %xor3A_596 = arith.constant -2147483648 : i32
      %xor3A_597 = vector.broadcast %xor3A_596 : i32 to vector<16xi32>
      %xor3A_598 = arith.xori %scan3A_37#7, %xor3A_597 : vector<16xi32>
      %shift_right_arithmetic3A_599 = arith.constant 31 : i32
      %shift_right_arithmetic3A_600 = vector.broadcast %shift_right_arithmetic3A_599 : i32 to vector<16xi32>
      %shift_right_arithmetic3A_601 = arith.shrsi %xor3A_598, %shift_right_arithmetic3A_600 : vector<16xi32>
      %and3A_602 = arith.constant 2147483647 : i32
      %and3A_603 = vector.broadcast %and3A_602 : i32 to vector<16xi32>
      %and3A_604 = arith.andi %shift_right_arithmetic3A_601, %and3A_603 : vector<16xi32>
      %xor3A_605 = arith.xori %xor3A_598, %and3A_604 : vector<16xi32>
      %bitcast_convert_type3A_606 = tpu.bitcast %xor3A_605 : vector<16xi32> -> vector<16xf32>
      %broadcast_in_dim3A_607 = arith.constant 0.000000e+00 : f32
      %broadcast_in_dim3A_608 = vector.broadcast %broadcast_in_dim3A_607 : f32 to vector<16xf32>
      %scan3A_609 = arith.constant 0 : i32
      %scan3A_610 = arith.constant 16 : i32
      %scan3A_611 = arith.addi %scan3A_609, %scan3A_610 : i32
      %scan3A_612 = arith.constant 1 : i32
      %scan3A_613:3 = scf.for %scan3A_688 = %scan3A_609 to %scan3A_611 step %scan3A_612 iter_args(%scan3A_689 = %broadcast_in_dim3A_608, %scan3A_690 = %broadcast_in_dim3A_608, %scan3A_691 = %broadcast_in_dim3A_608) -> (vector<16xf32>, vector<16xf32>, vector<16xf32>)  : i32 {
        %mul3A_692 = arith.constant 4 : i32
        %mul3A_693 = arith.muli %scan3A_688, %mul3A_692 : i32
        %add3A_694 = arith.constant 0 : i32
        %add3A_695 = arith.addi %mul3A_693, %add3A_694 : i32
        %mul3A_696 = arith.constant 16 : i32
        %mul3A_697 = arith.muli %add3A_695, %mul3A_696 : i32
        %get3A = arith.constant 7 : i32
        %get3A_698 = arith.index_cast %get3A : i32 to index
        %get3A_699 = arith.index_cast %mul3A_697 : i32 to index
        %get3A_700 = tpu.vector_load %arg6[%get3A_698, %get3A_699] {strides = array<i32>} : memref<8x1024xi32, #tpu.memory_space<vmem>>, vector<1x16xi32>,
        %get3A_701 = vector.shape_cast %get3A_700 : vector<1x16xi32> to vector<16xi32>
        %mul3A_702 = arith.constant 4 : i32
        %mul3A_703 = arith.muli %scan3A_688, %mul3A_702 : i32
        %add3A_704 = arith.constant 0 : i32
        %add3A_705 = arith.addi %mul3A_703, %add3A_704 : i32
        %mul3A_706 = arith.constant 16 : i32
        %mul3A_707 = arith.muli %add3A_705, %mul3A_706 : i32
        %get3A_708 = arith.constant 7 : i32
        %get3A_709 = arith.index_cast %get3A_708 : i32 to index
        %get3A_710 = arith.index_cast %mul3A_707 : i32 to index
        %get3A_711 = tpu.vector_load %arg5[%get3A_709, %get3A_710] {strides = array<i32>} : memref<8x1024xf32, #tpu.memory_space<vmem>>, vector<1x16xf32>,
        %get3A_712 = vector.shape_cast %get3A_711 : vector<1x16xf32> to vector<16xf32>
        %gt3A = arith.cmpi sgt, %get3A_701, %xor3A_598 : vector<16xi32>
        %jit3A = arith.constant 1.000000e+00 : f32
        %jit3A_713 = arith.constant 0.000000e+00 : f32
        %broadcast_in_dim3A_714 = vector.broadcast %jit3A : f32 to vector<16xf32>
        %broadcast_in_dim3A_715 = vector.broadcast %jit3A_713 : f32 to vector<16xf32>
        %select_n3A_716 = arith.select %gt3A, %broadcast_in_dim3A_714, %broadcast_in_dim3A_715 : vector<16xi1>, vector<16xf32>
        %add3A_717 = arith.addf %scan3A_689, %select_n3A_716 : vector<16xf32>
        %jit3A_718 = arith.constant 0.000000e+00 : f32
        %broadcast_in_dim3A_719 = vector.broadcast %jit3A_718 : f32 to vector<16xf32>
        %select_n3A_720 = arith.select %gt3A, %get3A_712, %broadcast_in_dim3A_719 : vector<16xi1>, vector<16xf32>
        %add3A_721 = arith.addf %scan3A_690, %select_n3A_720 : vector<16xf32>
        %add3A_722 = arith.addf %scan3A_691, %get3A_712 : vector<16xf32>
        %mul3A_723 = arith.constant 4 : i32
        %mul3A_724 = arith.muli %scan3A_688, %mul3A_723 : i32
        %add3A_725 = arith.constant 1 : i32
        %add3A_726 = arith.addi %mul3A_724, %add3A_725 : i32
        %mul3A_727 = arith.constant 16 : i32
        %mul3A_728 = arith.muli %add3A_726, %mul3A_727 : i32
        %get3A_729 = arith.constant 7 : i32
        %get3A_730 = arith.index_cast %get3A_729 : i32 to index
        %get3A_731 = arith.index_cast %mul3A_728 : i32 to index
        %get3A_732 = tpu.vector_load %arg6[%get3A_730, %get3A_731] {strides = array<i32>} : memref<8x1024xi32, #tpu.memory_space<vmem>>, vector<1x16xi32>,
        %get3A_733 = vector.shape_cast %get3A_732 : vector<1x16xi32> to vector<16xi32>
        %mul3A_734 = arith.constant 4 : i32
        %mul3A_735 = arith.muli %scan3A_688, %mul3A_734 : i32
        %add3A_736 = arith.constant 1 : i32
        %add3A_737 = arith.addi %mul3A_735, %add3A_736 : i32
        %mul3A_738 = arith.constant 16 : i32
        %mul3A_739 = arith.muli %add3A_737, %mul3A_738 : i32
        %get3A_740 = arith.constant 7 : i32
        %get3A_741 = arith.index_cast %get3A_740 : i32 to index
        %get3A_742 = arith.index_cast %mul3A_739 : i32 to index
        %get3A_743 = tpu.vector_load %arg5[%get3A_741, %get3A_742] {strides = array<i32>} : memref<8x1024xf32, #tpu.memory_space<vmem>>, vector<1x16xf32>,
        %get3A_744 = vector.shape_cast %get3A_743 : vector<1x16xf32> to vector<16xf32>
        %gt3A_745 = arith.cmpi sgt, %get3A_733, %xor3A_598 : vector<16xi32>
        %jit3A_746 = arith.constant 1.000000e+00 : f32
        %jit3A_747 = arith.constant 0.000000e+00 : f32
        %broadcast_in_dim3A_748 = vector.broadcast %jit3A_746 : f32 to vector<16xf32>
        %broadcast_in_dim3A_749 = vector.broadcast %jit3A_747 : f32 to vector<16xf32>
        %select_n3A_750 = arith.select %gt3A_745, %broadcast_in_dim3A_748, %broadcast_in_dim3A_749 : vector<16xi1>, vector<16xf32>
        %add3A_751 = arith.addf %add3A_717, %select_n3A_750 : vector<16xf32>
        %jit3A_752 = arith.constant 0.000000e+00 : f32
        %broadcast_in_dim3A_753 = vector.broadcast %jit3A_752 : f32 to vector<16xf32>
        %select_n3A_754 = arith.select %gt3A_745, %get3A_744, %broadcast_in_dim3A_753 : vector<16xi1>, vector<16xf32>
        %add3A_755 = arith.addf %add3A_721, %select_n3A_754 : vector<16xf32>
        %add3A_756 = arith.addf %add3A_722, %get3A_744 : vector<16xf32>
        %mul3A_757 = arith.constant 4 : i32
        %mul3A_758 = arith.muli %scan3A_688, %mul3A_757 : i32
        %add3A_759 = arith.constant 2 : i32
        %add3A_760 = arith.addi %mul3A_758, %add3A_759 : i32
        %mul3A_761 = arith.constant 16 : i32
        %mul3A_762 = arith.muli %add3A_760, %mul3A_761 : i32
        %get3A_763 = arith.constant 7 : i32
        %get3A_764 = arith.index_cast %get3A_763 : i32 to index
        %get3A_765 = arith.index_cast %mul3A_762 : i32 to index
        %get3A_766 = tpu.vector_load %arg6[%get3A_764, %get3A_765] {strides = array<i32>} : memref<8x1024xi32, #tpu.memory_space<vmem>>, vector<1x16xi32>,
        %get3A_767 = vector.shape_cast %get3A_766 : vector<1x16xi32> to vector<16xi32>
        %mul3A_768 = arith.constant 4 : i32
        %mul3A_769 = arith.muli %scan3A_688, %mul3A_768 : i32
        %add3A_770 = arith.constant 2 : i32
        %add3A_771 = arith.addi %mul3A_769, %add3A_770 : i32
        %mul3A_772 = arith.constant 16 : i32
        %mul3A_773 = arith.muli %add3A_771, %mul3A_772 : i32
        %get3A_774 = arith.constant 7 : i32
        %get3A_775 = arith.index_cast %get3A_774 : i32 to index
        %get3A_776 = arith.index_cast %mul3A_773 : i32 to index
        %get3A_777 = tpu.vector_load %arg5[%get3A_775, %get3A_776] {strides = array<i32>} : memref<8x1024xf32, #tpu.memory_space<vmem>>, vector<1x16xf32>,
        %get3A_778 = vector.shape_cast %get3A_777 : vector<1x16xf32> to vector<16xf32>
        %gt3A_779 = arith.cmpi sgt, %get3A_767, %xor3A_598 : vector<16xi32>
        %jit3A_780 = arith.constant 1.000000e+00 : f32
        %jit3A_781 = arith.constant 0.000000e+00 : f32
        %broadcast_in_dim3A_782 = vector.broadcast %jit3A_780 : f32 to vector<16xf32>
        %broadcast_in_dim3A_783 = vector.broadcast %jit3A_781 : f32 to vector<16xf32>
        %select_n3A_784 = arith.select %gt3A_779, %broadcast_in_dim3A_782, %broadcast_in_dim3A_783 : vector<16xi1>, vector<16xf32>
        %add3A_785 = arith.addf %add3A_751, %select_n3A_784 : vector<16xf32>
        %jit3A_786 = arith.constant 0.000000e+00 : f32
        %broadcast_in_dim3A_787 = vector.broadcast %jit3A_786 : f32 to vector<16xf32>
        %select_n3A_788 = arith.select %gt3A_779, %get3A_778, %broadcast_in_dim3A_787 : vector<16xi1>, vector<16xf32>
        %add3A_789 = arith.addf %add3A_755, %select_n3A_788 : vector<16xf32>
        %add3A_790 = arith.addf %add3A_756, %get3A_778 : vector<16xf32>
        %mul3A_791 = arith.constant 4 : i32
        %mul3A_792 = arith.muli %scan3A_688, %mul3A_791 : i32
        %add3A_793 = arith.constant 3 : i32
        %add3A_794 = arith.addi %mul3A_792, %add3A_793 : i32
        %mul3A_795 = arith.constant 16 : i32
        %mul3A_796 = arith.muli %add3A_794, %mul3A_795 : i32
        %get3A_797 = arith.constant 7 : i32
        %get3A_798 = arith.index_cast %get3A_797 : i32 to index
        %get3A_799 = arith.index_cast %mul3A_796 : i32 to index
        %get3A_800 = tpu.vector_load %arg6[%get3A_798, %get3A_799] {strides = array<i32>} : memref<8x1024xi32, #tpu.memory_space<vmem>>, vector<1x16xi32>,
        %get3A_801 = vector.shape_cast %get3A_800 : vector<1x16xi32> to vector<16xi32>
        %mul3A_802 = arith.constant 4 : i32
        %mul3A_803 = arith.muli %scan3A_688, %mul3A_802 : i32
        %add3A_804 = arith.constant 3 : i32
        %add3A_805 = arith.addi %mul3A_803, %add3A_804 : i32
        %mul3A_806 = arith.constant 16 : i32
        %mul3A_807 = arith.muli %add3A_805, %mul3A_806 : i32
        %get3A_808 = arith.constant 7 : i32
        %get3A_809 = arith.index_cast %get3A_808 : i32 to index
        %get3A_810 = arith.index_cast %mul3A_807 : i32 to index
        %get3A_811 = tpu.vector_load %arg5[%get3A_809, %get3A_810] {strides = array<i32>} : memref<8x1024xf32, #tpu.memory_space<vmem>>, vector<1x16xf32>,
        %get3A_812 = vector.shape_cast %get3A_811 : vector<1x16xf32> to vector<16xf32>
        %gt3A_813 = arith.cmpi sgt, %get3A_801, %xor3A_598 : vector<16xi32>
        %jit3A_814 = arith.constant 1.000000e+00 : f32
        %jit3A_815 = arith.constant 0.000000e+00 : f32
        %broadcast_in_dim3A_816 = vector.broadcast %jit3A_814 : f32 to vector<16xf32>
        %broadcast_in_dim3A_817 = vector.broadcast %jit3A_815 : f32 to vector<16xf32>
        %select_n3A_818 = arith.select %gt3A_813, %broadcast_in_dim3A_816, %broadcast_in_dim3A_817 : vector<16xi1>, vector<16xf32>
        %add3A_819 = arith.addf %add3A_785, %select_n3A_818 : vector<16xf32>
        %jit3A_820 = arith.constant 0.000000e+00 : f32
        %broadcast_in_dim3A_821 = vector.broadcast %jit3A_820 : f32 to vector<16xf32>
        %select_n3A_822 = arith.select %gt3A_813, %get3A_812, %broadcast_in_dim3A_821 : vector<16xi1>, vector<16xf32>
        %add3A_823 = arith.addf %add3A_789, %select_n3A_822 : vector<16xf32>
        %add3A_824 = arith.addf %add3A_790, %get3A_812 : vector<16xf32>
        scf.yield %add3A_819, %add3A_823, %add3A_824 : vector<16xf32>, vector<16xf32>, vector<16xf32>
      }
      %scan3A_614 = arith.constant 16 : i32
      %broadcast_in_dim3A_615 = vector.shape_cast %xor3A_22 : vector<16xi32> to vector<16x1xi32>
      %gather3A_616 = vector.shape_cast %broadcast_in_dim3A_615 : vector<16x1xi32> to vector<16xi32>
      %gather3A_617 = tpu.dynamic_gather %scan3A_613#0[%gather3A_616] in [0] : vector<16xf32>, vector<16xi32> -> vector<16xf32>
      %add3A_618 = arith.addf %scan3A_613#0, %gather3A_617 : vector<16xf32>
      %broadcast_in_dim3A_619 = vector.shape_cast %xor3A_25 : vector<16xi32> to vector<16x1xi32>
      %gather3A_620 = vector.shape_cast %broadcast_in_dim3A_619 : vector<16x1xi32> to vector<16xi32>
      %gather3A_621 = tpu.dynamic_gather %add3A_618[%gather3A_620] in [0] : vector<16xf32>, vector<16xi32> -> vector<16xf32>
      %add3A_622 = arith.addf %add3A_618, %gather3A_621 : vector<16xf32>
      %broadcast_in_dim3A_623 = vector.shape_cast %xor3A_28 : vector<16xi32> to vector<16x1xi32>
      %gather3A_624 = vector.shape_cast %broadcast_in_dim3A_623 : vector<16x1xi32> to vector<16xi32>
      %gather3A_625 = tpu.dynamic_gather %add3A_622[%gather3A_624] in [0] : vector<16xf32>, vector<16xi32> -> vector<16xf32>
      %add3A_626 = arith.addf %add3A_622, %gather3A_625 : vector<16xf32>
      %broadcast_in_dim3A_627 = vector.shape_cast %xor3A_31 : vector<16xi32> to vector<16x1xi32>
      %gather3A_628 = vector.shape_cast %broadcast_in_dim3A_627 : vector<16x1xi32> to vector<16xi32>
      %gather3A_629 = tpu.dynamic_gather %add3A_626[%gather3A_628] in [0] : vector<16xf32>, vector<16xi32> -> vector<16xf32>
      %add3A_630 = arith.addf %add3A_626, %gather3A_629 : vector<16xf32>
      %broadcast_in_dim3A_631 = vector.shape_cast %xor3A_22 : vector<16xi32> to vector<16x1xi32>
      %gather3A_632 = vector.shape_cast %broadcast_in_dim3A_631 : vector<16x1xi32> to vector<16xi32>
      %gather3A_633 = tpu.dynamic_gather %scan3A_613#1[%gather3A_632] in [0] : vector<16xf32>, vector<16xi32> -> vector<16xf32>
      %add3A_634 = arith.addf %scan3A_613#1, %gather3A_633 : vector<16xf32>
      %broadcast_in_dim3A_635 = vector.shape_cast %xor3A_25 : vector<16xi32> to vector<16x1xi32>
      %gather3A_636 = vector.shape_cast %broadcast_in_dim3A_635 : vector<16x1xi32> to vector<16xi32>
      %gather3A_637 = tpu.dynamic_gather %add3A_634[%gather3A_636] in [0] : vector<16xf32>, vector<16xi32> -> vector<16xf32>
      %add3A_638 = arith.addf %add3A_634, %gather3A_637 : vector<16xf32>
      %broadcast_in_dim3A_639 = vector.shape_cast %xor3A_28 : vector<16xi32> to vector<16x1xi32>
      %gather3A_640 = vector.shape_cast %broadcast_in_dim3A_639 : vector<16x1xi32> to vector<16xi32>
      %gather3A_641 = tpu.dynamic_gather %add3A_638[%gather3A_640] in [0] : vector<16xf32>, vector<16xi32> -> vector<16xf32>
      %add3A_642 = arith.addf %add3A_638, %gather3A_641 : vector<16xf32>
      %broadcast_in_dim3A_643 = vector.shape_cast %xor3A_31 : vector<16xi32> to vector<16x1xi32>
      %gather3A_644 = vector.shape_cast %broadcast_in_dim3A_643 : vector<16x1xi32> to vector<16xi32>
      %gather3A_645 = tpu.dynamic_gather %add3A_642[%gather3A_644] in [0] : vector<16xf32>, vector<16xi32> -> vector<16xf32>
      %add3A_646 = arith.addf %add3A_642, %gather3A_645 : vector<16xf32>
      %broadcast_in_dim3A_647 = vector.shape_cast %xor3A_22 : vector<16xi32> to vector<16x1xi32>
      %gather3A_648 = vector.shape_cast %broadcast_in_dim3A_647 : vector<16x1xi32> to vector<16xi32>
      %gather3A_649 = tpu.dynamic_gather %scan3A_613#2[%gather3A_648] in [0] : vector<16xf32>, vector<16xi32> -> vector<16xf32>
      %add3A_650 = arith.addf %scan3A_613#2, %gather3A_649 : vector<16xf32>
      %broadcast_in_dim3A_651 = vector.shape_cast %xor3A_25 : vector<16xi32> to vector<16x1xi32>
      %gather3A_652 = vector.shape_cast %broadcast_in_dim3A_651 : vector<16x1xi32> to vector<16xi32>
      %gather3A_653 = tpu.dynamic_gather %add3A_650[%gather3A_652] in [0] : vector<16xf32>, vector<16xi32> -> vector<16xf32>
      %add3A_654 = arith.addf %add3A_650, %gather3A_653 : vector<16xf32>
      %broadcast_in_dim3A_655 = vector.shape_cast %xor3A_28 : vector<16xi32> to vector<16x1xi32>
      %gather3A_656 = vector.shape_cast %broadcast_in_dim3A_655 : vector<16x1xi32> to vector<16xi32>
      %gather3A_657 = tpu.dynamic_gather %add3A_654[%gather3A_656] in [0] : vector<16xf32>, vector<16xi32> -> vector<16xf32>
      %add3A_658 = arith.addf %add3A_654, %gather3A_657 : vector<16xf32>
      %broadcast_in_dim3A_659 = vector.shape_cast %xor3A_31 : vector<16xi32> to vector<16x1xi32>
      %gather3A_660 = vector.shape_cast %broadcast_in_dim3A_659 : vector<16x1xi32> to vector<16xi32>
      %gather3A_661 = tpu.dynamic_gather %add3A_658[%gather3A_660] in [0] : vector<16xf32>, vector<16xi32> -> vector<16xf32>
      %add3A_662 = arith.addf %add3A_658, %gather3A_661 : vector<16xf32>
      %sub3A_663 = arith.constant 2.560000e+02 : f32
      %sub3A_664 = vector.broadcast %sub3A_663 : f32 to vector<16xf32>
      %sub3A_665 = arith.subf %sub3A_664, %add3A_630 : vector<16xf32>
      %mul3A_666 = arith.mulf %sub3A_665, %bitcast_convert_type3A_606 : vector<16xf32>
      %add3A_667 = arith.addf %add3A_646, %mul3A_666 : vector<16xf32>
      %eq3A_668 = arith.constant 7 : i32
      %eq3A_669 = vector.broadcast %eq3A_668 : i32 to vector<16xi32>
      %eq3A_670 = arith.cmpi eq, %iota3A, %eq3A_669 : vector<16xi32>
      %select_n3A_671 = arith.select %eq3A_670, %add3A_667, %select_n3A_591 : vector<16xi1>, vector<16xf32>
      %eq3A_672 = arith.constant 7 : i32
      %eq3A_673 = vector.broadcast %eq3A_672 : i32 to vector<16xi32>
      %eq3A_674 = arith.cmpi eq, %iota3A, %eq3A_673 : vector<16xi32>
      %select_n3A_675 = arith.select %eq3A_674, %add3A_662, %select_n3A_595 : vector<16xi1>, vector<16xf32>
      %mul3A_676 = arith.constant 8 : i32
      %mul3A_677 = arith.muli %scan3A_9, %mul3A_676 : i32
      %swap3A = arith.index_cast %mul3A_677 : i32 to index
      %swap3A_678 = tpu.vector_load %arg7[%swap3A] {strides = array<i32>} : memref<112xf32, #tpu.memory_space<vmem>>, vector<16xf32>,
      %swap3A_679 = vector.shape_cast %swap3A_678 : vector<16xf32> to vector<16xf32>
      %swap3A_680 = vector.shape_cast %select_n3A_671 : vector<16xf32> to vector<16xf32>
      tpu.vector_store %arg7[%swap3A], %swap3A_680 {strides = array<i32>} : memref<112xf32, #tpu.memory_space<vmem>>, vector<16xf32>,
      %mul3A_681 = arith.constant 8 : i32
      %mul3A_682 = arith.muli %scan3A_9, %mul3A_681 : i32
      %swap3A_683 = arith.index_cast %mul3A_682 : i32 to index
      %swap3A_684 = tpu.vector_load %arg8[%swap3A_683] {strides = array<i32>} : memref<112xf32, #tpu.memory_space<vmem>>, vector<16xf32>,
      %swap3A_685 = vector.shape_cast %swap3A_684 : vector<16xf32> to vector<16xf32>
      %swap3A_686 = vector.shape_cast %select_n3A_675 : vector<16xf32> to vector<16xf32>
      tpu.vector_store %arg8[%swap3A_683], %swap3A_686 {strides = array<i32>} : memref<112xf32, #tpu.memory_space<vmem>>, vector<16xf32>,
      %scan3A_687 = arith.constant 0 : i32
      scf.yield %scan3A_687 : i32
    }
    %scan3A_8 = arith.constant 12 : i32
    "tpu.region"() ({
      %run_scoped3A = tpu.sem_alloc : memref<!tpu.dma_semaphore, #tpu.memory_space<semaphore_mem>>
      %dma_start3A = arith.constant 0 : i32
      %dma_start3A_9 = tpu.memref_slice %arg7[%dma_start3A] : memref<112xf32, #tpu.memory_space<vmem>> -> memref<96xf32, #tpu.memory_space<vmem>>
      %dma_start3A_10 = tpu.memref_slice %arg3[%mul3A_2] : memref<3072xf32, #tpu.memory_space<hbm>> -> memref<96xf32, #tpu.memory_space<hbm>>
      %dma_start3A_11 = tpu.memref_slice %arg3[%mul3A_2] : memref<3072xf32, #tpu.memory_space<hbm>> -> memref<96xf32, #tpu.memory_space<hbm>>
      %dma_start3A_12 = arith.constant 0 : i32
      %dma_start3A_13 = tpu.memref_slice %arg7[%dma_start3A_12] : memref<112xf32, #tpu.memory_space<vmem>> -> memref<96xf32, #tpu.memory_space<vmem>>
      tpu.enqueue_dma source(%dma_start3A_13 : memref<96xf32, #tpu.memory_space<vmem>>) target(%dma_start3A_11 : memref<96xf32, #tpu.memory_space<hbm>>) target_semaphore(%run_scoped3A : memref<!tpu.dma_semaphore, #tpu.memory_space<semaphore_mem>>)
      %dma_wait3A = arith.constant 0 : i32
      %dma_wait3A_14 = tpu.memref_slice %arg7[%dma_wait3A] : memref<112xf32, #tpu.memory_space<vmem>> -> memref<96xf32, #tpu.memory_space<vmem>>
      %dma_wait3A_15 = tpu.memref_slice %arg3[%mul3A_2] : memref<3072xf32, #tpu.memory_space<hbm>> -> memref<96xf32, #tpu.memory_space<hbm>>
      %dma_wait3A_16 = tpu.memref_slice %arg3[%mul3A_2] : memref<3072xf32, #tpu.memory_space<hbm>> -> memref<96xf32, #tpu.memory_space<hbm>>
      %dma_wait3A_17 = arith.constant 0 : i32
      %dma_wait3A_18 = tpu.memref_slice %arg7[%dma_wait3A_17] : memref<112xf32, #tpu.memory_space<vmem>> -> memref<96xf32, #tpu.memory_space<vmem>>
      tpu.wait_dma2 semaphore(%run_scoped3A : memref<!tpu.dma_semaphore, #tpu.memory_space<semaphore_mem>>) src(%dma_wait3A_18 : memref<96xf32, #tpu.memory_space<vmem>>) dst(%dma_wait3A_16 : memref<96xf32, #tpu.memory_space<hbm>>)
      tpu.yield
    }) : () -> ()
    "tpu.region"() ({
      %run_scoped3A = tpu.sem_alloc : memref<!tpu.dma_semaphore, #tpu.memory_space<semaphore_mem>>
      %dma_start3A = arith.constant 0 : i32
      %dma_start3A_9 = tpu.memref_slice %arg8[%dma_start3A] : memref<112xf32, #tpu.memory_space<vmem>> -> memref<96xf32, #tpu.memory_space<vmem>>
      %dma_start3A_10 = tpu.memref_slice %arg4[%mul3A_2] : memref<3072xf32, #tpu.memory_space<hbm>> -> memref<96xf32, #tpu.memory_space<hbm>>
      %dma_start3A_11 = tpu.memref_slice %arg4[%mul3A_2] : memref<3072xf32, #tpu.memory_space<hbm>> -> memref<96xf32, #tpu.memory_space<hbm>>
      %dma_start3A_12 = arith.constant 0 : i32
      %dma_start3A_13 = tpu.memref_slice %arg8[%dma_start3A_12] : memref<112xf32, #tpu.memory_space<vmem>> -> memref<96xf32, #tpu.memory_space<vmem>>
      tpu.enqueue_dma source(%dma_start3A_13 : memref<96xf32, #tpu.memory_space<vmem>>) target(%dma_start3A_11 : memref<96xf32, #tpu.memory_space<hbm>>) target_semaphore(%run_scoped3A : memref<!tpu.dma_semaphore, #tpu.memory_space<semaphore_mem>>)
      %dma_wait3A = arith.constant 0 : i32
      %dma_wait3A_14 = tpu.memref_slice %arg8[%dma_wait3A] : memref<112xf32, #tpu.memory_space<vmem>> -> memref<96xf32, #tpu.memory_space<vmem>>
      %dma_wait3A_15 = tpu.memref_slice %arg4[%mul3A_2] : memref<3072xf32, #tpu.memory_space<hbm>> -> memref<96xf32, #tpu.memory_space<hbm>>
      %dma_wait3A_16 = tpu.memref_slice %arg4[%mul3A_2] : memref<3072xf32, #tpu.memory_space<hbm>> -> memref<96xf32, #tpu.memory_space<hbm>>
      %dma_wait3A_17 = arith.constant 0 : i32
      %dma_wait3A_18 = tpu.memref_slice %arg8[%dma_wait3A_17] : memref<112xf32, #tpu.memory_space<vmem>> -> memref<96xf32, #tpu.memory_space<vmem>>
      tpu.wait_dma2 semaphore(%run_scoped3A : memref<!tpu.dma_semaphore, #tpu.memory_space<semaphore_mem>>) src(%dma_wait3A_18 : memref<96xf32, #tpu.memory_space<vmem>>) dst(%dma_wait3A_16 : memref<96xf32, #tpu.memory_space<hbm>>)
      tpu.yield
    }) : () -> ()
    return
  }
}

module attributes {stable_mosaic.version = 14 : i64} {
  func.func @_tc_rows_body(%arg0: i32, %arg1: memref<512x1024xf32, #tpu.memory_space<vmem>>, %arg2: memref<1x512xf32, #tpu.memory_space<vmem>>, %arg3: memref<1x512xf32, #tpu.memory_space<vmem>>) attributes {dimension_semantics = [#tpu.dimension_semantics<arbitrary>], iteration_bounds = array<i64: 18>, scalar_prefetch = 0 : i64, scratch_operands = 0 : i64, tpu.core_type = #tpu.core_type<tc>, window_params = [{transform_indices = @transform_0, window_bounds = array<i64: 512, 1024>}, {transform_indices = @transform_1, window_bounds = array<i64: 1, 512>}, {transform_indices = @transform_2, window_bounds = array<i64: 1, 512>}]} {
    %get3A = arith.constant 0 : index
    %get3A_0 = arith.constant 0 : index
    %get3A_1 = vector.load %arg1[%get3A, %get3A_0] : memref<512x1024xf32, #tpu.memory_space<vmem>>, vector<512x1024xf32>
    %bitcast_convert_type3A = tpu.bitcast %get3A_1 : vector<512x1024xf32> -> vector<512x1024xi32>
    %shift_right_arithmetic3A = arith.constant 31 : i32
    %shift_right_arithmetic3A_2 = vector.broadcast %shift_right_arithmetic3A : i32 to vector<512x1024xi32>
    %shift_right_arithmetic3A_3 = arith.shrsi %bitcast_convert_type3A, %shift_right_arithmetic3A_2 : vector<512x1024xi32>
    %and3A = arith.constant 2147483647 : i32
    %and3A_4 = vector.broadcast %and3A : i32 to vector<512x1024xi32>
    %and3A_5 = arith.andi %shift_right_arithmetic3A_3, %and3A_4 : vector<512x1024xi32>
    %xor3A = arith.xori %bitcast_convert_type3A, %and3A_5 : vector<512x1024xi32>
    %transpose3A = tpu.transpose %xor3A, [1, 0] : vector<512x1024xi32> -> vector<1024x512xi32>
    %broadcast_in_dim3A = arith.constant 0 : i32
    %broadcast_in_dim3A_6 = vector.broadcast %broadcast_in_dim3A : i32 to vector<1x512xi32>
    %or3A = arith.constant -2147483648 : i32
    %or3A_7 = vector.broadcast %or3A : i32 to vector<1x512xi32>
    %or3A_8 = arith.ori %broadcast_in_dim3A_6, %or3A_7 : vector<1x512xi32>
    %xor3A_9 = arith.constant -2147483648 : i32
    %xor3A_10 = vector.broadcast %xor3A_9 : i32 to vector<1x512xi32>
    %xor3A_11 = arith.xori %or3A_8, %xor3A_10 : vector<1x512xi32>
    %ge3A = vector.broadcast %xor3A_11 : vector<1x512xi32> to vector<1024x512xi32>
    %ge3A_12 = arith.cmpi sge, %transpose3A, %ge3A : vector<1024x512xi32>
    %convert_element_type3A = arith.extui %ge3A_12 : vector<1024x512xi1> to vector<1024x512xi32>
    %reduce_sum3A = arith.constant dense<0> : vector<512xi32>
    %reduce_sum3A_13 = vector.multi_reduction <add>, %convert_element_type3A, %reduce_sum3A [0] : vector<1024x512xi32> to vector<512xi32>
    %broadcast_in_dim3A_14 = vector.shape_cast %reduce_sum3A_13 : vector<512xi32> to vector<1x512xi32>
    %ge3A_15 = arith.constant 256 : i32
    %ge3A_16 = vector.broadcast %ge3A_15 : i32 to vector<1x512xi32>
    %ge3A_17 = arith.cmpi sge, %broadcast_in_dim3A_14, %ge3A_16 : vector<1x512xi32>
    %select_n3A = arith.select %ge3A_17, %or3A_8, %broadcast_in_dim3A_6 : vector<1x512xi1>, vector<1x512xi32>
    %or3A_18 = arith.constant 1073741824 : i32
    %or3A_19 = vector.broadcast %or3A_18 : i32 to vector<1x512xi32>
    %or3A_20 = arith.ori %select_n3A, %or3A_19 : vector<1x512xi32>
    %xor3A_21 = arith.constant -2147483648 : i32
    %xor3A_22 = vector.broadcast %xor3A_21 : i32 to vector<1x512xi32>
    %xor3A_23 = arith.xori %or3A_20, %xor3A_22 : vector<1x512xi32>
    %ge3A_24 = vector.broadcast %xor3A_23 : vector<1x512xi32> to vector<1024x512xi32>
    %ge3A_25 = arith.cmpi sge, %transpose3A, %ge3A_24 : vector<1024x512xi32>
    %convert_element_type3A_26 = arith.extui %ge3A_25 : vector<1024x512xi1> to vector<1024x512xi32>
    %reduce_sum3A_27 = arith.constant dense<0> : vector<512xi32>
    %reduce_sum3A_28 = vector.multi_reduction <add>, %convert_element_type3A_26, %reduce_sum3A_27 [0] : vector<1024x512xi32> to vector<512xi32>
    %broadcast_in_dim3A_29 = vector.shape_cast %reduce_sum3A_28 : vector<512xi32> to vector<1x512xi32>
    %ge3A_30 = arith.constant 256 : i32
    %ge3A_31 = vector.broadcast %ge3A_30 : i32 to vector<1x512xi32>
    %ge3A_32 = arith.cmpi sge, %broadcast_in_dim3A_29, %ge3A_31 : vector<1x512xi32>
    %select_n3A_33 = arith.select %ge3A_32, %or3A_20, %select_n3A : vector<1x512xi1>, vector<1x512xi32>
    %or3A_34 = arith.constant 536870912 : i32
    %or3A_35 = vector.broadcast %or3A_34 : i32 to vector<1x512xi32>
    %or3A_36 = arith.ori %select_n3A_33, %or3A_35 : vector<1x512xi32>
    %xor3A_37 = arith.constant -2147483648 : i32
    %xor3A_38 = vector.broadcast %xor3A_37 : i32 to vector<1x512xi32>
    %xor3A_39 = arith.xori %or3A_36, %xor3A_38 : vector<1x512xi32>
    %ge3A_40 = vector.broadcast %xor3A_39 : vector<1x512xi32> to vector<1024x512xi32>
    %ge3A_41 = arith.cmpi sge, %transpose3A, %ge3A_40 : vector<1024x512xi32>
    %convert_element_type3A_42 = arith.extui %ge3A_41 : vector<1024x512xi1> to vector<1024x512xi32>
    %reduce_sum3A_43 = arith.constant dense<0> : vector<512xi32>
    %reduce_sum3A_44 = vector.multi_reduction <add>, %convert_element_type3A_42, %reduce_sum3A_43 [0] : vector<1024x512xi32> to vector<512xi32>
    %broadcast_in_dim3A_45 = vector.shape_cast %reduce_sum3A_44 : vector<512xi32> to vector<1x512xi32>
    %ge3A_46 = arith.constant 256 : i32
    %ge3A_47 = vector.broadcast %ge3A_46 : i32 to vector<1x512xi32>
    %ge3A_48 = arith.cmpi sge, %broadcast_in_dim3A_45, %ge3A_47 : vector<1x512xi32>
    %select_n3A_49 = arith.select %ge3A_48, %or3A_36, %select_n3A_33 : vector<1x512xi1>, vector<1x512xi32>
    %or3A_50 = arith.constant 268435456 : i32
    %or3A_51 = vector.broadcast %or3A_50 : i32 to vector<1x512xi32>
    %or3A_52 = arith.ori %select_n3A_49, %or3A_51 : vector<1x512xi32>
    %xor3A_53 = arith.constant -2147483648 : i32
    %xor3A_54 = vector.broadcast %xor3A_53 : i32 to vector<1x512xi32>
    %xor3A_55 = arith.xori %or3A_52, %xor3A_54 : vector<1x512xi32>
    %ge3A_56 = vector.broadcast %xor3A_55 : vector<1x512xi32> to vector<1024x512xi32>
    %ge3A_57 = arith.cmpi sge, %transpose3A, %ge3A_56 : vector<1024x512xi32>
    %convert_element_type3A_58 = arith.extui %ge3A_57 : vector<1024x512xi1> to vector<1024x512xi32>
    %reduce_sum3A_59 = arith.constant dense<0> : vector<512xi32>
    %reduce_sum3A_60 = vector.multi_reduction <add>, %convert_element_type3A_58, %reduce_sum3A_59 [0] : vector<1024x512xi32> to vector<512xi32>
    %broadcast_in_dim3A_61 = vector.shape_cast %reduce_sum3A_60 : vector<512xi32> to vector<1x512xi32>
    %ge3A_62 = arith.constant 256 : i32
    %ge3A_63 = vector.broadcast %ge3A_62 : i32 to vector<1x512xi32>
    %ge3A_64 = arith.cmpi sge, %broadcast_in_dim3A_61, %ge3A_63 : vector<1x512xi32>
    %select_n3A_65 = arith.select %ge3A_64, %or3A_52, %select_n3A_49 : vector<1x512xi1>, vector<1x512xi32>
    %or3A_66 = arith.constant 134217728 : i32
    %or3A_67 = vector.broadcast %or3A_66 : i32 to vector<1x512xi32>
    %or3A_68 = arith.ori %select_n3A_65, %or3A_67 : vector<1x512xi32>
    %xor3A_69 = arith.constant -2147483648 : i32
    %xor3A_70 = vector.broadcast %xor3A_69 : i32 to vector<1x512xi32>
    %xor3A_71 = arith.xori %or3A_68, %xor3A_70 : vector<1x512xi32>
    %ge3A_72 = vector.broadcast %xor3A_71 : vector<1x512xi32> to vector<1024x512xi32>
    %ge3A_73 = arith.cmpi sge, %transpose3A, %ge3A_72 : vector<1024x512xi32>
    %convert_element_type3A_74 = arith.extui %ge3A_73 : vector<1024x512xi1> to vector<1024x512xi32>
    %reduce_sum3A_75 = arith.constant dense<0> : vector<512xi32>
    %reduce_sum3A_76 = vector.multi_reduction <add>, %convert_element_type3A_74, %reduce_sum3A_75 [0] : vector<1024x512xi32> to vector<512xi32>
    %broadcast_in_dim3A_77 = vector.shape_cast %reduce_sum3A_76 : vector<512xi32> to vector<1x512xi32>
    %ge3A_78 = arith.constant 256 : i32
    %ge3A_79 = vector.broadcast %ge3A_78 : i32 to vector<1x512xi32>
    %ge3A_80 = arith.cmpi sge, %broadcast_in_dim3A_77, %ge3A_79 : vector<1x512xi32>
    %select_n3A_81 = arith.select %ge3A_80, %or3A_68, %select_n3A_65 : vector<1x512xi1>, vector<1x512xi32>
    %or3A_82 = arith.constant 67108864 : i32
    %or3A_83 = vector.broadcast %or3A_82 : i32 to vector<1x512xi32>
    %or3A_84 = arith.ori %select_n3A_81, %or3A_83 : vector<1x512xi32>
    %xor3A_85 = arith.constant -2147483648 : i32
    %xor3A_86 = vector.broadcast %xor3A_85 : i32 to vector<1x512xi32>
    %xor3A_87 = arith.xori %or3A_84, %xor3A_86 : vector<1x512xi32>
    %ge3A_88 = vector.broadcast %xor3A_87 : vector<1x512xi32> to vector<1024x512xi32>
    %ge3A_89 = arith.cmpi sge, %transpose3A, %ge3A_88 : vector<1024x512xi32>
    %convert_element_type3A_90 = arith.extui %ge3A_89 : vector<1024x512xi1> to vector<1024x512xi32>
    %reduce_sum3A_91 = arith.constant dense<0> : vector<512xi32>
    %reduce_sum3A_92 = vector.multi_reduction <add>, %convert_element_type3A_90, %reduce_sum3A_91 [0] : vector<1024x512xi32> to vector<512xi32>
    %broadcast_in_dim3A_93 = vector.shape_cast %reduce_sum3A_92 : vector<512xi32> to vector<1x512xi32>
    %ge3A_94 = arith.constant 256 : i32
    %ge3A_95 = vector.broadcast %ge3A_94 : i32 to vector<1x512xi32>
    %ge3A_96 = arith.cmpi sge, %broadcast_in_dim3A_93, %ge3A_95 : vector<1x512xi32>
    %select_n3A_97 = arith.select %ge3A_96, %or3A_84, %select_n3A_81 : vector<1x512xi1>, vector<1x512xi32>
    %or3A_98 = arith.constant 33554432 : i32
    %or3A_99 = vector.broadcast %or3A_98 : i32 to vector<1x512xi32>
    %or3A_100 = arith.ori %select_n3A_97, %or3A_99 : vector<1x512xi32>
    %xor3A_101 = arith.constant -2147483648 : i32
    %xor3A_102 = vector.broadcast %xor3A_101 : i32 to vector<1x512xi32>
    %xor3A_103 = arith.xori %or3A_100, %xor3A_102 : vector<1x512xi32>
    %ge3A_104 = vector.broadcast %xor3A_103 : vector<1x512xi32> to vector<1024x512xi32>
    %ge3A_105 = arith.cmpi sge, %transpose3A, %ge3A_104 : vector<1024x512xi32>
    %convert_element_type3A_106 = arith.extui %ge3A_105 : vector<1024x512xi1> to vector<1024x512xi32>
    %reduce_sum3A_107 = arith.constant dense<0> : vector<512xi32>
    %reduce_sum3A_108 = vector.multi_reduction <add>, %convert_element_type3A_106, %reduce_sum3A_107 [0] : vector<1024x512xi32> to vector<512xi32>
    %broadcast_in_dim3A_109 = vector.shape_cast %reduce_sum3A_108 : vector<512xi32> to vector<1x512xi32>
    %ge3A_110 = arith.constant 256 : i32
    %ge3A_111 = vector.broadcast %ge3A_110 : i32 to vector<1x512xi32>
    %ge3A_112 = arith.cmpi sge, %broadcast_in_dim3A_109, %ge3A_111 : vector<1x512xi32>
    %select_n3A_113 = arith.select %ge3A_112, %or3A_100, %select_n3A_97 : vector<1x512xi1>, vector<1x512xi32>
    %or3A_114 = arith.constant 16777216 : i32
    %or3A_115 = vector.broadcast %or3A_114 : i32 to vector<1x512xi32>
    %or3A_116 = arith.ori %select_n3A_113, %or3A_115 : vector<1x512xi32>
    %xor3A_117 = arith.constant -2147483648 : i32
    %xor3A_118 = vector.broadcast %xor3A_117 : i32 to vector<1x512xi32>
    %xor3A_119 = arith.xori %or3A_116, %xor3A_118 : vector<1x512xi32>
    %ge3A_120 = vector.broadcast %xor3A_119 : vector<1x512xi32> to vector<1024x512xi32>
    %ge3A_121 = arith.cmpi sge, %transpose3A, %ge3A_120 : vector<1024x512xi32>
    %convert_element_type3A_122 = arith.extui %ge3A_121 : vector<1024x512xi1> to vector<1024x512xi32>
    %reduce_sum3A_123 = arith.constant dense<0> : vector<512xi32>
    %reduce_sum3A_124 = vector.multi_reduction <add>, %convert_element_type3A_122, %reduce_sum3A_123 [0] : vector<1024x512xi32> to vector<512xi32>
    %broadcast_in_dim3A_125 = vector.shape_cast %reduce_sum3A_124 : vector<512xi32> to vector<1x512xi32>
    %ge3A_126 = arith.constant 256 : i32
    %ge3A_127 = vector.broadcast %ge3A_126 : i32 to vector<1x512xi32>
    %ge3A_128 = arith.cmpi sge, %broadcast_in_dim3A_125, %ge3A_127 : vector<1x512xi32>
    %select_n3A_129 = arith.select %ge3A_128, %or3A_116, %select_n3A_113 : vector<1x512xi1>, vector<1x512xi32>
    %or3A_130 = arith.constant 8388608 : i32
    %or3A_131 = vector.broadcast %or3A_130 : i32 to vector<1x512xi32>
    %or3A_132 = arith.ori %select_n3A_129, %or3A_131 : vector<1x512xi32>
    %xor3A_133 = arith.constant -2147483648 : i32
    %xor3A_134 = vector.broadcast %xor3A_133 : i32 to vector<1x512xi32>
    %xor3A_135 = arith.xori %or3A_132, %xor3A_134 : vector<1x512xi32>
    %ge3A_136 = vector.broadcast %xor3A_135 : vector<1x512xi32> to vector<1024x512xi32>
    %ge3A_137 = arith.cmpi sge, %transpose3A, %ge3A_136 : vector<1024x512xi32>
    %convert_element_type3A_138 = arith.extui %ge3A_137 : vector<1024x512xi1> to vector<1024x512xi32>
    %reduce_sum3A_139 = arith.constant dense<0> : vector<512xi32>
    %reduce_sum3A_140 = vector.multi_reduction <add>, %convert_element_type3A_138, %reduce_sum3A_139 [0] : vector<1024x512xi32> to vector<512xi32>
    %broadcast_in_dim3A_141 = vector.shape_cast %reduce_sum3A_140 : vector<512xi32> to vector<1x512xi32>
    %ge3A_142 = arith.constant 256 : i32
    %ge3A_143 = vector.broadcast %ge3A_142 : i32 to vector<1x512xi32>
    %ge3A_144 = arith.cmpi sge, %broadcast_in_dim3A_141, %ge3A_143 : vector<1x512xi32>
    %select_n3A_145 = arith.select %ge3A_144, %or3A_132, %select_n3A_129 : vector<1x512xi1>, vector<1x512xi32>
    %or3A_146 = arith.constant 4194304 : i32
    %or3A_147 = vector.broadcast %or3A_146 : i32 to vector<1x512xi32>
    %or3A_148 = arith.ori %select_n3A_145, %or3A_147 : vector<1x512xi32>
    %xor3A_149 = arith.constant -2147483648 : i32
    %xor3A_150 = vector.broadcast %xor3A_149 : i32 to vector<1x512xi32>
    %xor3A_151 = arith.xori %or3A_148, %xor3A_150 : vector<1x512xi32>
    %ge3A_152 = vector.broadcast %xor3A_151 : vector<1x512xi32> to vector<1024x512xi32>
    %ge3A_153 = arith.cmpi sge, %transpose3A, %ge3A_152 : vector<1024x512xi32>
    %convert_element_type3A_154 = arith.extui %ge3A_153 : vector<1024x512xi1> to vector<1024x512xi32>
    %reduce_sum3A_155 = arith.constant dense<0> : vector<512xi32>
    %reduce_sum3A_156 = vector.multi_reduction <add>, %convert_element_type3A_154, %reduce_sum3A_155 [0] : vector<1024x512xi32> to vector<512xi32>
    %broadcast_in_dim3A_157 = vector.shape_cast %reduce_sum3A_156 : vector<512xi32> to vector<1x512xi32>
    %ge3A_158 = arith.constant 256 : i32
    %ge3A_159 = vector.broadcast %ge3A_158 : i32 to vector<1x512xi32>
    %ge3A_160 = arith.cmpi sge, %broadcast_in_dim3A_157, %ge3A_159 : vector<1x512xi32>
    %select_n3A_161 = arith.select %ge3A_160, %or3A_148, %select_n3A_145 : vector<1x512xi1>, vector<1x512xi32>
    %or3A_162 = arith.constant 2097152 : i32
    %or3A_163 = vector.broadcast %or3A_162 : i32 to vector<1x512xi32>
    %or3A_164 = arith.ori %select_n3A_161, %or3A_163 : vector<1x512xi32>
    %xor3A_165 = arith.constant -2147483648 : i32
    %xor3A_166 = vector.broadcast %xor3A_165 : i32 to vector<1x512xi32>
    %xor3A_167 = arith.xori %or3A_164, %xor3A_166 : vector<1x512xi32>
    %ge3A_168 = vector.broadcast %xor3A_167 : vector<1x512xi32> to vector<1024x512xi32>
    %ge3A_169 = arith.cmpi sge, %transpose3A, %ge3A_168 : vector<1024x512xi32>
    %convert_element_type3A_170 = arith.extui %ge3A_169 : vector<1024x512xi1> to vector<1024x512xi32>
    %reduce_sum3A_171 = arith.constant dense<0> : vector<512xi32>
    %reduce_sum3A_172 = vector.multi_reduction <add>, %convert_element_type3A_170, %reduce_sum3A_171 [0] : vector<1024x512xi32> to vector<512xi32>
    %broadcast_in_dim3A_173 = vector.shape_cast %reduce_sum3A_172 : vector<512xi32> to vector<1x512xi32>
    %ge3A_174 = arith.constant 256 : i32
    %ge3A_175 = vector.broadcast %ge3A_174 : i32 to vector<1x512xi32>
    %ge3A_176 = arith.cmpi sge, %broadcast_in_dim3A_173, %ge3A_175 : vector<1x512xi32>
    %select_n3A_177 = arith.select %ge3A_176, %or3A_164, %select_n3A_161 : vector<1x512xi1>, vector<1x512xi32>
    %or3A_178 = arith.constant 1048576 : i32
    %or3A_179 = vector.broadcast %or3A_178 : i32 to vector<1x512xi32>
    %or3A_180 = arith.ori %select_n3A_177, %or3A_179 : vector<1x512xi32>
    %xor3A_181 = arith.constant -2147483648 : i32
    %xor3A_182 = vector.broadcast %xor3A_181 : i32 to vector<1x512xi32>
    %xor3A_183 = arith.xori %or3A_180, %xor3A_182 : vector<1x512xi32>
    %ge3A_184 = vector.broadcast %xor3A_183 : vector<1x512xi32> to vector<1024x512xi32>
    %ge3A_185 = arith.cmpi sge, %transpose3A, %ge3A_184 : vector<1024x512xi32>
    %convert_element_type3A_186 = arith.extui %ge3A_185 : vector<1024x512xi1> to vector<1024x512xi32>
    %reduce_sum3A_187 = arith.constant dense<0> : vector<512xi32>
    %reduce_sum3A_188 = vector.multi_reduction <add>, %convert_element_type3A_186, %reduce_sum3A_187 [0] : vector<1024x512xi32> to vector<512xi32>
    %broadcast_in_dim3A_189 = vector.shape_cast %reduce_sum3A_188 : vector<512xi32> to vector<1x512xi32>
    %ge3A_190 = arith.constant 256 : i32
    %ge3A_191 = vector.broadcast %ge3A_190 : i32 to vector<1x512xi32>
    %ge3A_192 = arith.cmpi sge, %broadcast_in_dim3A_189, %ge3A_191 : vector<1x512xi32>
    %select_n3A_193 = arith.select %ge3A_192, %or3A_180, %select_n3A_177 : vector<1x512xi1>, vector<1x512xi32>
    %or3A_194 = arith.constant 524288 : i32
    %or3A_195 = vector.broadcast %or3A_194 : i32 to vector<1x512xi32>
    %or3A_196 = arith.ori %select_n3A_193, %or3A_195 : vector<1x512xi32>
    %xor3A_197 = arith.constant -2147483648 : i32
    %xor3A_198 = vector.broadcast %xor3A_197 : i32 to vector<1x512xi32>
    %xor3A_199 = arith.xori %or3A_196, %xor3A_198 : vector<1x512xi32>
    %ge3A_200 = vector.broadcast %xor3A_199 : vector<1x512xi32> to vector<1024x512xi32>
    %ge3A_201 = arith.cmpi sge, %transpose3A, %ge3A_200 : vector<1024x512xi32>
    %convert_element_type3A_202 = arith.extui %ge3A_201 : vector<1024x512xi1> to vector<1024x512xi32>
    %reduce_sum3A_203 = arith.constant dense<0> : vector<512xi32>
    %reduce_sum3A_204 = vector.multi_reduction <add>, %convert_element_type3A_202, %reduce_sum3A_203 [0] : vector<1024x512xi32> to vector<512xi32>
    %broadcast_in_dim3A_205 = vector.shape_cast %reduce_sum3A_204 : vector<512xi32> to vector<1x512xi32>
    %ge3A_206 = arith.constant 256 : i32
    %ge3A_207 = vector.broadcast %ge3A_206 : i32 to vector<1x512xi32>
    %ge3A_208 = arith.cmpi sge, %broadcast_in_dim3A_205, %ge3A_207 : vector<1x512xi32>
    %select_n3A_209 = arith.select %ge3A_208, %or3A_196, %select_n3A_193 : vector<1x512xi1>, vector<1x512xi32>
    %or3A_210 = arith.constant 262144 : i32
    %or3A_211 = vector.broadcast %or3A_210 : i32 to vector<1x512xi32>
    %or3A_212 = arith.ori %select_n3A_209, %or3A_211 : vector<1x512xi32>
    %xor3A_213 = arith.constant -2147483648 : i32
    %xor3A_214 = vector.broadcast %xor3A_213 : i32 to vector<1x512xi32>
    %xor3A_215 = arith.xori %or3A_212, %xor3A_214 : vector<1x512xi32>
    %ge3A_216 = vector.broadcast %xor3A_215 : vector<1x512xi32> to vector<1024x512xi32>
    %ge3A_217 = arith.cmpi sge, %transpose3A, %ge3A_216 : vector<1024x512xi32>
    %convert_element_type3A_218 = arith.extui %ge3A_217 : vector<1024x512xi1> to vector<1024x512xi32>
    %reduce_sum3A_219 = arith.constant dense<0> : vector<512xi32>
    %reduce_sum3A_220 = vector.multi_reduction <add>, %convert_element_type3A_218, %reduce_sum3A_219 [0] : vector<1024x512xi32> to vector<512xi32>
    %broadcast_in_dim3A_221 = vector.shape_cast %reduce_sum3A_220 : vector<512xi32> to vector<1x512xi32>
    %ge3A_222 = arith.constant 256 : i32
    %ge3A_223 = vector.broadcast %ge3A_222 : i32 to vector<1x512xi32>
    %ge3A_224 = arith.cmpi sge, %broadcast_in_dim3A_221, %ge3A_223 : vector<1x512xi32>
    %select_n3A_225 = arith.select %ge3A_224, %or3A_212, %select_n3A_209 : vector<1x512xi1>, vector<1x512xi32>
    %or3A_226 = arith.constant 131072 : i32
    %or3A_227 = vector.broadcast %or3A_226 : i32 to vector<1x512xi32>
    %or3A_228 = arith.ori %select_n3A_225, %or3A_227 : vector<1x512xi32>
    %xor3A_229 = arith.constant -2147483648 : i32
    %xor3A_230 = vector.broadcast %xor3A_229 : i32 to vector<1x512xi32>
    %xor3A_231 = arith.xori %or3A_228, %xor3A_230 : vector<1x512xi32>
    %ge3A_232 = vector.broadcast %xor3A_231 : vector<1x512xi32> to vector<1024x512xi32>
    %ge3A_233 = arith.cmpi sge, %transpose3A, %ge3A_232 : vector<1024x512xi32>
    %convert_element_type3A_234 = arith.extui %ge3A_233 : vector<1024x512xi1> to vector<1024x512xi32>
    %reduce_sum3A_235 = arith.constant dense<0> : vector<512xi32>
    %reduce_sum3A_236 = vector.multi_reduction <add>, %convert_element_type3A_234, %reduce_sum3A_235 [0] : vector<1024x512xi32> to vector<512xi32>
    %broadcast_in_dim3A_237 = vector.shape_cast %reduce_sum3A_236 : vector<512xi32> to vector<1x512xi32>
    %ge3A_238 = arith.constant 256 : i32
    %ge3A_239 = vector.broadcast %ge3A_238 : i32 to vector<1x512xi32>
    %ge3A_240 = arith.cmpi sge, %broadcast_in_dim3A_237, %ge3A_239 : vector<1x512xi32>
    %select_n3A_241 = arith.select %ge3A_240, %or3A_228, %select_n3A_225 : vector<1x512xi1>, vector<1x512xi32>
    %or3A_242 = arith.constant 65536 : i32
    %or3A_243 = vector.broadcast %or3A_242 : i32 to vector<1x512xi32>
    %or3A_244 = arith.ori %select_n3A_241, %or3A_243 : vector<1x512xi32>
    %xor3A_245 = arith.constant -2147483648 : i32
    %xor3A_246 = vector.broadcast %xor3A_245 : i32 to vector<1x512xi32>
    %xor3A_247 = arith.xori %or3A_244, %xor3A_246 : vector<1x512xi32>
    %ge3A_248 = vector.broadcast %xor3A_247 : vector<1x512xi32> to vector<1024x512xi32>
    %ge3A_249 = arith.cmpi sge, %transpose3A, %ge3A_248 : vector<1024x512xi32>
    %convert_element_type3A_250 = arith.extui %ge3A_249 : vector<1024x512xi1> to vector<1024x512xi32>
    %reduce_sum3A_251 = arith.constant dense<0> : vector<512xi32>
    %reduce_sum3A_252 = vector.multi_reduction <add>, %convert_element_type3A_250, %reduce_sum3A_251 [0] : vector<1024x512xi32> to vector<512xi32>
    %broadcast_in_dim3A_253 = vector.shape_cast %reduce_sum3A_252 : vector<512xi32> to vector<1x512xi32>
    %ge3A_254 = arith.constant 256 : i32
    %ge3A_255 = vector.broadcast %ge3A_254 : i32 to vector<1x512xi32>
    %ge3A_256 = arith.cmpi sge, %broadcast_in_dim3A_253, %ge3A_255 : vector<1x512xi32>
    %select_n3A_257 = arith.select %ge3A_256, %or3A_244, %select_n3A_241 : vector<1x512xi1>, vector<1x512xi32>
    %or3A_258 = arith.constant 32768 : i32
    %or3A_259 = vector.broadcast %or3A_258 : i32 to vector<1x512xi32>
    %or3A_260 = arith.ori %select_n3A_257, %or3A_259 : vector<1x512xi32>
    %xor3A_261 = arith.constant -2147483648 : i32
    %xor3A_262 = vector.broadcast %xor3A_261 : i32 to vector<1x512xi32>
    %xor3A_263 = arith.xori %or3A_260, %xor3A_262 : vector<1x512xi32>
    %ge3A_264 = vector.broadcast %xor3A_263 : vector<1x512xi32> to vector<1024x512xi32>
    %ge3A_265 = arith.cmpi sge, %transpose3A, %ge3A_264 : vector<1024x512xi32>
    %convert_element_type3A_266 = arith.extui %ge3A_265 : vector<1024x512xi1> to vector<1024x512xi32>
    %reduce_sum3A_267 = arith.constant dense<0> : vector<512xi32>
    %reduce_sum3A_268 = vector.multi_reduction <add>, %convert_element_type3A_266, %reduce_sum3A_267 [0] : vector<1024x512xi32> to vector<512xi32>
    %broadcast_in_dim3A_269 = vector.shape_cast %reduce_sum3A_268 : vector<512xi32> to vector<1x512xi32>
    %ge3A_270 = arith.constant 256 : i32
    %ge3A_271 = vector.broadcast %ge3A_270 : i32 to vector<1x512xi32>
    %ge3A_272 = arith.cmpi sge, %broadcast_in_dim3A_269, %ge3A_271 : vector<1x512xi32>
    %select_n3A_273 = arith.select %ge3A_272, %or3A_260, %select_n3A_257 : vector<1x512xi1>, vector<1x512xi32>
    %or3A_274 = arith.constant 16384 : i32
    %or3A_275 = vector.broadcast %or3A_274 : i32 to vector<1x512xi32>
    %or3A_276 = arith.ori %select_n3A_273, %or3A_275 : vector<1x512xi32>
    %xor3A_277 = arith.constant -2147483648 : i32
    %xor3A_278 = vector.broadcast %xor3A_277 : i32 to vector<1x512xi32>
    %xor3A_279 = arith.xori %or3A_276, %xor3A_278 : vector<1x512xi32>
    %ge3A_280 = vector.broadcast %xor3A_279 : vector<1x512xi32> to vector<1024x512xi32>
    %ge3A_281 = arith.cmpi sge, %transpose3A, %ge3A_280 : vector<1024x512xi32>
    %convert_element_type3A_282 = arith.extui %ge3A_281 : vector<1024x512xi1> to vector<1024x512xi32>
    %reduce_sum3A_283 = arith.constant dense<0> : vector<512xi32>
    %reduce_sum3A_284 = vector.multi_reduction <add>, %convert_element_type3A_282, %reduce_sum3A_283 [0] : vector<1024x512xi32> to vector<512xi32>
    %broadcast_in_dim3A_285 = vector.shape_cast %reduce_sum3A_284 : vector<512xi32> to vector<1x512xi32>
    %ge3A_286 = arith.constant 256 : i32
    %ge3A_287 = vector.broadcast %ge3A_286 : i32 to vector<1x512xi32>
    %ge3A_288 = arith.cmpi sge, %broadcast_in_dim3A_285, %ge3A_287 : vector<1x512xi32>
    %select_n3A_289 = arith.select %ge3A_288, %or3A_276, %select_n3A_273 : vector<1x512xi1>, vector<1x512xi32>
    %or3A_290 = arith.constant 8192 : i32
    %or3A_291 = vector.broadcast %or3A_290 : i32 to vector<1x512xi32>
    %or3A_292 = arith.ori %select_n3A_289, %or3A_291 : vector<1x512xi32>
    %xor3A_293 = arith.constant -2147483648 : i32
    %xor3A_294 = vector.broadcast %xor3A_293 : i32 to vector<1x512xi32>
    %xor3A_295 = arith.xori %or3A_292, %xor3A_294 : vector<1x512xi32>
    %ge3A_296 = vector.broadcast %xor3A_295 : vector<1x512xi32> to vector<1024x512xi32>
    %ge3A_297 = arith.cmpi sge, %transpose3A, %ge3A_296 : vector<1024x512xi32>
    %convert_element_type3A_298 = arith.extui %ge3A_297 : vector<1024x512xi1> to vector<1024x512xi32>
    %reduce_sum3A_299 = arith.constant dense<0> : vector<512xi32>
    %reduce_sum3A_300 = vector.multi_reduction <add>, %convert_element_type3A_298, %reduce_sum3A_299 [0] : vector<1024x512xi32> to vector<512xi32>
    %broadcast_in_dim3A_301 = vector.shape_cast %reduce_sum3A_300 : vector<512xi32> to vector<1x512xi32>
    %ge3A_302 = arith.constant 256 : i32
    %ge3A_303 = vector.broadcast %ge3A_302 : i32 to vector<1x512xi32>
    %ge3A_304 = arith.cmpi sge, %broadcast_in_dim3A_301, %ge3A_303 : vector<1x512xi32>
    %select_n3A_305 = arith.select %ge3A_304, %or3A_292, %select_n3A_289 : vector<1x512xi1>, vector<1x512xi32>
    %or3A_306 = arith.constant 4096 : i32
    %or3A_307 = vector.broadcast %or3A_306 : i32 to vector<1x512xi32>
    %or3A_308 = arith.ori %select_n3A_305, %or3A_307 : vector<1x512xi32>
    %xor3A_309 = arith.constant -2147483648 : i32
    %xor3A_310 = vector.broadcast %xor3A_309 : i32 to vector<1x512xi32>
    %xor3A_311 = arith.xori %or3A_308, %xor3A_310 : vector<1x512xi32>
    %ge3A_312 = vector.broadcast %xor3A_311 : vector<1x512xi32> to vector<1024x512xi32>
    %ge3A_313 = arith.cmpi sge, %transpose3A, %ge3A_312 : vector<1024x512xi32>
    %convert_element_type3A_314 = arith.extui %ge3A_313 : vector<1024x512xi1> to vector<1024x512xi32>
    %reduce_sum3A_315 = arith.constant dense<0> : vector<512xi32>
    %reduce_sum3A_316 = vector.multi_reduction <add>, %convert_element_type3A_314, %reduce_sum3A_315 [0] : vector<1024x512xi32> to vector<512xi32>
    %broadcast_in_dim3A_317 = vector.shape_cast %reduce_sum3A_316 : vector<512xi32> to vector<1x512xi32>
    %ge3A_318 = arith.constant 256 : i32
    %ge3A_319 = vector.broadcast %ge3A_318 : i32 to vector<1x512xi32>
    %ge3A_320 = arith.cmpi sge, %broadcast_in_dim3A_317, %ge3A_319 : vector<1x512xi32>
    %select_n3A_321 = arith.select %ge3A_320, %or3A_308, %select_n3A_305 : vector<1x512xi1>, vector<1x512xi32>
    %or3A_322 = arith.constant 2048 : i32
    %or3A_323 = vector.broadcast %or3A_322 : i32 to vector<1x512xi32>
    %or3A_324 = arith.ori %select_n3A_321, %or3A_323 : vector<1x512xi32>
    %xor3A_325 = arith.constant -2147483648 : i32
    %xor3A_326 = vector.broadcast %xor3A_325 : i32 to vector<1x512xi32>
    %xor3A_327 = arith.xori %or3A_324, %xor3A_326 : vector<1x512xi32>
    %ge3A_328 = vector.broadcast %xor3A_327 : vector<1x512xi32> to vector<1024x512xi32>
    %ge3A_329 = arith.cmpi sge, %transpose3A, %ge3A_328 : vector<1024x512xi32>
    %convert_element_type3A_330 = arith.extui %ge3A_329 : vector<1024x512xi1> to vector<1024x512xi32>
    %reduce_sum3A_331 = arith.constant dense<0> : vector<512xi32>
    %reduce_sum3A_332 = vector.multi_reduction <add>, %convert_element_type3A_330, %reduce_sum3A_331 [0] : vector<1024x512xi32> to vector<512xi32>
    %broadcast_in_dim3A_333 = vector.shape_cast %reduce_sum3A_332 : vector<512xi32> to vector<1x512xi32>
    %ge3A_334 = arith.constant 256 : i32
    %ge3A_335 = vector.broadcast %ge3A_334 : i32 to vector<1x512xi32>
    %ge3A_336 = arith.cmpi sge, %broadcast_in_dim3A_333, %ge3A_335 : vector<1x512xi32>
    %select_n3A_337 = arith.select %ge3A_336, %or3A_324, %select_n3A_321 : vector<1x512xi1>, vector<1x512xi32>
    %or3A_338 = arith.constant 1024 : i32
    %or3A_339 = vector.broadcast %or3A_338 : i32 to vector<1x512xi32>
    %or3A_340 = arith.ori %select_n3A_337, %or3A_339 : vector<1x512xi32>
    %xor3A_341 = arith.constant -2147483648 : i32
    %xor3A_342 = vector.broadcast %xor3A_341 : i32 to vector<1x512xi32>
    %xor3A_343 = arith.xori %or3A_340, %xor3A_342 : vector<1x512xi32>
    %ge3A_344 = vector.broadcast %xor3A_343 : vector<1x512xi32> to vector<1024x512xi32>
    %ge3A_345 = arith.cmpi sge, %transpose3A, %ge3A_344 : vector<1024x512xi32>
    %convert_element_type3A_346 = arith.extui %ge3A_345 : vector<1024x512xi1> to vector<1024x512xi32>
    %reduce_sum3A_347 = arith.constant dense<0> : vector<512xi32>
    %reduce_sum3A_348 = vector.multi_reduction <add>, %convert_element_type3A_346, %reduce_sum3A_347 [0] : vector<1024x512xi32> to vector<512xi32>
    %broadcast_in_dim3A_349 = vector.shape_cast %reduce_sum3A_348 : vector<512xi32> to vector<1x512xi32>
    %ge3A_350 = arith.constant 256 : i32
    %ge3A_351 = vector.broadcast %ge3A_350 : i32 to vector<1x512xi32>
    %ge3A_352 = arith.cmpi sge, %broadcast_in_dim3A_349, %ge3A_351 : vector<1x512xi32>
    %select_n3A_353 = arith.select %ge3A_352, %or3A_340, %select_n3A_337 : vector<1x512xi1>, vector<1x512xi32>
    %or3A_354 = arith.constant 512 : i32
    %or3A_355 = vector.broadcast %or3A_354 : i32 to vector<1x512xi32>
    %or3A_356 = arith.ori %select_n3A_353, %or3A_355 : vector<1x512xi32>
    %xor3A_357 = arith.constant -2147483648 : i32
    %xor3A_358 = vector.broadcast %xor3A_357 : i32 to vector<1x512xi32>
    %xor3A_359 = arith.xori %or3A_356, %xor3A_358 : vector<1x512xi32>
    %ge3A_360 = vector.broadcast %xor3A_359 : vector<1x512xi32> to vector<1024x512xi32>
    %ge3A_361 = arith.cmpi sge, %transpose3A, %ge3A_360 : vector<1024x512xi32>
    %convert_element_type3A_362 = arith.extui %ge3A_361 : vector<1024x512xi1> to vector<1024x512xi32>
    %reduce_sum3A_363 = arith.constant dense<0> : vector<512xi32>
    %reduce_sum3A_364 = vector.multi_reduction <add>, %convert_element_type3A_362, %reduce_sum3A_363 [0] : vector<1024x512xi32> to vector<512xi32>
    %broadcast_in_dim3A_365 = vector.shape_cast %reduce_sum3A_364 : vector<512xi32> to vector<1x512xi32>
    %ge3A_366 = arith.constant 256 : i32
    %ge3A_367 = vector.broadcast %ge3A_366 : i32 to vector<1x512xi32>
    %ge3A_368 = arith.cmpi sge, %broadcast_in_dim3A_365, %ge3A_367 : vector<1x512xi32>
    %select_n3A_369 = arith.select %ge3A_368, %or3A_356, %select_n3A_353 : vector<1x512xi1>, vector<1x512xi32>
    %or3A_370 = arith.constant 256 : i32
    %or3A_371 = vector.broadcast %or3A_370 : i32 to vector<1x512xi32>
    %or3A_372 = arith.ori %select_n3A_369, %or3A_371 : vector<1x512xi32>
    %xor3A_373 = arith.constant -2147483648 : i32
    %xor3A_374 = vector.broadcast %xor3A_373 : i32 to vector<1x512xi32>
    %xor3A_375 = arith.xori %or3A_372, %xor3A_374 : vector<1x512xi32>
    %ge3A_376 = vector.broadcast %xor3A_375 : vector<1x512xi32> to vector<1024x512xi32>
    %ge3A_377 = arith.cmpi sge, %transpose3A, %ge3A_376 : vector<1024x512xi32>
    %convert_element_type3A_378 = arith.extui %ge3A_377 : vector<1024x512xi1> to vector<1024x512xi32>
    %reduce_sum3A_379 = arith.constant dense<0> : vector<512xi32>
    %reduce_sum3A_380 = vector.multi_reduction <add>, %convert_element_type3A_378, %reduce_sum3A_379 [0] : vector<1024x512xi32> to vector<512xi32>
    %broadcast_in_dim3A_381 = vector.shape_cast %reduce_sum3A_380 : vector<512xi32> to vector<1x512xi32>
    %ge3A_382 = arith.constant 256 : i32
    %ge3A_383 = vector.broadcast %ge3A_382 : i32 to vector<1x512xi32>
    %ge3A_384 = arith.cmpi sge, %broadcast_in_dim3A_381, %ge3A_383 : vector<1x512xi32>
    %select_n3A_385 = arith.select %ge3A_384, %or3A_372, %select_n3A_369 : vector<1x512xi1>, vector<1x512xi32>
    %or3A_386 = arith.constant 128 : i32
    %or3A_387 = vector.broadcast %or3A_386 : i32 to vector<1x512xi32>
    %or3A_388 = arith.ori %select_n3A_385, %or3A_387 : vector<1x512xi32>
    %xor3A_389 = arith.constant -2147483648 : i32
    %xor3A_390 = vector.broadcast %xor3A_389 : i32 to vector<1x512xi32>
    %xor3A_391 = arith.xori %or3A_388, %xor3A_390 : vector<1x512xi32>
    %ge3A_392 = vector.broadcast %xor3A_391 : vector<1x512xi32> to vector<1024x512xi32>
    %ge3A_393 = arith.cmpi sge, %transpose3A, %ge3A_392 : vector<1024x512xi32>
    %convert_element_type3A_394 = arith.extui %ge3A_393 : vector<1024x512xi1> to vector<1024x512xi32>
    %reduce_sum3A_395 = arith.constant dense<0> : vector<512xi32>
    %reduce_sum3A_396 = vector.multi_reduction <add>, %convert_element_type3A_394, %reduce_sum3A_395 [0] : vector<1024x512xi32> to vector<512xi32>
    %broadcast_in_dim3A_397 = vector.shape_cast %reduce_sum3A_396 : vector<512xi32> to vector<1x512xi32>
    %ge3A_398 = arith.constant 256 : i32
    %ge3A_399 = vector.broadcast %ge3A_398 : i32 to vector<1x512xi32>
    %ge3A_400 = arith.cmpi sge, %broadcast_in_dim3A_397, %ge3A_399 : vector<1x512xi32>
    %select_n3A_401 = arith.select %ge3A_400, %or3A_388, %select_n3A_385 : vector<1x512xi1>, vector<1x512xi32>
    %or3A_402 = arith.constant 64 : i32
    %or3A_403 = vector.broadcast %or3A_402 : i32 to vector<1x512xi32>
    %or3A_404 = arith.ori %select_n3A_401, %or3A_403 : vector<1x512xi32>
    %xor3A_405 = arith.constant -2147483648 : i32
    %xor3A_406 = vector.broadcast %xor3A_405 : i32 to vector<1x512xi32>
    %xor3A_407 = arith.xori %or3A_404, %xor3A_406 : vector<1x512xi32>
    %ge3A_408 = vector.broadcast %xor3A_407 : vector<1x512xi32> to vector<1024x512xi32>
    %ge3A_409 = arith.cmpi sge, %transpose3A, %ge3A_408 : vector<1024x512xi32>
    %convert_element_type3A_410 = arith.extui %ge3A_409 : vector<1024x512xi1> to vector<1024x512xi32>
    %reduce_sum3A_411 = arith.constant dense<0> : vector<512xi32>
    %reduce_sum3A_412 = vector.multi_reduction <add>, %convert_element_type3A_410, %reduce_sum3A_411 [0] : vector<1024x512xi32> to vector<512xi32>
    %broadcast_in_dim3A_413 = vector.shape_cast %reduce_sum3A_412 : vector<512xi32> to vector<1x512xi32>
    %ge3A_414 = arith.constant 256 : i32
    %ge3A_415 = vector.broadcast %ge3A_414 : i32 to vector<1x512xi32>
    %ge3A_416 = arith.cmpi sge, %broadcast_in_dim3A_413, %ge3A_415 : vector<1x512xi32>
    %select_n3A_417 = arith.select %ge3A_416, %or3A_404, %select_n3A_401 : vector<1x512xi1>, vector<1x512xi32>
    %or3A_418 = arith.constant 32 : i32
    %or3A_419 = vector.broadcast %or3A_418 : i32 to vector<1x512xi32>
    %or3A_420 = arith.ori %select_n3A_417, %or3A_419 : vector<1x512xi32>
    %xor3A_421 = arith.constant -2147483648 : i32
    %xor3A_422 = vector.broadcast %xor3A_421 : i32 to vector<1x512xi32>
    %xor3A_423 = arith.xori %or3A_420, %xor3A_422 : vector<1x512xi32>
    %ge3A_424 = vector.broadcast %xor3A_423 : vector<1x512xi32> to vector<1024x512xi32>
    %ge3A_425 = arith.cmpi sge, %transpose3A, %ge3A_424 : vector<1024x512xi32>
    %convert_element_type3A_426 = arith.extui %ge3A_425 : vector<1024x512xi1> to vector<1024x512xi32>
    %reduce_sum3A_427 = arith.constant dense<0> : vector<512xi32>
    %reduce_sum3A_428 = vector.multi_reduction <add>, %convert_element_type3A_426, %reduce_sum3A_427 [0] : vector<1024x512xi32> to vector<512xi32>
    %broadcast_in_dim3A_429 = vector.shape_cast %reduce_sum3A_428 : vector<512xi32> to vector<1x512xi32>
    %ge3A_430 = arith.constant 256 : i32
    %ge3A_431 = vector.broadcast %ge3A_430 : i32 to vector<1x512xi32>
    %ge3A_432 = arith.cmpi sge, %broadcast_in_dim3A_429, %ge3A_431 : vector<1x512xi32>
    %select_n3A_433 = arith.select %ge3A_432, %or3A_420, %select_n3A_417 : vector<1x512xi1>, vector<1x512xi32>
    %or3A_434 = arith.constant 16 : i32
    %or3A_435 = vector.broadcast %or3A_434 : i32 to vector<1x512xi32>
    %or3A_436 = arith.ori %select_n3A_433, %or3A_435 : vector<1x512xi32>
    %xor3A_437 = arith.constant -2147483648 : i32
    %xor3A_438 = vector.broadcast %xor3A_437 : i32 to vector<1x512xi32>
    %xor3A_439 = arith.xori %or3A_436, %xor3A_438 : vector<1x512xi32>
    %ge3A_440 = vector.broadcast %xor3A_439 : vector<1x512xi32> to vector<1024x512xi32>
    %ge3A_441 = arith.cmpi sge, %transpose3A, %ge3A_440 : vector<1024x512xi32>
    %convert_element_type3A_442 = arith.extui %ge3A_441 : vector<1024x512xi1> to vector<1024x512xi32>
    %reduce_sum3A_443 = arith.constant dense<0> : vector<512xi32>
    %reduce_sum3A_444 = vector.multi_reduction <add>, %convert_element_type3A_442, %reduce_sum3A_443 [0] : vector<1024x512xi32> to vector<512xi32>
    %broadcast_in_dim3A_445 = vector.shape_cast %reduce_sum3A_444 : vector<512xi32> to vector<1x512xi32>
    %ge3A_446 = arith.constant 256 : i32
    %ge3A_447 = vector.broadcast %ge3A_446 : i32 to vector<1x512xi32>
    %ge3A_448 = arith.cmpi sge, %broadcast_in_dim3A_445, %ge3A_447 : vector<1x512xi32>
    %select_n3A_449 = arith.select %ge3A_448, %or3A_436, %select_n3A_433 : vector<1x512xi1>, vector<1x512xi32>
    %or3A_450 = arith.constant 8 : i32
    %or3A_451 = vector.broadcast %or3A_450 : i32 to vector<1x512xi32>
    %or3A_452 = arith.ori %select_n3A_449, %or3A_451 : vector<1x512xi32>
    %xor3A_453 = arith.constant -2147483648 : i32
    %xor3A_454 = vector.broadcast %xor3A_453 : i32 to vector<1x512xi32>
    %xor3A_455 = arith.xori %or3A_452, %xor3A_454 : vector<1x512xi32>
    %ge3A_456 = vector.broadcast %xor3A_455 : vector<1x512xi32> to vector<1024x512xi32>
    %ge3A_457 = arith.cmpi sge, %transpose3A, %ge3A_456 : vector<1024x512xi32>
    %convert_element_type3A_458 = arith.extui %ge3A_457 : vector<1024x512xi1> to vector<1024x512xi32>
    %reduce_sum3A_459 = arith.constant dense<0> : vector<512xi32>
    %reduce_sum3A_460 = vector.multi_reduction <add>, %convert_element_type3A_458, %reduce_sum3A_459 [0] : vector<1024x512xi32> to vector<512xi32>
    %broadcast_in_dim3A_461 = vector.shape_cast %reduce_sum3A_460 : vector<512xi32> to vector<1x512xi32>
    %ge3A_462 = arith.constant 256 : i32
    %ge3A_463 = vector.broadcast %ge3A_462 : i32 to vector<1x512xi32>
    %ge3A_464 = arith.cmpi sge, %broadcast_in_dim3A_461, %ge3A_463 : vector<1x512xi32>
    %select_n3A_465 = arith.select %ge3A_464, %or3A_452, %select_n3A_449 : vector<1x512xi1>, vector<1x512xi32>
    %or3A_466 = arith.constant 4 : i32
    %or3A_467 = vector.broadcast %or3A_466 : i32 to vector<1x512xi32>
    %or3A_468 = arith.ori %select_n3A_465, %or3A_467 : vector<1x512xi32>
    %xor3A_469 = arith.constant -2147483648 : i32
    %xor3A_470 = vector.broadcast %xor3A_469 : i32 to vector<1x512xi32>
    %xor3A_471 = arith.xori %or3A_468, %xor3A_470 : vector<1x512xi32>
    %ge3A_472 = vector.broadcast %xor3A_471 : vector<1x512xi32> to vector<1024x512xi32>
    %ge3A_473 = arith.cmpi sge, %transpose3A, %ge3A_472 : vector<1024x512xi32>
    %convert_element_type3A_474 = arith.extui %ge3A_473 : vector<1024x512xi1> to vector<1024x512xi32>
    %reduce_sum3A_475 = arith.constant dense<0> : vector<512xi32>
    %reduce_sum3A_476 = vector.multi_reduction <add>, %convert_element_type3A_474, %reduce_sum3A_475 [0] : vector<1024x512xi32> to vector<512xi32>
    %broadcast_in_dim3A_477 = vector.shape_cast %reduce_sum3A_476 : vector<512xi32> to vector<1x512xi32>
    %ge3A_478 = arith.constant 256 : i32
    %ge3A_479 = vector.broadcast %ge3A_478 : i32 to vector<1x512xi32>
    %ge3A_480 = arith.cmpi sge, %broadcast_in_dim3A_477, %ge3A_479 : vector<1x512xi32>
    %select_n3A_481 = arith.select %ge3A_480, %or3A_468, %select_n3A_465 : vector<1x512xi1>, vector<1x512xi32>
    %or3A_482 = arith.constant 2 : i32
    %or3A_483 = vector.broadcast %or3A_482 : i32 to vector<1x512xi32>
    %or3A_484 = arith.ori %select_n3A_481, %or3A_483 : vector<1x512xi32>
    %xor3A_485 = arith.constant -2147483648 : i32
    %xor3A_486 = vector.broadcast %xor3A_485 : i32 to vector<1x512xi32>
    %xor3A_487 = arith.xori %or3A_484, %xor3A_486 : vector<1x512xi32>
    %ge3A_488 = vector.broadcast %xor3A_487 : vector<1x512xi32> to vector<1024x512xi32>
    %ge3A_489 = arith.cmpi sge, %transpose3A, %ge3A_488 : vector<1024x512xi32>
    %convert_element_type3A_490 = arith.extui %ge3A_489 : vector<1024x512xi1> to vector<1024x512xi32>
    %reduce_sum3A_491 = arith.constant dense<0> : vector<512xi32>
    %reduce_sum3A_492 = vector.multi_reduction <add>, %convert_element_type3A_490, %reduce_sum3A_491 [0] : vector<1024x512xi32> to vector<512xi32>
    %broadcast_in_dim3A_493 = vector.shape_cast %reduce_sum3A_492 : vector<512xi32> to vector<1x512xi32>
    %ge3A_494 = arith.constant 256 : i32
    %ge3A_495 = vector.broadcast %ge3A_494 : i32 to vector<1x512xi32>
    %ge3A_496 = arith.cmpi sge, %broadcast_in_dim3A_493, %ge3A_495 : vector<1x512xi32>
    %select_n3A_497 = arith.select %ge3A_496, %or3A_484, %select_n3A_481 : vector<1x512xi1>, vector<1x512xi32>
    %or3A_498 = arith.constant 1 : i32
    %or3A_499 = vector.broadcast %or3A_498 : i32 to vector<1x512xi32>
    %or3A_500 = arith.ori %select_n3A_497, %or3A_499 : vector<1x512xi32>
    %xor3A_501 = arith.constant -2147483648 : i32
    %xor3A_502 = vector.broadcast %xor3A_501 : i32 to vector<1x512xi32>
    %xor3A_503 = arith.xori %or3A_500, %xor3A_502 : vector<1x512xi32>
    %ge3A_504 = vector.broadcast %xor3A_503 : vector<1x512xi32> to vector<1024x512xi32>
    %ge3A_505 = arith.cmpi sge, %transpose3A, %ge3A_504 : vector<1024x512xi32>
    %convert_element_type3A_506 = arith.extui %ge3A_505 : vector<1024x512xi1> to vector<1024x512xi32>
    %reduce_sum3A_507 = arith.constant dense<0> : vector<512xi32>
    %reduce_sum3A_508 = vector.multi_reduction <add>, %convert_element_type3A_506, %reduce_sum3A_507 [0] : vector<1024x512xi32> to vector<512xi32>
    %broadcast_in_dim3A_509 = vector.shape_cast %reduce_sum3A_508 : vector<512xi32> to vector<1x512xi32>
    %ge3A_510 = arith.constant 256 : i32
    %ge3A_511 = vector.broadcast %ge3A_510 : i32 to vector<1x512xi32>
    %ge3A_512 = arith.cmpi sge, %broadcast_in_dim3A_509, %ge3A_511 : vector<1x512xi32>
    %select_n3A_513 = arith.select %ge3A_512, %or3A_500, %select_n3A_497 : vector<1x512xi1>, vector<1x512xi32>
    %xor3A_514 = arith.constant -2147483648 : i32
    %xor3A_515 = vector.broadcast %xor3A_514 : i32 to vector<1x512xi32>
    %xor3A_516 = arith.xori %select_n3A_513, %xor3A_515 : vector<1x512xi32>
    %shift_right_arithmetic3A_517 = arith.constant 31 : i32
    %shift_right_arithmetic3A_518 = vector.broadcast %shift_right_arithmetic3A_517 : i32 to vector<1x512xi32>
    %shift_right_arithmetic3A_519 = arith.shrsi %xor3A_516, %shift_right_arithmetic3A_518 : vector<1x512xi32>
    %and3A_520 = arith.constant 2147483647 : i32
    %and3A_521 = vector.broadcast %and3A_520 : i32 to vector<1x512xi32>
    %and3A_522 = arith.andi %shift_right_arithmetic3A_519, %and3A_521 : vector<1x512xi32>
    %xor3A_523 = arith.xori %xor3A_516, %and3A_522 : vector<1x512xi32>
    %bitcast_convert_type3A_524 = tpu.bitcast %xor3A_523 : vector<1x512xi32> -> vector<1x512xf32>
    %shift_right_arithmetic3A_525 = arith.constant 31 : i32
    %shift_right_arithmetic3A_526 = vector.broadcast %shift_right_arithmetic3A_525 : i32 to vector<1024x512xi32>
    %shift_right_arithmetic3A_527 = arith.shrsi %transpose3A, %shift_right_arithmetic3A_526 : vector<1024x512xi32>
    %and3A_528 = arith.constant 2147483647 : i32
    %and3A_529 = vector.broadcast %and3A_528 : i32 to vector<1024x512xi32>
    %and3A_530 = arith.andi %shift_right_arithmetic3A_527, %and3A_529 : vector<1024x512xi32>
    %xor3A_531 = arith.xori %transpose3A, %and3A_530 : vector<1024x512xi32>
    %bitcast_convert_type3A_532 = tpu.bitcast %xor3A_531 : vector<1024x512xi32> -> vector<1024x512xf32>
    %gt3A = vector.broadcast %xor3A_516 : vector<1x512xi32> to vector<1024x512xi32>
    %gt3A_533 = arith.cmpi sgt, %transpose3A, %gt3A : vector<1024x512xi32>
    %convert_element_type3A_534 = arith.extui %gt3A_533 : vector<1024x512xi1> to vector<1024x512xi32>
    %reduce_sum3A_535 = arith.constant dense<0> : vector<512xi32>
    %reduce_sum3A_536 = vector.multi_reduction <add>, %convert_element_type3A_534, %reduce_sum3A_535 [0] : vector<1024x512xi32> to vector<512xi32>
    %broadcast_in_dim3A_537 = vector.shape_cast %reduce_sum3A_536 : vector<512xi32> to vector<1x512xi32>
    %jit3A = arith.constant 0.000000e+00 : f32
    %broadcast_in_dim3A_538 = vector.broadcast %jit3A : f32 to vector<1024x512xf32>
    %select_n3A_539 = arith.select %gt3A_533, %bitcast_convert_type3A_532, %broadcast_in_dim3A_538 : vector<1024x512xi1>, vector<1024x512xf32>
    %reduce_sum3A_540 = arith.constant dense<0.000000e+00> : vector<512xf32>
    %reduce_sum3A_541 = vector.multi_reduction <add>, %select_n3A_539, %reduce_sum3A_540 [0] : vector<1024x512xf32> to vector<512xf32>
    %broadcast_in_dim3A_542 = vector.shape_cast %reduce_sum3A_541 : vector<512xf32> to vector<1x512xf32>
    %sub3A = arith.constant 256 : i32
    %sub3A_543 = vector.broadcast %sub3A : i32 to vector<1x512xi32>
    %sub3A_544 = arith.subi %sub3A_543, %broadcast_in_dim3A_537 : vector<1x512xi32>
    %convert_element_type3A_545 = arith.sitofp %sub3A_544 : vector<1x512xi32> to vector<1x512xf32>
    %mul3A = arith.mulf %convert_element_type3A_545, %bitcast_convert_type3A_524 : vector<1x512xf32>
    %add3A = arith.addf %broadcast_in_dim3A_542, %mul3A : vector<1x512xf32>
    %swap3A = arith.constant 0 : index
    %swap3A_546 = arith.constant 0 : index
    %swap3A_547 = vector.load %arg2[%swap3A, %swap3A_546] : memref<1x512xf32, #tpu.memory_space<vmem>>, vector<1x512xf32>
    tpu.vector_store %arg2[%swap3A, %swap3A_546], %add3A {strides = array<i32>} : memref<1x512xf32, #tpu.memory_space<vmem>>, vector<1x512xf32>,
    %reduce_sum3A_548 = arith.constant dense<0.000000e+00> : vector<512xf32>
    %reduce_sum3A_549 = vector.multi_reduction <add>, %bitcast_convert_type3A_532, %reduce_sum3A_548 [0] : vector<1024x512xf32> to vector<512xf32>
    %broadcast_in_dim3A_550 = vector.shape_cast %reduce_sum3A_549 : vector<512xf32> to vector<1x512xf32>
    %swap3A_551 = arith.constant 0 : index
    %swap3A_552 = arith.constant 0 : index
    %swap3A_553 = vector.load %arg3[%swap3A_551, %swap3A_552] : memref<1x512xf32, #tpu.memory_space<vmem>>, vector<1x512xf32>
    tpu.vector_store %arg3[%swap3A_551, %swap3A_552], %broadcast_in_dim3A_550 {strides = array<i32>} : memref<1x512xf32, #tpu.memory_space<vmem>>, vector<1x512xf32>,
    return
  }
  func.func @transform_0(%arg0: i32) -> (i32, i32) {
    %add3A = arith.constant 6 : i32
    %add3A_0 = arith.addi %add3A, %arg0 : i32
    %c0_i32 = arith.constant 0 : i32
    %c0_i32_1 = arith.constant 0 : i32
    return %add3A_0, %c0_i32 : i32, i32
  }
  func.func @transform_1(%arg0: i32) -> (i32, i32) {
    %c0_i32 = arith.constant 0 : i32
    %c0_i32_0 = arith.constant 0 : i32
    return %c0_i32, %arg0 : i32, i32
  }
  func.func @transform_2(%arg0: i32) -> (i32, i32) {
    %c0_i32 = arith.constant 0 : i32
    %c0_i32_0 = arith.constant 0 : i32
    return %c0_i32, %arg0 : i32, i32
  }
}

module attributes {stable_mosaic.version = 14 : i64} {
  func.func @_finalize_body(%arg0: memref<32x384xf32, #tpu.memory_space<vmem>>, %arg1: memref<32x384xf32, #tpu.memory_space<vmem>>, %arg2: memref<32x384xf32, #tpu.memory_space<vmem>>) attributes {dimension_semantics = [], scalar_prefetch = 0 : i64, scratch_operands = 0 : i64, tpu.core_type = #tpu.core_type<tc>} {
    %get3A = arith.constant 0 : index
    %get3A_0 = arith.constant 0 : index
    %get3A_1 = vector.load %arg0[%get3A, %get3A_0] : memref<32x384xf32, #tpu.memory_space<vmem>>, vector<32x384xf32>
    %get3A_2 = arith.constant 0 : index
    %get3A_3 = arith.constant 0 : index
    %get3A_4 = vector.load %arg1[%get3A_2, %get3A_3] : memref<32x384xf32, #tpu.memory_space<vmem>>, vector<32x384xf32>
    %reduce_sum3A = arith.constant dense<0.000000e+00> : vector<32xf32>
    %reduce_sum3A_5 = vector.multi_reduction <add>, %get3A_1, %reduce_sum3A [1] : vector<32x384xf32> to vector<32xf32>
    %broadcast_in_dim3A = vector.shape_cast %reduce_sum3A_5 : vector<32xf32> to vector<32x1xf32>
    %reduce_sum3A_6 = arith.constant dense<0.000000e+00> : vector<32xf32>
    %reduce_sum3A_7 = vector.multi_reduction <add>, %get3A_4, %reduce_sum3A_6 [1] : vector<32x384xf32> to vector<32xf32>
    %broadcast_in_dim3A_8 = vector.shape_cast %reduce_sum3A_7 : vector<32xf32> to vector<32x1xf32>
    %mul3A = arith.constant 1.024000e+03 : f32
    %mul3A_9 = vector.broadcast %mul3A : f32 to vector<32x1xf32>
    %mul3A_10 = arith.mulf %mul3A_9, %broadcast_in_dim3A : vector<32x1xf32>
    %div3A = arith.divf %broadcast_in_dim3A_8, %mul3A_10 : vector<32x1xf32>
    %mul3A_11 = vector.broadcast %div3A : vector<32x1xf32> to vector<32x384xf32>
    %mul3A_12 = arith.mulf %get3A_1, %mul3A_11 : vector<32x384xf32>
    %swap3A = arith.constant 0 : index
    %swap3A_13 = arith.constant 0 : index
    %swap3A_14 = vector.load %arg2[%swap3A, %swap3A_13] : memref<32x384xf32, #tpu.memory_space<vmem>>, vector<32x384xf32>
    tpu.vector_store %arg2[%swap3A, %swap3A_13], %mul3A_12 {strides = array<i32>} : memref<32x384xf32, #tpu.memory_space<vmem>>, vector<32x384xf32>,
    return
  }
}

</mosaic_0001>

<sc_bundles>
// kernel: kernel.5.cloned.1.call-start
scs
__scs_entry_jumppad:
0x0: {  	(pc) =	sbr.rel $0x88, $3  }
0x1: {  	(tag) =	ssettag $0x0;
	lr =	simm.s32 $0x1  }
0x2: {  	[smem:$0x3FA0] =	sst lr;
	_ =	strace $0xD0000000  }
0x3: {  	_ = 	snop  }
0x4: {  	_ = 	snop  }
0x5: {  	_ = 	snop  }
0x6: {  	_ = 	snop  }
0x7: {  	_ = 	snop  }
__scs_overlays_trampoline_lowered:
0x8: {  	[smem:$0x3FAF] =	sst s0  }
0x9: {  	[smem:$0x3FB0] =	sst s1  }
0xa: {  	[smem:$0x3FB1] =	sst s2  }
0xb: {  	[smem:$0x3FB2] =	sst s3  }
0xc: {  	[smem:$0x3FB3] =	sst s4  }
0xd: {  	[smem:$0x3FB4] =	sst s5  }
0xe: {  	[smem:$0x3FB5] =	sst s6  }
0xf: {  	[smem:$0x3FB6] =	sst s7  }
0x10: {  	[smem:$0x3FB7] =	sst s8  }
0x11: {  	[smem:$0x3FB8] =	sst s9;
	s0 =	simm.s32 @!p0 $0x0  }
0x12: {  	s1 =	sld [smem:$0x3F9E];
	s0 =	simm.s32 @p0 $0x1  }
0x13: {  	[smem:$0x3FB9] =	sst s0;
	s0 =	simm.s32 @!p1 $0x0  }
0x14: {  	s2 =	sld [smem:$0x3F9D];
	s0 =	simm.s32 @p1 $0x1  }
0x15: {  	[smem:$0x3FBA] =	sst s0;
	s0 =	simm.s32 @!p2 $0x0  }
0x16: {  	s3 =	sld [smem:$0x3FDB];
	s0 =	simm.s32 @p2 $0x1  }
0x17: {  	s4 =	simm.s32 $0x1BF5;
	[smem:$0x3FBC] =	sst s0  }
0x18: {  	s0 =	sld [smem:$0x3F9F];
	_ =	swait.ge [sflag:s4], $0x0  }
0x19: {  	s7 =	sld [smem:$0x3FA0]  }
0x1a: {  	s8 =	sadd.s32 $0xFFFFE003, lr  }
0x1b: {  	s9 =	sadd.s32 $0xFFFFFEF7, lr;
	s5 =	simm.s32 $0xFFFFFFFF;
	p2 =	slt.u32 s8, $0xFFFFF086  }
0x1c: {  	p1 =	slt.u32 s9, $0xF7A;
	s5 =	simm.s32 @!p2 $0x0  }
0x1d: {  	s5 =	simm.s32 @p1 $0x1;
	p0 =	seq.s32 s7, s2  }
0x1e: {  	s7 =	smul.u32 @!p0 $0xF7A, s2;
	p2 =	seq.s32 @!p0 s5, $0x0  }
0x1f: {  	s9 =	smul.u32 $0xF7A, s1;
	s8 =	simm.s32 @!p0 $0x1BF5;
	p2 =	por !p2, p0  }
0x20: {  	[sflag:s8] =	ssyncset.s32 @!p0 $0xFFFFF086;
	s6 =	sadd.s32 @!p0 s3, s7;
	s7 =	simm.s32 @!p0 $0x108  }
0x21: {  	s3 =	sadd.s32 s3, s9;
	s6 =	sadd.s32 @!p0 $0x88, s6;
	s7 =	simm.s32 @p2 $0x1082  }
0x22: {  	[simem:s7], [sflag:s8] =	dma.local @!p0 [hbm:s6], $0xF7A  }
0x23: {  	s9 =	sor.u32 $0xD0000000, s2;
	s6 =	simm.s32 $0x108;
	_ =	swait.ge @!p0 [sflag:s8], $0x0  }
0x24: {  	s3 =	sadd.s32 $0x88, s3;
	s6 =	simm.s32 @!p1 $0x1082;
	[sflag:s4] =	ssyncset.s32 $0xFFFFF086  }
0x25: {  	[simem:s6], [sflag:s4] =	dma.local [hbm:s3], $0xF7A  }
0x26: {  	[smem:$0x3FA0] =	sst s1;
	(tag) =	ssettag s2;
	_ =	strace s9  }
0x27: {  	s1 =	sld [smem:$0x3FB0]  }
0x28: {  	s2 =	sld [smem:$0x3FB1]  }
0x29: {  	s4 =	sld [smem:$0x3FB3]  }
0x2a: {  	p0 =	seq.s32 s5, $0x0;
	s5 =	sld [smem:$0x3FB4]  }
0x2b: {  	s6 =	sld [smem:$0x3FB5]  }
0x2c: {  	s7 =	sld [smem:$0x3FB6]  }
0x2d: {  	s3 =	simm.s32 $0x108;
	s8 =	sld [smem:$0x3FB7]  }
0x2e: {  	s3 =	simm.s32 @!p0 $0x1082;
	s9 =	sld [smem:$0x3FB8]  }
0x2f: {  	lr =	sadd.s32 s0, s3;
	s0 =	sld [smem:$0x3FAF]  }
0x30: {  	s3 =	sld [smem:$0x3FB2]  }
0x31: {  	[smem:$0x3FBB] =	sst s10  }
0x32: {  	s10 =	sld [smem:$0x3FB9];
	_ =	sdelay $0x3  }
0x33: {  	p0 =	seq.s32 s10, $0x1;
	s10 =	sld [smem:$0x3FBB];
	_ =	sdelay $0x3  }
0x34: {  	[smem:$0x3FBB] =	sst s10  }
0x35: {  	s10 =	sld [smem:$0x3FBA];
	_ =	sdelay $0x3  }
0x36: {  	p1 =	seq.s32 s10, $0x1;
	s10 =	sld [smem:$0x3FBB];
	_ =	sdelay $0x3  }
0x37: {  	[smem:$0x3FBB] =	sst s10  }
0x38: {  	s10 =	sld [smem:$0x3FBC]  }
0x39: {  	_ = 	snop;
	(pc) =	sbr.ind lr, $3  }
0x3a: {  	_ = 	snop  }
0x3b: {  	_ = 	snop  }
0x3c: {  	p2 =	seq.s32 s10, $0x1;
	s10 =	sld [smem:$0x3FBB]  }
0x3d: {  	_ =	shalt  }
0x3e: {  	_ =	shalt  }
0x3f: {  	_ =	shalt  }
0x40: {  	_ =	shalt  }
0x41: {  	_ =	shalt  }
0x42: {  	_ =	shalt  }
0x43: {  	_ =	shalt  }
0x44: {  	_ =	shalt  }
0x45: {  	_ =	shalt  }
0x46: {  	_ =	shalt  }
0x47: {  	_ =	shalt  }
0x48: {  	_ =	shalt  }
0x49: {  	_ =	shalt  }
0x4a: {  	_ =	shalt  }
0x4b: {  	_ =	shalt  }
0x4c: {  	_ =	shalt  }
0x4d: {  	_ =	shalt  }
0x4e: {  	_ =	shalt  }
0x4f: {  	_ =	shalt  }
0x50: {  	_ =	shalt  }
0x51: {  	_ =	shalt  }
0x52: {  	_ =	shalt  }
0x53: {  	_ =	shalt  }
0x54: {  	_ =	shalt  }
0x55: {  	_ =	shalt  }
0x56: {  	_ =	shalt  }
0x57: {  	_ =	shalt  }
0x58: {  	_ =	shalt  }
0x59: {  	_ =	shalt  }
0x5a: {  	_ =	shalt  }
0x5b: {  	_ =	shalt  }
0x5c: {  	_ =	shalt  }
0x5d: {  	_ =	shalt  }
0x5e: {  	_ =	shalt  }
0x5f: {  	_ =	shalt  }
0x60: {  	_ =	shalt  }
0x61: {  	_ =	shalt  }
0x62: {  	_ =	shalt  }
0x63: {  	_ =	shalt  }
0x64: {  	_ =	shalt  }
0x65: {  	_ =	shalt  }
0x66: {  	_ =	shalt  }
0x67: {  	_ =	shalt  }
0x68: {  	_ =	shalt  }
0x69: {  	_ =	shalt  }
0x6a: {  	_ =	shalt  }
0x6b: {  	_ =	shalt  }
0x6c: {  	_ =	shalt  }
0x6d: {  	_ =	shalt  }
0x6e: {  	_ =	shalt  }
0x6f: {  	_ =	shalt  }
0x70: {  	_ =	shalt  }
0x71: {  	_ =	shalt  }
0x72: {  	_ =	shalt  }
0x73: {  	_ =	shalt  }
0x74: {  	_ =	shalt  }
0x75: {  	_ =	shalt  }
0x76: {  	_ =	shalt  }
0x77: {  	_ =	shalt  }
0x78: {  	_ =	shalt  }
0x79: {  	_ =	shalt  }
0x7a: {  	_ =	shalt  }
0x7b: {  	_ =	shalt  }
0x7c: {  	_ =	shalt  }
0x7d: {  	_ =	shalt  }
0x7e: {  	_ =	shalt  }
0x7f: {  	_ =	shalt  }
0x80: {  	_ =	shalt  }
0x81: {  	_ =	shalt  }
0x82: {  	_ =	shalt  }
0x83: {  	_ =	shalt  }
0x84: {  	_ =	shalt  }
0x85: {  	_ =	shalt  }
0x86: {  	_ =	shalt  }
0x87: {  	_ =	shalt  }
.Lfunc_end0:
.L_simem_size_0:
called_computation.1_lowered:
.L_overlay_start_0:
0x88: {  	s2 =	sld [smem:$0x3FD9]  }
0x89: {  	s3 =	sld [smem:$0x3FFE];
	_ =	sdelay $0x1  }
0x8a: {  	s1 =	srdreg.scid  }
0x8b: {  	s0 =	sand.u32 $0x1, s1  }
0x8c: {  	s17 =	sshll.u32 s0, $0xA;
	s2 =	sadd.s32 s3, s2  }
0x8d: {  	s2 =	sadd.s32 s2, s17  }
0x8e: {  	[smem:$0x3FC7] =	sst s2  }
0x8f: {  	_ = 	snop  }
0x90: {  	s2 =	sld [smem:$0x3FD0];
	(tm) =	ssettm $0x1  }
0x91: {  	s18 =	sld [smem:$0x3FFB];
	_ =	sdelay $0x3  }
0x92: {  	_ =	strace s18  }
0x93: {  	s3 =	sld [smem:$0x3FFC];
	_ =	sdelay $0x3  }
0x94: {  	_ =	strace s3  }
0x95: {  	s3 =	sld [smem:$0x3FFD];
	_ =	sdelay $0x3  }
0x96: {  	_ =	strace s3  }
0x97: {  	_ =	strace $0x8FFFFFFF  }
0x98: {  	s19 =	sld [smem:$0x3FDB];
	_ =	sdelay $0x1  }
0x99: {  	s4 =	simm.s32 $_scs_section_size  }
0x9a: {  	s5 =	simm.s32 $_size__tile_overlayer_lowered;
	s6 =	simm.s32 $_tile_overlayer_lowered  }
0x9b: {  	s22 =	simm.s32 $0x1BFF;
	s21 =	sshll.u32 s6, $0x1;
	s3 =	sadd.s32 s4, s19  }
0x9c: {  	s7 =	simm.s32 $0x0;
	s20 =	sshll.u32 s5, $0x1;
	s5 =	sadd.s32 s21, s3  }
0x9d: {  	[timem:s7], [sflag:s22] =	dma.local [hbm:s5], s20  }
0x9e: {  	_ =	swait.ge [sflag:s22], s20  }
0x9f: {  	s4 =	ssub.s32 $0x0, s20;
	[sflag:s22] =	ssyncset.done $0x0  }
0xa0: {  	[sflag:s22] =	ssyncadd.s32 s4;
	_ =	sdelay $0x1  }
0xa1: {  	s23 =	simm.s32 $0x1B8B  }
0xa2: {  	_ =	swait.ge [sflag:s23], $0x1  }
0xa3: {  	[sflag:s23] =	ssyncset.done $0x0  }
0xa4: {  	s25 =	simm.s32 $0x1B8E;
	s24 =	sld [smem:$0x3FFE];
	[sflag:s23] =	ssyncadd.s32 $0xFFFFFFFF  }
0xa5: {  	s26 =	simm.s32 $execute0_lowered;
	[smem:$0x3FD2] =	sst s25  }
0xa6: {  	s5 =	sshll.u32 s26, $0x1;
	_ =	strace $0x80000049;
	[dreg:$0x1] =	wrdreg $0xFFFFFFFF  }
0xa7: {  	s28 =	simm.s32 $_size_execute0_lowered;
	s3 =	sadd.s32 s3, s5;
	[dreg:$0x0] =	wrdreg $0x0  }
0xa8: {  	s5 =	sshll.u32 s28, $0x1;
	[dreg:$0x2] =	wrdreg s3  }
0xa9: {  	[dreg:$0x3] =	wrdreg s5  }
0xaa: {  	[dreg:$0x4] =	wrdreg $0xC0  }
0xab: {  	_ =	task [dreg:s7], $0x5FFFF  }
0xac: {  	[dreg:$0x1] =	wrdreg $0xFFFFFFFF  }
0xad: {  	[dreg:$0x0] =	wrdreg $0x60  }
0xae: {  	[dreg:$0x2] =	wrdreg s24  }
0xaf: {  	[dreg:$0x3] =	wrdreg s2  }
0xb0: {  	[dreg:$0x4] =	wrdreg $0x9  }
0xb1: {  	_ =	task.clear_ibuf [dreg:s7], $0x5FFFF;
	_ =	strace $0x90000049  }
0xb2: {  	s29 =	simm.s32 $0x9;
	_ =	strace $0x8000004B  }
0xb3: {  	_ =	swait.ge [sflag:s29], $0x1  }
0xb4: {  	[sflag:s29] =	ssyncadd.s32 $0xFFFFFFFF  }
0xb5: {  	_ =	strace $0x9000004B  }
0xb6: {  	_ =	sfence  }
0xb7: {  	s30 =	sld [smem:$0x0];
	_ =	sdelay $0x2  }
0xb8: {  	s31 =	sshll.u32 s1, $0xD;
	s1 =	sshrl.u32 s1, $0x2  }
0xb9: {  	s3 =	sand.u32 $0x4000, s31;
	s1 =	sadd.s32 s1, s30  }
0xba: {  	s0 =	sor.u32 s3, s0;
	s1 =	sshll.u32 s1, $0x11  }
0xbb: {  	s0 =	sor.u32 s1, s0  }
0xbc: {  	s0 =	sadd.s32 $0x8F2B, s0  }
0xbd: {  	[sflag:s0] =	ssyncadd.remote.s32 $0x1  }
0xbe: {  	_ =	sfence.sel $0xFFFF  }
0xbf: {  	[dreg:$0x0] =	wrdreg $0xFFFFFFFF;
	(pc) =	sbr.abs _section_cstart, $3  }
0xc0: {  	[dreg:$0x1] =	wrdreg $0xFFFFFFFF  }
0xc1: {  	_ =	task.clear_ibuf [dreg:s7], $0x2FFFF;
	_ =	strace $0x9FFFFFFF  }
0xc2: {  	(tm) =	ssettm $0x7FFFFFFF  }
0xc3: {  	_ =	shalt  }
tec
execute0_lowered:
.L_overlay_start_1:
0x0: {  	(tag) =	ssettag $0x1  }
0x1: {  	v0 =	vimm.s32 $0xFEDCBA98;
	v1 =	vimm.s32 $0x76543210  }
0x2: {  	v2 =	vimm.s32 $0xBA98FEDC;
	v3 =	vimm.s32 $0x32107654;
	v4 =	vimm.s32 $0xDCFE98BA  }
0x3: {  	v5 =	vimm.s32 $0x54761032;
	v6 =	vimm.s32 $0xEFCDAB89;
	v7 =	vimm.s32 $0x67452301  }
0x4: {  	vm0 =	vcmask $0x320;
	vm1 =	vcmask $0x720;
	vm2 =	vcmask $0xB20  }
0x5: {  	vm3 =	vcmask $0xF20;
	vm4 =	vcmask $0x1320;
	vm5 =	vcmask $0x1720  }
0x6: {  	s1 =	srdreg.scid;
	s5 =	rddreg [dreg:$0x0];
	v0 =	vunpack.c.l.s4.s8 v0;
	v1 =	vunpack.c.l.s4.s8 v1;
	v2 =	vunpack.c.l.s4.s8 v2  }
0x7: {  	s0 =	stileid.u32;
	s6 =	rddreg [dreg:$0x1];
	s2 =	simm.s32 $0x0;
	v3 =	vunpack.c.l.s4.s8 v3;
	v4 =	vunpack.c.l.s4.s8 v4;
	v5 =	vunpack.c.l.s4.s8 v5  }
0x8: {  	s10 =	simm.s32 $0x4000;
	v6 =	vunpack.c.l.s4.s8 v6;
	v7 =	vunpack.c.l.s4.s8 v7;
	s4 =	sand.u32 $0x1, s1;
	s30 =	sshll.u32 s0, $0x1;
	v0 =	vunpack.c.0.s8.s32 v0  }
0x9: {  	s11 =	simm.s32 $0x4080;
	s12 =	simm.s32 $0x0;
	s3 =	sor.u32 s4, s30;
	v2 =	vunpack.c.0.s8.s32 v2;
	v3 =	vunpack.c.0.s8.s32 v3;
	v4 =	vunpack.c.0.s8.s32 v4  }
0xa: {  	[smem:$0x7FF] =	sst s2;
	s8 =	ssub.s32 $0x2, s4;
	v5 =	vunpack.c.0.s8.s32 v5;
	v6 =	vunpack.c.0.s8.s32 v6;
	v7 =	vunpack.c.0.s8.s32 v7;
	s3 =	smul.u32 $0x60, s3  }
0xb: {  	vm6 =	vcmask $0x1B20;
	s1 =	rddreg [dreg:$0x2];
	_ =	strace $0x8000004A;
	v1 =	vunpack.c.0.s8.s32 v1;
	s31 =	sshrl.u32 s8, $0x1;
	v2 =	vcombine.low v3, v2  }
0xc: {  	s4 =	sadd.s32 $0x1000, s5;
	s8 =	ssub.s32 s8, s31;
	v3 =	vand.u32 $0xF, v0;
	v4 =	vcombine.low v5, v4;
	v5 =	vcombine.low v7, v6;
	s7 =	sshrl.u32 s3, $0x3  }
0xd: {  	v0 =	vimm.s32 $0x0;
	v1 =	vcombine.low v3, v1;
	s9 =	sadd.s32 s7, s5;
	s5 =	sadd.s32 s6, s7;
	s7 =	smax.u32 s8, $0x1;
	v2 =	vand.u32 $0xF, v2  }
0xe: {  	s8 =	simm.s32 $0x1;
	v3 =	vand.u32 $0xF, v4;
	v4 =	vand.u32 $0xF, v5;
	s6 =	sadd.s32 $0x181000, s9;
	v5 =	vimm.f32 $0.0e+00;
	s9 =	simm.s32 $0x80000000  }
.LBB2_1:
0xf: {  	s13 =	simm.s32 $0x0  }
.LBB2_2:
0x10: {  	s14 =	sshll.u32 s13, $0x3  }
0x11: {  	s15 =	sadd.s32 s3, s14  }
0x12: {  	s15 =	sshll.u32 s15, $0x7  }
0x13: {  	s16 =	sadd.s32 s4, s15;
	s15 =	simm.s32 $0x0  }
0x14: {  	[tilespmem:s15], [sflag:$0x1] =	stream.linear.gather [hbm4b:s16+s15], $0x2000, $0x38;
	[tilespmem:$0x4100] =	vst v63  }
0x15: {  	_ =	swait.ge [sflag:s8], $0x2000  }
0x16: {  	s31 =	sand.u32 $0x70, s15;
	s17 =	sand.u32 $0x1C00, s15;
	[sflag:s8] =	ssyncset.done $0x0  }
0x17: {  	s18 =	sor.u32 s31, s17;
	[sflag:s8] =	ssyncadd.s32 $0xFFFFE000  }
0x18: {  	v10 =	vld [tilespmem:s18+$0x0]  }
0x19: {  	v9 =	vld [tilespmem:s18+$0x80]  }
0x1a: {  	v8 =	vld [tilespmem:s18+$0x100]  }
0x1b: {  	v7 =	vld [tilespmem:s18+$0x180]  }
0x1c: {  	s19 =	simm.s32 $0x10;
	s16 =	simm.s32 $0x0;
	s17 =	simm.s32 $0x0;
	v6 =	vld [tilespmem:s18+$0x200]  }
.LBB2_3:
0x1d: {  	p0 =	sne.s32 s19, $0x3F0;
	v11 =	vshra.s32 v10, $0x1F;
	v12 =	vld [tilespmem:s18+$0x280]  }
0x1e: {  	v11 =	vand.u32 $0x7FFFFFFF, v11;
	v13 =	vshra.s32 v9, $0x1F;
	v14 =	vld [tilespmem:s18+$0x300]  }
0x1f: {  	v10 =	vxor.u32 v10, v11;
	v11 =	vand.u32 $0x7FFFFFFF, v13;
	v13 =	vshra.s32 v8, $0x1F  }
0x20: {  	[tilespmem:s18+$0x2000] =	vst v10;
	v9 =	vxor.u32 v9, v11;
	v10 =	vand.u32 $0x7FFFFFFF, v13;
	v11 =	vshra.s32 v7, $0x1F  }
0x21: {  	[tilespmem:s18+$0x2080] =	vst v9;
	v8 =	vxor.u32 v8, v10;
	v9 =	vand.u32 $0x7FFFFFFF, v11;
	v10 =	vshra.s32 v6, $0x1F  }
0x22: {  	[tilespmem:s18+$0x2100] =	vst v8;
	v7 =	vxor.u32 v7, v9;
	v8 =	vand.u32 $0x7FFFFFFF, v10;
	v9 =	vshra.s32 v12, $0x1F  }
0x23: {  	[tilespmem:s18+$0x2180] =	vst v7;
	v6 =	vxor.u32 v6, v8;
	v7 =	vand.u32 $0x7FFFFFFF, v9;
	v8 =	vshra.s32 v14, $0x1F  }
0x24: {  	[tilespmem:s18+$0x2200] =	vst v6;
	v6 =	vxor.u32 v12, v7;
	v7 =	vand.u32 $0x7FFFFFFF, v8  }
0x25: {  	s20 =	sor.u32 s17, s16;
	s16 =	smov.u32 s19;
	[tilespmem:s18+$0x2280] =	vst v6;
	v6 =	vxor.u32 v14, v7  }
0x26: {  	s20 =	sor.u32 $0x380, s20;
	[tilespmem:s18+$0x2300] =	vst v6  }
0x27: {  	v6 =	vld [tilespmem:s20+$0x0];
	_ =	sdelay $0x4  }
0x28: {  	v7 =	vshra.s32 v6, $0x1F  }
0x29: {  	s17 =	sadd.s32 $0x80, s17;
	v7 =	vand.u32 $0x7FFFFFFF, v7  }
0x2a: {  	s21 =	sand.u32 $0x1C00, s17;
	s18 =	sand.u32 $0x70, s19;
	v6 =	vxor.u32 v6, v7  }
0x2b: {  	s18 =	sor.u32 s18, s21;
	[tilespmem:s20+$0x2000] =	vst v6  }
.Ltmp0:
0x2c: {  	v10 =	vld [tilespmem:s18+$0x0];
	(pc) =	sbr.rel @p0 .LBB2_3-.Ltmp0, $4  }
0x2d: {  	v9 =	vld [tilespmem:s18+$0x80]  }
0x2e: {  	v8 =	vld [tilespmem:s18+$0x100]  }
0x2f: {  	v7 =	vld [tilespmem:s18+$0x180]  }
0x30: {  	s19 =	sadd.s32 $0x10, s19;
	v6 =	vld [tilespmem:s18+$0x200]  }
0x31: {  	v11 =	vshra.s32 v10, $0x1F;
	v12 =	vld [tilespmem:s18+$0x280]  }
0x32: {  	v14 =	vld [tilespmem:s18+$0x300];
	v11 =	vand.u32 $0x7FFFFFFF, v11;
	v13 =	vshra.s32 v9, $0x1F  }
0x33: {  	v10 =	vxor.u32 v10, v11;
	v11 =	vand.u32 $0x7FFFFFFF, v13;
	v13 =	vshra.s32 v8, $0x1F  }
0x34: {  	[tilespmem:s18+$0x2000] =	vst v10;
	v9 =	vxor.u32 v9, v11;
	v10 =	vand.u32 $0x7FFFFFFF, v13;
	v11 =	vshra.s32 v7, $0x1F  }
0x35: {  	[tilespmem:s18+$0x2080] =	vst v9;
	v8 =	vxor.u32 v8, v10;
	v9 =	vand.u32 $0x7FFFFFFF, v11;
	v10 =	vshra.s32 v6, $0x1F  }
0x36: {  	[tilespmem:s18+$0x2100] =	vst v8;
	v7 =	vxor.u32 v7, v9;
	v8 =	vand.u32 $0x7FFFFFFF, v10;
	v9 =	vshra.s32 v12, $0x1F  }
0x37: {  	[tilespmem:s18+$0x2180] =	vst v7;
	v6 =	vxor.u32 v6, v8;
	v7 =	vand.u32 $0x7FFFFFFF, v9;
	v8 =	vshra.s32 v14, $0x1F  }
0x38: {  	[tilespmem:s18+$0x2200] =	vst v6;
	v6 =	vxor.u32 v12, v7;
	v7 =	vand.u32 $0x7FFFFFFF, v8  }
0x39: {  	s16 =	sor.u32 s17, s16;
	[tilespmem:s18+$0x2280] =	vst v6;
	v6 =	vxor.u32 v14, v7  }
0x3a: {  	s16 =	sor.u32 $0x380, s16;
	[tilespmem:s18+$0x2300] =	vst v6  }
0x3b: {  	v6 =	vld [tilespmem:s16+$0x0];
	_ =	sdelay $0x4  }
0x3c: {  	v15 =	vimm.s32 $0x0;
	v13 =	vimm.s32 $0x0;
	v7 =	vshra.s32 v6, $0x1F  }
0x3d: {  	v11 =	vimm.s32 $0x0;
	v10 =	vimm.s32 $0x0;
	v7 =	vand.u32 $0x7FFFFFFF, v7  }
0x3e: {  	v9 =	vimm.s32 $0x0;
	v8 =	vimm.s32 $0x0;
	v6 =	vxor.u32 v6, v7  }
0x3f: {  	v12 =	vimm.s32 $0x0;
	v14 =	vimm.s32 $0x0;
	v7 =	vimm.s32 $0x0;
	[tilespmem:s16+$0x2000] =	vst v6  }
.LBB2_5:
0x40: {  	p0 =	por $0x0, $0x0  }
0x41: {  	s17 =	simm.s32 $0x1;
	s16 =	simm.s32 $0x0;
	s19 =	simm.s32 $0x0  }
0x42: {  	s17 =	simm.s32 @!p0 $0x0;
	s20 =	sor.u32 s19, s16;
	s21 =	sand.u32 $0x40, s16  }
0x43: {  	s19 =	sand.u32 $0x1C00, s19;
	s17 =	sshll.u32 s17, $0x6;
	s20 =	sor.u32 $0x380, s20  }
0x44: {  	s18 =	sadd.s32 $0x0, s17;
	v6 =	vld [tilespmem:s20+$0x2000];
	s26 =	sadd.s32 $0x30, s17;
	s17 =	sor.u32 s21, s19  }
0x45: {  	s18 =	sadd.s32 $0x30, s18;
	v33 =	vld [tilespmem:s17+$0x2190]  }
0x46: {  	s19 =	sadd.s32 $0xFFFFFFE0, s26;
	v34 =	vld [tilespmem:s17+$0x2090];
	s22 =	sor.u32 $0x300, s18  }
0x47: {  	s28 =	sshrl.u32 s9, s15;
	s29 =	sadd.s32 $0xFFFFFFD0, s26;
	s23 =	sor.u32 $0x300, s19;
	v30 =	vld [tilespmem:s22+$0x2000]  }
0x48: {  	v22 =	vor.u32 s28, v14;
	v23 =	vor.u32 s28, v13;
	s24 =	sor.u32 $0x300, s29;
	v35 =	vld [tilespmem:s23+$0x2000]  }
0x49: {  	v19 =	vor.u32 s28, v12;
	v20 =	vor.u32 s28, v11;
	v21 =	vor.u32 s28, v10;
	s30 =	sor.u32 $0x280, s29;
	v37 =	vld [tilespmem:s24+$0x2000]  }
0x4a: {  	v16 =	vor.u32 s28, v9;
	v17 =	vor.u32 s28, v8;
	v18 =	vor.u32 s28, v7;
	s20 =	sadd.s32 $0xFFFFFFF0, s26;
	s31 =	sor.u32 $0x280, s19;
	v36 =	vld [tilespmem:s30+$0x2000]  }
0x4b: {  	v28 =	vxor.u32 $0x80000000, v22;
	v27 =	vxor.u32 $0x80000000, v23;
	v29 =	vxor.u32 $0x80000000, v19;
	s26 =	sor.u32 $0x380, s20;
	v38 =	vld [tilespmem:s31+$0x2000]  }
0x4c: {  	v25 =	vxor.u32 $0x80000000, v20;
	v31 =	vxor.u32 $0x80000000, v21;
	v26 =	vxor.u32 $0x80000000, v18;
	s24 =	sor.u32 $0x200, s20;
	v62 =	vld [tilespmem:s26+$0x2000]  }
0x4d: {  	v24 =	vxor.u32 $0x80000000, v16;
	v32 =	vxor.u32 $0x80000000, v17;
	v39 =	vld [tilespmem:s24+$0x2000];
	vm7 =	vge.s32 v6, v26  }
0x4e: {  	s25 =	sor.u32 $0x300, s20;
	v40 =	vsel vm7, $0x1, v0;
	vm7 =	vge.s32 v33, v25;
	vm8 =	vge.s32 v34, v27  }
0x4f: {  	s22 =	sor.u32 $0x200, s29;
	s29 =	sor.u32 $0x200, s19;
	v6 =	vld [tilespmem:s25+$0x2000];
	v43 =	vsel vm8, $0x1, v0;
	vm9 =	vge.s32 v35, v32;
	vm10 =	vge.s32 v30, v32  }
0x50: {  	v52 =	vld [tilespmem:s29+$0x2000];
	vm11 =	vge.s32 v36, v24;
	v35 =	vadd.s32 v40, v15;
	v36 =	vsel vm7, $0x1, v0  }
0x51: {  	v42 =	vld [tilespmem:s17+$0x2080];
	vm8 =	vge.s32 v62, v26;
	v63 =	vsel vm10, $0x1, v0;
	v51 =	vsel vm11, $0x1, v0  }
0x52: {  	v30 =	vld [tilespmem:s22+$0x2000];
	vm10 =	vge.s32 v38, v24;
	vm11 =	vge.s32 v39, v31;
	v38 =	vimm.s32 $0x0  }
0x53: {  	v54 =	vld [tilespmem:s17+$0x2180];
	s28 =	sor.u32 $0x200, s18;
	v34 =	vadd.s32 v51, v15;
	v53 =	vsel vm10, $0x1, v0;
	v44 =	vsel vm11, $0x1, v0  }
0x54: {  	v41 =	vld [tilespmem:s28+$0x2000];
	s19 =	sor.u32 $0x380, s19;
	vm10 =	vge.s32 v6, v32;
	v6 =	vsel vm9, $0x1, v0;
	vm9 =	vge.s32 v37, v32  }
0x55: {  	v57 =	vld [tilespmem:s19+$0x2000];
	v34 =	vadd.s32 v53, v34;
	v56 =	vsel vm9, $0x1, v0;
	vm9 =	vge.s32 v52, v31  }
0x56: {  	v55 =	vld [tilespmem:s17+$0x2100];
	v45 =	vsel vm10, $0x1, v0;
	v33 =	vadd.s32 v56, v15;
	v46 =	vsel vm9, $0x1, v0  }
0x57: {  	v47 =	vld [tilespmem:s17+$0x20A0];
	vm9 =	vge.s32 v42, v27;
	vm7 =	vge.s32 v30, v31;
	v6 =	vadd.s32 v6, v33  }
0x58: {  	v48 =	vld [tilespmem:s17+$0x21A0];
	s31 =	sor.u32 $0x380, s18;
	v59 =	vsel vm9, $0x1, v0;
	vm9 =	vge.s32 v54, v25;
	v30 =	vsel vm7, $0x1, v0  }
0x59: {  	v40 =	vld [tilespmem:s31+$0x2000];
	vm7 =	vge.s32 v41, v31;
	v6 =	vadd.s32 v45, v6;
	v49 =	vsel vm9, $0x1, v0  }
0x5a: {  	s30 =	sor.u32 $0x280, s20;
	v39 =	vld [tilespmem:s17+$0x2000];
	v61 =	vadd.s32 v59, v15;
	vm9 =	vge.s32 v57, v26;
	v30 =	vadd.s32 v30, v15  }
0x5b: {  	v42 =	vld [tilespmem:s30+$0x2000];
	v60 =	vsel vm7, $0x1, v0;
	vm7 =	vge.s32 v55, v29;
	v62 =	vsel vm9, $0x1, v0  }
0x5c: {  	v41 =	vld [tilespmem:s17+$0x2110];
	v45 =	vadd.s32 v43, v61;
	vm9 =	vge.s32 v47, v27;
	v58 =	vadd.s32 v46, v30  }
0x5d: {  	v30 =	vadd.s32 v63, v6;
	v46 =	vld [tilespmem:s17+$0x2120];
	v35 =	vadd.s32 v62, v35;
	v6 =	vadd.s32 v44, v58  }
0x5e: {  	v63 =	vsel vm8, $0x1, v0;
	vm8 =	vge.s32 v48, v25;
	v33 =	vadd.s32 v60, v6;
	v6 =	vld [tilespmem:s17+$0x2130]  }
0x5f: {  	p0 =	por !p0, !p0;
	s19 =	sor.u32 $0x280, s18;
	s18 =	simm.s32 $0x230;
	v43 =	vld [tilespmem:s17+$0x21B0];
	v44 =	vadd.s32 v49, v15;
	v37 =	vadd.s32 v63, v35;
	v35 =	vimm.s32 $0x0  }
.LBB2_6:
0x60: {  	s20 =	simm.s32 $0x1  }
0x61: {  	p1 =	sne.s32 s18, $0x1E30;
	v47 =	vld [tilespmem:s17+$0x2010];
	vm10 =	vge.s32 v41, v29;
	v41 =	vsel vm9, $0x1, v0;
	v48 =	vsel vm8, $0x1, v0;
	s16 =	sadd.s32 $0x40, s16;
	s20 =	simm.s32 @!p0 $0x0  }
0x62: {  	s21 =	sadd.s32 $0xFFFFFFD0, s18;
	v49 =	vsel vm7, $0x1, v0;
	s22 =	sand.u32 $0x40, s16;
	v50 =	vsel vm10, $0x1, v0;
	vm7 =	vge.s32 v46, v29;
	s20 =	sshll.u32 s20, $0x6;
	v46 =	vld [tilespmem:s19+$0x2000]  }
0x63: {  	vm8 =	vge.s32 v42, v24;
	s24 =	sor.u32 s21, s16;
	v38 =	vadd.s32 v49, v38;
	vm9 =	vge.s32 v6, v29;
	s19 =	sadd.s32 s21, s20;
	s23 =	sadd.s32 s18, s20;
	v42 =	vld [tilespmem:s17+$0x20B0]  }
0x64: {  	s25 =	sand.u32 $0x1C00, s21;
	v41 =	vadd.s32 v41, v45;
	v6 =	vadd.s32 v50, v38;
	v45 =	vsel vm9, $0x1, v0;
	s26 =	sadd.s32 $0xFFFFFFD0, s23;
	s20 =	sadd.s32 $0x30, s19;
	v38 =	vld [tilespmem:s17+$0x2020]  }
0x65: {  	v36 =	vadd.s32 v36, v44;
	v44 =	vsel vm7, $0x1, v0;
	s19 =	sor.u32 $0x380, s24;
	s21 =	sadd.s32 $0xFFFFFFE0, s23;
	vm9 =	vge.s32 v43, v25;
	s24 =	sor.u32 $0x300, s20;
	v49 =	vld [tilespmem:s17+$0x2030]  }
0x66: {  	vm10 =	vge.s32 v39, v28;
	vm11 =	vge.s32 v40, v26;
	s28 =	sadd.s32 $0xFFFFFFF0, s23;
	s17 =	sor.u32 s22, s25;
	s25 =	sor.u32 $0x280, s26;
	vm7 =	vge.s32 v47, v28;
	v43 =	vld [tilespmem:s19+$0x2000]  }
0x67: {  	v40 =	vsel vm8, $0x1, v0;
	s29 =	sor.u32 $0x200, s26;
	s26 =	sor.u32 $0x300, s26;
	v47 =	vsel vm9, $0x1, v0;
	s19 =	sor.u32 $0x280, s20;
	v39 =	vld [tilespmem:s24+$0x2000];
	vm8 =	vge.s32 v46, v24  }
0x68: {  	s18 =	sadd.s32 $0x200, s18;
	v6 =	vadd.s32 v44, v6;
	v34 =	vadd.s32 v40, v34;
	s23 =	sor.u32 $0x200, s21;
	v46 =	vld [tilespmem:s17+$0x2190];
	vm9 =	vge.s32 v42, v27  }
0x69: {  	s22 =	sor.u32 $0x280, s28;
	s24 =	sor.u32 $0x300, s21;
	v42 =	vsel vm10, $0x1, v0;
	v44 =	vsel vm8, $0x1, v0;
	v40 =	vld [tilespmem:s17+$0x2090];
	vm10 =	vge.s32 v38, v28  }
0x6a: {  	v38 =	vsel vm11, $0x1, v0;
	v50 =	vld [tilespmem:s24+$0x2000];
	vm8 =	vge.s32 v49, v28;
	v49 =	vsel vm9, $0x1, v0  }
0x6b: {  	s24 =	sor.u32 $0x280, s21;
	v37 =	vadd.s32 v38, v37;
	v51 =	vld [tilespmem:s26+$0x2000];
	vm9 =	vge.s32 v43, v26;
	v43 =	vsel vm7, $0x1, v0  }
0x6c: {  	v38 =	vadd.s32 v45, v6;
	v54 =	vsel vm8, $0x1, v0;
	v52 =	vld [tilespmem:s25+$0x2000];
	v53 =	vsel vm9, $0x1, v0;
	s25 =	sor.u32 $0x200, s28  }
0x6d: {  	v36 =	vadd.s32 v48, v36;
	v34 =	vadd.s32 v44, v34;
	vm7 =	vge.s32 v46, v25;
	v6 =	vld [tilespmem:s24+$0x2000];
	s24 =	sor.u32 $0x300, s28  }
0x6e: {  	v44 =	vsel vm10, $0x1, v0;
	v45 =	vadd.s32 v49, v41;
	vm9 =	vge.s32 v40, v27;
	v40 =	vld [tilespmem:s25+$0x2000]  }
0x6f: {  	v47 =	vadd.s32 v47, v36;
	v35 =	vadd.s32 v42, v35;
	vm8 =	vge.s32 v50, v32;
	v41 =	vld [tilespmem:s24+$0x2000];
	s24 =	sor.u32 $0x380, s28  }
0x70: {  	vm10 =	vge.s32 v39, v32;
	v35 =	vadd.s32 v43, v35;
	v37 =	vadd.s32 v53, v37;
	v42 =	vld [tilespmem:s24+$0x2000]  }
0x71: {  	v43 =	vsel vm10, $0x1, v0;
	v35 =	vadd.s32 v44, v35;
	s24 =	sor.u32 $0x200, s20;
	v39 =	vld [tilespmem:s29+$0x2000];
	vm11 =	vge.s32 v52, v24  }
0x72: {  	v35 =	vadd.s32 v54, v35;
	v36 =	vsel vm11, $0x1, v0;
	vm10 =	vge.s32 v6, v24;
	v6 =	vld [tilespmem:s24+$0x2000]  }
0x73: {  	v34 =	vadd.s32 v36, v34;
	v44 =	vld [tilespmem:s23+$0x2000];
	v46 =	vsel vm10, $0x1, v0;
	vm10 =	vge.s32 v40, v31  }
0x74: {  	v48 =	vsel vm9, $0x1, v0;
	v40 =	vld [tilespmem:s17+$0x2080];
	v49 =	vsel vm10, $0x1, v0;
	vm9 =	vge.s32 v41, v32  }
0x75: {  	v36 =	vsel vm7, $0x1, v0;
	v34 =	vadd.s32 v46, v34;
	v46 =	vsel vm8, $0x1, v0;
	v50 =	vld [tilespmem:s17+$0x2100]  }
0x76: {  	vm10 =	vge.s32 v51, v32;
	vm8 =	vge.s32 v42, v26;
	v52 =	vld [tilespmem:s17+$0x2180];
	vm7 =	vge.s32 v39, v31  }
0x77: {  	s21 =	sor.u32 $0x380, s21;
	v42 =	vsel vm10, $0x1, v0;
	v39 =	vsel vm7, $0x1, v0;
	v41 =	vld [tilespmem:s17+$0x2110];
	vm7 =	vge.s32 v6, v31  }
0x78: {  	v6 =	vadd.s32 v42, v30;
	v30 =	vsel vm9, $0x1, v0;
	vm10 =	vge.s32 v44, v31;
	v44 =	vld [tilespmem:s21+$0x2000]  }
0x79: {  	v33 =	vadd.s32 v39, v33;
	v6 =	vadd.s32 v46, v6;
	v39 =	vsel vm10, $0x1, v0;
	v51 =	vld [tilespmem:s17+$0x21A0]  }
0x7a: {  	vm9 =	vge.s32 v40, v27;
	v6 =	vadd.s32 v30, v6;
	v33 =	vadd.s32 v39, v33;
	v40 =	vld [tilespmem:s17+$0x20A0]  }
0x7b: {  	v46 =	vsel vm9, $0x1, v0;
	v30 =	vadd.s32 v43, v6;
	vm9 =	vge.s32 v52, v25;
	v42 =	vld [tilespmem:s22+$0x2000]  }
.Ltmp1:
0x7c: {  	v6 =	vadd.s32 v49, v33;
	v33 =	vsel vm7, $0x1, v0;
	v39 =	vld [tilespmem:s17+$0x2000];
	v43 =	vsel vm9, $0x1, v0;
	(pc) =	sbr.rel @p1 .LBB2_6-.Ltmp1, $4  }
0x7d: {  	v45 =	vadd.s32 v46, v45;
	v33 =	vadd.s32 v33, v6;
	vm9 =	vge.s32 v44, v26;
	v46 =	vld [tilespmem:s17+$0x2120]  }
0x7e: {  	s20 =	sor.u32 $0x380, s20;
	vm7 =	vge.s32 v50, v29;
	v45 =	vadd.s32 v48, v45;
	v44 =	vsel vm9, $0x1, v0;
	v6 =	vld [tilespmem:s17+$0x2130]  }
0x7f: {  	v48 =	vsel vm8, $0x1, v0;
	v37 =	vadd.s32 v44, v37;
	vm9 =	vge.s32 v40, v27;
	v40 =	vld [tilespmem:s20+$0x2000]  }
0x80: {  	p0 =	por !p0, !p0;
	vm8 =	vge.s32 v51, v25;
	v44 =	vadd.s32 v43, v47;
	v37 =	vadd.s32 v48, v37;
	v43 =	vld [tilespmem:s17+$0x21B0]  }
0x81: {  	v31 =	vld [tilespmem:s17+$0x2010];
	vm10 =	vge.s32 v41, v29  }
0x82: {  	v32 =	vsel vm9, $0x1, v0;
	v61 =	vsel vm7, $0x1, v0;
	v47 =	vld [tilespmem:s17+$0x2020];
	v48 =	vsel vm8, $0x1, v0  }
0x83: {  	v62 =	vld [tilespmem:s17+$0x2030];
	vm8 =	vge.s32 v42, v24;
	vm12 =	vge.s32 v39, v28;
	v55 =	vadd.s32 v36, v44  }
0x84: {  	v54 =	vld [tilespmem:s19+$0x2000];
	vm7 =	vge.s32 v46, v29;
	v38 =	vadd.s32 v61, v38;
	v63 =	vsel vm10, $0x1, v0  }
0x85: {  	v32 =	vadd.s32 v32, v45;
	v50 =	vsel vm12, $0x1, v0;
	v60 =	vsel vm8, $0x1, v0  }
0x86: {  	vm15 =	vge.s32 v6, v29;
	v6 =	vld [tilespmem:s17+$0x20B0];
	v46 =	vadd.s32 v63, v38;
	v57 =	vsel vm7, $0x1, v0  }
0x87: {  	v49 =	vsel vm15, $0x1, v0;
	vm7 =	vge.s32 v43, v25;
	vm13 =	vge.s32 v31, v28  }
0x88: {  	vm14 =	vge.s32 v47, v28;
	v31 =	vadd.s32 v50, v35;
	vm15 =	vge.s32 v62, v28  }
0x89: {  	v61 =	vsel vm7, $0x1, v0;
	vm7 =	vge.s32 v54, v24;
	v51 =	vsel vm13, $0x1, v0  }
0x8a: {  	v52 =	vsel vm14, $0x1, v0;
	vm13 =	vge.s32 v40, v26;
	v26 =	vadd.s32 v60, v34  }
0x8b: {  	v40 =	vsel vm7, $0x1, v0;
	v31 =	vadd.s32 v51, v31;
	vm12 =	vge.s32 v6, v27  }
0x8c: {  	v6 =	vsel vm15, $0x1, v0;
	v27 =	vadd.s32 v57, v46;
	v42 =	vsel vm13, $0x1, v0  }
0x8d: {  	v26 =	vadd.s32 v40, v26;
	v46 =	vperm.xlane v33, v1;
	v53 =	vadd.s32 v52, v31  }
0x8e: {  	v56 =	vsel vm12, $0x1, v0;
	v63 =	vadd.s32 v49, v27;
	v6 =	vadd.s32 v6, v53  }
0x8f: {  	v27 =	vadd.s32 v42, v37;
	v32 =	vadd.s32 v56, v32;
	v58 =	vperm.xlane v6, v1  }
0x90: {  	v31 =	vadd.s32 v48, v55;
	v51 =	vperm.xlane v26, v1;
	v59 =	vperm.xlane v32, v1  }
0x91: {  	v52 =	vperm.xlane v30, v1;
	v39 =	vperm.xlane v63, v1;
	v6 =	vadd.s32 v6, v58  }
0x92: {  	v31 =	vadd.s32 v61, v31;
	v25 =	vadd.s32 v32, v59;
	v62 =	vperm.xlane v6, v2  }
0x93: {  	v48 =	vadd.s32 v33, v46;
	v24 =	vadd.s32 v63, v39;
	v38 =	vperm.xlane v25, v2  }
0x94: {  	v53 =	vperm.xlane v27, v1;
	v28 =	vperm.xlane v24, v2;
	v6 =	vadd.s32 v62, v6  }
0x95: {  	v44 =	vperm.xlane v31, v1;
	v25 =	vadd.s32 v38, v25;
	v41 =	vperm.xlane v6, v3  }
0x96: {  	v27 =	vadd.s32 v27, v53;
	v24 =	vadd.s32 v28, v24;
	v43 =	vperm.xlane v25, v3  }
0x97: {  	v45 =	vadd.s32 v31, v44;
	v28 =	vperm.xlane v24, v3;
	v6 =	vadd.s32 v41, v6  }
0x98: {  	v47 =	vperm.xlane v45, v2;
	v25 =	vadd.s32 v43, v25;
	v32 =	vperm.xlane v6, v4  }
0x99: {  	v24 =	vadd.s32 v28, v24;
	v28 =	vperm.xlane v27, v2;
	v34 =	vperm.xlane v25, v4  }
0x9a: {  	v50 =	vperm.xlane v48, v2;
	v49 =	vadd.s32 v47, v45;
	v6 =	vadd.s32 v32, v6  }
0x9b: {  	v58 =	vadd.s32 v28, v27;
	vm7 =	vgt.s32 v6, $0xFF;
	v6 =	vadd.s32 v34, v25  }
0x9c: {  	v28 =	vperm.xlane v58, v3;
	vm8 =	vgt.s32 v6, $0xFF;
	v6 =	vperm.xlane v24, v4  }
0x9d: {  	v25 =	vadd.s32 v26, v51;
	v14 =	vsel vm7, v22, v14;
	v22 =	vadd.s32 v50, v48  }
0x9e: {  	v26 =	vperm.xlane v25, v2;
	v54 =	vperm.xlane v22, v3;
	v6 =	vadd.s32 v6, v24  }
0x9f: {  	v24 =	vadd.s32 v30, v52;
	vm7 =	vgt.s32 v6, $0xFF;
	v6 =	vperm.xlane v49, v3  }
0xa0: {  	v13 =	vsel vm8, v23, v13;
	v25 =	vadd.s32 v26, v25;
	v55 =	vperm.xlane v24, v2  }
0xa1: {  	v22 =	vadd.s32 v54, v22;
	v26 =	vperm.xlane v25, v3;
	v6 =	vadd.s32 v6, v49  }
0xa2: {  	v57 =	vperm.xlane v22, v4;
	v23 =	vadd.s32 v55, v24;
	v56 =	vperm.xlane v6, v4  }
0xa3: {  	v60 =	vadd.s32 v26, v25;
	v24 =	vadd.s32 v28, v58;
	v59 =	vperm.xlane v23, v3  }
0xa4: {  	s15 =	sadd.s32 $0x1, s15;
	v25 =	vperm.xlane v60, v4;
	v61 =	vperm.xlane v24, v4;
	v6 =	vadd.s32 v56, v6  }
0xa5: {  	p0 =	sne.s32 s15, $0x20;
	v23 =	vadd.s32 v59, v23;
	vm8 =	vgt.s32 v6, $0xFF;
	v6 =	vadd.s32 v57, v22  }
.Ltmp2:
0xa6: {  	vm14 =	vgt.s32 v6, $0xFF;
	v6 =	vperm.xlane v23, v4;
	(pc) =	sbr.rel @p0 .LBB2_5-.Ltmp2, $4  }
0xa7: {  	v12 =	vsel vm7, v19, v12;
	v62 =	vadd.s32 v25, v60;
	v63 =	vadd.s32 v61, v24  }
0xa8: {  	vm7 =	vgt.s32 v62, $0xFF;
	vm15 =	vgt.s32 v63, $0xFF;
	v6 =	vadd.s32 v6, v23  }
0xa9: {  	v11 =	vsel vm8, v20, v11;
	v9 =	vsel vm7, v16, v9;
	vm8 =	vgt.s32 v6, $0xFF  }
0xaa: {  	v7 =	vsel vm15, v18, v7;
	v10 =	vsel vm14, v21, v10;
	v8 =	vsel vm8, v17, v8  }
0xab: {  	s15 =	simm.s32 $0x0  }
0xac: {  	s16 =	sand.u32 $0x40, s15;
	s15 =	sand.u32 $0x1C00, s15  }
0xad: {  	s18 =	sor.u32 s16, s15  }
0xae: {  	v6 =	vld [tilespmem:s18+$0x2000]  }
0xaf: {  	v16 =	vld [tilespmem:s18+$0x2010]  }
0xb0: {  	v19 =	vld [tilespmem:s18+$0x0]  }
0xb1: {  	v18 =	vld [tilespmem:s18+$0x2020]  }
0xb2: {  	v15 =	vxor.u32 $0x80000000, v14;
	v17 =	vld [tilespmem:s18+$0x10]  }
0xb3: {  	s31 =	simm.s32 $0x40;
	s16 =	simm.s32 $0x200;
	v20 =	vld [tilespmem:s18+$0x20];
	vm7 =	vgt.s32 v6, v15  }
0xb4: {  	v21 =	vimm.f32 $0.0e+00;
	v23 =	vimm.f32 $0.0e+00;
	s15 =	sand.u32 $0x40, s31;
	s17 =	sand.u32 $0x1C00, s16;
	v6 =	vld [tilespmem:s18+$0x2030];
	v22 =	vsel vm7, $0x3F800000, v5  }
0xb5: {  	s15 =	sor.u32 s15, s17;
	s17 =	simm.s32 $0x80;
	v24 =	vnsel vm7, $0x0, v19;
	vm7 =	vgt.s32 v16, v15;
	v16 =	vld [tilespmem:s18+$0x30];
	v22 =	vadd.f32 v22, v21  }
.LBB2_9:
0xb6: {  	p0 =	sne.s32 s17, $0x3C0;
	v25 =	vld [tilespmem:s15+$0x2000];
	v21 =	vadd.f32 v24, v21;
	v23 =	vadd.f32 v19, v23;
	v19 =	vsel vm7, $0x3F800000, v5  }
0xb7: {  	v26 =	vld [tilespmem:s15+$0x2010];
	v22 =	vadd.f32 v19, v22;
	v24 =	vnsel vm7, $0x0, v17;
	vm7 =	vgt.s32 v18, v15  }
0xb8: {  	v19 =	vld [tilespmem:s15+$0x0];
	v21 =	vadd.f32 v24, v21;
	v23 =	vadd.f32 v17, v23;
	v17 =	vsel vm7, $0x3F800000, v5  }
.Ltmp3:
0xb9: {  	v18 =	vld [tilespmem:s15+$0x2020];
	v22 =	vadd.f32 v17, v22;
	v24 =	vnsel vm7, $0x0, v20;
	vm7 =	vgt.s32 v6, v15;
	(pc) =	sbr.rel @p0 .LBB2_9-.Ltmp3, $4  }
0xba: {  	v17 =	vld [tilespmem:s15+$0x10];
	v21 =	vadd.f32 v24, v21;
	v23 =	vadd.f32 v20, v23;
	v20 =	vsel vm7, $0x3F800000, v5  }
0xbb: {  	s16 =	sadd.s32 $0x200, s16;
	v24 =	vnsel vm7, $0x0, v16;
	vm8 =	vgt.s32 v25, v15;
	v6 =	vld [tilespmem:s15+$0x2030];
	v22 =	vadd.f32 v20, v22  }
0xbc: {  	s18 =	sand.u32 $0x40, s17;
	s19 =	sand.u32 $0x1C00, s16;
	v25 =	vsel vm8, $0x3F800000, v5;
	v20 =	vld [tilespmem:s15+$0x20];
	v21 =	vadd.f32 v24, v21;
	v23 =	vadd.f32 v16, v23  }
0xbd: {  	s17 =	sadd.s32 $0x40, s17;
	vm7 =	vgt.s32 v26, v15;
	v22 =	vadd.f32 v25, v22;
	v24 =	vnsel vm8, $0x0, v19;
	v16 =	vld [tilespmem:s15+$0x30];
	s15 =	sor.u32 s18, s19  }
0xbe: {  	v25 =	vld [tilespmem:s15+$0x2000];
	v21 =	vadd.f32 v24, v21;
	v19 =	vadd.f32 v19, v23;
	v23 =	vsel vm7, $0x3F800000, v5  }
0xbf: {  	v24 =	vld [tilespmem:s15+$0x2010];
	v22 =	vadd.f32 v23, v22;
	v23 =	vnsel vm7, $0x0, v17;
	vm7 =	vgt.s32 v18, v15  }
0xc0: {  	v18 =	vld [tilespmem:s15+$0x0];
	v21 =	vadd.f32 v23, v21;
	v17 =	vadd.f32 v17, v19;
	v19 =	vsel vm7, $0x3F800000, v5  }
0xc1: {  	v23 =	vld [tilespmem:s15+$0x2020];
	v19 =	vadd.f32 v19, v22;
	v22 =	vnsel vm7, $0x0, v20;
	vm7 =	vgt.s32 v6, v15  }
0xc2: {  	v6 =	vld [tilespmem:s15+$0x10];
	v21 =	vadd.f32 v22, v21;
	v17 =	vadd.f32 v20, v17;
	v20 =	vsel vm7, $0x3F800000, v5  }
0xc3: {  	v26 =	vld [tilespmem:s15+$0x20];
	vm8 =	vgt.s32 v25, v15;
	v19 =	vadd.f32 v20, v19;
	v20 =	vnsel vm7, $0x0, v16  }
0xc4: {  	v22 =	vld [tilespmem:s15+$0x2030];
	v25 =	vsel vm8, $0x3F800000, v5;
	v20 =	vadd.f32 v20, v21;
	v16 =	vadd.f32 v16, v17  }
0xc5: {  	vm7 =	vgt.s32 v24, v15;
	v17 =	vadd.f32 v25, v19;
	v19 =	vnsel vm8, $0x0, v18  }
0xc6: {  	v21 =	vld [tilespmem:s15+$0x30];
	v19 =	vadd.f32 v19, v20;
	v16 =	vadd.f32 v18, v16;
	v18 =	vsel vm7, $0x3F800000, v5  }
0xc7: {  	v17 =	vadd.f32 v18, v17;
	v18 =	vnsel vm7, $0x0, v6;
	vm7 =	vgt.s32 v23, v15  }
0xc8: {  	v18 =	vadd.f32 v18, v19;
	v6 =	vadd.f32 v6, v16;
	v16 =	vsel vm7, $0x3F800000, v5  }
0xc9: {  	v16 =	vadd.f32 v16, v17;
	v17 =	vnsel vm7, $0x0, v26;
	vm7 =	vgt.s32 v22, v15  }
0xca: {  	v17 =	vadd.f32 v17, v18;
	v18 =	vsel vm7, $0x3F800000, v5  }
0xcb: {  	v6 =	vadd.f32 v26, v6;
	v16 =	vadd.f32 v18, v16;
	v18 =	vnsel vm7, $0x0, v21  }
0xcc: {  	v17 =	vadd.f32 v18, v17  }
0xcd: {  	v6 =	vadd.f32 v21, v6;
	v18 =	vperm.xlane v16, v1  }
0xce: {  	v19 =	vperm.xlane v17, v1  }
0xcf: {  	v20 =	vperm.xlane v6, v1;
	v16 =	vadd.f32 v18, v16  }
0xd0: {  	v17 =	vadd.f32 v19, v17  }
0xd1: {  	v6 =	vadd.f32 v20, v6;
	v18 =	vperm.xlane v16, v2  }
0xd2: {  	v19 =	vperm.xlane v17, v2  }
0xd3: {  	v20 =	vperm.xlane v6, v2;
	v16 =	vadd.f32 v18, v16  }
0xd4: {  	s30 =	simm.s32 $0x0;
	v18 =	vadd.f32 v19, v17  }
0xd5: {  	s16 =	sand.u32 $0x40, s30;
	s15 =	sand.u32 $0x1C00, s30;
	v22 =	vadd.f32 v20, v6;
	v17 =	vperm.xlane v16, v3  }
0xd6: {  	s18 =	sor.u32 s16, s15;
	v23 =	vperm.xlane v18, v3  }
0xd7: {  	v21 =	vld [tilespmem:s18+$0x2080];
	v24 =	vperm.xlane v22, v3;
	v16 =	vadd.f32 v17, v16  }
0xd8: {  	v6 =	vld [tilespmem:s18+$0x80];
	v20 =	vadd.f32 v23, v18  }
0xd9: {  	v27 =	vld [tilespmem:s18+$0x2090];
	v18 =	vadd.f32 v24, v22;
	[tilespmem:$0x1FFA0] =	vst v16  }
0xda: {  	v19 =	vld [tilespmem:s18+$0x20A0];
	v16 =	vperm.xlane v16, v4;
	[tilespmem:$0x1FFC0] =	vst v20  }
0xdb: {  	v17 =	vxor.u32 $0x80000000, v13;
	v22 =	vld [tilespmem:s18+$0x90];
	v20 =	vperm.xlane v20, v4;
	[tilespmem:$0x1FFE0] =	vst v18  }
0xdc: {  	s31 =	simm.s32 $0x40;
	s16 =	simm.s32 $0x200;
	vm7 =	vgt.s32 v21, v17;
	v23 =	vld [tilespmem:s18+$0x20B0];
	v18 =	vperm.xlane v18, v4;
	[tilespmem:$0x1FFB0] =	vst v16  }
0xdd: {  	v25 =	vimm.f32 $0.0e+00;
	s15 =	sand.u32 $0x40, s31;
	s17 =	sand.u32 $0x1C00, s16;
	v24 =	vld [tilespmem:s18+$0xA0];
	v28 =	vnsel vm7, $0x0, v6;
	v16 =	vsel vm7, $0x3F800000, v5;
	[tilespmem:$0x1FFD0] =	vst v20  }
0xde: {  	s15 =	sor.u32 s15, s17;
	s17 =	simm.s32 $0x80;
	v21 =	vld [tilespmem:s18+$0xB0];
	vm7 =	vgt.s32 v27, v17;
	v27 =	vimm.f32 $0.0e+00;
	[tilespmem:$0x1FFF0] =	vst v18;
	v26 =	vadd.f32 v16, v25  }
.LBB2_11:
0xdf: {  	p0 =	sne.s32 s17, $0x3C0;
	v16 =	vld [tilespmem:s15+$0x2080];
	v25 =	vadd.f32 v28, v25;
	v27 =	vadd.f32 v6, v27;
	v6 =	vsel vm7, $0x3F800000, v5  }
0xe0: {  	v29 =	vld [tilespmem:s15+$0x2090];
	v26 =	vadd.f32 v6, v26;
	v28 =	vnsel vm7, $0x0, v22;
	vm7 =	vgt.s32 v19, v17  }
0xe1: {  	v6 =	vld [tilespmem:s15+$0x80];
	v25 =	vadd.f32 v28, v25;
	v27 =	vadd.f32 v22, v27;
	v22 =	vsel vm7, $0x3F800000, v5  }
.Ltmp4:
0xe2: {  	v19 =	vld [tilespmem:s15+$0x20A0];
	v26 =	vadd.f32 v22, v26;
	v28 =	vnsel vm7, $0x0, v24;
	vm7 =	vgt.s32 v23, v17;
	(pc) =	sbr.rel @p0 .LBB2_11-.Ltmp4, $4  }
0xe3: {  	v22 =	vld [tilespmem:s15+$0x90];
	v25 =	vadd.f32 v28, v25;
	v27 =	vadd.f32 v24, v27;
	v24 =	vsel vm7, $0x3F800000, v5  }
0xe4: {  	s16 =	sadd.s32 $0x200, s16;
	vm8 =	vgt.s32 v16, v17;
	v23 =	vld [tilespmem:s15+$0x20B0];
	v16 =	vadd.f32 v24, v26;
	v26 =	vnsel vm7, $0x0, v21  }
0xe5: {  	s18 =	sand.u32 $0x40, s17;
	s19 =	sand.u32 $0x1C00, s16;
	v28 =	vsel vm8, $0x3F800000, v5;
	v24 =	vld [tilespmem:s15+$0xA0];
	v25 =	vadd.f32 v26, v25;
	v27 =	vadd.f32 v21, v27  }
0xe6: {  	s17 =	sadd.s32 $0x40, s17;
	vm7 =	vgt.s32 v29, v17;
	v26 =	vadd.f32 v28, v16;
	v28 =	vnsel vm8, $0x0, v6;
	v21 =	vld [tilespmem:s15+$0xB0];
	s15 =	sor.u32 s18, s19  }
0xe7: {  	v16 =	vld [tilespmem:s15+$0x2080];
	v25 =	vadd.f32 v28, v25;
	v6 =	vadd.f32 v6, v27;
	v27 =	vsel vm7, $0x3F800000, v5  }
0xe8: {  	v28 =	vld [tilespmem:s15+$0x2090];
	v26 =	vadd.f32 v27, v26;
	v27 =	vnsel vm7, $0x0, v22;
	vm7 =	vgt.s32 v19, v17  }
0xe9: {  	v19 =	vld [tilespmem:s15+$0x80];
	v25 =	vadd.f32 v27, v25;
	v6 =	vadd.f32 v22, v6;
	v22 =	vsel vm7, $0x3F800000, v5  }
0xea: {  	v27 =	vld [tilespmem:s15+$0x20A0];
	v22 =	vadd.f32 v22, v26;
	v26 =	vnsel vm7, $0x0, v24;
	vm7 =	vgt.s32 v23, v17  }
0xeb: {  	v23 =	vld [tilespmem:s15+$0x90];
	v25 =	vadd.f32 v26, v25;
	v6 =	vadd.f32 v24, v6;
	v24 =	vsel vm7, $0x3F800000, v5  }
0xec: {  	v29 =	vld [tilespmem:s15+$0xA0];
	vm8 =	vgt.s32 v16, v17;
	v22 =	vadd.f32 v24, v22;
	v24 =	vnsel vm7, $0x0, v21  }
0xed: {  	v16 =	vld [tilespmem:s15+$0x20B0];
	v26 =	vsel vm8, $0x3F800000, v5;
	v24 =	vadd.f32 v24, v25;
	v6 =	vadd.f32 v21, v6  }
0xee: {  	vm7 =	vgt.s32 v28, v17;
	v21 =	vadd.f32 v26, v22;
	v22 =	vnsel vm8, $0x0, v19  }
0xef: {  	v25 =	vld [tilespmem:s15+$0xB0];
	v22 =	vadd.f32 v22, v24;
	v6 =	vadd.f32 v19, v6;
	v19 =	vsel vm7, $0x3F800000, v5  }
0xf0: {  	v19 =	vadd.f32 v19, v21;
	v21 =	vnsel vm7, $0x0, v23;
	vm7 =	vgt.s32 v27, v17  }
0xf1: {  	v21 =	vadd.f32 v21, v22;
	v22 =	vsel vm7, $0x3F800000, v5  }
0xf2: {  	v19 =	vadd.f32 v22, v19;
	v22 =	vnsel vm7, $0x0, v29;
	vm7 =	vgt.s32 v16, v17  }
0xf3: {  	v6 =	vadd.f32 v23, v6;
	v16 =	vadd.f32 v22, v21;
	v21 =	vsel vm7, $0x3F800000, v5  }
0xf4: {  	v19 =	vadd.f32 v21, v19;
	v21 =	vnsel vm7, $0x0, v25  }
0xf5: {  	v6 =	vadd.f32 v29, v6;
	v16 =	vadd.f32 v21, v16;
	_ =	sdelay $0x1  }
0xf6: {  	v6 =	vadd.f32 v25, v6;
	v22 =	vperm.xlane v16, v1  }
0xf7: {  	v21 =	vperm.xlane v19, v1  }
0xf8: {  	v23 =	vperm.xlane v6, v1;
	v16 =	vadd.f32 v22, v16  }
0xf9: {  	v19 =	vadd.f32 v21, v19  }
0xfa: {  	v6 =	vadd.f32 v23, v6;
	v22 =	vperm.xlane v16, v2  }
0xfb: {  	v21 =	vperm.xlane v19, v2  }
0xfc: {  	s30 =	simm.s32 $0x0;
	v23 =	vperm.xlane v6, v2;
	v16 =	vadd.f32 v22, v16  }
0xfd: {  	s16 =	sand.u32 $0x40, s30;
	s15 =	sand.u32 $0x1C00, s30;
	v19 =	vadd.f32 v21, v19  }
0xfe: {  	s18 =	sor.u32 s16, s15;
	v22 =	vadd.f32 v23, v6;
	v24 =	vperm.xlane v16, v3  }
0xff: {  	v21 =	vld [tilespmem:s18+$0x2100];
	v23 =	vperm.xlane v19, v3  }
0x100: {  	v6 =	vld [tilespmem:s18+$0x100];
	v26 =	vperm.xlane v22, v3;
	v25 =	vadd.f32 v24, v16  }
0x101: {  	v31 =	vld [tilespmem:s18+$0x2110];
	v27 =	vadd.f32 v23, v19  }
0x102: {  	v19 =	vld [tilespmem:s18+$0x2120];
	v24 =	vadd.f32 v26, v22;
	v18 =	vperm.xlane v25, v4  }
0x103: {  	v23 =	vxor.u32 $0x80000000, v12;
	v22 =	vld [tilespmem:s18+$0x110];
	v16 =	vperm.xlane v27, v4  }
0x104: {  	s31 =	simm.s32 $0x40;
	s16 =	simm.s32 $0x200;
	v28 =	vld [tilespmem:s18+$0x120];
	vm7 =	vgt.s32 v21, v23;
	[tilespmem:$0x1FF80] =	vst v18;
	v18 =	vperm.xlane v24, v4  }
0x105: {  	s15 =	sand.u32 $0x40, s31;
	s17 =	sand.u32 $0x1C00, s16;
	v29 =	vimm.f32 $0.0e+00;
	v26 =	vld [tilespmem:s18+$0x2130];
	v32 =	vnsel vm7, $0x0, v6;
	[tilespmem:$0x1FF70] =	vst v16;
	v16 =	vsel vm7, $0x3F800000, v5  }
0x106: {  	s15 =	sor.u32 s15, s17;
	s17 =	simm.s32 $0x80;
	v21 =	vld [tilespmem:s18+$0x130];
	vm7 =	vgt.s32 v31, v23;
	v31 =	vimm.f32 $0.0e+00;
	v30 =	vadd.f32 v16, v29;
	[tilespmem:$0x1FF90] =	vst v18  }
.LBB2_13:
0x107: {  	p0 =	sne.s32 s17, $0x3C0;
	v16 =	vld [tilespmem:s15+$0x2100];
	v29 =	vadd.f32 v32, v29;
	v31 =	vadd.f32 v6, v31;
	v6 =	vsel vm7, $0x3F800000, v5  }
0x108: {  	v33 =	vld [tilespmem:s15+$0x2110];
	v30 =	vadd.f32 v6, v30;
	v32 =	vnsel vm7, $0x0, v22;
	vm7 =	vgt.s32 v19, v23  }
0x109: {  	v6 =	vld [tilespmem:s15+$0x100];
	v29 =	vadd.f32 v32, v29;
	v31 =	vadd.f32 v22, v31;
	v22 =	vsel vm7, $0x3F800000, v5  }
.Ltmp5:
0x10a: {  	v19 =	vld [tilespmem:s15+$0x2120];
	v30 =	vadd.f32 v22, v30;
	v32 =	vnsel vm7, $0x0, v28;
	vm7 =	vgt.s32 v26, v23;
	(pc) =	sbr.rel @p0 .LBB2_13-.Ltmp5, $4  }
0x10b: {  	v22 =	vld [tilespmem:s15+$0x110];
	v29 =	vadd.f32 v32, v29;
	v31 =	vadd.f32 v28, v31;
	v28 =	vsel vm7, $0x3F800000, v5  }
0x10c: {  	s16 =	sadd.s32 $0x200, s16;
	vm8 =	vgt.s32 v16, v23;
	v26 =	vld [tilespmem:s15+$0x2130];
	v16 =	vadd.f32 v28, v30;
	v30 =	vnsel vm7, $0x0, v21  }
0x10d: {  	s18 =	sand.u32 $0x40, s17;
	s19 =	sand.u32 $0x1C00, s16;
	v32 =	vsel vm8, $0x3F800000, v5;
	v28 =	vld [tilespmem:s15+$0x120];
	v29 =	vadd.f32 v30, v29;
	v31 =	vadd.f32 v21, v31  }
0x10e: {  	s17 =	sadd.s32 $0x40, s17;
	vm7 =	vgt.s32 v33, v23;
	v30 =	vadd.f32 v32, v16;
	v32 =	vnsel vm8, $0x0, v6;
	v21 =	vld [tilespmem:s15+$0x130];
	s15 =	sor.u32 s18, s19  }
0x10f: {  	v16 =	vld [tilespmem:s15+$0x2100];
	v29 =	vadd.f32 v32, v29;
	v6 =	vadd.f32 v6, v31;
	v31 =	vsel vm7, $0x3F800000, v5  }
0x110: {  	v63 =	vld [tilespmem:s15+$0x2110];
	v30 =	vadd.f32 v31, v30;
	v31 =	vnsel vm7, $0x0, v22;
	vm7 =	vgt.s32 v19, v23  }
0x111: {  	v19 =	vld [tilespmem:s15+$0x100];
	v29 =	vadd.f32 v31, v29;
	v6 =	vadd.f32 v22, v6;
	v22 =	vsel vm7, $0x3F800000, v5  }
0x112: {  	v31 =	vld [tilespmem:s15+$0x2120];
	v22 =	vadd.f32 v22, v30;
	v30 =	vnsel vm7, $0x0, v28;
	vm7 =	vgt.s32 v26, v23  }
0x113: {  	v26 =	vld [tilespmem:s15+$0x110];
	v29 =	vadd.f32 v30, v29;
	v6 =	vadd.f32 v28, v6;
	v28 =	vsel vm7, $0x3F800000, v5  }
0x114: {  	v33 =	vld [tilespmem:s15+$0x120];
	vm8 =	vgt.s32 v16, v23;
	v22 =	vadd.f32 v28, v22;
	v28 =	vnsel vm7, $0x0, v21  }
0x115: {  	v16 =	vld [tilespmem:s15+$0x2130];
	v30 =	vsel vm8, $0x3F800000, v5;
	v28 =	vadd.f32 v28, v29;
	v6 =	vadd.f32 v21, v6  }
0x116: {  	vm7 =	vgt.s32 v63, v23;
	v21 =	vadd.f32 v30, v22;
	v22 =	vnsel vm8, $0x0, v19  }
0x117: {  	v29 =	vld [tilespmem:s15+$0x130];
	v22 =	vadd.f32 v22, v28;
	v6 =	vadd.f32 v19, v6;
	v19 =	vsel vm7, $0x3F800000, v5  }
0x118: {  	v19 =	vadd.f32 v19, v21;
	v21 =	vnsel vm7, $0x0, v26;
	vm7 =	vgt.s32 v31, v23  }
0x119: {  	v21 =	vadd.f32 v21, v22;
	v22 =	vsel vm7, $0x3F800000, v5  }
0x11a: {  	v19 =	vadd.f32 v22, v19;
	v22 =	vnsel vm7, $0x0, v33;
	vm7 =	vgt.s32 v16, v23  }
0x11b: {  	v6 =	vadd.f32 v26, v6;
	v16 =	vadd.f32 v22, v21;
	v21 =	vsel vm7, $0x3F800000, v5  }
0x11c: {  	v19 =	vadd.f32 v21, v19;
	v21 =	vnsel vm7, $0x0, v29  }
0x11d: {  	v6 =	vadd.f32 v33, v6;
	v16 =	vadd.f32 v21, v16;
	_ =	sdelay $0x1  }
0x11e: {  	v6 =	vadd.f32 v29, v6;
	v22 =	vperm.xlane v16, v1  }
0x11f: {  	v21 =	vperm.xlane v19, v1  }
0x120: {  	v26 =	vperm.xlane v6, v1;
	v16 =	vadd.f32 v22, v16  }
0x121: {  	v19 =	vadd.f32 v21, v19  }
0x122: {  	v6 =	vadd.f32 v26, v6;
	v22 =	vperm.xlane v16, v2  }
0x123: {  	s30 =	simm.s32 $0x0;
	v21 =	vperm.xlane v19, v2  }
0x124: {  	s16 =	sand.u32 $0x40, s30;
	s15 =	sand.u32 $0x1C00, s30;
	v26 =	vperm.xlane v6, v2;
	v16 =	vadd.f32 v22, v16  }
0x125: {  	s18 =	sor.u32 s16, s15;
	v19 =	vadd.f32 v21, v19  }
0x126: {  	v28 =	vld [tilespmem:s18+$0x2180];
	v6 =	vadd.f32 v26, v6;
	v29 =	vperm.xlane v16, v3  }
0x127: {  	v21 =	vperm.xlane v19, v3  }
0x128: {  	v35 =	vld [tilespmem:s18+$0x2190];
	v31 =	vperm.xlane v6, v3;
	v32 =	vadd.f32 v29, v16  }
0x129: {  	v26 =	vld [tilespmem:s18+$0x180];
	v33 =	vadd.f32 v21, v19  }
0x12a: {  	v30 =	vxor.u32 $0x80000000, v11;
	v22 =	vld [tilespmem:s18+$0x21A0];
	v31 =	vadd.f32 v31, v6;
	v18 =	vperm.xlane v32, v4  }
0x12b: {  	vm7 =	vgt.s32 v28, v30;
	v21 =	vld [tilespmem:s18+$0x190];
	v6 =	vperm.xlane v33, v4  }
0x12c: {  	s31 =	simm.s32 $0x40;
	s16 =	simm.s32 $0x200;
	v28 =	vld [tilespmem:s18+$0x1A0];
	v29 =	vimm.f32 $0.0e+00;
	v16 =	vsel vm7, $0x3F800000, v5;
	[tilespmem:$0x1FF50] =	vst v18;
	v18 =	vperm.xlane v31, v4  }
0x12d: {  	s15 =	sand.u32 $0x40, s31;
	s17 =	sand.u32 $0x1C00, s16;
	v34 =	vadd.f32 v16, v29;
	[tilespmem:$0x1FF40] =	vst v6;
	v6 =	vld [tilespmem:s18+$0x21B0]  }
0x12e: {  	s15 =	sor.u32 s15, s17;
	s17 =	simm.s32 $0x80;
	v19 =	vld [tilespmem:s18+$0x1B0];
	v36 =	vnsel vm7, $0x0, v26;
	vm7 =	vgt.s32 v35, v30;
	v35 =	vimm.f32 $0.0e+00;
	[tilespmem:$0x1FF60] =	vst v18  }
.LBB2_15:
0x12f: {  	p0 =	sne.s32 s17, $0x3C0;
	v16 =	vld [tilespmem:s15+$0x2180];
	v29 =	vadd.f32 v36, v29;
	v35 =	vadd.f32 v26, v35;
	v26 =	vsel vm7, $0x3F800000, v5  }
0x130: {  	v37 =	vld [tilespmem:s15+$0x2190];
	v34 =	vadd.f32 v26, v34;
	v36 =	vnsel vm7, $0x0, v21;
	vm7 =	vgt.s32 v22, v30  }
0x131: {  	v26 =	vld [tilespmem:s15+$0x180];
	v29 =	vadd.f32 v36, v29;
	v35 =	vadd.f32 v21, v35;
	v21 =	vsel vm7, $0x3F800000, v5  }
.Ltmp6:
0x132: {  	v22 =	vld [tilespmem:s15+$0x21A0];
	v34 =	vadd.f32 v21, v34;
	v36 =	vnsel vm7, $0x0, v28;
	vm7 =	vgt.s32 v6, v30;
	(pc) =	sbr.rel @p0 .LBB2_15-.Ltmp6, $4  }
0x133: {  	v21 =	vld [tilespmem:s15+$0x190];
	v29 =	vadd.f32 v36, v29;
	v35 =	vadd.f32 v28, v35;
	v28 =	vsel vm7, $0x3F800000, v5  }
0x134: {  	s16 =	sadd.s32 $0x200, s16;
	vm8 =	vgt.s32 v16, v30;
	v6 =	vld [tilespmem:s15+$0x21B0];
	v16 =	vadd.f32 v28, v34;
	v34 =	vnsel vm7, $0x0, v19  }
0x135: {  	s18 =	sand.u32 $0x40, s17;
	s19 =	sand.u32 $0x1C00, s16;
	v36 =	vsel vm8, $0x3F800000, v5;
	v28 =	vld [tilespmem:s15+$0x1A0];
	v29 =	vadd.f32 v34, v29;
	v35 =	vadd.f32 v19, v35  }
0x136: {  	s17 =	sadd.s32 $0x40, s17;
	vm7 =	vgt.s32 v37, v30;
	v34 =	vadd.f32 v36, v16;
	v36 =	vnsel vm8, $0x0, v26;
	v19 =	vld [tilespmem:s15+$0x1B0];
	s15 =	sor.u32 s18, s19  }
0x137: {  	v16 =	vadd.f32 v36, v29  }
0x138: {  	v29 =	vld [tilespmem:s15+$0x2180];
	v26 =	vadd.f32 v26, v35;
	v52 =	vsel vm7, $0x3F800000, v5;
	v53 =	vnsel vm7, $0x0, v21  }
0x139: {  	v34 =	vadd.f32 v52, v34;
	vm7 =	vgt.s32 v22, v30;
	v22 =	vld [tilespmem:s15+$0x180];
	v16 =	vadd.f32 v53, v16  }
0x13a: {  	v54 =	vld [tilespmem:s15+$0x2190];
	v21 =	vadd.f32 v21, v26;
	v26 =	vsel vm7, $0x3F800000, v5;
	v55 =	vnsel vm7, $0x0, v28  }
0x13b: {  	v26 =	vadd.f32 v26, v34;
	vm7 =	vgt.s32 v6, v30;
	v6 =	vld [tilespmem:s15+$0x190];
	v16 =	vadd.f32 v55, v16  }
0x13c: {  	v56 =	vld [tilespmem:s15+$0x21A0];
	v21 =	vadd.f32 v28, v21;
	v28 =	vsel vm7, $0x3F800000, v5;
	v57 =	vnsel vm7, $0x0, v19  }
0x13d: {  	vm7 =	vgt.s32 v29, v30;
	v26 =	vadd.f32 v28, v26;
	v28 =	vld [tilespmem:s15+$0x1A0];
	v16 =	vadd.f32 v57, v16  }
0x13e: {  	v29 =	vld [tilespmem:s15+$0x21B0];
	v58 =	vsel vm7, $0x3F800000, v5;
	v19 =	vadd.f32 v19, v21;
	v21 =	vnsel vm7, $0x0, v22  }
0x13f: {  	v59 =	vld [tilespmem:s15+$0x1B0];
	vm7 =	vgt.s32 v54, v30;
	v26 =	vadd.f32 v58, v26;
	v16 =	vadd.f32 v21, v16  }
0x140: {  	v19 =	vadd.f32 v22, v19;
	v21 =	vsel vm7, $0x3F800000, v5;
	v22 =	vnsel vm7, $0x0, v6  }
0x141: {  	vm7 =	vgt.s32 v56, v30;
	v21 =	vadd.f32 v21, v26;
	v16 =	vadd.f32 v22, v16  }
0x142: {  	v6 =	vadd.f32 v6, v19;
	v19 =	vsel vm7, $0x3F800000, v5;
	v22 =	vnsel vm7, $0x0, v28  }
0x143: {  	vm7 =	vgt.s32 v29, v30;
	v19 =	vadd.f32 v19, v21;
	v16 =	vadd.f32 v22, v16  }
0x144: {  	v21 =	vsel vm7, $0x3F800000, v5;
	v6 =	vadd.f32 v28, v6;
	v22 =	vnsel vm7, $0x0, v59  }
0x145: {  	v19 =	vadd.f32 v21, v19;
	v16 =	vadd.f32 v22, v16  }
0x146: {  	v6 =	vadd.f32 v59, v6  }
0x147: {  	v21 =	vperm.xlane v19, v1;
	v22 =	vperm.xlane v16, v1  }
0x148: {  	p0 =	por $0x0, $0x0;
	s15 =	simm.s32 $0x1;
	v26 =	vperm.xlane v6, v1  }
0x149: {  	s15 =	simm.s32 @!p0 $0x0;
	v19 =	vadd.f32 v21, v19;
	v16 =	vadd.f32 v22, v16  }
0x14a: {  	s15 =	sshll.u32 s15, $0x6;
	v6 =	vadd.f32 v26, v6  }
0x14b: {  	s15 =	sadd.s32 $0x0, s15;
	v21 =	vperm.xlane v19, v2;
	v22 =	vperm.xlane v16, v2  }
0x14c: {  	s16 =	sor.u32 $0x200, s15;
	v26 =	vperm.xlane v6, v2  }
0x14d: {  	v60 =	vld [tilespmem:s16+$0x0];
	v19 =	vadd.f32 v21, v19;
	v16 =	vadd.f32 v22, v16  }
0x14e: {  	s17 =	sor.u32 $0x210, s15;
	v21 =	vld [tilespmem:s16+$0x2000];
	v6 =	vadd.f32 v26, v6  }
0x14f: {  	v28 =	vld [tilespmem:s17+$0x2000];
	v22 =	vperm.xlane v19, v3;
	v26 =	vperm.xlane v16, v3  }
0x150: {  	s18 =	simm.s32 $0x1;
	p0 =	por !p0, !p0;
	s28 =	sor.u32 $0x220, s15;
	v29 =	vperm.xlane v6, v3  }
0x151: {  	s18 =	simm.s32 @!p0 $0x0;
	v41 =	vadd.f32 v22, v19;
	v39 =	vadd.f32 v26, v16;
	v16 =	vld [tilespmem:s28+$0x2000]  }
0x152: {  	v38 =	vxor.u32 $0x80000000, v10;
	s29 =	sshll.u32 s18, $0x6;
	s15 =	sor.u32 $0x230, s15;
	v37 =	vadd.f32 v29, v6;
	v6 =	vld [tilespmem:s17+$0x0]  }
0x153: {  	s18 =	sadd.s32 $0x200, s29;
	v22 =	vimm.f32 $0.0e+00;
	vm7 =	vgt.s32 v21, v38;
	v21 =	vld [tilespmem:s15+$0x2000];
	v43 =	vperm.xlane v41, v4  }
0x154: {  	s30 =	sor.u32 $0x200, s18;
	v26 =	vld [tilespmem:s28+$0x0];
	v19 =	vsel vm7, $0x3F800000, v5;
	v61 =	vnsel vm7, $0x0, v60;
	vm7 =	vgt.s32 v28, v38  }
0x155: {  	v28 =	vld [tilespmem:s30+$0x2000];
	v42 =	vperm.xlane v39, v4;
	v40 =	vperm.xlane v37, v4;
	v29 =	vadd.f32 v19, v22  }
0x156: {  	s31 =	sor.u32 $0x210, s18;
	v19 =	vld [tilespmem:s15+$0x0];
	v35 =	vadd.f32 v61, v22;
	v22 =	vadd.f32 v60, v22;
	v62 =	vsel vm7, $0x3F800000, v5  }
0x157: {  	v46 =	vld [tilespmem:s31+$0x2000];
	v29 =	vadd.f32 v62, v29;
	v63 =	vnsel vm7, $0x0, v6;
	vm7 =	vgt.s32 v16, v38  }
0x158: {  	v44 =	vld [tilespmem:s30+$0x0];
	v6 =	vadd.f32 v6, v22;
	v16 =	vadd.f32 v63, v35;
	v22 =	vsel vm7, $0x3F800000, v5  }
0x159: {  	p0 =	por !p0, !p0;
	v47 =	vld [tilespmem:s31+$0x0];
	s16 =	simm.s32 $0x1;
	s17 =	sor.u32 $0x220, s18;
	vm8 =	vgt.s32 v21, v38;
	v29 =	vadd.f32 v22, v29;
	v22 =	vnsel vm7, $0x0, v26  }
0x15a: {  	s16 =	simm.s32 @!p0 $0x0;
	s18 =	sor.u32 $0x230, s18;
	v45 =	vld [tilespmem:s17+$0x2000];
	v6 =	vadd.f32 v26, v6;
	v22 =	vadd.f32 v22, v16;
	v16 =	vsel vm8, $0x3F800000, v5  }
0x15b: {  	s19 =	sshll.u32 s16, $0x6;
	s16 =	simm.s32 $0xC0;
	s15 =	simm.s32 $0x400;
	v21 =	vld [tilespmem:s18+$0x2000];
	vm7 =	vgt.s32 v28, v38;
	v26 =	vadd.f32 v16, v29;
	v16 =	vnsel vm8, $0x0, v19  }
.LBB2_17:
0x15c: {  	p1 =	sne.s32 s16, $0x3C0;
	s19 =	sadd.s32 s19, s15;
	v28 =	vsel vm7, $0x3F800000, v5;
	v29 =	vld [tilespmem:s17+$0x0];
	v16 =	vadd.f32 v16, v22;
	v6 =	vadd.f32 v19, v6  }
0x15d: {  	s17 =	sor.u32 $0x200, s19;
	v22 =	vadd.f32 v28, v26;
	v26 =	vnsel vm7, $0x0, v44;
	vm7 =	vgt.s32 v46, v38;
	v19 =	vld [tilespmem:s18+$0x0]  }
0x15e: {  	s18 =	sor.u32 $0x210, s19;
	v28 =	vld [tilespmem:s17+$0x2000];
	v16 =	vadd.f32 v26, v16;
	v6 =	vadd.f32 v44, v6;
	v26 =	vsel vm7, $0x3F800000, v5  }
.Ltmp7:
0x15f: {  	v46 =	vld [tilespmem:s18+$0x2000];
	v22 =	vadd.f32 v26, v22;
	v26 =	vnsel vm7, $0x0, v47;
	vm7 =	vgt.s32 v45, v38;
	(pc) =	sbr.rel @p1 .LBB2_17-.Ltmp7, $4  }
0x160: {  	v44 =	vld [tilespmem:s17+$0x0];
	s17 =	sor.u32 $0x220, s19;
	v16 =	vadd.f32 v26, v16;
	v6 =	vadd.f32 v47, v6;
	v26 =	vsel vm7, $0x3F800000, v5  }
0x161: {  	p0 =	por !p0, !p0;
	s20 =	simm.s32 $0x1;
	vm8 =	vgt.s32 v21, v38;
	v45 =	vld [tilespmem:s17+$0x2000];
	v26 =	vadd.f32 v26, v22;
	v22 =	vnsel vm7, $0x0, v29  }
0x162: {  	s20 =	simm.s32 @!p0 $0x0;
	v47 =	vld [tilespmem:s18+$0x0];
	s18 =	sor.u32 $0x230, s19;
	v22 =	vadd.f32 v22, v16;
	v6 =	vadd.f32 v29, v6;
	v16 =	vsel vm8, $0x3F800000, v5  }
0x163: {  	s16 =	sadd.s32 $0x40, s16;
	s15 =	sadd.s32 $0x200, s15;
	s19 =	sshll.u32 s20, $0x6;
	vm7 =	vgt.s32 v28, v38;
	v21 =	vld [tilespmem:s18+$0x2000];
	v26 =	vadd.f32 v16, v26;
	v16 =	vnsel vm8, $0x0, v19  }
0x164: {  	v28 =	vld [tilespmem:s17+$0x0];
	v16 =	vadd.f32 v16, v22  }
0x165: {  	s15 =	sadd.s32 s19, s15;
	v22 =	vsel vm7, $0x3F800000, v5;
	v6 =	vadd.f32 v19, v6;
	v19 =	vnsel vm7, $0x0, v44  }
0x166: {  	s16 =	sor.u32 $0x200, s15;
	v22 =	vadd.f32 v22, v26;
	vm7 =	vgt.s32 v46, v38;
	v26 =	vld [tilespmem:s18+$0x0];
	v16 =	vadd.f32 v19, v16  }
0x167: {  	v19 =	vld [tilespmem:s16+$0x2000];
	v6 =	vadd.f32 v44, v6;
	v29 =	vsel vm7, $0x3F800000, v5;
	v34 =	vnsel vm7, $0x0, v47  }
0x168: {  	s23 =	sor.u32 $0x210, s15;
	v22 =	vadd.f32 v29, v22;
	vm7 =	vgt.s32 v45, v38;
	v29 =	vld [tilespmem:s16+$0x0];
	v16 =	vadd.f32 v34, v16  }
0x169: {  	v55 =	vld [tilespmem:s23+$0x2000];
	v6 =	vadd.f32 v47, v6;
	v35 =	vsel vm7, $0x3F800000, v5;
	v36 =	vnsel vm7, $0x0, v28  }
0x16a: {  	s24 =	sor.u32 $0x220, s15;
	v22 =	vadd.f32 v35, v22;
	vm7 =	vgt.s32 v21, v38;
	v21 =	vld [tilespmem:s23+$0x0];
	v16 =	vadd.f32 v36, v16  }
0x16b: {  	v56 =	vld [tilespmem:s24+$0x2000];
	v6 =	vadd.f32 v28, v6;
	v28 =	vsel vm7, $0x3F800000, v5;
	v57 =	vnsel vm7, $0x0, v26  }
0x16c: {  	s15 =	sor.u32 $0x230, s15;
	vm7 =	vgt.s32 v19, v38;
	v19 =	vadd.f32 v28, v22;
	v22 =	vld [tilespmem:s24+$0x0];
	v16 =	vadd.f32 v57, v16  }
0x16d: {  	v28 =	vld [tilespmem:s15+$0x2000];
	v58 =	vsel vm7, $0x3F800000, v5;
	v6 =	vadd.f32 v26, v6;
	v26 =	vnsel vm7, $0x0, v29  }
0x16e: {  	v59 =	vld [tilespmem:s15+$0x0];
	vm7 =	vgt.s32 v55, v38;
	v19 =	vadd.f32 v58, v19;
	v16 =	vadd.f32 v26, v16  }
0x16f: {  	v6 =	vadd.f32 v29, v6;
	v26 =	vsel vm7, $0x3F800000, v5;
	v29 =	vnsel vm7, $0x0, v21  }
0x170: {  	vm7 =	vgt.s32 v56, v38;
	v19 =	vadd.f32 v26, v19;
	v16 =	vadd.f32 v29, v16  }
0x171: {  	v6 =	vadd.f32 v21, v6;
	v21 =	vsel vm7, $0x3F800000, v5;
	v26 =	vnsel vm7, $0x0, v22  }
0x172: {  	vm7 =	vgt.s32 v28, v38;
	v19 =	vadd.f32 v21, v19;
	v16 =	vadd.f32 v26, v16  }
0x173: {  	v21 =	vsel vm7, $0x3F800000, v5;
	v6 =	vadd.f32 v22, v6;
	v22 =	vnsel vm7, $0x0, v59  }
0x174: {  	v19 =	vadd.f32 v21, v19;
	v16 =	vadd.f32 v22, v16  }
0x175: {  	v6 =	vadd.f32 v59, v6  }
0x176: {  	v21 =	vperm.xlane v19, v1;
	v22 =	vperm.xlane v16, v1  }
0x177: {  	p0 =	por $0x0, $0x0;
	s15 =	simm.s32 $0x1;
	v26 =	vperm.xlane v6, v1  }
0x178: {  	s15 =	simm.s32 @!p0 $0x0;
	v19 =	vadd.f32 v21, v19;
	v16 =	vadd.f32 v22, v16  }
0x179: {  	s15 =	sshll.u32 s15, $0x6;
	v6 =	vadd.f32 v26, v6  }
0x17a: {  	s15 =	sadd.s32 $0x0, s15;
	v21 =	vperm.xlane v19, v2;
	v22 =	vperm.xlane v16, v2  }
0x17b: {  	s26 =	sor.u32 $0x290, s15;
	v26 =	vperm.xlane v6, v2  }
0x17c: {  	s25 =	sor.u32 $0x280, s15;
	v28 =	vld [tilespmem:s26+$0x2000];
	v19 =	vadd.f32 v21, v19;
	v16 =	vadd.f32 v22, v16  }
0x17d: {  	v21 =	vld [tilespmem:s25+$0x2000];
	v6 =	vadd.f32 v26, v6  }
0x17e: {  	v60 =	vld [tilespmem:s25+$0x0];
	v22 =	vperm.xlane v19, v3;
	v26 =	vperm.xlane v16, v3  }
0x17f: {  	s18 =	simm.s32 $0x1;
	p0 =	por !p0, !p0;
	s28 =	sor.u32 $0x2A0, s15;
	v29 =	vperm.xlane v6, v3  }
0x180: {  	s18 =	simm.s32 @!p0 $0x0;
	v49 =	vadd.f32 v22, v19;
	v46 =	vadd.f32 v26, v16;
	v16 =	vld [tilespmem:s28+$0x2000]  }
0x181: {  	v44 =	vxor.u32 $0x80000000, v9;
	s29 =	sshll.u32 s18, $0x6;
	s15 =	sor.u32 $0x2B0, s15;
	v45 =	vadd.f32 v29, v6;
	v6 =	vld [tilespmem:s26+$0x0]  }
0x182: {  	s18 =	sadd.s32 $0x200, s29;
	v22 =	vimm.f32 $0.0e+00;
	vm7 =	vgt.s32 v21, v44;
	v21 =	vld [tilespmem:s15+$0x2000];
	v50 =	vperm.xlane v49, v4  }
0x183: {  	s30 =	sor.u32 $0x280, s18;
	v26 =	vld [tilespmem:s28+$0x0];
	v19 =	vsel vm7, $0x3F800000, v5;
	v61 =	vnsel vm7, $0x0, v60;
	vm7 =	vgt.s32 v28, v44  }
0x184: {  	v28 =	vld [tilespmem:s30+$0x2000];
	v48 =	vperm.xlane v46, v4;
	v47 =	vperm.xlane v45, v4;
	v29 =	vadd.f32 v19, v22  }
0x185: {  	s31 =	sor.u32 $0x290, s18;
	v19 =	vld [tilespmem:s15+$0x0];
	v35 =	vadd.f32 v61, v22;
	v22 =	vadd.f32 v60, v22;
	v62 =	vsel vm7, $0x3F800000, v5  }
0x186: {  	v53 =	vld [tilespmem:s31+$0x2000];
	v29 =	vadd.f32 v62, v29;
	v63 =	vnsel vm7, $0x0, v6;
	vm7 =	vgt.s32 v16, v44  }
0x187: {  	s17 =	sor.u32 $0x2A0, s18;
	v51 =	vld [tilespmem:s30+$0x0];
	v6 =	vadd.f32 v6, v22;
	v16 =	vadd.f32 v63, v35;
	v22 =	vsel vm7, $0x3F800000, v5  }
0x188: {  	s16 =	simm.s32 $0x1;
	p0 =	por !p0, !p0;
	v52 =	vld [tilespmem:s17+$0x2000];
	vm8 =	vgt.s32 v21, v44;
	v29 =	vadd.f32 v22, v29;
	v22 =	vnsel vm7, $0x0, v26  }
0x189: {  	s16 =	simm.s32 @!p0 $0x0;
	s18 =	sor.u32 $0x2B0, s18;
	v54 =	vld [tilespmem:s31+$0x0];
	v6 =	vadd.f32 v26, v6;
	v22 =	vadd.f32 v22, v16;
	v16 =	vsel vm8, $0x3F800000, v5  }
0x18a: {  	s19 =	sshll.u32 s16, $0x6;
	s16 =	simm.s32 $0xC0;
	s15 =	simm.s32 $0x400;
	v21 =	vld [tilespmem:s18+$0x2000];
	vm7 =	vgt.s32 v28, v44;
	v26 =	vadd.f32 v16, v29;
	v16 =	vnsel vm8, $0x0, v19  }
.LBB2_19:
0x18b: {  	p1 =	sne.s32 s16, $0x3C0;
	s19 =	sadd.s32 s19, s15;
	v28 =	vsel vm7, $0x3F800000, v5;
	v29 =	vld [tilespmem:s17+$0x0];
	v16 =	vadd.f32 v16, v22;
	v6 =	vadd.f32 v19, v6  }
0x18c: {  	s17 =	sor.u32 $0x280, s19;
	v22 =	vadd.f32 v28, v26;
	v26 =	vnsel vm7, $0x0, v51;
	vm7 =	vgt.s32 v53, v44;
	v19 =	vld [tilespmem:s18+$0x0]  }
0x18d: {  	s18 =	sor.u32 $0x290, s19;
	v28 =	vld [tilespmem:s17+$0x2000];
	v16 =	vadd.f32 v26, v16;
	v6 =	vadd.f32 v51, v6;
	v26 =	vsel vm7, $0x3F800000, v5  }
.Ltmp8:
0x18e: {  	v53 =	vld [tilespmem:s18+$0x2000];
	v22 =	vadd.f32 v26, v22;
	v26 =	vnsel vm7, $0x0, v54;
	vm7 =	vgt.s32 v52, v44;
	(pc) =	sbr.rel @p1 .LBB2_19-.Ltmp8, $4  }
0x18f: {  	v51 =	vld [tilespmem:s17+$0x0];
	s17 =	sor.u32 $0x2A0, s19;
	v16 =	vadd.f32 v26, v16;
	v6 =	vadd.f32 v54, v6;
	v26 =	vsel vm7, $0x3F800000, v5  }
0x190: {  	p0 =	por !p0, !p0;
	s20 =	simm.s32 $0x1;
	vm8 =	vgt.s32 v21, v44;
	v52 =	vld [tilespmem:s17+$0x2000];
	v26 =	vadd.f32 v26, v22;
	v22 =	vnsel vm7, $0x0, v29  }
0x191: {  	s20 =	simm.s32 @!p0 $0x0;
	v54 =	vld [tilespmem:s18+$0x0];
	s18 =	sor.u32 $0x2B0, s19;
	v22 =	vadd.f32 v22, v16;
	v6 =	vadd.f32 v29, v6;
	v16 =	vsel vm8, $0x3F800000, v5  }
0x192: {  	s16 =	sadd.s32 $0x40, s16;
	s15 =	sadd.s32 $0x200, s15;
	s19 =	sshll.u32 s20, $0x6;
	vm7 =	vgt.s32 v28, v44;
	v21 =	vld [tilespmem:s18+$0x2000];
	v26 =	vadd.f32 v16, v26;
	v16 =	vnsel vm8, $0x0, v19  }
0x193: {  	v28 =	vld [tilespmem:s17+$0x0];
	v16 =	vadd.f32 v16, v22  }
0x194: {  	s15 =	sadd.s32 s19, s15;
	v22 =	vsel vm7, $0x3F800000, v5;
	v6 =	vadd.f32 v19, v6;
	v19 =	vnsel vm7, $0x0, v51  }
0x195: {  	s16 =	sor.u32 $0x280, s15;
	v22 =	vadd.f32 v22, v26;
	vm7 =	vgt.s32 v53, v44;
	v26 =	vld [tilespmem:s18+$0x0];
	v16 =	vadd.f32 v19, v16  }
0x196: {  	v19 =	vld [tilespmem:s16+$0x2000];
	v6 =	vadd.f32 v51, v6;
	v29 =	vsel vm7, $0x3F800000, v5;
	v34 =	vnsel vm7, $0x0, v54  }
0x197: {  	s23 =	sor.u32 $0x290, s15;
	v22 =	vadd.f32 v29, v22;
	vm7 =	vgt.s32 v52, v44;
	v29 =	vld [tilespmem:s16+$0x0];
	v16 =	vadd.f32 v34, v16  }
0x198: {  	v59 =	vld [tilespmem:s23+$0x2000];
	v6 =	vadd.f32 v54, v6;
	v35 =	vsel vm7, $0x3F800000, v5;
	v36 =	vnsel vm7, $0x0, v28  }
0x199: {  	s24 =	sor.u32 $0x2A0, s15;
	v22 =	vadd.f32 v35, v22;
	vm7 =	vgt.s32 v21, v44;
	v21 =	vld [tilespmem:s23+$0x0];
	v16 =	vadd.f32 v36, v16  }
0x19a: {  	v60 =	vld [tilespmem:s24+$0x2000];
	v6 =	vadd.f32 v28, v6;
	v28 =	vsel vm7, $0x3F800000, v5;
	v61 =	vnsel vm7, $0x0, v26  }
0x19b: {  	s15 =	sor.u32 $0x2B0, s15;
	vm7 =	vgt.s32 v19, v44;
	v19 =	vadd.f32 v28, v22;
	v22 =	vld [tilespmem:s24+$0x0];
	v16 =	vadd.f32 v61, v16  }
0x19c: {  	v28 =	vld [tilespmem:s15+$0x2000];
	v62 =	vsel vm7, $0x3F800000, v5;
	v6 =	vadd.f32 v26, v6;
	v26 =	vnsel vm7, $0x0, v29  }
0x19d: {  	v63 =	vld [tilespmem:s15+$0x0];
	vm7 =	vgt.s32 v59, v44;
	v19 =	vadd.f32 v62, v19;
	v16 =	vadd.f32 v26, v16  }
0x19e: {  	v6 =	vadd.f32 v29, v6;
	v26 =	vsel vm7, $0x3F800000, v5;
	v29 =	vnsel vm7, $0x0, v21  }
0x19f: {  	vm7 =	vgt.s32 v60, v44;
	v19 =	vadd.f32 v26, v19;
	v16 =	vadd.f32 v29, v16  }
0x1a0: {  	v6 =	vadd.f32 v21, v6;
	v21 =	vsel vm7, $0x3F800000, v5;
	v26 =	vnsel vm7, $0x0, v22  }
0x1a1: {  	vm7 =	vgt.s32 v28, v44;
	v19 =	vadd.f32 v21, v19;
	v16 =	vadd.f32 v26, v16  }
0x1a2: {  	v21 =	vsel vm7, $0x3F800000, v5;
	v6 =	vadd.f32 v22, v6;
	v22 =	vnsel vm7, $0x0, v63  }
0x1a3: {  	v19 =	vadd.f32 v21, v19;
	v16 =	vadd.f32 v22, v16  }
0x1a4: {  	v6 =	vadd.f32 v63, v6  }
0x1a5: {  	v21 =	vperm.xlane v19, v1;
	v22 =	vperm.xlane v16, v1  }
0x1a6: {  	p0 =	por $0x0, $0x0;
	s15 =	simm.s32 $0x1;
	v26 =	vperm.xlane v6, v1  }
0x1a7: {  	s15 =	simm.s32 @!p0 $0x0;
	v19 =	vadd.f32 v21, v19;
	v16 =	vadd.f32 v22, v16  }
0x1a8: {  	s15 =	sshll.u32 s15, $0x6;
	v6 =	vadd.f32 v26, v6  }
0x1a9: {  	s15 =	sadd.s32 $0x0, s15;
	v21 =	vperm.xlane v19, v2;
	v22 =	vperm.xlane v16, v2  }
0x1aa: {  	s26 =	sor.u32 $0x310, s15;
	v26 =	vperm.xlane v6, v2  }
0x1ab: {  	s25 =	sor.u32 $0x300, s15;
	v28 =	vld [tilespmem:s26+$0x2000];
	v19 =	vadd.f32 v21, v19;
	v16 =	vadd.f32 v22, v16  }
0x1ac: {  	v21 =	vld [tilespmem:s25+$0x2000];
	v6 =	vadd.f32 v26, v6  }
0x1ad: {  	v36 =	vld [tilespmem:s25+$0x0];
	v22 =	vperm.xlane v19, v3;
	v26 =	vperm.xlane v16, v3  }
0x1ae: {  	s18 =	simm.s32 $0x1;
	p0 =	por !p0, !p0;
	s28 =	sor.u32 $0x320, s15;
	v29 =	vperm.xlane v6, v3  }
0x1af: {  	s18 =	simm.s32 @!p0 $0x0;
	v55 =	vadd.f32 v22, v19;
	v54 =	vadd.f32 v26, v16;
	v16 =	vld [tilespmem:s28+$0x2000]  }
0x1b0: {  	v53 =	vxor.u32 $0x80000000, v8;
	s29 =	sshll.u32 s18, $0x6;
	s15 =	sor.u32 $0x330, s15;
	v51 =	vadd.f32 v29, v6;
	v6 =	vld [tilespmem:s26+$0x0]  }
0x1b1: {  	s18 =	sadd.s32 $0x200, s29;
	v22 =	vimm.f32 $0.0e+00;
	vm7 =	vgt.s32 v21, v53;
	v21 =	vld [tilespmem:s15+$0x2000];
	v57 =	vperm.xlane v55, v4  }
0x1b2: {  	s30 =	sor.u32 $0x300, s18;
	v26 =	vld [tilespmem:s28+$0x0];
	v19 =	vsel vm7, $0x3F800000, v5;
	v58 =	vnsel vm7, $0x0, v36;
	vm7 =	vgt.s32 v28, v53  }
0x1b3: {  	v28 =	vld [tilespmem:s30+$0x2000];
	v56 =	vperm.xlane v54, v4;
	v52 =	vperm.xlane v51, v4;
	v29 =	vadd.f32 v19, v22  }
0x1b4: {  	s31 =	sor.u32 $0x310, s18;
	v19 =	vld [tilespmem:s15+$0x0];
	v35 =	vadd.f32 v58, v22;
	v22 =	vadd.f32 v36, v22;
	v59 =	vsel vm7, $0x3F800000, v5  }
0x1b5: {  	v60 =	vld [tilespmem:s31+$0x2000];
	v29 =	vadd.f32 v59, v29;
	v63 =	vnsel vm7, $0x0, v6;
	vm7 =	vgt.s32 v16, v53  }
0x1b6: {  	v58 =	vld [tilespmem:s30+$0x0];
	v22 =	vadd.f32 v6, v22;
	v16 =	vadd.f32 v63, v35;
	v6 =	vsel vm7, $0x3F800000, v5  }
0x1b7: {  	s16 =	simm.s32 $0x1;
	p0 =	por !p0, !p0;
	s17 =	sor.u32 $0x320, s18;
	v61 =	vld [tilespmem:s31+$0x0];
	vm8 =	vgt.s32 v21, v53;
	v29 =	vadd.f32 v6, v29;
	v6 =	vnsel vm7, $0x0, v26  }
0x1b8: {  	s16 =	simm.s32 @!p0 $0x0;
	s18 =	sor.u32 $0x330, s18;
	v59 =	vld [tilespmem:s17+$0x2000];
	v22 =	vadd.f32 v26, v22;
	v6 =	vadd.f32 v6, v16;
	v16 =	vsel vm8, $0x3F800000, v5  }
0x1b9: {  	s19 =	sshll.u32 s16, $0x6;
	s16 =	simm.s32 $0x400;
	s15 =	simm.s32 $0xC0;
	v21 =	vld [tilespmem:s18+$0x2000];
	vm7 =	vgt.s32 v28, v53;
	v26 =	vadd.f32 v16, v29;
	v16 =	vnsel vm8, $0x0, v19  }
.LBB2_21:
0x1ba: {  	p1 =	sne.s32 s15, $0x3C0;
	s19 =	sadd.s32 s19, s16;
	v28 =	vsel vm7, $0x3F800000, v5;
	v29 =	vld [tilespmem:s17+$0x0];
	v6 =	vadd.f32 v16, v6;
	v16 =	vadd.f32 v19, v22  }
0x1bb: {  	s17 =	sor.u32 $0x300, s19;
	v22 =	vadd.f32 v28, v26;
	v26 =	vnsel vm7, $0x0, v58;
	vm7 =	vgt.s32 v60, v53;
	v19 =	vld [tilespmem:s18+$0x0]  }
0x1bc: {  	s18 =	sor.u32 $0x310, s19;
	v28 =	vld [tilespmem:s17+$0x2000];
	v6 =	vadd.f32 v26, v6;
	v16 =	vadd.f32 v58, v16;
	v26 =	vsel vm7, $0x3F800000, v5  }
.Ltmp9:
0x1bd: {  	v60 =	vld [tilespmem:s18+$0x2000];
	v22 =	vadd.f32 v26, v22;
	v26 =	vnsel vm7, $0x0, v61;
	vm7 =	vgt.s32 v59, v53;
	(pc) =	sbr.rel @p1 .LBB2_21-.Ltmp9, $4  }
0x1be: {  	v58 =	vld [tilespmem:s17+$0x0];
	s17 =	sor.u32 $0x320, s19;
	v6 =	vadd.f32 v26, v6;
	v16 =	vadd.f32 v61, v16;
	v26 =	vsel vm7, $0x3F800000, v5  }
0x1bf: {  	p0 =	por !p0, !p0;
	s20 =	simm.s32 $0x1;
	vm8 =	vgt.s32 v21, v53;
	v59 =	vld [tilespmem:s17+$0x2000];
	v26 =	vadd.f32 v26, v22;
	v22 =	vnsel vm7, $0x0, v29  }
0x1c0: {  	s20 =	simm.s32 @!p0 $0x0;
	v61 =	vld [tilespmem:s18+$0x0];
	s18 =	sor.u32 $0x330, s19;
	v6 =	vadd.f32 v22, v6;
	v22 =	vadd.f32 v29, v16;
	v16 =	vsel vm8, $0x3F800000, v5  }
0x1c1: {  	s15 =	sadd.s32 $0x40, s15;
	s16 =	sadd.s32 $0x200, s16;
	s19 =	sshll.u32 s20, $0x6;
	vm7 =	vgt.s32 v28, v53;
	v21 =	vld [tilespmem:s18+$0x2000];
	v26 =	vadd.f32 v16, v26;
	v16 =	vnsel vm8, $0x0, v19  }
0x1c2: {  	s15 =	sadd.s32 s19, s16;
	v28 =	vsel vm7, $0x3F800000, v5;
	v29 =	vld [tilespmem:s17+$0x0];
	v6 =	vadd.f32 v16, v6;
	v16 =	vadd.f32 v19, v22  }
0x1c3: {  	s16 =	sor.u32 $0x300, s15;
	v19 =	vadd.f32 v28, v26;
	v22 =	vnsel vm7, $0x0, v58;
	vm7 =	vgt.s32 v60, v53;
	v26 =	vld [tilespmem:s18+$0x0]  }
0x1c4: {  	s23 =	sor.u32 $0x310, s15;
	v28 =	vld [tilespmem:s16+$0x2000];
	v6 =	vadd.f32 v22, v6;
	v16 =	vadd.f32 v58, v16;
	v22 =	vsel vm7, $0x3F800000, v5  }
0x1c5: {  	v34 =	vld [tilespmem:s23+$0x2000];
	v19 =	vadd.f32 v22, v19;
	v22 =	vnsel vm7, $0x0, v61;
	vm7 =	vgt.s32 v59, v53  }
0x1c6: {  	s24 =	sor.u32 $0x320, s15;
	v35 =	vld [tilespmem:s16+$0x0];
	v6 =	vadd.f32 v22, v6;
	v16 =	vadd.f32 v61, v16;
	v22 =	vsel vm7, $0x3F800000, v5  }
0x1c7: {  	v36 =	vld [tilespmem:s24+$0x2000];
	v19 =	vadd.f32 v22, v19;
	v22 =	vnsel vm7, $0x0, v29;
	vm7 =	vgt.s32 v21, v53  }
0x1c8: {  	v21 =	vld [tilespmem:s23+$0x0];
	v6 =	vadd.f32 v22, v6;
	v16 =	vadd.f32 v29, v16;
	v22 =	vsel vm7, $0x3F800000, v5  }
0x1c9: {  	s15 =	sor.u32 $0x330, s15;
	v63 =	vld [tilespmem:s24+$0x0];
	vm8 =	vgt.s32 v28, v53;
	v19 =	vadd.f32 v22, v19;
	v22 =	vnsel vm7, $0x0, v26  }
0x1ca: {  	v28 =	vld [tilespmem:s15+$0x2000];
	v29 =	vsel vm8, $0x3F800000, v5;
	v6 =	vadd.f32 v22, v6;
	v16 =	vadd.f32 v26, v16  }
0x1cb: {  	vm7 =	vgt.s32 v34, v53;
	v22 =	vnsel vm8, $0x0, v35;
	v19 =	vadd.f32 v29, v19  }
0x1cc: {  	v26 =	vld [tilespmem:s15+$0x0];
	v6 =	vadd.f32 v22, v6;
	v16 =	vadd.f32 v35, v16;
	v22 =	vsel vm7, $0x3F800000, v5  }
0x1cd: {  	v19 =	vadd.f32 v22, v19;
	v22 =	vnsel vm7, $0x0, v21;
	vm7 =	vgt.s32 v36, v53  }
0x1ce: {  	v6 =	vadd.f32 v22, v6;
	v16 =	vadd.f32 v21, v16;
	v21 =	vsel vm7, $0x3F800000, v5  }
0x1cf: {  	v19 =	vadd.f32 v21, v19;
	v21 =	vnsel vm7, $0x0, v63;
	vm7 =	vgt.s32 v28, v53  }
0x1d0: {  	v6 =	vadd.f32 v21, v6;
	v16 =	vadd.f32 v63, v16;
	v21 =	vsel vm7, $0x3F800000, v5  }
0x1d1: {  	v19 =	vadd.f32 v21, v19;
	v21 =	vnsel vm7, $0x0, v26  }
0x1d2: {  	v6 =	vadd.f32 v21, v6;
	v16 =	vadd.f32 v26, v16  }
0x1d3: {  	v21 =	vperm.xlane v19, v1  }
0x1d4: {  	v22 =	vperm.xlane v6, v1;
	v26 =	vperm.xlane v16, v1  }
0x1d5: {  	v19 =	vadd.f32 v21, v19  }
0x1d6: {  	s25 =	simm.s32 $0x0;
	v6 =	vadd.f32 v22, v6;
	v16 =	vadd.f32 v26, v16  }
0x1d7: {  	s15 =	sor.u32 s25, s25;
	v21 =	vperm.xlane v19, v2  }
0x1d8: {  	s26 =	sor.u32 $0x380, s15;
	v22 =	vperm.xlane v6, v2;
	v26 =	vperm.xlane v16, v2  }
0x1d9: {  	v19 =	vadd.f32 v21, v19;
	v21 =	vld [tilespmem:s26+$0x2000]  }
0x1da: {  	s28 =	sor.u32 $0x390, s15;
	v6 =	vadd.f32 v22, v6;
	v16 =	vadd.f32 v26, v16  }
0x1db: {  	v36 =	vld [tilespmem:s28+$0x2000];
	v22 =	vperm.xlane v19, v3  }
0x1dc: {  	s29 =	sor.u32 $0x3A0, s15;
	v28 =	vld [tilespmem:s26+$0x0];
	v29 =	vperm.xlane v6, v3;
	v34 =	vperm.xlane v16, v3  }
0x1dd: {  	v59 =	vxor.u32 $0x80000000, v7;
	v26 =	vld [tilespmem:s29+$0x2000];
	v61 =	vadd.f32 v22, v19  }
0x1de: {  	s30 =	sor.u32 $0x3B0, s15;
	v22 =	vld [tilespmem:s28+$0x0];
	v62 =	vadd.f32 v29, v6;
	v58 =	vadd.f32 v34, v16;
	vm7 =	vgt.s32 v21, v59  }
0x1df: {  	s31 =	simm.s32 $0x40;
	s16 =	simm.s32 $0x200;
	v34 =	vimm.f32 $0.0e+00;
	v6 =	vld [tilespmem:s30+$0x2000];
	v63 =	vperm.xlane v61, v4;
	v16 =	vsel vm7, $0x3F800000, v5  }
0x1e0: {  	s15 =	sor.u32 s31, s16;
	v29 =	vld [tilespmem:s29+$0x0];
	v19 =	vperm.xlane v62, v4;
	v60 =	vperm.xlane v58, v4;
	v35 =	vadd.f32 v16, v34  }
0x1e1: {  	s17 =	simm.s32 $0x80;
	s18 =	sor.u32 $0x380, s15;
	v21 =	vld [tilespmem:s30+$0x0];
	v16 =	vnsel vm7, $0x0, v28;
	vm7 =	vgt.s32 v36, v59;
	v36 =	vimm.f32 $0.0e+00  }
.LBB2_23:
0x1e2: {  	p0 =	sne.s32 s17, $0x3C0;
	v18 =	vld [tilespmem:s18+$0x2000];
	s19 =	sor.u32 $0x390, s15;
	v16 =	vadd.f32 v16, v34;
	v34 =	vadd.f32 v28, v36;
	v28 =	vsel vm7, $0x3F800000, v5  }
0x1e3: {  	v20 =	vld [tilespmem:s19+$0x2000];
	v35 =	vadd.f32 v28, v35;
	v36 =	vnsel vm7, $0x0, v22;
	vm7 =	vgt.s32 v26, v59  }
0x1e4: {  	v28 =	vld [tilespmem:s18+$0x0];
	s18 =	sor.u32 $0x3A0, s15;
	v16 =	vadd.f32 v36, v16;
	v34 =	vadd.f32 v22, v34;
	v22 =	vsel vm7, $0x3F800000, v5  }
.Ltmp10:
0x1e5: {  	v26 =	vld [tilespmem:s18+$0x2000];
	v35 =	vadd.f32 v22, v35;
	v36 =	vnsel vm7, $0x0, v29;
	vm7 =	vgt.s32 v6, v59;
	(pc) =	sbr.rel @p0 .LBB2_23-.Ltmp10, $4  }
0x1e6: {  	v22 =	vld [tilespmem:s19+$0x0];
	s19 =	sor.u32 $0x3B0, s15;
	v16 =	vadd.f32 v36, v16;
	v36 =	vadd.f32 v29, v34;
	v29 =	vsel vm7, $0x3F800000, v5  }
0x1e7: {  	s16 =	sadd.s32 $0x200, s16;
	v34 =	vnsel vm7, $0x0, v21;
	vm8 =	vgt.s32 v18, v59;
	v6 =	vld [tilespmem:s19+$0x2000];
	v18 =	vadd.f32 v29, v35  }
0x1e8: {  	s15 =	sor.u32 s17, s16;
	v35 =	vsel vm8, $0x3F800000, v5;
	v29 =	vld [tilespmem:s18+$0x0];
	v34 =	vadd.f32 v34, v16;
	v36 =	vadd.f32 v21, v36  }
0x1e9: {  	s17 =	sadd.s32 $0x40, s17;
	s18 =	sor.u32 $0x380, s15;
	vm7 =	vgt.s32 v20, v59;
	v35 =	vadd.f32 v35, v18;
	v16 =	vnsel vm8, $0x0, v28;
	v21 =	vld [tilespmem:s19+$0x0]  }
0x1ea: {  	v18 =	vadd.f32 v28, v36  }
0x1eb: {  	v16 =	vadd.f32 v16, v34  }
0x1ec: {  	v20 =	vld [tilespmem:s18+$0x2000];
	v28 =	vsel vm7, $0x3F800000, v5;
	v36 =	vnsel vm7, $0x0, v22;
	v18 =	vadd.f32 v22, v18  }
0x1ed: {  	s16 =	sor.u32 $0x390, s15;
	v28 =	vadd.f32 v28, v35;
	vm7 =	vgt.s32 v26, v59;
	v26 =	vld [tilespmem:s18+$0x0];
	v16 =	vadd.f32 v36, v16  }
0x1ee: {  	v22 =	vld [tilespmem:s16+$0x2000];
	v34 =	vsel vm7, $0x3F800000, v5;
	v36 =	vnsel vm7, $0x0, v29;
	v18 =	vadd.f32 v29, v18  }
0x1ef: {  	s17 =	sor.u32 $0x3A0, s15;
	v28 =	vadd.f32 v34, v28;
	vm7 =	vgt.s32 v6, v59;
	v6 =	vadd.f32 v36, v16;
	v16 =	vld [tilespmem:s16+$0x0]  }
0x1f0: {  	v29 =	vld [tilespmem:s17+$0x2000];
	v34 =	vsel vm7, $0x3F800000, v5;
	v18 =	vadd.f32 v21, v18  }
0x1f1: {  	v36 =	vnsel vm7, $0x0, v21;
	vm7 =	vgt.s32 v20, v59;
	v20 =	vadd.f32 v34, v28;
	v28 =	vld [tilespmem:s17+$0x0]  }
0x1f2: {  	v6 =	vadd.f32 v36, v6;
	v18 =	vadd.f32 v26, v18  }
0x1f3: {  	s31 =	sor.u32 $0x3B0, s15;
	v34 =	vsel vm7, $0x3F800000, v5;
	v36 =	vnsel vm7, $0x0, v26;
	vm7 =	vgt.s32 v22, v59  }
0x1f4: {  	v21 =	vld [tilespmem:s31+$0x2000];
	v20 =	vadd.f32 v34, v20;
	v34 =	vnsel vm7, $0x0, v16;
	v16 =	vadd.f32 v16, v18  }
0x1f5: {  	v6 =	vadd.f32 v36, v6;
	v22 =	vsel vm7, $0x3F800000, v5;
	v26 =	vld [tilespmem:$0x1FFA0];
	vm7 =	vgt.s32 v29, v59  }
0x1f6: {  	v36 =	vnsel vm7, $0x0, v28;
	v16 =	vadd.f32 v28, v16;
	v28 =	vld [tilespmem:$0x1FFB0]  }
0x1f7: {  	v20 =	vadd.f32 v22, v20;
	v6 =	vadd.f32 v34, v6;
	v34 =	vld [tilespmem:$0x1FF70]  }
0x1f8: {  	v35 =	vsel vm7, $0x3F800000, v5  }
0x1f9: {  	vm8 =	vlt.s32 v14, $0x0;
	v18 =	vadd.f32 v35, v20;
	vm7 =	vgt.s32 v21, v59  }
0x1fa: {  	vm9 =	vlt.s32 v13, $0x0;
	v20 =	vld [tilespmem:s31+$0x0];
	v6 =	vadd.f32 v36, v6;
	v29 =	vsel vm7, $0x3F800000, v5  }
0x1fb: {  	v18 =	vadd.f32 v29, v18;
	v29 =	vld [tilespmem:$0x1FF40];
	v21 =	vadd.f32 v28, v26;
	v26 =	vimm.s32 $0x7FFFFFFF  }
0x1fc: {  	v14 =	vadd.f32 v34, v27;
	v34 =	vld [tilespmem:$0x1FFC0];
	v35 =	vsel vm8, $0x0, v26;
	v36 =	vsel vm9, $0x0, v26  }
0x1fd: {  	v13 =	vxor.u32 v15, v35;
	v15 =	vxor.u32 v17, v36;
	v36 =	vld [tilespmem:$0x1FF80]  }
0x1fe: {  	v21 =	vsub.f32 $2.560000000e+02, v21;
	v35 =	vld [tilespmem:$0x1FFD0]  }
0x1ff: {  	v43 =	vadd.f32 v43, v41  }
0x200: {  	v41 =	vadd.f32 v56, v54;
	v27 =	vld [tilespmem:$0x1FFF0];
	v13 =	vmul.f32 v13, v21;
	v21 =	vnsel vm7, $0x0, v20  }
0x201: {  	v14 =	vsub.f32 $2.560000000e+02, v14;
	v28 =	vld [tilespmem:$0x1FF90];
	v6 =	vadd.f32 v21, v6  }
0x202: {  	v21 =	vadd.f32 v29, v33;
	v17 =	vadd.f32 v36, v25;
	v25 =	vld [tilespmem:$0x1FFE0]  }
0x203: {  	v16 =	vadd.f32 v20, v16;
	v14 =	vmul.f32 v15, v14;
	v22 =	vadd.f32 v35, v34  }
0x204: {  	vm8 =	vlt.s32 v12, $0x0;
	v35 =	vsub.f32 $2.560000000e+02, v21;
	v21 =	vsub.f32 $2.560000000e+02, v43  }
0x205: {  	vm7 =	vmmov $0x1;
	v13 =	vadd.f32 v22, v13;
	v14 =	vadd.f32 v17, v14  }
0x206: {  	v34 =	vsel vm8, $0x0, v26;
	v17 =	vadd.f32 v28, v24;
	v24 =	vld [tilespmem:$0x1FF60];
	v28 =	vadd.f32 v42, v39  }
0x207: {  	v39 =	vadd.f32 v57, v55;
	v13 =	vnsel vm7, $0x0, v13;
	v15 =	vadd.f32 v27, v25  }
0x208: {  	v36 =	vld [tilespmem:$0x1FF50];
	v13 =	vsel vm0, v13, v14;
	v14 =	vxor.u32 v23, v34;
	v25 =	vadd.f32 v50, v49  }
0x209: {  	v34 =	vadd.f32 v40, v37;
	v40 =	vperm.xlane v16, v1;
	v49 =	vadd.f32 v19, v62  }
0x20a: {  	v62 =	vadd.f32 v60, v58;
	v14 =	vmul.f32 v14, v35;
	v35 =	vadd.f32 v47, v45  }
0x20b: {  	v47 =	vadd.f32 v63, v61;
	v33 =	vnsel vm7, $0x0, v15;
	v22 =	vadd.f32 v24, v31  }
0x20c: {  	vm7 =	vlt.s32 v11, $0x0;
	v11 =	vsub.f32 $2.560000000e+02, v25;
	v31 =	vperm.xlane v18, v1  }
0x20d: {  	v12 =	vsel vm0, v33, v17;
	v17 =	vadd.f32 v36, v32;
	v27 =	vsel vm7, $0x0, v26  }
0x20e: {  	vm7 =	vlt.s32 v10, $0x0;
	v32 =	vadd.f32 v48, v46;
	v36 =	vperm.xlane v6, v1  }
0x20f: {  	v15 =	vxor.u32 v30, v27;
	v30 =	vsel vm7, $0x0, v26;
	v33 =	vadd.f32 v31, v18  }
0x210: {  	v12 =	vsel vm1, v12, v22;
	vm7 =	vlt.s32 v9, $0x0;
	v29 =	vmul.f32 v15, v21  }
0x211: {  	v9 =	vsub.f32 $2.560000000e+02, v39;
	v14 =	vadd.f32 v17, v14;
	v17 =	vperm.xlane v33, v2  }
0x212: {  	v15 =	vxor.u32 v38, v30;
	v12 =	vsel vm2, v12, v34;
	v10 =	vadd.f32 v28, v29  }
0x213: {  	v6 =	vadd.f32 v36, v6;
	v13 =	vsel vm1, v13, v14;
	v38 =	vadd.f32 v17, v33  }
0x214: {  	v45 =	vsel vm7, $0x0, v26;
	v10 =	vsel vm2, v13, v10;
	v13 =	vadd.f32 v40, v16  }
0x215: {  	vm7 =	vlt.s32 v8, $0x0;
	v43 =	vperm.xlane v6, v2;
	v42 =	vperm.xlane v38, v3  }
0x216: {  	v11 =	vmul.f32 v15, v11;
	v37 =	vsel vm3, v12, v35;
	v46 =	vperm.xlane v13, v2  }
0x217: {  	v50 =	vsel vm7, $0x0, v26;
	v6 =	vadd.f32 v43, v6;
	v12 =	vadd.f32 v42, v38  }
0x218: {  	v15 =	vsub.f32 $2.560000000e+02, v47;
	vm7 =	vlt.s32 v7, $0x0;
	v8 =	vadd.f32 v46, v13  }
0x219: {  	v54 =	vsel vm7, $0x0, v26;
	v17 =	vperm.xlane v6, v3;
	v48 =	vperm.xlane v12, v4  }
0x21a: {  	v11 =	vadd.f32 v32, v11;
	v55 =	vxor.u32 v59, v54;
	v7 =	vperm.xlane v8, v3  }
0x21b: {  	v16 =	vxor.u32 v44, v45;
	v6 =	vadd.f32 v17, v6;
	v12 =	vadd.f32 v48, v12  }
0x21c: {  	v59 =	vadd.f32 v52, v51;
	v9 =	vmul.f32 v16, v9;
	v7 =	vadd.f32 v7, v8  }
0x21d: {  	v13 =	vxor.u32 v53, v50;
	v17 =	vperm.xlane v6, v4;
	v12 =	vsub.f32 $2.560000000e+02, v12  }
0x21e: {  	s13 =	sadd.s32 $0x1, s13;
	v10 =	vsel vm3, v10, v11;
	v13 =	vmul.f32 v13, v15;
	v61 =	vperm.xlane v7, v4  }
0x21f: {  	p0 =	sne.s32 s13, $0xC;
	v56 =	vadd.f32 v41, v9;
	v6 =	vadd.f32 v17, v6;
	v57 =	vmul.f32 v55, v12  }
.Ltmp11:
0x220: {  	v63 =	vsel vm4, v37, v59;
	v13 =	vadd.f32 v49, v13;
	v7 =	vadd.f32 v61, v7;
	(pc) =	sbr.rel @p0 .LBB2_2-.Ltmp11, $4  }
0x221: {  	v9 =	vsel vm5, v63, v62;
	v8 =	vsel vm4, v10, v56;
	v6 =	vadd.f32 v6, v57  }
0x222: {  	v8 =	vsel vm5, v8, v13;
	v7 =	vsel vm6, v9, v7  }
0x223: {  	v6 =	vsel vm6, v8, v6;
	[tilespmem:s14+$0x4080] =	vst v7  }
0x224: {  	[tilespmem:s14+$0x4000] =	vst v6  }
0x225: {  	[hbm4b:s5+s2] =	stream.linear.scatter [tilespmem:s10], [sflag:$0x1], $0x60, $0x38;
	[tilespmem:$0x4100] =	vst v63  }
0x226: {  	s12 =	sadd.s32 $0x1, s12;
	_ =	swait.ge [sflag:s8], $0x60  }
0x227: {  	p0 =	sne.s32 s12, s7;
	[sflag:s8] =	ssyncset.done $0x0  }
.Ltmp12:
0x228: {  	[sflag:s8] =	ssyncadd.s32 $0xFFFFFFA0;
	(pc) =	sbr.rel @p0 .LBB2_1-.Ltmp12, $4  }
0x229: {  	[hbm4b:s6+s2] =	stream.linear.scatter [tilespmem:s11], [sflag:$0x1], $0x60, $0x38;
	[tilespmem:$0x4100] =	vst v63  }
0x22a: {  	_ =	swait.ge [sflag:s8], $0x60  }
0x22b: {  	[sflag:s8] =	ssyncset.done $0x0  }
0x22c: {  	[sflag:s8] =	ssyncadd.s32 $0xFFFFFFA0  }
0x22d: {  	_ =	sfence.sel $0x180000  }
0x22e: {  	[bflag:$0x0] =	sbarrier.arrive $0xFFFF  }
0x22f: {  	p0 =	sne.s32 s0, $0x0;
	_ =	strace $0x9000004A  }
0x230: {  	s0 =	sadd.s32 @!p0 $0x100000, s1;
	[bflag:$0x2] =	sbarrier.arrive $0xFFFF  }
0x231: {  	[sflag:s0] =	ssyncadd.tile.s32 @!p0 $0x1;
	_ =	shalt  }
.Lfunc_end2:
_tile_overlayer_lowered:
.L_overlay_start_2:
0x232: {  	(tag) =	ssettag $0x2  }
0x233: {  	s0 =	rddreg [dreg:$0x0];
	s2 =	stileid.u32  }
0x234: {  	s1 =	rddreg [dreg:$0x1];
	p0 =	sne.s32 s2, $0x0  }
0x235: {  	s3 =	rddreg [dreg:$0x2];
	[bflag:$0x3] =	sbarrier.arrive $0xFFFF;
	s2 =	simm.s32 @!p0 $0x1C01  }
0x236: {  	[timem:s3], [sflag:s2] =	dma.local @!p0 [hbm:s0], s1  }
0x237: {  	s0 =	simm.s32 @!p0 $0x1  }
0x238: {  	_ =	swait.ge @!p0 [sflag:s0], s1  }
0x239: {  	s1 =	ssub.s32 @!p0 $0x0, s1;
	[sflag:s0] =	ssyncset.done @!p0 $0x0  }
0x23a: {  	[sflag:s0] =	ssyncadd.s32 @!p0 s1  }
0x23b: {  	[bflag:$0x3] =	sbarrier.arrive $0xFFFF  }
0x23c: {  	_ =	shalt  }

// kernel: sparse-core-data-format-call.cloned.1.call-start
scs
called_computation_lowered:
.L_overlay_start_0:
0x0: {  	s1 =	sld [smem:$0x3FD9]  }
0x1: {  	s2 =	sld [smem:$0x3FFE];
	_ =	sdelay $0x1  }
0x2: {  	s3 =	srdreg.scid  }
0x3: {  	s0 =	sand.u32 $0x1, s3  }
0x4: {  	s17 =	sshll.u32 s0, $0xA;
	s1 =	sadd.s32 s2, s1  }
0x5: {  	s1 =	sadd.s32 s1, s17  }
0x6: {  	[smem:$0x3FC7] =	sst s1  }
0x7: {  	_ = 	snop  }
0x8: {  	(tm) =	ssettm $0x1  }
0x9: {  	s18 =	sld [smem:$0x3FFB];
	_ =	sdelay $0x3  }
0xa: {  	_ =	strace s18  }
0xb: {  	s1 =	sld [smem:$0x3FFC];
	_ =	sdelay $0x3  }
0xc: {  	_ =	strace s1  }
0xd: {  	s1 =	sld [smem:$0x3FFD];
	_ =	sdelay $0x3  }
0xe: {  	_ =	strace s1  }
0xf: {  	_ =	strace $0x8FFFFFFF  }
0x10: {  	s19 =	sld [smem:$0x3FDB];
	_ =	sdelay $0x1  }
0x11: {  	s20 =	simm.s32 $_scs_section_size  }
0x12: {  	s4 =	simm.s32 $_size__tile_overlayer_lowered;
	s5 =	simm.s32 $_tile_overlayer_lowered  }
0x13: {  	s23 =	simm.s32 $0x1BFF;
	s22 =	sshll.u32 s5, $0x1;
	s1 =	sadd.s32 s20, s19  }
0x14: {  	s6 =	simm.s32 $0x0;
	s21 =	sshll.u32 s4, $0x1;
	s4 =	sadd.s32 s22, s1  }
0x15: {  	[timem:s6], [sflag:s23] =	dma.local [hbm:s4], s21  }
0x16: {  	_ =	swait.ge [sflag:s23], s21  }
0x17: {  	s2 =	ssub.s32 $0x0, s21;
	[sflag:s23] =	ssyncset.done $0x0  }
0x18: {  	[sflag:s23] =	ssyncadd.s32 s2;
	_ =	sdelay $0x1  }
0x19: {  	s24 =	simm.s32 $0x1B8B  }
0x1a: {  	_ =	swait.ge [sflag:s24], $0x1  }
0x1b: {  	[sflag:s24] =	ssyncset.done $0x0  }
0x1c: {  	s26 =	simm.s32 $0x1B8E;
	s25 =	sld [smem:$0x3FFE];
	[sflag:s24] =	ssyncadd.s32 $0xFFFFFFFF  }
0x1d: {  	s27 =	simm.s32 $execute0_lowered;
	[smem:$0x3FD2] =	sst s26  }
0x1e: {  	s4 =	sshll.u32 s27, $0x1;
	_ =	strace $0x80000046;
	[dreg:$0x1] =	wrdreg $0xFFFFFFFF  }
0x1f: {  	s28 =	simm.s32 $_size_execute0_lowered;
	s1 =	sadd.s32 s1, s4;
	[dreg:$0x0] =	wrdreg $0x0  }
0x20: {  	s4 =	sshll.u32 s28, $0x1;
	[dreg:$0x2] =	wrdreg s1  }
0x21: {  	[dreg:$0x3] =	wrdreg s4  }
0x22: {  	[dreg:$0x4] =	wrdreg $0xC0  }
0x23: {  	_ =	task [dreg:s6], $0x5FFFF  }
0x24: {  	[dreg:$0x1] =	wrdreg $0xFFFFFFFF  }
0x25: {  	[dreg:$0x0] =	wrdreg $0x60  }
0x26: {  	[dreg:$0x2] =	wrdreg s25  }
0x27: {  	[dreg:$0x3] =	wrdreg $0x9  }
0x28: {  	_ =	task.clear_ibuf [dreg:s6], $0x4FFFF;
	_ =	strace $0x90000046  }
0x29: {  	s29 =	simm.s32 $0x9;
	_ =	strace $0x80000048  }
0x2a: {  	_ =	swait.ge [sflag:s29], $0x1  }
0x2b: {  	[sflag:s29] =	ssyncadd.s32 $0xFFFFFFFF  }
0x2c: {  	_ =	strace $0x90000048  }
0x2d: {  	_ =	sfence  }
0x2e: {  	s30 =	sld [smem:$0x0];
	_ =	sdelay $0x2  }
0x2f: {  	s31 =	sshll.u32 s3, $0xD;
	s3 =	sshrl.u32 s3, $0x2  }
0x30: {  	s2 =	sand.u32 $0x4000, s31;
	s1 =	sadd.s32 s3, s30  }
0x31: {  	s0 =	sor.u32 s2, s0;
	s1 =	sshll.u32 s1, $0x11  }
0x32: {  	s0 =	sor.u32 s1, s0  }
0x33: {  	s0 =	sadd.s32 $0x8F2B, s0  }
0x34: {  	[sflag:s0] =	ssyncadd.remote.s32 $0x1  }
0x35: {  	_ =	sfence.sel $0xFFFF  }
0x36: {  	[dreg:$0x0] =	wrdreg $0xFFFFFFFF;
	(pc) =	sbr.abs _section_cstart, $3  }
0x37: {  	[dreg:$0x1] =	wrdreg $0xFFFFFFFF  }
0x38: {  	_ =	task.clear_ibuf [dreg:s6], $0x2FFFF;
	_ =	strace $0x9FFFFFFF  }
0x39: {  	(tm) =	ssettm $0x7FFFFFFF  }
tec
execute0_lowered:
.L_overlay_start_1:
0x0: {  	(tag) =	ssettag $0x1  }
0x1: {  	s1 =	rddreg [dreg:$0x0]  }
0x2: {  	s0 =	rddreg [dreg:$0x1]  }
0x3: {  	_ =	strace $0x80000047;
	s4 =	srdreg.scid;
	s6 =	simm.s32 $0x2  }
0x4: {  	s13 =	simm.s32 $0x0;
	p0 =	por $0x0, $0x0;
	s12 =	simm.s32 $0x0  }
0x5: {  	s15 =	simm.s32 $0x0;
	s14 =	simm.s32 $0x0;
	s8 =	simm.s32 $0x0  }
.Ltmp0:
0x6: {  	s9 =	simm.s32 $0x0;
	s10 =	simm.s32 $0x0;
	(pc) =	sbr.rel .LBB1_1-.Ltmp0, $4  }
0x7: {  	s2 =	sadd.s32 $0x1000, s1;
	s3 =	sadd.s32 $0x181000, s1;
	s5 =	sshll.u32 s4, $0x4  }
0x8: {  	s1 =	stileid.u32;
	s4 =	simm.s32 $0x1;
	s5 =	sand.u32 $0x10, s5  }
0x9: {  	s7 =	simm.s32 $0x0;
	[sflag:s4] =	ssyncpa.u1 $0x0;
	s5 =	sor.u32 s1, s5  }
0xa: {  	[sflag:s6] =	ssyncpa.u1 $0x0;
	s6 =	simm.s32 $0xC00;
	s11 =	smov.u32 s5  }
.LBB1_7:
0xb: {  	s16 =	sadd.s32 $0x80, s8  }
0xc: {  	s12 =	sadd.s32 $0x20, s9;
	s17 =	smov.u32 s9;
	p2 =	sgt.s32 s16, $0x17F  }
0xd: {  	s17 =	smov.u32 @p2 s12  }
0xe: {  	s18 =	smov.u32 s10;
	s12 =	sadd.s32 $0x4, s10;
	p3 =	sgt.s32 s17, $0x1F  }
0xf: {  	s18 =	smov.u32 @p3 s12  }
0x10: {  	s19 =	smov.u32 s11;
	s12 =	sadd.s32 $0x20, s11;
	p4 =	sgt.s32 s18, $0x7  }
0x11: {  	p1 =	slt.u32 s7, $0x2;
	s19 =	smov.u32 @p4 s12  }
0x12: {  	s7 =	sadd.s32 $0x1, s7;
	s16 =	simm.s32 @p2 $0x0;
	p2 =	sgt.s32 s19, $0x7F  }
0x13: {  	s13 =	smov.u32 s8;
	s19 =	smov.u32 @p2 s5;
	p2 =	sne.s32 s7, $0x1A  }
.Ltmp1:
0x14: {  	s15 =	smov.u32 s10;
	s20 =	simm.s32 @!p1 $0x2;
	(pc) =	sbr.rel @!p2 .LBB1_8-.Ltmp1, $4  }
0x15: {  	s14 =	smov.u32 s11;
	p0 =	por !p0, !p0;
	_ =	swait.ge @!p1 [sflag:s20], $0x4000  }
0x16: {  	[sflag:s20] =	ssyncset.done @!p1 $0x0;
	s8 =	smov.u32 s16;
	s17 =	simm.s32 @p3 $0x0  }
0x17: {  	[sflag:s20] =	ssyncadd.s32 @!p1 $0xFFFFC000;
	s18 =	simm.s32 @p4 $0x0;
	s12 =	smov.u32 s9  }
0x18: {  	s9 =	smov.u32 s17;
	s10 =	smov.u32 s18;
	s11 =	smov.u32 s19  }
.LBB1_1:
0x19: {  	p1 =	sgt.u32 s7, $0x17  }
0x1a: {  	s16 =	sshrl.u32 @!p1 s9, $0x3  }
0x1b: {  	s17 =	sshll.u32 @!p1 s8, $0x3;
	s16 =	smul.u32 @!p1 $0xC00, s16  }
0x1c: {  	s18 =	sshll.u32 @!p1 s9, $0x7;
	s17 =	sand.u32 @!p1 $0xFFFFFC00, s17  }
0x1d: {  	s16 =	sadd.s32 @!p1 s16, s17;
	s17 =	sand.u32 @!p1 $0x380, s18  }
0x1e: {  	s18 =	sand.u32 @!p1 $0x7F, s8;
	s16 =	sor.u32 @!p1 s17, s16  }
0x1f: {  	s17 =	sor.u32 @!p1 s18, s16  }
0x20: {  	s18 =	smulhi.u32 @!p1 $0xAAAAAAAB, s17  }
0x21: {  	s16 =	smulhi.u32 @!p1 $0xAAAAAAAB, s16  }
0x22: {  	s20 =	smul.u32 @!p1 $0x3000, s11;
	s18 =	sshrl.u32 @!p1 s18, $0x8  }
0x23: {  	s19 =	sxor.u32 @!p1 $0xFFFFFFFF, s7;
	s16 =	sshrl.u32 @!p1 s16, $0x8;
	s18 =	smul.u32 @!p1 $0x180, s18  }
0x24: {  	s21 =	smul.u32 @!p1 $0x600, s10;
	s19 =	sshll.u32 @!p1 s19, $0xE;
	s16 =	sand.u32 @!p1 $0x1F, s16  }
0x25: {  	s16 =	smul.u32 @!p1 $0x30, s16;
	s17 =	ssub.s32 @!p1 s17, s18;
	s18 =	sadd.s32 @!p1 s2, s20  }
0x26: {  	s19 =	sand.u32 @!p1 $0x4000, s19;
	s18 =	sadd.s32 @!p1 s21, s18;
	s20 =	sand.u32 @!p1 $0x7, s17  }
0x27: {  	s17 =	sshrl.u32 @!p1 s17, $0x3;
	s16 =	sadd.s32 @!p1 s16, s18;
	s18 =	sshll.u32 @!p1 s20, $0x12  }
0x28: {  	s16 =	sadd.s32 @!p1 s17, s16;
	s17 =	sor.u32 @!p1 $0x400, s18;
	s18 =	simm.s32 @!p1 $0xC00  }
0x29: {  	[tilespmem:s19], [sflag:$0x1] =	stream.strided.gather @!p1 [hbm4b:s16+s17], $0x4000, s18, s17, $0x38;
	[tilespmem:$0x10000] =	vst v63  }
0x2a: {  	p1 =	seq.s32 s7, $0x0  }
0x2b: {  	p2 =	seq.s32 @!p1 s7, $0x19  }
0x2c: {  	p1 =	por p1, p2  }
.Ltmp2:
0x2d: {  	_ = 	snop;
	(pc) =	sbr.rel @p1 .LBB1_7-.Ltmp2, $1  }
0x2e: {  	_ =	sdelay $0x3  }
0x2f: {  	s16 =	simm.s32 $0x1;
	_ =	swait.ge [sflag:s4], $0x4000;
	s19 =	sshll.u32 s7, $0xE  }
0x30: {  	s16 =	simm.s32 @!p0 $0x0;
	[sflag:s4] =	ssyncset.done $0x0;
	s31 =	sand.u32 $0x4000, s19  }
0x31: {  	s19 =	simm.s32 $0x0;
	s16 =	sshll.u32 s16, $0xE;
	[sflag:s4] =	ssyncadd.s32 $0xFFFFC000  }
0x32: {  	s17 =	sor.u32 $0x8040, s16;
	s18 =	sor.u32 $0x40, s16;
	s16 =	sor.u32 $0x8000, s31  }
.LBB1_3:
0x33: {  	v0 =	vmov s18;
	_ =	sdelay $0x3  }
0x34: {  	s21 =	simm.s32 $0x0  }
0x35: {  	v6 =	vld.idx.msk [tilespmem:v0+s21+$0x30 ss:$0x1], $0xffff  }
0x36: {  	v7 =	vld.idx.msk [tilespmem:v0+s21+$0xFFFFFFC0 ss:$0x1], $0xffff  }
0x37: {  	v5 =	vld.idx.msk [tilespmem:v0+s21+$0xFFFFFFD0 ss:$0x1], $0xffff  }
0x38: {  	v4 =	vld.idx.msk [tilespmem:v0+s21+$0xFFFFFFE0 ss:$0x1], $0xffff  }
0x39: {  	v3 =	vld.idx.msk [tilespmem:v0+s21+$0xFFFFFFF0 ss:$0x1], $0xffff  }
0x3a: {  	v1 =	vld.idx.msk [tilespmem:v0+s21+$0x0 ss:$0x1], $0xffff  }
0x3b: {  	v2 =	vld.idx.msk [tilespmem:v0+s21+$0x10 ss:$0x1], $0xffff;
	[tilespmem:s17+$0x30] =	vst v6  }
0x3c: {  	s20 =	simm.s32 $0x80;
	s22 =	simm.s32 $0x400;
	[tilespmem:s17+$0xFFFFFFC0] =	vst v7;
	v6 =	vld.idx.msk [tilespmem:v0+s21+$0x20 ss:$0x1], $0xffff;
	s21 =	smov.u32 s17  }
.LBB1_4:
0x3d: {  	p1 =	sne.s32 s22, $0x3E00;
	v7 =	vld.idx.msk [tilespmem:v0+s20+$0x30 ss:$0x1], $0xffff;
	[tilespmem:s21+$0xFFFFFFD0] =	vst v5  }
0x3e: {  	v8 =	vld.idx.msk [tilespmem:v0+s20+$0xFFFFFFC0 ss:$0x1], $0xffff;
	[tilespmem:s21+$0xFFFFFFE0] =	vst v4  }
0x3f: {  	v5 =	vld.idx.msk [tilespmem:v0+s20+$0xFFFFFFD0 ss:$0x1], $0xffff;
	[tilespmem:s21+$0xFFFFFFF0] =	vst v3  }
.Ltmp3:
0x40: {  	v4 =	vld.idx.msk [tilespmem:v0+s20+$0xFFFFFFE0 ss:$0x1], $0xffff;
	[tilespmem:s21+$0x0] =	vst v1;
	(pc) =	sbr.rel @p1 .LBB1_4-.Ltmp3, $4  }
0x41: {  	v3 =	vld.idx.msk [tilespmem:v0+s20+$0xFFFFFFF0 ss:$0x1], $0xffff;
	[tilespmem:s21+$0x10] =	vst v2  }
0x42: {  	v1 =	vld.idx.msk [tilespmem:v0+s20+$0x0 ss:$0x1], $0xffff;
	[tilespmem:s21+$0x20] =	vst v6;
	s21 =	sadd.s32 $0x200, s21  }
0x43: {  	v2 =	vld.idx.msk [tilespmem:v0+s20+$0x10 ss:$0x1], $0xffff;
	[tilespmem:s21+$0x30] =	vst v7  }
0x44: {  	[tilespmem:s21+$0xFFFFFFC0] =	vst v8;
	v6 =	vld.idx.msk [tilespmem:v0+s20+$0x20 ss:$0x1], $0xffff;
	s20 =	sshra.s32 s22, $0x2;
	s22 =	sadd.s32 $0x200, s22  }
0x45: {  	_ =	sdelay $0x2  }
0x46: {  	[tilespmem:s21+$0xFFFFFFD0] =	vst v5  }
0x47: {  	v56 =	vld.idx.msk [tilespmem:v0+s20+$0x30 ss:$0x1], $0xffff;
	[tilespmem:s21+$0xFFFFFFE0] =	vst v4  }
0x48: {  	v57 =	vld.idx.msk [tilespmem:v0+s20+$0xFFFFFFC0 ss:$0x1], $0xffff;
	[tilespmem:s21+$0xFFFFFFF0] =	vst v3  }
0x49: {  	v58 =	vld.idx.msk [tilespmem:v0+s20+$0xFFFFFFD0 ss:$0x1], $0xffff;
	[tilespmem:s21+$0x0] =	vst v1  }
0x4a: {  	v59 =	vld.idx.msk [tilespmem:v0+s20+$0xFFFFFFE0 ss:$0x1], $0xffff;
	[tilespmem:s21+$0x10] =	vst v2  }
0x4b: {  	v60 =	vld.idx.msk [tilespmem:v0+s20+$0xFFFFFFF0 ss:$0x1], $0xffff;
	s31 =	sadd.s32 $0x200, s21;
	[tilespmem:s21+$0x20] =	vst v6  }
0x4c: {  	v61 =	vld.idx.msk [tilespmem:v0+s20+$0x0 ss:$0x1], $0xffff;
	[tilespmem:s31+$0x30] =	vst v56  }
0x4d: {  	v62 =	vld.idx.msk [tilespmem:v0+s20+$0x10 ss:$0x1], $0xffff;
	s19 =	sadd.s32 $0x1, s19;
	[tilespmem:s31+$0xFFFFFFC0] =	vst v57  }
0x4e: {  	v63 =	vld.idx.msk [tilespmem:v0+s20+$0x20 ss:$0x1], $0xffff;
	p1 =	sne.s32 s19, $0x4;
	[tilespmem:s31+$0xFFFFFFD0] =	vst v58  }
.Ltmp4:
0x4f: {  	[tilespmem:s31+$0xFFFFFFE0] =	vst v59;
	(pc) =	sbr.rel @p1 .LBB1_3-.Ltmp4, $4  }
0x50: {  	[tilespmem:s31+$0xFFFFFFF0] =	vst v60  }
0x51: {  	[tilespmem:s31+$0x0] =	vst v61  }
0x52: {  	[tilespmem:s31+$0x10] =	vst v62  }
0x53: {  	s17 =	sadd.s32 $0x80, s17;
	s18 =	sadd.s32 $0x1000, s18;
	[tilespmem:s31+$0x20] =	vst v63  }
0x54: {  	s17 =	sshrl.u32 s15, $0x3  }
0x55: {  	s18 =	sshll.u32 s13, $0x3;
	s17 =	smul.u32 $0xC00, s17  }
0x56: {  	s27 =	sshll.u32 s15, $0x7;
	s18 =	sand.u32 $0xFFFFFC00, s18  }
0x57: {  	s15 =	sand.u32 $0x380, s27;
	s17 =	sadd.s32 s17, s18  }
0x58: {  	s28 =	sand.u32 $0x7F, s13;
	s15 =	sor.u32 s15, s17  }
0x59: {  	s13 =	sor.u32 s28, s15;
	s15 =	smulhi.u32 $0xAAAAAAAB, s15  }
0x5a: {  	s29 =	smulhi.u32 $0xAAAAAAAB, s13  }
0x5b: {  	s14 =	smul.u32 $0x3000, s14  }
0x5c: {  	s12 =	smul.u32 $0x180, s12;
	s15 =	sshrl.u32 s15, $0x8;
	s17 =	sshrl.u32 s29, $0x8  }
0x5d: {  	s15 =	sand.u32 $0x7, s15;
	s17 =	smul.u32 $0x180, s17  }
0x5e: {  	s15 =	smul.u32 $0x30, s15  }
.Ltmp5:
0x5f: {  	s14 =	sadd.s32 s3, s14;
	s13 =	ssub.s32 s13, s17;
	(pc) =	sbr.rel .LBB1_7-.Ltmp5, $4  }
0x60: {  	s12 =	sadd.s32 s12, s14;
	s30 =	sand.u32 $0x7, s13  }
0x61: {  	s12 =	sadd.s32 s15, s12;
	s13 =	sshrl.u32 s13, $0x3;
	s14 =	sshll.u32 s30, $0x12  }
0x62: {  	s12 =	sadd.s32 s13, s12;
	s31 =	sor.u32 $0x200, s14  }
0x63: {  	[hbm4b:s12+s31] =	stream.strided.scatter [tilespmem:s16], [sflag:$0x2], $0x4000, s6, s31, $0x38;
	[tilespmem:$0x10000] =	vst v63  }
.LBB1_8:
0x64: {  	_ =	sfence.sel $0x180000  }
0x65: {  	s2 =	simm.s32 $0x1;
	[bflag:$0x0] =	sbarrier.arrive $0xFFFF  }
0x66: {  	s31 =	simm.s32 $0x2;
	[sflag:s2] =	ssyncpa.u1 $0x1  }
0x67: {  	[sflag:s31] =	ssyncpa.u1 $0x1  }
0x68: {  	p0 =	sne.s32 s1, $0x0;
	_ =	strace $0x90000047  }
0x69: {  	s0 =	sadd.s32 @!p0 $0x100000, s0;
	[bflag:$0x2] =	sbarrier.arrive $0xFFFF  }
0x6a: {  	[sflag:s0] =	ssyncadd.tile.s32 @!p0 $0x1;
	_ =	shalt  }
.Lfunc_end1:
_tile_overlayer_lowered:
.L_overlay_start_2:
0x6b: {  	(tag) =	ssettag $0x2  }
0x6c: {  	s0 =	rddreg [dreg:$0x0];
	s2 =	stileid.u32  }
0x6d: {  	s1 =	rddreg [dreg:$0x1];
	p0 =	sne.s32 s2, $0x0  }
0x6e: {  	s3 =	rddreg [dreg:$0x2];
	[bflag:$0x3] =	sbarrier.arrive $0xFFFF;
	s2 =	simm.s32 @!p0 $0x1C01  }
0x6f: {  	[timem:s3], [sflag:s2] =	dma.local @!p0 [hbm:s0], s1  }
0x70: {  	s0 =	simm.s32 @!p0 $0x1  }
0x71: {  	_ =	swait.ge @!p0 [sflag:s0], s1  }
0x72: {  	s1 =	ssub.s32 @!p0 $0x0, s1;
	[sflag:s0] =	ssyncset.done @!p0 $0x0  }
0x73: {  	[sflag:s0] =	ssyncadd.s32 @!p0 s1  }
0x74: {  	[bflag:$0x3] =	sbarrier.arrive $0xFFFF  }
0x75: {  	_ =	shalt  }

</sc_bundles>
